<compile_context>
chip_gen: v7x
topology: tpu7x:2x2x1
jax: 0.10.2.dev20260603
libtpu: 0.0.44.dev20260713+nightly
codegen_flags: <defaults>
</compile_context>

<pallas_src>
import functools

import jax
import jax.numpy as jnp
from jax import lax
from jax.experimental import pallas as pl
from jax.experimental.pallas import tpu as pltpu
from jax.experimental.pallas import tpu_sc as plsc

N = 10000
E = 160000
D = 256
DH = 128
NS = 16
CHUNK = 120
CHUNKS_PER_SUB = 84
E_PAD = NS * CHUNKS_PER_SUB * CHUNK
EDGES_PER_SUB = E_PAD // NS
AGG_ROWS = 10112
ROWS_PER_SUB = AGG_ROWS // NS
WB = 128

_sc_mesh = plsc.VectorSubcoreMesh(core_axis_name="c", subcore_axis_name="s")


@functools.partial(
    pl.kernel,
    mesh=_sc_mesh,
    out_type=jax.ShapeDtypeStruct((2 * AGG_ROWS, DH), jnp.float32),
    scratch_types=(
        [pltpu.VMEM((CHUNK,), jnp.int32)] * 12
        + [pltpu.VMEM((CHUNK, DH), jnp.float32)] * 3
        + [pltpu.SemaphoreType.DMA] * 6
        + [pltpu.SemaphoreType.DMA] * 3
        + [pltpu.SemaphoreType.DMA] * 3
        + [pltpu.VMEM_SHARED((AGG_ROWS, DH), jnp.float32)]
    ),
)
def _sc_aggregate(xr, srcb, dst1, zeros_in, agg01,
                  s00, s01, s10, s11, s20, s21,
                  d00, d01, d10, d11, d20, d21,
                  r0_, r1_, r2_,
                  i00, i01, i10, i11, i20, i21,
                  gA, gB, gC, tA, tB, tC, agg_sh):
    c = lax.axis_index("c")
    s = lax.axis_index("s")
    H = 64
    H2 = CHUNK - 64
    sidx = ((s00, s01), (s10, s11), (s20, s21))
    didx = ((d00, d01), (d10, d11), (d20, d21))
    rows = (r0_, r1_, r2_)
    isem = ((i00, i01), (i10, i11), (i20, i21))
    gsem = (gA, gB, gC)
    ssem = (tA, tB, tC)

    pltpu.sync_copy(zeros_in, r0_)
    base = s * ROWS_PER_SUB
    nz = ROWS_PER_SUB // CHUNK
    for k in range(nz):
        pltpu.sync_copy(r0_, agg_sh.at[pl.ds(base + k * CHUNK, CHUNK)])
    ztail = ROWS_PER_SUB - nz * CHUNK
    pltpu.sync_copy(r0_.at[pl.ds(0, ztail)],
                    agg_sh.at[pl.ds(base + nz * CHUNK, ztail)])

    plsc.subcore_barrier()

    ebase0 = s * EDGES_PER_SUB
    sbase0 = c * E_PAD + ebase0

    def _src_at(g):
        return srcb.at[pl.ds(sbase0 + g * CHUNK, CHUNK)]

    def _dst_at(g):
        return dst1.at[pl.ds(ebase0 + g * CHUNK, CHUNK)]

    def _fire_gather(g, r):
        j, p = r % 3, (r // 3) % 2
        sx, rw, sm = sidx[j][p], rows[j], gsem[j]
        pltpu.async_copy(xr.at[sx.at[pl.ds(0, H)]], rw.at[pl.ds(0, H)], sm)
        pltpu.async_copy(xr.at[sx.at[pl.ds(H, H2)]], rw.at[pl.ds(H, H2)], sm)

    def _wait_gather(g, r):
        j, p = r % 3, (r // 3) % 2
        sx, rw, sm = sidx[j][p], rows[j], gsem[j]
        pltpu.make_async_copy(xr.at[sx.at[pl.ds(0, H)]],
                              rw.at[pl.ds(0, H)], sm).wait()
        pltpu.make_async_copy(xr.at[sx.at[pl.ds(H, H2)]],
                              rw.at[pl.ds(H, H2)], sm).wait()

    def _fire_idx(g, r):
        j, p = r % 3, (r // 3) % 2
        pltpu.make_async_copy(_src_at(g), sidx[j][p], isem[j][p]).start()
        pltpu.make_async_copy(_dst_at(g), didx[j][p], isem[j][p]).start()

    def _wait_idx(g, r):
        j, p = r % 3, (r // 3) % 2
        pltpu.make_async_copy(_src_at(g), sidx[j][p], isem[j][p]).wait()
        pltpu.make_async_copy(_dst_at(g), didx[j][p], isem[j][p]).wait()

    def _fire_scat(g, r):
        j, p = r % 3, (r // 3) % 2
        pltpu.async_copy(rows[j], agg_sh.at[didx[j][p]], ssem[j], add=True)

    def _wait_scat(g, r):
        j, p = r % 3, (r // 3) % 2
        pltpu.make_async_copy(rows[j], agg_sh.at[didx[j][p]], ssem[j]).wait()

    for g0 in range(5):
        _fire_idx(g0, g0)
    _wait_idx(0, 0)
    _fire_gather(0, 0)
    _wait_idx(1, 1)
    _fire_gather(1, 1)

    def _emit_chunk(g, r, first=False, last=False):
        _wait_gather(g, r)
        _fire_scat(g, r)
        if not first:
            _wait_scat(g - 1, (r + 5) % 6)
        if not last:
            _fire_idx(g + 5, (r + 5) % 6)
        _wait_idx(g + 2, (r + 2) % 6)
        _fire_gather(g + 2, (r + 2) % 6)

    def _emit_body(t, first=False, last=False):
        g = 6 * t
        for u in range(6):
            if last and u >= 4:
                _wait_gather(g + u, u)
                _fire_scat(g + u, u)
                _wait_scat(g + u - 1, (u + 5) % 6)
            else:
                _emit_chunk(g + u, u, first=(first and u == 0),
                            last=(last and u >= 1))
        return

    def _body(t, carry):
        _emit_body(t)
        return carry

    _emit_body(0, first=True)
    lax.fori_loop(1, CHUNKS_PER_SUB // 6 - 1, _body, 0)
    _emit_body(CHUNKS_PER_SUB // 6 - 1, last=True)

    _wait_scat(CHUNKS_PER_SUB - 1, (CHUNKS_PER_SUB - 1) % 6)

    plsc.subcore_barrier()

    obase = c * AGG_ROWS + base
    for k in range(nz):
        pltpu.sync_copy(agg_sh.at[pl.ds(base + k * CHUNK, CHUNK)], r0_)
        pltpu.sync_copy(r0_, agg01.at[pl.ds(obase + k * CHUNK, CHUNK)])
    pltpu.sync_copy(agg_sh.at[pl.ds(base + nz * CHUNK, ztail)],
                    r0_.at[pl.ds(0, ztail)])
    pltpu.sync_copy(r0_.at[pl.ds(0, ztail)],
                    agg01.at[pl.ds(obase + nz * CHUNK, ztail)])


DEG_W = 128


@functools.partial(
    pl.kernel,
    mesh=_sc_mesh,
    out_type=jax.ShapeDtypeStruct((2 * AGG_ROWS, DEG_W), jnp.float32),
    scratch_types=[
        pltpu.VMEM((CHUNK,), jnp.int32),
        pltpu.VMEM((CHUNK,), jnp.int32),
        pltpu.VMEM((WB, DEG_W), jnp.float32),
        pltpu.SemaphoreType.DMA,
        pltpu.SemaphoreType.DMA,
        pltpu.VMEM_SHARED((AGG_ROWS, DEG_W), jnp.float32),
    ],
)
def _sc_degree(dst1, zeros16_in, ones_in, deg01, dA, dB, ones_v, iA, iB,
               deg_sh):
    c = lax.axis_index("c")
    s = lax.axis_index("s")

    base = s * ROWS_PER_SUB
    pltpu.sync_copy(zeros16_in, ones_v)
    for k in range(4):
        pltpu.sync_copy(ones_v, deg_sh.at[pl.ds(base + k * WB, WB)])
    tail = ROWS_PER_SUB - 4 * WB
    pltpu.sync_copy(ones_v.at[pl.ds(0, tail)],
                    deg_sh.at[pl.ds(base + 4 * WB, tail)])
    pltpu.sync_copy(ones_in, ones_v)
    plsc.subcore_barrier()

    nch = CHUNKS_PER_SUB // 2
    cbase = c * (E_PAD // 2)

    def _dst_at(g):
        return dst1.at[pl.ds(cbase + (s * nch + g) * CHUNK, CHUNK)]

    pltpu.sync_copy(_dst_at(0), dA)
    pltpu.make_async_copy(_dst_at(1), dB, iB).start()

    def _chunk(g, carry):
        pltpu.sync_copy(ones_v.at[pl.ds(0, CHUNK)], deg_sh.at[dA], add=True)
        pltpu.make_async_copy(_dst_at(2 * g + 1), dB, iB).wait()
        pltpu.make_async_copy(_dst_at(2 * g + 2), dA, iA).start()
        pltpu.sync_copy(ones_v.at[pl.ds(0, CHUNK)], deg_sh.at[dB], add=True)
        pltpu.make_async_copy(_dst_at(2 * g + 2), dA, iA).wait()
        pltpu.make_async_copy(_dst_at(2 * g + 3), dB, iB).start()
        return carry
    lax.fori_loop(0, nch // 2 - 1, _chunk, 0)

    pltpu.sync_copy(ones_v.at[pl.ds(0, CHUNK)], deg_sh.at[dA], add=True)
    pltpu.make_async_copy(_dst_at(nch - 1), dB, iB).wait()
    pltpu.sync_copy(ones_v.at[pl.ds(0, CHUNK)], deg_sh.at[dB], add=True)

    plsc.subcore_barrier()

    obase = c * AGG_ROWS + base
    for k in range(4):
        pltpu.sync_copy(deg_sh.at[pl.ds(base + k * WB, WB)], ones_v)
        pltpu.sync_copy(ones_v, deg01.at[pl.ds(obase + k * WB, WB)])
    pltpu.sync_copy(deg_sh.at[pl.ds(base + 4 * WB, tail)],
                    ones_v.at[pl.ds(0, tail)])
    pltpu.sync_copy(ones_v.at[pl.ds(0, tail)],
                    deg01.at[pl.ds(obase + 4 * WB, tail)])


_BLK = 1000


def _tc_body(x_ref, ws_ref, wn0_ref, wn1_ref, b_ref, a0_ref, a1_ref,
             d0_ref, d1_ref, out_ref):
    inv = 1.0 / jnp.maximum(d0_ref[...] + d1_ref[...], 1.0)
    dn = (((1,), (1,)), ((), ()))
    acc = lax.dot_general(x_ref[...], ws_ref[...], dn,
                          preferred_element_type=jnp.float32)
    acc += lax.dot_general(a0_ref[...] * inv, wn0_ref[...], dn,
                           preferred_element_type=jnp.float32)
    acc += lax.dot_general(a1_ref[...] * inv, wn1_ref[...], dn,
                           preferred_element_type=jnp.float32)
    out_ref[...] = acc + b_ref[...][None, :]


def _tc_combine(x, W_self, Wn0, Wn1, b, agg0, agg1, d0, d1):
    grid = (N // _BLK,)
    return pl.pallas_call(
        _tc_body,
        grid=grid,
        in_specs=[
            pl.BlockSpec((_BLK, D), lambda i: (i, 0)),
            pl.BlockSpec((D, D), lambda i: (0, 0)),
            pl.BlockSpec((D, DH), lambda i: (0, 0)),
            pl.BlockSpec((D, DH), lambda i: (0, 0)),
            pl.BlockSpec((D,), lambda i: (0,)),
            pl.BlockSpec((_BLK, DH), lambda i: (i, 0)),
            pl.BlockSpec((_BLK, DH), lambda i: (i, 0)),
            pl.BlockSpec((_BLK, 1), lambda i: (i, 0)),
            pl.BlockSpec((_BLK, 1), lambda i: (i, 0)),
        ],
        out_specs=pl.BlockSpec((_BLK, D), lambda i: (i, 0)),
        out_shape=jax.ShapeDtypeStruct((N, D), jnp.float32),
    )(x, W_self, Wn0, Wn1, b, agg0, agg1, d0, d1)


def kernel(x, edge_index, W_self, W_neigh, b):
    src = edge_index[0]
    dst = edge_index[1]
    pad = E_PAD - E
    src1 = jnp.concatenate([src, jnp.zeros((pad,), jnp.int32)])
    dst1 = jnp.concatenate([dst, jnp.full((pad,), N, jnp.int32)])
    xr = x.reshape(2 * N, DH)
    srcb = jnp.concatenate([2 * src1, 2 * src1 + 1])
    zeros_in = jnp.zeros((CHUNK, DH), jnp.float32)
    ones_in = jnp.ones((WB, DEG_W), jnp.float32)
    zeros16_in = jnp.zeros((WB, DEG_W), jnp.float32)

    agg01 = _sc_aggregate(xr, srcb, dst1, zeros_in)
    deg01 = _sc_degree(dst1, zeros16_in, ones_in)
    agg0 = agg01[:N]
    agg1 = agg01[AGG_ROWS:AGG_ROWS + N]
    d0 = deg01[:N, :1]
    d1 = deg01[AGG_ROWS:AGG_ROWS + N, :1]

    Wn0 = W_neigh[:, :DH]
    Wn1 = W_neigh[:, DH:]
    return _tc_combine(x, W_self, Wn0, Wn1, b, agg0, agg1, d0, d1)

# --- scband reference (transcript-rebuilt; emitter-appended) ---
"""Pipeline reference for scband-sageconv-51556787422026 (READ-ONLY COPY).

The authoritative reference and input builder live on the scoring server;
editing this copy changes nothing except your own understanding.
"""

import jax, jax.numpy as jnp
import numpy as np

N = 10000
E = 160000
D_IN = 256
D_OUT = 256


def _xavier_uniform(key, shape, gain):
    fan_out, fan_in = shape
    limit = gain * np.sqrt(6.0 / (fan_in + fan_out))
    return jax.random.uniform(key, shape, dtype=jnp.float32, minval=-limit, maxval=limit)


def setup_inputs(seed: int = 0) -> dict:
    key = jax.random.key(seed)
    k1, k2, k3, k4 = jax.random.split(key, 4)
    x = jax.random.normal(k1, (N, D_IN), dtype=jnp.float32)
    edge_index = jax.random.randint(k2, (2, E), 0, N, dtype=jnp.int32)
    gain = np.sqrt(2.0)  # relu gain, matches reset_parameters
    W_self = _xavier_uniform(k3, (D_OUT, D_IN), gain)
    W_neigh = _xavier_uniform(k4, (D_OUT, D_IN), gain)
    b = jnp.zeros((D_OUT,), dtype=jnp.float32)
    return {"x": x, "edge_index": edge_index, "W_self": W_self, "W_neigh": W_neigh, "b": b}


def reference(x, edge_index, W_self, W_neigh, b):
    # SAGEConv with 'mean' aggregator (feat_drop=0 -> identity):
    # h_neigh[i] = mean_{j in N(i)} x[j]; rst = fc_self(x) + fc_neigh(h_neigh)
    src = edge_index[0]
    dst = edge_index[1]
    msgs = jnp.take(x, src, axis=0)                                  # gather over src nodes
    agg = jax.ops.segment_sum(msgs, dst, num_segments=x.shape[0])    # scatter-add by dst
    deg = jax.ops.segment_sum(jnp.ones((src.shape[0],), dtype=x.dtype), dst,
                              num_segments=x.shape[0])
    h_neigh = agg / jnp.maximum(deg, 1.0)[:, None]                   # mean; isolated nodes -> 0
    rst = x @ W_self.T + b + h_neigh @ W_neigh.T
    return rst

if __name__ == "__main__":
    import jax
    _d = setup_inputs()
    print(jax.jit(kernel)(*tuple(_d.values())))

</pallas_src>

<mosaic_0001>
#map = affine_map<(d0, d1) -> (0, 0)>
#map1 = affine_map<(d0, d1) -> (0)>
module attributes {stable_mosaic.version = 14 : i64} {
  func.func @_sc_aggregate(%arg0: i32, %arg1: i32, %arg2: memref<20000x128xf32, #tpu.memory_space<hbm>>, %arg3: memref<322560xi32, #tpu.memory_space<hbm>>, %arg4: memref<161280xi32, #tpu.memory_space<hbm>>, %arg5: memref<120x128xf32, #tpu.memory_space<hbm>>, %arg6: memref<20224x128xf32, #tpu.memory_space<hbm>>, %arg7: memref<120xi32, #tpu.memory_space<vmem>>, %arg8: memref<120xi32, #tpu.memory_space<vmem>>, %arg9: memref<120xi32, #tpu.memory_space<vmem>>, %arg10: memref<120xi32, #tpu.memory_space<vmem>>, %arg11: memref<120xi32, #tpu.memory_space<vmem>>, %arg12: memref<120xi32, #tpu.memory_space<vmem>>, %arg13: memref<120xi32, #tpu.memory_space<vmem>>, %arg14: memref<120xi32, #tpu.memory_space<vmem>>, %arg15: memref<120xi32, #tpu.memory_space<vmem>>, %arg16: memref<120xi32, #tpu.memory_space<vmem>>, %arg17: memref<120xi32, #tpu.memory_space<vmem>>, %arg18: memref<120xi32, #tpu.memory_space<vmem>>, %arg19: memref<120x128xf32, #tpu.memory_space<vmem>>, %arg20: memref<120x128xf32, #tpu.memory_space<vmem>>, %arg21: memref<120x128xf32, #tpu.memory_space<vmem>>, %arg22: memref<!tpu.dma_semaphore, #tpu.memory_space<semaphore_mem>>, %arg23: memref<!tpu.dma_semaphore, #tpu.memory_space<semaphore_mem>>, %arg24: memref<!tpu.dma_semaphore, #tpu.memory_space<semaphore_mem>>, %arg25: memref<!tpu.dma_semaphore, #tpu.memory_space<semaphore_mem>>, %arg26: memref<!tpu.dma_semaphore, #tpu.memory_space<semaphore_mem>>, %arg27: memref<!tpu.dma_semaphore, #tpu.memory_space<semaphore_mem>>, %arg28: memref<!tpu.dma_semaphore, #tpu.memory_space<semaphore_mem>>, %arg29: memref<!tpu.dma_semaphore, #tpu.memory_space<semaphore_mem>>, %arg30: memref<!tpu.dma_semaphore, #tpu.memory_space<semaphore_mem>>, %arg31: memref<!tpu.dma_semaphore, #tpu.memory_space<semaphore_mem>>, %arg32: memref<!tpu.dma_semaphore, #tpu.memory_space<semaphore_mem>>, %arg33: memref<!tpu.dma_semaphore, #tpu.memory_space<semaphore_mem>>, %arg34: memref<10112x128xf32, #tpu.memory_space<vmem_shared>>) attributes {dimension_semantics = [#tpu.dimension_semantics<core_parallel>, #tpu.dimension_semantics<subcore_parallel>], iteration_bounds = array<i64: 2, 16>, scalar_prefetch = 0 : i64, scratch_operands = 28 : i64, tpu.core_type = #tpu.core_type<sc_vector_subcore>, window_params = [{transform_indices = #map}, {transform_indices = #map1}, {transform_indices = #map1}, {transform_indices = #map}, {transform_indices = #map}]} {
    "tpu.region"() ({
      %run_scoped3A = tpu.sem_alloc : memref<!tpu.dma_semaphore, #tpu.memory_space<semaphore_mem>>
      tpu.enqueue_dma source(%arg5 : memref<120x128xf32, #tpu.memory_space<hbm>>) target(%arg19 : memref<120x128xf32, #tpu.memory_space<vmem>>) target_semaphore(%run_scoped3A : memref<!tpu.dma_semaphore, #tpu.memory_space<semaphore_mem>>)
      tpu.wait_dma2 semaphore(%run_scoped3A : memref<!tpu.dma_semaphore, #tpu.memory_space<semaphore_mem>>) src(%arg5 : memref<120x128xf32, #tpu.memory_space<hbm>>) dst(%arg19 : memref<120x128xf32, #tpu.memory_space<vmem>>)
      tpu.yield
    }) : () -> ()
    %mul3A = arith.constant 632 : i32
    %mul3A_0 = arith.muli %arg1, %mul3A : i32
    %add3A = arith.constant 0 : i32
    %add3A_1 = arith.addi %mul3A_0, %add3A : i32
    "tpu.region"() ({
      %run_scoped3A = tpu.sem_alloc : memref<!tpu.dma_semaphore, #tpu.memory_space<semaphore_mem>>
      %dma_start3A_696 = arith.constant 0 : i32
      %dma_start3A_697 = tpu.memref_slice %arg34[%add3A_1, %dma_start3A_696] : memref<10112x128xf32, #tpu.memory_space<vmem_shared>> -> memref<120x128xf32, #tpu.memory_space<vmem_shared>>
      %dma_start3A_698 = arith.constant 0 : i32
      %dma_start3A_699 = tpu.memref_slice %arg34[%add3A_1, %dma_start3A_698] : memref<10112x128xf32, #tpu.memory_space<vmem_shared>> -> memref<120x128xf32, #tpu.memory_space<vmem_shared>>
      tpu.enqueue_dma source(%arg19 : memref<120x128xf32, #tpu.memory_space<vmem>>) target(%dma_start3A_699 : memref<120x128xf32, #tpu.memory_space<vmem_shared>>) target_semaphore(%run_scoped3A : memref<!tpu.dma_semaphore, #tpu.memory_space<semaphore_mem>>)
      %dma_wait3A_700 = arith.constant 0 : i32
      %dma_wait3A_701 = tpu.memref_slice %arg34[%add3A_1, %dma_wait3A_700] : memref<10112x128xf32, #tpu.memory_space<vmem_shared>> -> memref<120x128xf32, #tpu.memory_space<vmem_shared>>
      %dma_wait3A_702 = arith.constant 0 : i32
      %dma_wait3A_703 = tpu.memref_slice %arg34[%add3A_1, %dma_wait3A_702] : memref<10112x128xf32, #tpu.memory_space<vmem_shared>> -> memref<120x128xf32, #tpu.memory_space<vmem_shared>>
      tpu.wait_dma2 semaphore(%run_scoped3A : memref<!tpu.dma_semaphore, #tpu.memory_space<semaphore_mem>>) src(%arg19 : memref<120x128xf32, #tpu.memory_space<vmem>>) dst(%dma_wait3A_703 : memref<120x128xf32, #tpu.memory_space<vmem_shared>>)
      tpu.yield
    }) : () -> ()
    %add3A_2 = arith.constant 120 : i32
    %add3A_3 = arith.addi %mul3A_0, %add3A_2 : i32
    "tpu.region"() ({
      %run_scoped3A = tpu.sem_alloc : memref<!tpu.dma_semaphore, #tpu.memory_space<semaphore_mem>>
      %dma_start3A_696 = arith.constant 0 : i32
      %dma_start3A_697 = tpu.memref_slice %arg34[%add3A_3, %dma_start3A_696] : memref<10112x128xf32, #tpu.memory_space<vmem_shared>> -> memref<120x128xf32, #tpu.memory_space<vmem_shared>>
      %dma_start3A_698 = arith.constant 0 : i32
      %dma_start3A_699 = tpu.memref_slice %arg34[%add3A_3, %dma_start3A_698] : memref<10112x128xf32, #tpu.memory_space<vmem_shared>> -> memref<120x128xf32, #tpu.memory_space<vmem_shared>>
      tpu.enqueue_dma source(%arg19 : memref<120x128xf32, #tpu.memory_space<vmem>>) target(%dma_start3A_699 : memref<120x128xf32, #tpu.memory_space<vmem_shared>>) target_semaphore(%run_scoped3A : memref<!tpu.dma_semaphore, #tpu.memory_space<semaphore_mem>>)
      %dma_wait3A_700 = arith.constant 0 : i32
      %dma_wait3A_701 = tpu.memref_slice %arg34[%add3A_3, %dma_wait3A_700] : memref<10112x128xf32, #tpu.memory_space<vmem_shared>> -> memref<120x128xf32, #tpu.memory_space<vmem_shared>>
      %dma_wait3A_702 = arith.constant 0 : i32
      %dma_wait3A_703 = tpu.memref_slice %arg34[%add3A_3, %dma_wait3A_702] : memref<10112x128xf32, #tpu.memory_space<vmem_shared>> -> memref<120x128xf32, #tpu.memory_space<vmem_shared>>
      tpu.wait_dma2 semaphore(%run_scoped3A : memref<!tpu.dma_semaphore, #tpu.memory_space<semaphore_mem>>) src(%arg19 : memref<120x128xf32, #tpu.memory_space<vmem>>) dst(%dma_wait3A_703 : memref<120x128xf32, #tpu.memory_space<vmem_shared>>)
      tpu.yield
    }) : () -> ()
    %add3A_4 = arith.constant 240 : i32
    %add3A_5 = arith.addi %mul3A_0, %add3A_4 : i32
    "tpu.region"() ({
      %run_scoped3A = tpu.sem_alloc : memref<!tpu.dma_semaphore, #tpu.memory_space<semaphore_mem>>
      %dma_start3A_696 = arith.constant 0 : i32
      %dma_start3A_697 = tpu.memref_slice %arg34[%add3A_5, %dma_start3A_696] : memref<10112x128xf32, #tpu.memory_space<vmem_shared>> -> memref<120x128xf32, #tpu.memory_space<vmem_shared>>
      %dma_start3A_698 = arith.constant 0 : i32
      %dma_start3A_699 = tpu.memref_slice %arg34[%add3A_5, %dma_start3A_698] : memref<10112x128xf32, #tpu.memory_space<vmem_shared>> -> memref<120x128xf32, #tpu.memory_space<vmem_shared>>
      tpu.enqueue_dma source(%arg19 : memref<120x128xf32, #tpu.memory_space<vmem>>) target(%dma_start3A_699 : memref<120x128xf32, #tpu.memory_space<vmem_shared>>) target_semaphore(%run_scoped3A : memref<!tpu.dma_semaphore, #tpu.memory_space<semaphore_mem>>)
      %dma_wait3A_700 = arith.constant 0 : i32
      %dma_wait3A_701 = tpu.memref_slice %arg34[%add3A_5, %dma_wait3A_700] : memref<10112x128xf32, #tpu.memory_space<vmem_shared>> -> memref<120x128xf32, #tpu.memory_space<vmem_shared>>
      %dma_wait3A_702 = arith.constant 0 : i32
      %dma_wait3A_703 = tpu.memref_slice %arg34[%add3A_5, %dma_wait3A_702] : memref<10112x128xf32, #tpu.memory_space<vmem_shared>> -> memref<120x128xf32, #tpu.memory_space<vmem_shared>>
      tpu.wait_dma2 semaphore(%run_scoped3A : memref<!tpu.dma_semaphore, #tpu.memory_space<semaphore_mem>>) src(%arg19 : memref<120x128xf32, #tpu.memory_space<vmem>>) dst(%dma_wait3A_703 : memref<120x128xf32, #tpu.memory_space<vmem_shared>>)
      tpu.yield
    }) : () -> ()
    %add3A_6 = arith.constant 360 : i32
    %add3A_7 = arith.addi %mul3A_0, %add3A_6 : i32
    "tpu.region"() ({
      %run_scoped3A = tpu.sem_alloc : memref<!tpu.dma_semaphore, #tpu.memory_space<semaphore_mem>>
      %dma_start3A_696 = arith.constant 0 : i32
      %dma_start3A_697 = tpu.memref_slice %arg34[%add3A_7, %dma_start3A_696] : memref<10112x128xf32, #tpu.memory_space<vmem_shared>> -> memref<120x128xf32, #tpu.memory_space<vmem_shared>>
      %dma_start3A_698 = arith.constant 0 : i32
      %dma_start3A_699 = tpu.memref_slice %arg34[%add3A_7, %dma_start3A_698] : memref<10112x128xf32, #tpu.memory_space<vmem_shared>> -> memref<120x128xf32, #tpu.memory_space<vmem_shared>>
      tpu.enqueue_dma source(%arg19 : memref<120x128xf32, #tpu.memory_space<vmem>>) target(%dma_start3A_699 : memref<120x128xf32, #tpu.memory_space<vmem_shared>>) target_semaphore(%run_scoped3A : memref<!tpu.dma_semaphore, #tpu.memory_space<semaphore_mem>>)
      %dma_wait3A_700 = arith.constant 0 : i32
      %dma_wait3A_701 = tpu.memref_slice %arg34[%add3A_7, %dma_wait3A_700] : memref<10112x128xf32, #tpu.memory_space<vmem_shared>> -> memref<120x128xf32, #tpu.memory_space<vmem_shared>>
      %dma_wait3A_702 = arith.constant 0 : i32
      %dma_wait3A_703 = tpu.memref_slice %arg34[%add3A_7, %dma_wait3A_702] : memref<10112x128xf32, #tpu.memory_space<vmem_shared>> -> memref<120x128xf32, #tpu.memory_space<vmem_shared>>
      tpu.wait_dma2 semaphore(%run_scoped3A : memref<!tpu.dma_semaphore, #tpu.memory_space<semaphore_mem>>) src(%arg19 : memref<120x128xf32, #tpu.memory_space<vmem>>) dst(%dma_wait3A_703 : memref<120x128xf32, #tpu.memory_space<vmem_shared>>)
      tpu.yield
    }) : () -> ()
    %add3A_8 = arith.constant 480 : i32
    %add3A_9 = arith.addi %mul3A_0, %add3A_8 : i32
    "tpu.region"() ({
      %run_scoped3A = tpu.sem_alloc : memref<!tpu.dma_semaphore, #tpu.memory_space<semaphore_mem>>
      %dma_start3A_696 = arith.constant 0 : i32
      %dma_start3A_697 = tpu.memref_slice %arg34[%add3A_9, %dma_start3A_696] : memref<10112x128xf32, #tpu.memory_space<vmem_shared>> -> memref<120x128xf32, #tpu.memory_space<vmem_shared>>
      %dma_start3A_698 = arith.constant 0 : i32
      %dma_start3A_699 = tpu.memref_slice %arg34[%add3A_9, %dma_start3A_698] : memref<10112x128xf32, #tpu.memory_space<vmem_shared>> -> memref<120x128xf32, #tpu.memory_space<vmem_shared>>
      tpu.enqueue_dma source(%arg19 : memref<120x128xf32, #tpu.memory_space<vmem>>) target(%dma_start3A_699 : memref<120x128xf32, #tpu.memory_space<vmem_shared>>) target_semaphore(%run_scoped3A : memref<!tpu.dma_semaphore, #tpu.memory_space<semaphore_mem>>)
      %dma_wait3A_700 = arith.constant 0 : i32
      %dma_wait3A_701 = tpu.memref_slice %arg34[%add3A_9, %dma_wait3A_700] : memref<10112x128xf32, #tpu.memory_space<vmem_shared>> -> memref<120x128xf32, #tpu.memory_space<vmem_shared>>
      %dma_wait3A_702 = arith.constant 0 : i32
      %dma_wait3A_703 = tpu.memref_slice %arg34[%add3A_9, %dma_wait3A_702] : memref<10112x128xf32, #tpu.memory_space<vmem_shared>> -> memref<120x128xf32, #tpu.memory_space<vmem_shared>>
      tpu.wait_dma2 semaphore(%run_scoped3A : memref<!tpu.dma_semaphore, #tpu.memory_space<semaphore_mem>>) src(%arg19 : memref<120x128xf32, #tpu.memory_space<vmem>>) dst(%dma_wait3A_703 : memref<120x128xf32, #tpu.memory_space<vmem_shared>>)
      tpu.yield
    }) : () -> ()
    %add3A_10 = arith.constant 600 : i32
    %add3A_11 = arith.addi %mul3A_0, %add3A_10 : i32
    "tpu.region"() ({
      %run_scoped3A = tpu.sem_alloc : memref<!tpu.dma_semaphore, #tpu.memory_space<semaphore_mem>>
      %dma_start3A_696 = arith.constant 0 : i32
      %dma_start3A_697 = arith.constant 0 : i32
      %dma_start3A_698 = tpu.memref_slice %arg19[%dma_start3A_696, %dma_start3A_697] : memref<120x128xf32, #tpu.memory_space<vmem>> -> memref<32x128xf32, #tpu.memory_space<vmem>>
      %dma_start3A_699 = arith.constant 0 : i32
      %dma_start3A_700 = tpu.memref_slice %arg34[%add3A_11, %dma_start3A_699] : memref<10112x128xf32, #tpu.memory_space<vmem_shared>> -> memref<32x128xf32, #tpu.memory_space<vmem_shared>>
      %dma_start3A_701 = arith.constant 0 : i32
      %dma_start3A_702 = tpu.memref_slice %arg34[%add3A_11, %dma_start3A_701] : memref<10112x128xf32, #tpu.memory_space<vmem_shared>> -> memref<32x128xf32, #tpu.memory_space<vmem_shared>>
      %dma_start3A_703 = arith.constant 0 : i32
      %dma_start3A_704 = arith.constant 0 : i32
      %dma_start3A_705 = tpu.memref_slice %arg19[%dma_start3A_703, %dma_start3A_704] : memref<120x128xf32, #tpu.memory_space<vmem>> -> memref<32x128xf32, #tpu.memory_space<vmem>>
      tpu.enqueue_dma source(%dma_start3A_705 : memref<32x128xf32, #tpu.memory_space<vmem>>) target(%dma_start3A_702 : memref<32x128xf32, #tpu.memory_space<vmem_shared>>) target_semaphore(%run_scoped3A : memref<!tpu.dma_semaphore, #tpu.memory_space<semaphore_mem>>)
      %dma_wait3A_706 = arith.constant 0 : i32
      %dma_wait3A_707 = arith.constant 0 : i32
      %dma_wait3A_708 = tpu.memref_slice %arg19[%dma_wait3A_706, %dma_wait3A_707] : memref<120x128xf32, #tpu.memory_space<vmem>> -> memref<32x128xf32, #tpu.memory_space<vmem>>
      %dma_wait3A_709 = arith.constant 0 : i32
      %dma_wait3A_710 = tpu.memref_slice %arg34[%add3A_11, %dma_wait3A_709] : memref<10112x128xf32, #tpu.memory_space<vmem_shared>> -> memref<32x128xf32, #tpu.memory_space<vmem_shared>>
      %dma_wait3A_711 = arith.constant 0 : i32
      %dma_wait3A_712 = tpu.memref_slice %arg34[%add3A_11, %dma_wait3A_711] : memref<10112x128xf32, #tpu.memory_space<vmem_shared>> -> memref<32x128xf32, #tpu.memory_space<vmem_shared>>
      %dma_wait3A_713 = arith.constant 0 : i32
      %dma_wait3A_714 = arith.constant 0 : i32
      %dma_wait3A_715 = tpu.memref_slice %arg19[%dma_wait3A_713, %dma_wait3A_714] : memref<120x128xf32, #tpu.memory_space<vmem>> -> memref<32x128xf32, #tpu.memory_space<vmem>>
      tpu.wait_dma2 semaphore(%run_scoped3A : memref<!tpu.dma_semaphore, #tpu.memory_space<semaphore_mem>>) src(%dma_wait3A_715 : memref<32x128xf32, #tpu.memory_space<vmem>>) dst(%dma_wait3A_712 : memref<32x128xf32, #tpu.memory_space<vmem_shared>>)
      tpu.yield
    }) : () -> ()
    %barrier3A = arith.constant 0 : index
    tpu.barrier barrier_id(%barrier3A)
    %mul3A_12 = arith.constant 10080 : i32
    %mul3A_13 = arith.muli %arg1, %mul3A_12 : i32
    %mul3A_14 = arith.constant 161280 : i32
    %mul3A_15 = arith.muli %arg0, %mul3A_14 : i32
    %add3A_16 = arith.addi %mul3A_15, %mul3A_13 : i32
    %add3A_17 = arith.constant 0 : i32
    %add3A_18 = arith.addi %add3A_16, %add3A_17 : i32
    %dma_start3A = tpu.memref_slice %arg3[%add3A_18] : memref<322560xi32, #tpu.memory_space<hbm>> -> memref<120xi32, #tpu.memory_space<hbm>>
    %dma_start3A_19 = tpu.memref_slice %arg3[%add3A_18] : memref<322560xi32, #tpu.memory_space<hbm>> -> memref<120xi32, #tpu.memory_space<hbm>>
    tpu.enqueue_dma source(%dma_start3A_19 : memref<120xi32, #tpu.memory_space<hbm>>) target(%arg7 : memref<120xi32, #tpu.memory_space<vmem>>) target_semaphore(%arg22 : memref<!tpu.dma_semaphore, #tpu.memory_space<semaphore_mem>>)
    %add3A_20 = arith.constant 0 : i32
    %add3A_21 = arith.addi %mul3A_13, %add3A_20 : i32
    %dma_start3A_22 = tpu.memref_slice %arg4[%add3A_21] : memref<161280xi32, #tpu.memory_space<hbm>> -> memref<120xi32, #tpu.memory_space<hbm>>
    %dma_start3A_23 = tpu.memref_slice %arg4[%add3A_21] : memref<161280xi32, #tpu.memory_space<hbm>> -> memref<120xi32, #tpu.memory_space<hbm>>
    tpu.enqueue_dma source(%dma_start3A_23 : memref<120xi32, #tpu.memory_space<hbm>>) target(%arg13 : memref<120xi32, #tpu.memory_space<vmem>>) target_semaphore(%arg22 : memref<!tpu.dma_semaphore, #tpu.memory_space<semaphore_mem>>)
    %add3A_24 = arith.constant 120 : i32
    %add3A_25 = arith.addi %add3A_16, %add3A_24 : i32
    %dma_start3A_26 = tpu.memref_slice %arg3[%add3A_25] : memref<322560xi32, #tpu.memory_space<hbm>> -> memref<120xi32, #tpu.memory_space<hbm>>
    %dma_start3A_27 = tpu.memref_slice %arg3[%add3A_25] : memref<322560xi32, #tpu.memory_space<hbm>> -> memref<120xi32, #tpu.memory_space<hbm>>
    tpu.enqueue_dma source(%dma_start3A_27 : memref<120xi32, #tpu.memory_space<hbm>>) target(%arg9 : memref<120xi32, #tpu.memory_space<vmem>>) target_semaphore(%arg24 : memref<!tpu.dma_semaphore, #tpu.memory_space<semaphore_mem>>)
    %add3A_28 = arith.constant 120 : i32
    %add3A_29 = arith.addi %mul3A_13, %add3A_28 : i32
    %dma_start3A_30 = tpu.memref_slice %arg4[%add3A_29] : memref<161280xi32, #tpu.memory_space<hbm>> -> memref<120xi32, #tpu.memory_space<hbm>>
    %dma_start3A_31 = tpu.memref_slice %arg4[%add3A_29] : memref<161280xi32, #tpu.memory_space<hbm>> -> memref<120xi32, #tpu.memory_space<hbm>>
    tpu.enqueue_dma source(%dma_start3A_31 : memref<120xi32, #tpu.memory_space<hbm>>) target(%arg15 : memref<120xi32, #tpu.memory_space<vmem>>) target_semaphore(%arg24 : memref<!tpu.dma_semaphore, #tpu.memory_space<semaphore_mem>>)
    %add3A_32 = arith.constant 240 : i32
    %add3A_33 = arith.addi %add3A_16, %add3A_32 : i32
    %dma_start3A_34 = tpu.memref_slice %arg3[%add3A_33] : memref<322560xi32, #tpu.memory_space<hbm>> -> memref<120xi32, #tpu.memory_space<hbm>>
    %dma_start3A_35 = tpu.memref_slice %arg3[%add3A_33] : memref<322560xi32, #tpu.memory_space<hbm>> -> memref<120xi32, #tpu.memory_space<hbm>>
    tpu.enqueue_dma source(%dma_start3A_35 : memref<120xi32, #tpu.memory_space<hbm>>) target(%arg11 : memref<120xi32, #tpu.memory_space<vmem>>) target_semaphore(%arg26 : memref<!tpu.dma_semaphore, #tpu.memory_space<semaphore_mem>>)
    %add3A_36 = arith.constant 240 : i32
    %add3A_37 = arith.addi %mul3A_13, %add3A_36 : i32
    %dma_start3A_38 = tpu.memref_slice %arg4[%add3A_37] : memref<161280xi32, #tpu.memory_space<hbm>> -> memref<120xi32, #tpu.memory_space<hbm>>
    %dma_start3A_39 = tpu.memref_slice %arg4[%add3A_37] : memref<161280xi32, #tpu.memory_space<hbm>> -> memref<120xi32, #tpu.memory_space<hbm>>
    tpu.enqueue_dma source(%dma_start3A_39 : memref<120xi32, #tpu.memory_space<hbm>>) target(%arg17 : memref<120xi32, #tpu.memory_space<vmem>>) target_semaphore(%arg26 : memref<!tpu.dma_semaphore, #tpu.memory_space<semaphore_mem>>)
    %add3A_40 = arith.constant 360 : i32
    %add3A_41 = arith.addi %add3A_16, %add3A_40 : i32
    %dma_start3A_42 = tpu.memref_slice %arg3[%add3A_41] : memref<322560xi32, #tpu.memory_space<hbm>> -> memref<120xi32, #tpu.memory_space<hbm>>
    %dma_start3A_43 = tpu.memref_slice %arg3[%add3A_41] : memref<322560xi32, #tpu.memory_space<hbm>> -> memref<120xi32, #tpu.memory_space<hbm>>
    tpu.enqueue_dma source(%dma_start3A_43 : memref<120xi32, #tpu.memory_space<hbm>>) target(%arg8 : memref<120xi32, #tpu.memory_space<vmem>>) target_semaphore(%arg23 : memref<!tpu.dma_semaphore, #tpu.memory_space<semaphore_mem>>)
    %add3A_44 = arith.constant 360 : i32
    %add3A_45 = arith.addi %mul3A_13, %add3A_44 : i32
    %dma_start3A_46 = tpu.memref_slice %arg4[%add3A_45] : memref<161280xi32, #tpu.memory_space<hbm>> -> memref<120xi32, #tpu.memory_space<hbm>>
    %dma_start3A_47 = tpu.memref_slice %arg4[%add3A_45] : memref<161280xi32, #tpu.memory_space<hbm>> -> memref<120xi32, #tpu.memory_space<hbm>>
    tpu.enqueue_dma source(%dma_start3A_47 : memref<120xi32, #tpu.memory_space<hbm>>) target(%arg14 : memref<120xi32, #tpu.memory_space<vmem>>) target_semaphore(%arg23 : memref<!tpu.dma_semaphore, #tpu.memory_space<semaphore_mem>>)
    %add3A_48 = arith.constant 480 : i32
    %add3A_49 = arith.addi %add3A_16, %add3A_48 : i32
    %dma_start3A_50 = tpu.memref_slice %arg3[%add3A_49] : memref<322560xi32, #tpu.memory_space<hbm>> -> memref<120xi32, #tpu.memory_space<hbm>>
    %dma_start3A_51 = tpu.memref_slice %arg3[%add3A_49] : memref<322560xi32, #tpu.memory_space<hbm>> -> memref<120xi32, #tpu.memory_space<hbm>>
    tpu.enqueue_dma source(%dma_start3A_51 : memref<120xi32, #tpu.memory_space<hbm>>) target(%arg10 : memref<120xi32, #tpu.memory_space<vmem>>) target_semaphore(%arg25 : memref<!tpu.dma_semaphore, #tpu.memory_space<semaphore_mem>>)
    %add3A_52 = arith.constant 480 : i32
    %add3A_53 = arith.addi %mul3A_13, %add3A_52 : i32
    %dma_start3A_54 = tpu.memref_slice %arg4[%add3A_53] : memref<161280xi32, #tpu.memory_space<hbm>> -> memref<120xi32, #tpu.memory_space<hbm>>
    %dma_start3A_55 = tpu.memref_slice %arg4[%add3A_53] : memref<161280xi32, #tpu.memory_space<hbm>> -> memref<120xi32, #tpu.memory_space<hbm>>
    tpu.enqueue_dma source(%dma_start3A_55 : memref<120xi32, #tpu.memory_space<hbm>>) target(%arg16 : memref<120xi32, #tpu.memory_space<vmem>>) target_semaphore(%arg25 : memref<!tpu.dma_semaphore, #tpu.memory_space<semaphore_mem>>)
    %add3A_56 = arith.constant 0 : i32
    %add3A_57 = arith.addi %add3A_16, %add3A_56 : i32
    %dma_wait3A = tpu.memref_slice %arg3[%add3A_57] : memref<322560xi32, #tpu.memory_space<hbm>> -> memref<120xi32, #tpu.memory_space<hbm>>
    %dma_wait3A_58 = tpu.memref_slice %arg3[%add3A_57] : memref<322560xi32, #tpu.memory_space<hbm>> -> memref<120xi32, #tpu.memory_space<hbm>>
    tpu.wait_dma2 semaphore(%arg22 : memref<!tpu.dma_semaphore, #tpu.memory_space<semaphore_mem>>) src(%dma_wait3A_58 : memref<120xi32, #tpu.memory_space<hbm>>) dst(%arg7 : memref<120xi32, #tpu.memory_space<vmem>>)
    %add3A_59 = arith.constant 0 : i32
    %add3A_60 = arith.addi %mul3A_13, %add3A_59 : i32
    %dma_wait3A_61 = tpu.memref_slice %arg4[%add3A_60] : memref<161280xi32, #tpu.memory_space<hbm>> -> memref<120xi32, #tpu.memory_space<hbm>>
    %dma_wait3A_62 = tpu.memref_slice %arg4[%add3A_60] : memref<161280xi32, #tpu.memory_space<hbm>> -> memref<120xi32, #tpu.memory_space<hbm>>
    tpu.wait_dma2 semaphore(%arg22 : memref<!tpu.dma_semaphore, #tpu.memory_space<semaphore_mem>>) src(%dma_wait3A_62 : memref<120xi32, #tpu.memory_space<hbm>>) dst(%arg13 : memref<120xi32, #tpu.memory_space<vmem>>)
    %dma_start3A_63 = arith.constant 0 : i32
    %dma_start3A_64 = arith.constant 0 : i32
    %dma_start3A_65 = tpu.memref_slice %arg19[%dma_start3A_63, %dma_start3A_64] : memref<120x128xf32, #tpu.memory_space<vmem>> -> memref<64x128xf32, #tpu.memory_space<vmem>>
    %dma_start3A_66 = arith.constant 0 : i32
    %dma_start3A_67 = tpu.memref_slice %arg7[%dma_start3A_66] : memref<120xi32, #tpu.memory_space<vmem>> -> memref<64xi32, #tpu.memory_space<vmem>>
    %dma_start3A_68 = arith.constant 0 : i32
    %dma_start3A_69 = arith.constant 0 : i32
    %dma_start3A_70 = tpu.memref_slice %arg2[%dma_start3A_68, %dma_start3A_69] : memref<20000x128xf32, #tpu.memory_space<hbm>> -> memref<20000x128xf32, #tpu.memory_space<hbm>>
    tpu.enqueue_indirect_dma source(%dma_start3A_70 : memref<20000x128xf32, #tpu.memory_space<hbm>>) target(%dma_start3A_65 : memref<64x128xf32, #tpu.memory_space<vmem>>) offsets(%dma_start3A_67 : memref<64xi32, #tpu.memory_space<vmem>>) semaphore(%arg28 : memref<!tpu.dma_semaphore, #tpu.memory_space<semaphore_mem>>)
    %dma_start3A_71 = arith.constant 64 : i32
    %dma_start3A_72 = arith.constant 0 : i32
    %dma_start3A_73 = tpu.memref_slice %arg19[%dma_start3A_71, %dma_start3A_72] : memref<120x128xf32, #tpu.memory_space<vmem>> -> memref<56x128xf32, #tpu.memory_space<vmem>>
    %dma_start3A_74 = arith.constant 64 : i32
    %dma_start3A_75 = tpu.memref_slice %arg7[%dma_start3A_74] : memref<120xi32, #tpu.memory_space<vmem>> -> memref<56xi32, #tpu.memory_space<vmem>>
    %dma_start3A_76 = arith.constant 0 : i32
    %dma_start3A_77 = arith.constant 0 : i32
    %dma_start3A_78 = tpu.memref_slice %arg2[%dma_start3A_76, %dma_start3A_77] : memref<20000x128xf32, #tpu.memory_space<hbm>> -> memref<20000x128xf32, #tpu.memory_space<hbm>>
    tpu.enqueue_indirect_dma source(%dma_start3A_78 : memref<20000x128xf32, #tpu.memory_space<hbm>>) target(%dma_start3A_73 : memref<56x128xf32, #tpu.memory_space<vmem>>) offsets(%dma_start3A_75 : memref<56xi32, #tpu.memory_space<vmem>>) semaphore(%arg28 : memref<!tpu.dma_semaphore, #tpu.memory_space<semaphore_mem>>)
    %add3A_79 = arith.constant 120 : i32
    %add3A_80 = arith.addi %add3A_16, %add3A_79 : i32
    %dma_wait3A_81 = tpu.memref_slice %arg3[%add3A_80] : memref<322560xi32, #tpu.memory_space<hbm>> -> memref<120xi32, #tpu.memory_space<hbm>>
    %dma_wait3A_82 = tpu.memref_slice %arg3[%add3A_80] : memref<322560xi32, #tpu.memory_space<hbm>> -> memref<120xi32, #tpu.memory_space<hbm>>
    tpu.wait_dma2 semaphore(%arg24 : memref<!tpu.dma_semaphore, #tpu.memory_space<semaphore_mem>>) src(%dma_wait3A_82 : memref<120xi32, #tpu.memory_space<hbm>>) dst(%arg9 : memref<120xi32, #tpu.memory_space<vmem>>)
    %add3A_83 = arith.constant 120 : i32
    %add3A_84 = arith.addi %mul3A_13, %add3A_83 : i32
    %dma_wait3A_85 = tpu.memref_slice %arg4[%add3A_84] : memref<161280xi32, #tpu.memory_space<hbm>> -> memref<120xi32, #tpu.memory_space<hbm>>
    %dma_wait3A_86 = tpu.memref_slice %arg4[%add3A_84] : memref<161280xi32, #tpu.memory_space<hbm>> -> memref<120xi32, #tpu.memory_space<hbm>>
    tpu.wait_dma2 semaphore(%arg24 : memref<!tpu.dma_semaphore, #tpu.memory_space<semaphore_mem>>) src(%dma_wait3A_86 : memref<120xi32, #tpu.memory_space<hbm>>) dst(%arg15 : memref<120xi32, #tpu.memory_space<vmem>>)
    %dma_start3A_87 = arith.constant 0 : i32
    %dma_start3A_88 = arith.constant 0 : i32
    %dma_start3A_89 = tpu.memref_slice %arg20[%dma_start3A_87, %dma_start3A_88] : memref<120x128xf32, #tpu.memory_space<vmem>> -> memref<64x128xf32, #tpu.memory_space<vmem>>
    %dma_start3A_90 = arith.constant 0 : i32
    %dma_start3A_91 = tpu.memref_slice %arg9[%dma_start3A_90] : memref<120xi32, #tpu.memory_space<vmem>> -> memref<64xi32, #tpu.memory_space<vmem>>
    %dma_start3A_92 = arith.constant 0 : i32
    %dma_start3A_93 = arith.constant 0 : i32
    %dma_start3A_94 = tpu.memref_slice %arg2[%dma_start3A_92, %dma_start3A_93] : memref<20000x128xf32, #tpu.memory_space<hbm>> -> memref<20000x128xf32, #tpu.memory_space<hbm>>
    tpu.enqueue_indirect_dma source(%dma_start3A_94 : memref<20000x128xf32, #tpu.memory_space<hbm>>) target(%dma_start3A_89 : memref<64x128xf32, #tpu.memory_space<vmem>>) offsets(%dma_start3A_91 : memref<64xi32, #tpu.memory_space<vmem>>) semaphore(%arg29 : memref<!tpu.dma_semaphore, #tpu.memory_space<semaphore_mem>>)
    %dma_start3A_95 = arith.constant 64 : i32
    %dma_start3A_96 = arith.constant 0 : i32
    %dma_start3A_97 = tpu.memref_slice %arg20[%dma_start3A_95, %dma_start3A_96] : memref<120x128xf32, #tpu.memory_space<vmem>> -> memref<56x128xf32, #tpu.memory_space<vmem>>
    %dma_start3A_98 = arith.constant 64 : i32
    %dma_start3A_99 = tpu.memref_slice %arg9[%dma_start3A_98] : memref<120xi32, #tpu.memory_space<vmem>> -> memref<56xi32, #tpu.memory_space<vmem>>
    %dma_start3A_100 = arith.constant 0 : i32
    %dma_start3A_101 = arith.constant 0 : i32
    %dma_start3A_102 = tpu.memref_slice %arg2[%dma_start3A_100, %dma_start3A_101] : memref<20000x128xf32, #tpu.memory_space<hbm>> -> memref<20000x128xf32, #tpu.memory_space<hbm>>
    tpu.enqueue_indirect_dma source(%dma_start3A_102 : memref<20000x128xf32, #tpu.memory_space<hbm>>) target(%dma_start3A_97 : memref<56x128xf32, #tpu.memory_space<vmem>>) offsets(%dma_start3A_99 : memref<56xi32, #tpu.memory_space<vmem>>) semaphore(%arg29 : memref<!tpu.dma_semaphore, #tpu.memory_space<semaphore_mem>>)
    %dma_wait3A_103 = arith.constant 0 : i32
    %dma_wait3A_104 = arith.constant 0 : i32
    %dma_wait3A_105 = tpu.memref_slice %arg19[%dma_wait3A_103, %dma_wait3A_104] : memref<120x128xf32, #tpu.memory_space<vmem>> -> memref<64x128xf32, #tpu.memory_space<vmem>>
    %dma_wait3A_106 = arith.constant 0 : i32
    %dma_wait3A_107 = tpu.memref_slice %arg7[%dma_wait3A_106] : memref<120xi32, #tpu.memory_space<vmem>> -> memref<64xi32, #tpu.memory_space<vmem>>
    %dma_wait3A_108 = arith.constant 0 : i32
    %dma_wait3A_109 = arith.constant 0 : i32
    %dma_wait3A_110 = tpu.memref_slice %arg2[%dma_wait3A_108, %dma_wait3A_109] : memref<20000x128xf32, #tpu.memory_space<hbm>> -> memref<20000x128xf32, #tpu.memory_space<hbm>>
    tpu.wait_indirect_dma semaphore(%arg28 : memref<!tpu.dma_semaphore, #tpu.memory_space<semaphore_mem>>) src(%dma_wait3A_110 : memref<20000x128xf32, #tpu.memory_space<hbm>>) dst(%dma_wait3A_105 : memref<64x128xf32, #tpu.memory_space<vmem>>)
    %dma_wait3A_111 = arith.constant 64 : i32
    %dma_wait3A_112 = arith.constant 0 : i32
    %dma_wait3A_113 = tpu.memref_slice %arg19[%dma_wait3A_111, %dma_wait3A_112] : memref<120x128xf32, #tpu.memory_space<vmem>> -> memref<56x128xf32, #tpu.memory_space<vmem>>
    %dma_wait3A_114 = arith.constant 64 : i32
    %dma_wait3A_115 = tpu.memref_slice %arg7[%dma_wait3A_114] : memref<120xi32, #tpu.memory_space<vmem>> -> memref<56xi32, #tpu.memory_space<vmem>>
    %dma_wait3A_116 = arith.constant 0 : i32
    %dma_wait3A_117 = arith.constant 0 : i32
    %dma_wait3A_118 = tpu.memref_slice %arg2[%dma_wait3A_116, %dma_wait3A_117] : memref<20000x128xf32, #tpu.memory_space<hbm>> -> memref<20000x128xf32, #tpu.memory_space<hbm>>
    tpu.wait_indirect_dma semaphore(%arg28 : memref<!tpu.dma_semaphore, #tpu.memory_space<semaphore_mem>>) src(%dma_wait3A_118 : memref<20000x128xf32, #tpu.memory_space<hbm>>) dst(%dma_wait3A_113 : memref<56x128xf32, #tpu.memory_space<vmem>>)
    %dma_start3A_119 = arith.constant 0 : i32
    %dma_start3A_120 = arith.constant 0 : i32
    %dma_start3A_121 = tpu.memref_slice %arg34[%dma_start3A_119, %dma_start3A_120] : memref<10112x128xf32, #tpu.memory_space<vmem_shared>> -> memref<10112x128xf32, #tpu.memory_space<vmem_shared>>
    tpu.enqueue_indirect_dma source(%arg19 : memref<120x128xf32, #tpu.memory_space<vmem>>) target(%dma_start3A_121 : memref<10112x128xf32, #tpu.memory_space<vmem_shared>>) offsets(%arg13 : memref<120xi32, #tpu.memory_space<vmem>>) semaphore(%arg31 : memref<!tpu.dma_semaphore, #tpu.memory_space<semaphore_mem>>) {add = true}
    %add3A_122 = arith.constant 600 : i32
    %add3A_123 = arith.addi %add3A_16, %add3A_122 : i32
    %dma_start3A_124 = tpu.memref_slice %arg3[%add3A_123] : memref<322560xi32, #tpu.memory_space<hbm>> -> memref<120xi32, #tpu.memory_space<hbm>>
    %dma_start3A_125 = tpu.memref_slice %arg3[%add3A_123] : memref<322560xi32, #tpu.memory_space<hbm>> -> memref<120xi32, #tpu.memory_space<hbm>>
    tpu.enqueue_dma source(%dma_start3A_125 : memref<120xi32, #tpu.memory_space<hbm>>) target(%arg12 : memref<120xi32, #tpu.memory_space<vmem>>) target_semaphore(%arg27 : memref<!tpu.dma_semaphore, #tpu.memory_space<semaphore_mem>>)
    %add3A_126 = arith.constant 600 : i32
    %add3A_127 = arith.addi %mul3A_13, %add3A_126 : i32
    %dma_start3A_128 = tpu.memref_slice %arg4[%add3A_127] : memref<161280xi32, #tpu.memory_space<hbm>> -> memref<120xi32, #tpu.memory_space<hbm>>
    %dma_start3A_129 = tpu.memref_slice %arg4[%add3A_127] : memref<161280xi32, #tpu.memory_space<hbm>> -> memref<120xi32, #tpu.memory_space<hbm>>
    tpu.enqueue_dma source(%dma_start3A_129 : memref<120xi32, #tpu.memory_space<hbm>>) target(%arg18 : memref<120xi32, #tpu.memory_space<vmem>>) target_semaphore(%arg27 : memref<!tpu.dma_semaphore, #tpu.memory_space<semaphore_mem>>)
    %add3A_130 = arith.constant 240 : i32
    %add3A_131 = arith.addi %add3A_16, %add3A_130 : i32
    %dma_wait3A_132 = tpu.memref_slice %arg3[%add3A_131] : memref<322560xi32, #tpu.memory_space<hbm>> -> memref<120xi32, #tpu.memory_space<hbm>>
    %dma_wait3A_133 = tpu.memref_slice %arg3[%add3A_131] : memref<322560xi32, #tpu.memory_space<hbm>> -> memref<120xi32, #tpu.memory_space<hbm>>
    tpu.wait_dma2 semaphore(%arg26 : memref<!tpu.dma_semaphore, #tpu.memory_space<semaphore_mem>>) src(%dma_wait3A_133 : memref<120xi32, #tpu.memory_space<hbm>>) dst(%arg11 : memref<120xi32, #tpu.memory_space<vmem>>)
    %add3A_134 = arith.constant 240 : i32
    %add3A_135 = arith.addi %mul3A_13, %add3A_134 : i32
    %dma_wait3A_136 = tpu.memref_slice %arg4[%add3A_135] : memref<161280xi32, #tpu.memory_space<hbm>> -> memref<120xi32, #tpu.memory_space<hbm>>
    %dma_wait3A_137 = tpu.memref_slice %arg4[%add3A_135] : memref<161280xi32, #tpu.memory_space<hbm>> -> memref<120xi32, #tpu.memory_space<hbm>>
    tpu.wait_dma2 semaphore(%arg26 : memref<!tpu.dma_semaphore, #tpu.memory_space<semaphore_mem>>) src(%dma_wait3A_137 : memref<120xi32, #tpu.memory_space<hbm>>) dst(%arg17 : memref<120xi32, #tpu.memory_space<vmem>>)
    %dma_start3A_138 = arith.constant 0 : i32
    %dma_start3A_139 = arith.constant 0 : i32
    %dma_start3A_140 = tpu.memref_slice %arg21[%dma_start3A_138, %dma_start3A_139] : memref<120x128xf32, #tpu.memory_space<vmem>> -> memref<64x128xf32, #tpu.memory_space<vmem>>
    %dma_start3A_141 = arith.constant 0 : i32
    %dma_start3A_142 = tpu.memref_slice %arg11[%dma_start3A_141] : memref<120xi32, #tpu.memory_space<vmem>> -> memref<64xi32, #tpu.memory_space<vmem>>
    %dma_start3A_143 = arith.constant 0 : i32
    %dma_start3A_144 = arith.constant 0 : i32
    %dma_start3A_145 = tpu.memref_slice %arg2[%dma_start3A_143, %dma_start3A_144] : memref<20000x128xf32, #tpu.memory_space<hbm>> -> memref<20000x128xf32, #tpu.memory_space<hbm>>
    tpu.enqueue_indirect_dma source(%dma_start3A_145 : memref<20000x128xf32, #tpu.memory_space<hbm>>) target(%dma_start3A_140 : memref<64x128xf32, #tpu.memory_space<vmem>>) offsets(%dma_start3A_142 : memref<64xi32, #tpu.memory_space<vmem>>) semaphore(%arg30 : memref<!tpu.dma_semaphore, #tpu.memory_space<semaphore_mem>>)
    %dma_start3A_146 = arith.constant 64 : i32
    %dma_start3A_147 = arith.constant 0 : i32
    %dma_start3A_148 = tpu.memref_slice %arg21[%dma_start3A_146, %dma_start3A_147] : memref<120x128xf32, #tpu.memory_space<vmem>> -> memref<56x128xf32, #tpu.memory_space<vmem>>
    %dma_start3A_149 = arith.constant 64 : i32
    %dma_start3A_150 = tpu.memref_slice %arg11[%dma_start3A_149] : memref<120xi32, #tpu.memory_space<vmem>> -> memref<56xi32, #tpu.memory_space<vmem>>
    %dma_start3A_151 = arith.constant 0 : i32
    %dma_start3A_152 = arith.constant 0 : i32
    %dma_start3A_153 = tpu.memref_slice %arg2[%dma_start3A_151, %dma_start3A_152] : memref<20000x128xf32, #tpu.memory_space<hbm>> -> memref<20000x128xf32, #tpu.memory_space<hbm>>
    tpu.enqueue_indirect_dma source(%dma_start3A_153 : memref<20000x128xf32, #tpu.memory_space<hbm>>) target(%dma_start3A_148 : memref<56x128xf32, #tpu.memory_space<vmem>>) offsets(%dma_start3A_150 : memref<56xi32, #tpu.memory_space<vmem>>) semaphore(%arg30 : memref<!tpu.dma_semaphore, #tpu.memory_space<semaphore_mem>>)
    %dma_wait3A_154 = arith.constant 0 : i32
    %dma_wait3A_155 = arith.constant 0 : i32
    %dma_wait3A_156 = tpu.memref_slice %arg20[%dma_wait3A_154, %dma_wait3A_155] : memref<120x128xf32, #tpu.memory_space<vmem>> -> memref<64x128xf32, #tpu.memory_space<vmem>>
    %dma_wait3A_157 = arith.constant 0 : i32
    %dma_wait3A_158 = tpu.memref_slice %arg9[%dma_wait3A_157] : memref<120xi32, #tpu.memory_space<vmem>> -> memref<64xi32, #tpu.memory_space<vmem>>
    %dma_wait3A_159 = arith.constant 0 : i32
    %dma_wait3A_160 = arith.constant 0 : i32
    %dma_wait3A_161 = tpu.memref_slice %arg2[%dma_wait3A_159, %dma_wait3A_160] : memref<20000x128xf32, #tpu.memory_space<hbm>> -> memref<20000x128xf32, #tpu.memory_space<hbm>>
    tpu.wait_indirect_dma semaphore(%arg29 : memref<!tpu.dma_semaphore, #tpu.memory_space<semaphore_mem>>) src(%dma_wait3A_161 : memref<20000x128xf32, #tpu.memory_space<hbm>>) dst(%dma_wait3A_156 : memref<64x128xf32, #tpu.memory_space<vmem>>)
    %dma_wait3A_162 = arith.constant 64 : i32
    %dma_wait3A_163 = arith.constant 0 : i32
    %dma_wait3A_164 = tpu.memref_slice %arg20[%dma_wait3A_162, %dma_wait3A_163] : memref<120x128xf32, #tpu.memory_space<vmem>> -> memref<56x128xf32, #tpu.memory_space<vmem>>
    %dma_wait3A_165 = arith.constant 64 : i32
    %dma_wait3A_166 = tpu.memref_slice %arg9[%dma_wait3A_165] : memref<120xi32, #tpu.memory_space<vmem>> -> memref<56xi32, #tpu.memory_space<vmem>>
    %dma_wait3A_167 = arith.constant 0 : i32
    %dma_wait3A_168 = arith.constant 0 : i32
    %dma_wait3A_169 = tpu.memref_slice %arg2[%dma_wait3A_167, %dma_wait3A_168] : memref<20000x128xf32, #tpu.memory_space<hbm>> -> memref<20000x128xf32, #tpu.memory_space<hbm>>
    tpu.wait_indirect_dma semaphore(%arg29 : memref<!tpu.dma_semaphore, #tpu.memory_space<semaphore_mem>>) src(%dma_wait3A_169 : memref<20000x128xf32, #tpu.memory_space<hbm>>) dst(%dma_wait3A_164 : memref<56x128xf32, #tpu.memory_space<vmem>>)
    %dma_start3A_170 = arith.constant 0 : i32
    %dma_start3A_171 = arith.constant 0 : i32
    %dma_start3A_172 = tpu.memref_slice %arg34[%dma_start3A_170, %dma_start3A_171] : memref<10112x128xf32, #tpu.memory_space<vmem_shared>> -> memref<10112x128xf32, #tpu.memory_space<vmem_shared>>
    tpu.enqueue_indirect_dma source(%arg20 : memref<120x128xf32, #tpu.memory_space<vmem>>) target(%dma_start3A_172 : memref<10112x128xf32, #tpu.memory_space<vmem_shared>>) offsets(%arg15 : memref<120xi32, #tpu.memory_space<vmem>>) semaphore(%arg32 : memref<!tpu.dma_semaphore, #tpu.memory_space<semaphore_mem>>) {add = true}
    %dma_wait3A_173 = arith.constant 0 : i32
    %dma_wait3A_174 = arith.constant 0 : i32
    %dma_wait3A_175 = tpu.memref_slice %arg34[%dma_wait3A_173, %dma_wait3A_174] : memref<10112x128xf32, #tpu.memory_space<vmem_shared>> -> memref<10112x128xf32, #tpu.memory_space<vmem_shared>>
    tpu.wait_indirect_dma semaphore(%arg31 : memref<!tpu.dma_semaphore, #tpu.memory_space<semaphore_mem>>) src(%arg19 : memref<120x128xf32, #tpu.memory_space<vmem>>) dst(%dma_wait3A_175 : memref<10112x128xf32, #tpu.memory_space<vmem_shared>>)
    %add3A_176 = arith.constant 720 : i32
    %add3A_177 = arith.addi %add3A_16, %add3A_176 : i32
    %dma_start3A_178 = tpu.memref_slice %arg3[%add3A_177] : memref<322560xi32, #tpu.memory_space<hbm>> -> memref<120xi32, #tpu.memory_space<hbm>>
    %dma_start3A_179 = tpu.memref_slice %arg3[%add3A_177] : memref<322560xi32, #tpu.memory_space<hbm>> -> memref<120xi32, #tpu.memory_space<hbm>>
    tpu.enqueue_dma source(%dma_start3A_179 : memref<120xi32, #tpu.memory_space<hbm>>) target(%arg7 : memref<120xi32, #tpu.memory_space<vmem>>) target_semaphore(%arg22 : memref<!tpu.dma_semaphore, #tpu.memory_space<semaphore_mem>>)
    %add3A_180 = arith.constant 720 : i32
    %add3A_181 = arith.addi %mul3A_13, %add3A_180 : i32
    %dma_start3A_182 = tpu.memref_slice %arg4[%add3A_181] : memref<161280xi32, #tpu.memory_space<hbm>> -> memref<120xi32, #tpu.memory_space<hbm>>
    %dma_start3A_183 = tpu.memref_slice %arg4[%add3A_181] : memref<161280xi32, #tpu.memory_space<hbm>> -> memref<120xi32, #tpu.memory_space<hbm>>
    tpu.enqueue_dma source(%dma_start3A_183 : memref<120xi32, #tpu.memory_space<hbm>>) target(%arg13 : memref<120xi32, #tpu.memory_space<vmem>>) target_semaphore(%arg22 : memref<!tpu.dma_semaphore, #tpu.memory_space<semaphore_mem>>)
    %add3A_184 = arith.constant 360 : i32
    %add3A_185 = arith.addi %add3A_16, %add3A_184 : i32
    %dma_wait3A_186 = tpu.memref_slice %arg3[%add3A_185] : memref<322560xi32, #tpu.memory_space<hbm>> -> memref<120xi32, #tpu.memory_space<hbm>>
    %dma_wait3A_187 = tpu.memref_slice %arg3[%add3A_185] : memref<322560xi32, #tpu.memory_space<hbm>> -> memref<120xi32, #tpu.memory_space<hbm>>
    tpu.wait_dma2 semaphore(%arg23 : memref<!tpu.dma_semaphore, #tpu.memory_space<semaphore_mem>>) src(%dma_wait3A_187 : memref<120xi32, #tpu.memory_space<hbm>>) dst(%arg8 : memref<120xi32, #tpu.memory_space<vmem>>)
    %add3A_188 = arith.constant 360 : i32
    %add3A_189 = arith.addi %mul3A_13, %add3A_188 : i32
    %dma_wait3A_190 = tpu.memref_slice %arg4[%add3A_189] : memref<161280xi32, #tpu.memory_space<hbm>> -> memref<120xi32, #tpu.memory_space<hbm>>
    %dma_wait3A_191 = tpu.memref_slice %arg4[%add3A_189] : memref<161280xi32, #tpu.memory_space<hbm>> -> memref<120xi32, #tpu.memory_space<hbm>>
    tpu.wait_dma2 semaphore(%arg23 : memref<!tpu.dma_semaphore, #tpu.memory_space<semaphore_mem>>) src(%dma_wait3A_191 : memref<120xi32, #tpu.memory_space<hbm>>) dst(%arg14 : memref<120xi32, #tpu.memory_space<vmem>>)
    %dma_start3A_192 = arith.constant 0 : i32
    %dma_start3A_193 = arith.constant 0 : i32
    %dma_start3A_194 = tpu.memref_slice %arg19[%dma_start3A_192, %dma_start3A_193] : memref<120x128xf32, #tpu.memory_space<vmem>> -> memref<64x128xf32, #tpu.memory_space<vmem>>
    %dma_start3A_195 = arith.constant 0 : i32
    %dma_start3A_196 = tpu.memref_slice %arg8[%dma_start3A_195] : memref<120xi32, #tpu.memory_space<vmem>> -> memref<64xi32, #tpu.memory_space<vmem>>
    %dma_start3A_197 = arith.constant 0 : i32
    %dma_start3A_198 = arith.constant 0 : i32
    %dma_start3A_199 = tpu.memref_slice %arg2[%dma_start3A_197, %dma_start3A_198] : memref<20000x128xf32, #tpu.memory_space<hbm>> -> memref<20000x128xf32, #tpu.memory_space<hbm>>
    tpu.enqueue_indirect_dma source(%dma_start3A_199 : memref<20000x128xf32, #tpu.memory_space<hbm>>) target(%dma_start3A_194 : memref<64x128xf32, #tpu.memory_space<vmem>>) offsets(%dma_start3A_196 : memref<64xi32, #tpu.memory_space<vmem>>) semaphore(%arg28 : memref<!tpu.dma_semaphore, #tpu.memory_space<semaphore_mem>>)
    %dma_start3A_200 = arith.constant 64 : i32
    %dma_start3A_201 = arith.constant 0 : i32
    %dma_start3A_202 = tpu.memref_slice %arg19[%dma_start3A_200, %dma_start3A_201] : memref<120x128xf32, #tpu.memory_space<vmem>> -> memref<56x128xf32, #tpu.memory_space<vmem>>
    %dma_start3A_203 = arith.constant 64 : i32
    %dma_start3A_204 = tpu.memref_slice %arg8[%dma_start3A_203] : memref<120xi32, #tpu.memory_space<vmem>> -> memref<56xi32, #tpu.memory_space<vmem>>
    %dma_start3A_205 = arith.constant 0 : i32
    %dma_start3A_206 = arith.constant 0 : i32
    %dma_start3A_207 = tpu.memref_slice %arg2[%dma_start3A_205, %dma_start3A_206] : memref<20000x128xf32, #tpu.memory_space<hbm>> -> memref<20000x128xf32, #tpu.memory_space<hbm>>
    tpu.enqueue_indirect_dma source(%dma_start3A_207 : memref<20000x128xf32, #tpu.memory_space<hbm>>) target(%dma_start3A_202 : memref<56x128xf32, #tpu.memory_space<vmem>>) offsets(%dma_start3A_204 : memref<56xi32, #tpu.memory_space<vmem>>) semaphore(%arg28 : memref<!tpu.dma_semaphore, #tpu.memory_space<semaphore_mem>>)
    %dma_wait3A_208 = arith.constant 0 : i32
    %dma_wait3A_209 = arith.constant 0 : i32
    %dma_wait3A_210 = tpu.memref_slice %arg21[%dma_wait3A_208, %dma_wait3A_209] : memref<120x128xf32, #tpu.memory_space<vmem>> -> memref<64x128xf32, #tpu.memory_space<vmem>>
    %dma_wait3A_211 = arith.constant 0 : i32
    %dma_wait3A_212 = tpu.memref_slice %arg11[%dma_wait3A_211] : memref<120xi32, #tpu.memory_space<vmem>> -> memref<64xi32, #tpu.memory_space<vmem>>
    %dma_wait3A_213 = arith.constant 0 : i32
    %dma_wait3A_214 = arith.constant 0 : i32
    %dma_wait3A_215 = tpu.memref_slice %arg2[%dma_wait3A_213, %dma_wait3A_214] : memref<20000x128xf32, #tpu.memory_space<hbm>> -> memref<20000x128xf32, #tpu.memory_space<hbm>>
    tpu.wait_indirect_dma semaphore(%arg30 : memref<!tpu.dma_semaphore, #tpu.memory_space<semaphore_mem>>) src(%dma_wait3A_215 : memref<20000x128xf32, #tpu.memory_space<hbm>>) dst(%dma_wait3A_210 : memref<64x128xf32, #tpu.memory_space<vmem>>)
    %dma_wait3A_216 = arith.constant 64 : i32
    %dma_wait3A_217 = arith.constant 0 : i32
    %dma_wait3A_218 = tpu.memref_slice %arg21[%dma_wait3A_216, %dma_wait3A_217] : memref<120x128xf32, #tpu.memory_space<vmem>> -> memref<56x128xf32, #tpu.memory_space<vmem>>
    %dma_wait3A_219 = arith.constant 64 : i32
    %dma_wait3A_220 = tpu.memref_slice %arg11[%dma_wait3A_219] : memref<120xi32, #tpu.memory_space<vmem>> -> memref<56xi32, #tpu.memory_space<vmem>>
    %dma_wait3A_221 = arith.constant 0 : i32
    %dma_wait3A_222 = arith.constant 0 : i32
    %dma_wait3A_223 = tpu.memref_slice %arg2[%dma_wait3A_221, %dma_wait3A_222] : memref<20000x128xf32, #tpu.memory_space<hbm>> -> memref<20000x128xf32, #tpu.memory_space<hbm>>
    tpu.wait_indirect_dma semaphore(%arg30 : memref<!tpu.dma_semaphore, #tpu.memory_space<semaphore_mem>>) src(%dma_wait3A_223 : memref<20000x128xf32, #tpu.memory_space<hbm>>) dst(%dma_wait3A_218 : memref<56x128xf32, #tpu.memory_space<vmem>>)
    %dma_start3A_224 = arith.constant 0 : i32
    %dma_start3A_225 = arith.constant 0 : i32
    %dma_start3A_226 = tpu.memref_slice %arg34[%dma_start3A_224, %dma_start3A_225] : memref<10112x128xf32, #tpu.memory_space<vmem_shared>> -> memref<10112x128xf32, #tpu.memory_space<vmem_shared>>
    tpu.enqueue_indirect_dma source(%arg21 : memref<120x128xf32, #tpu.memory_space<vmem>>) target(%dma_start3A_226 : memref<10112x128xf32, #tpu.memory_space<vmem_shared>>) offsets(%arg17 : memref<120xi32, #tpu.memory_space<vmem>>) semaphore(%arg33 : memref<!tpu.dma_semaphore, #tpu.memory_space<semaphore_mem>>) {add = true}
    %dma_wait3A_227 = arith.constant 0 : i32
    %dma_wait3A_228 = arith.constant 0 : i32
    %dma_wait3A_229 = tpu.memref_slice %arg34[%dma_wait3A_227, %dma_wait3A_228] : memref<10112x128xf32, #tpu.memory_space<vmem_shared>> -> memref<10112x128xf32, #tpu.memory_space<vmem_shared>>
    tpu.wait_indirect_dma semaphore(%arg32 : memref<!tpu.dma_semaphore, #tpu.memory_space<semaphore_mem>>) src(%arg20 : memref<120x128xf32, #tpu.memory_space<vmem>>) dst(%dma_wait3A_229 : memref<10112x128xf32, #tpu.memory_space<vmem_shared>>)
    %add3A_230 = arith.constant 840 : i32
    %add3A_231 = arith.addi %add3A_16, %add3A_230 : i32
    %dma_start3A_232 = tpu.memref_slice %arg3[%add3A_231] : memref<322560xi32, #tpu.memory_space<hbm>> -> memref<120xi32, #tpu.memory_space<hbm>>
    %dma_start3A_233 = tpu.memref_slice %arg3[%add3A_231] : memref<322560xi32, #tpu.memory_space<hbm>> -> memref<120xi32, #tpu.memory_space<hbm>>
    tpu.enqueue_dma source(%dma_start3A_233 : memref<120xi32, #tpu.memory_space<hbm>>) target(%arg9 : memref<120xi32, #tpu.memory_space<vmem>>) target_semaphore(%arg24 : memref<!tpu.dma_semaphore, #tpu.memory_space<semaphore_mem>>)
    %add3A_234 = arith.constant 840 : i32
    %add3A_235 = arith.addi %mul3A_13, %add3A_234 : i32
    %dma_start3A_236 = tpu.memref_slice %arg4[%add3A_235] : memref<161280xi32, #tpu.memory_space<hbm>> -> memref<120xi32, #tpu.memory_space<hbm>>
    %dma_start3A_237 = tpu.memref_slice %arg4[%add3A_235] : memref<161280xi32, #tpu.memory_space<hbm>> -> memref<120xi32, #tpu.memory_space<hbm>>
    tpu.enqueue_dma source(%dma_start3A_237 : memref<120xi32, #tpu.memory_space<hbm>>) target(%arg15 : memref<120xi32, #tpu.memory_space<vmem>>) target_semaphore(%arg24 : memref<!tpu.dma_semaphore, #tpu.memory_space<semaphore_mem>>)
    %add3A_238 = arith.constant 480 : i32
    %add3A_239 = arith.addi %add3A_16, %add3A_238 : i32
    %dma_wait3A_240 = tpu.memref_slice %arg3[%add3A_239] : memref<322560xi32, #tpu.memory_space<hbm>> -> memref<120xi32, #tpu.memory_space<hbm>>
    %dma_wait3A_241 = tpu.memref_slice %arg3[%add3A_239] : memref<322560xi32, #tpu.memory_space<hbm>> -> memref<120xi32, #tpu.memory_space<hbm>>
    tpu.wait_dma2 semaphore(%arg25 : memref<!tpu.dma_semaphore, #tpu.memory_space<semaphore_mem>>) src(%dma_wait3A_241 : memref<120xi32, #tpu.memory_space<hbm>>) dst(%arg10 : memref<120xi32, #tpu.memory_space<vmem>>)
    %add3A_242 = arith.constant 480 : i32
    %add3A_243 = arith.addi %mul3A_13, %add3A_242 : i32
    %dma_wait3A_244 = tpu.memref_slice %arg4[%add3A_243] : memref<161280xi32, #tpu.memory_space<hbm>> -> memref<120xi32, #tpu.memory_space<hbm>>
    %dma_wait3A_245 = tpu.memref_slice %arg4[%add3A_243] : memref<161280xi32, #tpu.memory_space<hbm>> -> memref<120xi32, #tpu.memory_space<hbm>>
    tpu.wait_dma2 semaphore(%arg25 : memref<!tpu.dma_semaphore, #tpu.memory_space<semaphore_mem>>) src(%dma_wait3A_245 : memref<120xi32, #tpu.memory_space<hbm>>) dst(%arg16 : memref<120xi32, #tpu.memory_space<vmem>>)
    %dma_start3A_246 = arith.constant 0 : i32
    %dma_start3A_247 = arith.constant 0 : i32
    %dma_start3A_248 = tpu.memref_slice %arg20[%dma_start3A_246, %dma_start3A_247] : memref<120x128xf32, #tpu.memory_space<vmem>> -> memref<64x128xf32, #tpu.memory_space<vmem>>
    %dma_start3A_249 = arith.constant 0 : i32
    %dma_start3A_250 = tpu.memref_slice %arg10[%dma_start3A_249] : memref<120xi32, #tpu.memory_space<vmem>> -> memref<64xi32, #tpu.memory_space<vmem>>
    %dma_start3A_251 = arith.constant 0 : i32
    %dma_start3A_252 = arith.constant 0 : i32
    %dma_start3A_253 = tpu.memref_slice %arg2[%dma_start3A_251, %dma_start3A_252] : memref<20000x128xf32, #tpu.memory_space<hbm>> -> memref<20000x128xf32, #tpu.memory_space<hbm>>
    tpu.enqueue_indirect_dma source(%dma_start3A_253 : memref<20000x128xf32, #tpu.memory_space<hbm>>) target(%dma_start3A_248 : memref<64x128xf32, #tpu.memory_space<vmem>>) offsets(%dma_start3A_250 : memref<64xi32, #tpu.memory_space<vmem>>) semaphore(%arg29 : memref<!tpu.dma_semaphore, #tpu.memory_space<semaphore_mem>>)
    %dma_start3A_254 = arith.constant 64 : i32
    %dma_start3A_255 = arith.constant 0 : i32
    %dma_start3A_256 = tpu.memref_slice %arg20[%dma_start3A_254, %dma_start3A_255] : memref<120x128xf32, #tpu.memory_space<vmem>> -> memref<56x128xf32, #tpu.memory_space<vmem>>
    %dma_start3A_257 = arith.constant 64 : i32
    %dma_start3A_258 = tpu.memref_slice %arg10[%dma_start3A_257] : memref<120xi32, #tpu.memory_space<vmem>> -> memref<56xi32, #tpu.memory_space<vmem>>
    %dma_start3A_259 = arith.constant 0 : i32
    %dma_start3A_260 = arith.constant 0 : i32
    %dma_start3A_261 = tpu.memref_slice %arg2[%dma_start3A_259, %dma_start3A_260] : memref<20000x128xf32, #tpu.memory_space<hbm>> -> memref<20000x128xf32, #tpu.memory_space<hbm>>
    tpu.enqueue_indirect_dma source(%dma_start3A_261 : memref<20000x128xf32, #tpu.memory_space<hbm>>) target(%dma_start3A_256 : memref<56x128xf32, #tpu.memory_space<vmem>>) offsets(%dma_start3A_258 : memref<56xi32, #tpu.memory_space<vmem>>) semaphore(%arg29 : memref<!tpu.dma_semaphore, #tpu.memory_space<semaphore_mem>>)
    %dma_wait3A_262 = arith.constant 0 : i32
    %dma_wait3A_263 = arith.constant 0 : i32
    %dma_wait3A_264 = tpu.memref_slice %arg19[%dma_wait3A_262, %dma_wait3A_263] : memref<120x128xf32, #tpu.memory_space<vmem>> -> memref<64x128xf32, #tpu.memory_space<vmem>>
    %dma_wait3A_265 = arith.constant 0 : i32
    %dma_wait3A_266 = tpu.memref_slice %arg8[%dma_wait3A_265] : memref<120xi32, #tpu.memory_space<vmem>> -> memref<64xi32, #tpu.memory_space<vmem>>
    %dma_wait3A_267 = arith.constant 0 : i32
    %dma_wait3A_268 = arith.constant 0 : i32
    %dma_wait3A_269 = tpu.memref_slice %arg2[%dma_wait3A_267, %dma_wait3A_268] : memref<20000x128xf32, #tpu.memory_space<hbm>> -> memref<20000x128xf32, #tpu.memory_space<hbm>>
    tpu.wait_indirect_dma semaphore(%arg28 : memref<!tpu.dma_semaphore, #tpu.memory_space<semaphore_mem>>) src(%dma_wait3A_269 : memref<20000x128xf32, #tpu.memory_space<hbm>>) dst(%dma_wait3A_264 : memref<64x128xf32, #tpu.memory_space<vmem>>)
    %dma_wait3A_270 = arith.constant 64 : i32
    %dma_wait3A_271 = arith.constant 0 : i32
    %dma_wait3A_272 = tpu.memref_slice %arg19[%dma_wait3A_270, %dma_wait3A_271] : memref<120x128xf32, #tpu.memory_space<vmem>> -> memref<56x128xf32, #tpu.memory_space<vmem>>
    %dma_wait3A_273 = arith.constant 64 : i32
    %dma_wait3A_274 = tpu.memref_slice %arg8[%dma_wait3A_273] : memref<120xi32, #tpu.memory_space<vmem>> -> memref<56xi32, #tpu.memory_space<vmem>>
    %dma_wait3A_275 = arith.constant 0 : i32
    %dma_wait3A_276 = arith.constant 0 : i32
    %dma_wait3A_277 = tpu.memref_slice %arg2[%dma_wait3A_275, %dma_wait3A_276] : memref<20000x128xf32, #tpu.memory_space<hbm>> -> memref<20000x128xf32, #tpu.memory_space<hbm>>
    tpu.wait_indirect_dma semaphore(%arg28 : memref<!tpu.dma_semaphore, #tpu.memory_space<semaphore_mem>>) src(%dma_wait3A_277 : memref<20000x128xf32, #tpu.memory_space<hbm>>) dst(%dma_wait3A_272 : memref<56x128xf32, #tpu.memory_space<vmem>>)
    %dma_start3A_278 = arith.constant 0 : i32
    %dma_start3A_279 = arith.constant 0 : i32
    %dma_start3A_280 = tpu.memref_slice %arg34[%dma_start3A_278, %dma_start3A_279] : memref<10112x128xf32, #tpu.memory_space<vmem_shared>> -> memref<10112x128xf32, #tpu.memory_space<vmem_shared>>
    tpu.enqueue_indirect_dma source(%arg19 : memref<120x128xf32, #tpu.memory_space<vmem>>) target(%dma_start3A_280 : memref<10112x128xf32, #tpu.memory_space<vmem_shared>>) offsets(%arg14 : memref<120xi32, #tpu.memory_space<vmem>>) semaphore(%arg31 : memref<!tpu.dma_semaphore, #tpu.memory_space<semaphore_mem>>) {add = true}
    %dma_wait3A_281 = arith.constant 0 : i32
    %dma_wait3A_282 = arith.constant 0 : i32
    %dma_wait3A_283 = tpu.memref_slice %arg34[%dma_wait3A_281, %dma_wait3A_282] : memref<10112x128xf32, #tpu.memory_space<vmem_shared>> -> memref<10112x128xf32, #tpu.memory_space<vmem_shared>>
    tpu.wait_indirect_dma semaphore(%arg33 : memref<!tpu.dma_semaphore, #tpu.memory_space<semaphore_mem>>) src(%arg21 : memref<120x128xf32, #tpu.memory_space<vmem>>) dst(%dma_wait3A_283 : memref<10112x128xf32, #tpu.memory_space<vmem_shared>>)
    %add3A_284 = arith.constant 960 : i32
    %add3A_285 = arith.addi %add3A_16, %add3A_284 : i32
    %dma_start3A_286 = tpu.memref_slice %arg3[%add3A_285] : memref<322560xi32, #tpu.memory_space<hbm>> -> memref<120xi32, #tpu.memory_space<hbm>>
    %dma_start3A_287 = tpu.memref_slice %arg3[%add3A_285] : memref<322560xi32, #tpu.memory_space<hbm>> -> memref<120xi32, #tpu.memory_space<hbm>>
    tpu.enqueue_dma source(%dma_start3A_287 : memref<120xi32, #tpu.memory_space<hbm>>) target(%arg11 : memref<120xi32, #tpu.memory_space<vmem>>) target_semaphore(%arg26 : memref<!tpu.dma_semaphore, #tpu.memory_space<semaphore_mem>>)
    %add3A_288 = arith.constant 960 : i32
    %add3A_289 = arith.addi %mul3A_13, %add3A_288 : i32
    %dma_start3A_290 = tpu.memref_slice %arg4[%add3A_289] : memref<161280xi32, #tpu.memory_space<hbm>> -> memref<120xi32, #tpu.memory_space<hbm>>
    %dma_start3A_291 = tpu.memref_slice %arg4[%add3A_289] : memref<161280xi32, #tpu.memory_space<hbm>> -> memref<120xi32, #tpu.memory_space<hbm>>
    tpu.enqueue_dma source(%dma_start3A_291 : memref<120xi32, #tpu.memory_space<hbm>>) target(%arg17 : memref<120xi32, #tpu.memory_space<vmem>>) target_semaphore(%arg26 : memref<!tpu.dma_semaphore, #tpu.memory_space<semaphore_mem>>)
    %add3A_292 = arith.constant 600 : i32
    %add3A_293 = arith.addi %add3A_16, %add3A_292 : i32
    %dma_wait3A_294 = tpu.memref_slice %arg3[%add3A_293] : memref<322560xi32, #tpu.memory_space<hbm>> -> memref<120xi32, #tpu.memory_space<hbm>>
    %dma_wait3A_295 = tpu.memref_slice %arg3[%add3A_293] : memref<322560xi32, #tpu.memory_space<hbm>> -> memref<120xi32, #tpu.memory_space<hbm>>
    tpu.wait_dma2 semaphore(%arg27 : memref<!tpu.dma_semaphore, #tpu.memory_space<semaphore_mem>>) src(%dma_wait3A_295 : memref<120xi32, #tpu.memory_space<hbm>>) dst(%arg12 : memref<120xi32, #tpu.memory_space<vmem>>)
    %add3A_296 = arith.constant 600 : i32
    %add3A_297 = arith.addi %mul3A_13, %add3A_296 : i32
    %dma_wait3A_298 = tpu.memref_slice %arg4[%add3A_297] : memref<161280xi32, #tpu.memory_space<hbm>> -> memref<120xi32, #tpu.memory_space<hbm>>
    %dma_wait3A_299 = tpu.memref_slice %arg4[%add3A_297] : memref<161280xi32, #tpu.memory_space<hbm>> -> memref<120xi32, #tpu.memory_space<hbm>>
    tpu.wait_dma2 semaphore(%arg27 : memref<!tpu.dma_semaphore, #tpu.memory_space<semaphore_mem>>) src(%dma_wait3A_299 : memref<120xi32, #tpu.memory_space<hbm>>) dst(%arg18 : memref<120xi32, #tpu.memory_space<vmem>>)
    %dma_start3A_300 = arith.constant 0 : i32
    %dma_start3A_301 = arith.constant 0 : i32
    %dma_start3A_302 = tpu.memref_slice %arg21[%dma_start3A_300, %dma_start3A_301] : memref<120x128xf32, #tpu.memory_space<vmem>> -> memref<64x128xf32, #tpu.memory_space<vmem>>
    %dma_start3A_303 = arith.constant 0 : i32
    %dma_start3A_304 = tpu.memref_slice %arg12[%dma_start3A_303] : memref<120xi32, #tpu.memory_space<vmem>> -> memref<64xi32, #tpu.memory_space<vmem>>
    %dma_start3A_305 = arith.constant 0 : i32
    %dma_start3A_306 = arith.constant 0 : i32
    %dma_start3A_307 = tpu.memref_slice %arg2[%dma_start3A_305, %dma_start3A_306] : memref<20000x128xf32, #tpu.memory_space<hbm>> -> memref<20000x128xf32, #tpu.memory_space<hbm>>
    tpu.enqueue_indirect_dma source(%dma_start3A_307 : memref<20000x128xf32, #tpu.memory_space<hbm>>) target(%dma_start3A_302 : memref<64x128xf32, #tpu.memory_space<vmem>>) offsets(%dma_start3A_304 : memref<64xi32, #tpu.memory_space<vmem>>) semaphore(%arg30 : memref<!tpu.dma_semaphore, #tpu.memory_space<semaphore_mem>>)
    %dma_start3A_308 = arith.constant 64 : i32
    %dma_start3A_309 = arith.constant 0 : i32
    %dma_start3A_310 = tpu.memref_slice %arg21[%dma_start3A_308, %dma_start3A_309] : memref<120x128xf32, #tpu.memory_space<vmem>> -> memref<56x128xf32, #tpu.memory_space<vmem>>
    %dma_start3A_311 = arith.constant 64 : i32
    %dma_start3A_312 = tpu.memref_slice %arg12[%dma_start3A_311] : memref<120xi32, #tpu.memory_space<vmem>> -> memref<56xi32, #tpu.memory_space<vmem>>
    %dma_start3A_313 = arith.constant 0 : i32
    %dma_start3A_314 = arith.constant 0 : i32
    %dma_start3A_315 = tpu.memref_slice %arg2[%dma_start3A_313, %dma_start3A_314] : memref<20000x128xf32, #tpu.memory_space<hbm>> -> memref<20000x128xf32, #tpu.memory_space<hbm>>
    tpu.enqueue_indirect_dma source(%dma_start3A_315 : memref<20000x128xf32, #tpu.memory_space<hbm>>) target(%dma_start3A_310 : memref<56x128xf32, #tpu.memory_space<vmem>>) offsets(%dma_start3A_312 : memref<56xi32, #tpu.memory_space<vmem>>) semaphore(%arg30 : memref<!tpu.dma_semaphore, #tpu.memory_space<semaphore_mem>>)
    %dma_wait3A_316 = arith.constant 0 : i32
    %dma_wait3A_317 = arith.constant 0 : i32
    %dma_wait3A_318 = tpu.memref_slice %arg20[%dma_wait3A_316, %dma_wait3A_317] : memref<120x128xf32, #tpu.memory_space<vmem>> -> memref<64x128xf32, #tpu.memory_space<vmem>>
    %dma_wait3A_319 = arith.constant 0 : i32
    %dma_wait3A_320 = tpu.memref_slice %arg10[%dma_wait3A_319] : memref<120xi32, #tpu.memory_space<vmem>> -> memref<64xi32, #tpu.memory_space<vmem>>
    %dma_wait3A_321 = arith.constant 0 : i32
    %dma_wait3A_322 = arith.constant 0 : i32
    %dma_wait3A_323 = tpu.memref_slice %arg2[%dma_wait3A_321, %dma_wait3A_322] : memref<20000x128xf32, #tpu.memory_space<hbm>> -> memref<20000x128xf32, #tpu.memory_space<hbm>>
    tpu.wait_indirect_dma semaphore(%arg29 : memref<!tpu.dma_semaphore, #tpu.memory_space<semaphore_mem>>) src(%dma_wait3A_323 : memref<20000x128xf32, #tpu.memory_space<hbm>>) dst(%dma_wait3A_318 : memref<64x128xf32, #tpu.memory_space<vmem>>)
    %dma_wait3A_324 = arith.constant 64 : i32
    %dma_wait3A_325 = arith.constant 0 : i32
    %dma_wait3A_326 = tpu.memref_slice %arg20[%dma_wait3A_324, %dma_wait3A_325] : memref<120x128xf32, #tpu.memory_space<vmem>> -> memref<56x128xf32, #tpu.memory_space<vmem>>
    %dma_wait3A_327 = arith.constant 64 : i32
    %dma_wait3A_328 = tpu.memref_slice %arg10[%dma_wait3A_327] : memref<120xi32, #tpu.memory_space<vmem>> -> memref<56xi32, #tpu.memory_space<vmem>>
    %dma_wait3A_329 = arith.constant 0 : i32
    %dma_wait3A_330 = arith.constant 0 : i32
    %dma_wait3A_331 = tpu.memref_slice %arg2[%dma_wait3A_329, %dma_wait3A_330] : memref<20000x128xf32, #tpu.memory_space<hbm>> -> memref<20000x128xf32, #tpu.memory_space<hbm>>
    tpu.wait_indirect_dma semaphore(%arg29 : memref<!tpu.dma_semaphore, #tpu.memory_space<semaphore_mem>>) src(%dma_wait3A_331 : memref<20000x128xf32, #tpu.memory_space<hbm>>) dst(%dma_wait3A_326 : memref<56x128xf32, #tpu.memory_space<vmem>>)
    %dma_start3A_332 = arith.constant 0 : i32
    %dma_start3A_333 = arith.constant 0 : i32
    %dma_start3A_334 = tpu.memref_slice %arg34[%dma_start3A_332, %dma_start3A_333] : memref<10112x128xf32, #tpu.memory_space<vmem_shared>> -> memref<10112x128xf32, #tpu.memory_space<vmem_shared>>
    tpu.enqueue_indirect_dma source(%arg20 : memref<120x128xf32, #tpu.memory_space<vmem>>) target(%dma_start3A_334 : memref<10112x128xf32, #tpu.memory_space<vmem_shared>>) offsets(%arg16 : memref<120xi32, #tpu.memory_space<vmem>>) semaphore(%arg32 : memref<!tpu.dma_semaphore, #tpu.memory_space<semaphore_mem>>) {add = true}
    %dma_wait3A_335 = arith.constant 0 : i32
    %dma_wait3A_336 = arith.constant 0 : i32
    %dma_wait3A_337 = tpu.memref_slice %arg34[%dma_wait3A_335, %dma_wait3A_336] : memref<10112x128xf32, #tpu.memory_space<vmem_shared>> -> memref<10112x128xf32, #tpu.memory_space<vmem_shared>>
    tpu.wait_indirect_dma semaphore(%arg31 : memref<!tpu.dma_semaphore, #tpu.memory_space<semaphore_mem>>) src(%arg19 : memref<120x128xf32, #tpu.memory_space<vmem>>) dst(%dma_wait3A_337 : memref<10112x128xf32, #tpu.memory_space<vmem_shared>>)
    %add3A_338 = arith.constant 1080 : i32
    %add3A_339 = arith.addi %add3A_16, %add3A_338 : i32
    %dma_start3A_340 = tpu.memref_slice %arg3[%add3A_339] : memref<322560xi32, #tpu.memory_space<hbm>> -> memref<120xi32, #tpu.memory_space<hbm>>
    %dma_start3A_341 = tpu.memref_slice %arg3[%add3A_339] : memref<322560xi32, #tpu.memory_space<hbm>> -> memref<120xi32, #tpu.memory_space<hbm>>
    tpu.enqueue_dma source(%dma_start3A_341 : memref<120xi32, #tpu.memory_space<hbm>>) target(%arg8 : memref<120xi32, #tpu.memory_space<vmem>>) target_semaphore(%arg23 : memref<!tpu.dma_semaphore, #tpu.memory_space<semaphore_mem>>)
    %add3A_342 = arith.constant 1080 : i32
    %add3A_343 = arith.addi %mul3A_13, %add3A_342 : i32
    %dma_start3A_344 = tpu.memref_slice %arg4[%add3A_343] : memref<161280xi32, #tpu.memory_space<hbm>> -> memref<120xi32, #tpu.memory_space<hbm>>
    %dma_start3A_345 = tpu.memref_slice %arg4[%add3A_343] : memref<161280xi32, #tpu.memory_space<hbm>> -> memref<120xi32, #tpu.memory_space<hbm>>
    tpu.enqueue_dma source(%dma_start3A_345 : memref<120xi32, #tpu.memory_space<hbm>>) target(%arg14 : memref<120xi32, #tpu.memory_space<vmem>>) target_semaphore(%arg23 : memref<!tpu.dma_semaphore, #tpu.memory_space<semaphore_mem>>)
    %add3A_346 = arith.constant 720 : i32
    %add3A_347 = arith.addi %add3A_16, %add3A_346 : i32
    %dma_wait3A_348 = tpu.memref_slice %arg3[%add3A_347] : memref<322560xi32, #tpu.memory_space<hbm>> -> memref<120xi32, #tpu.memory_space<hbm>>
    %dma_wait3A_349 = tpu.memref_slice %arg3[%add3A_347] : memref<322560xi32, #tpu.memory_space<hbm>> -> memref<120xi32, #tpu.memory_space<hbm>>
    tpu.wait_dma2 semaphore(%arg22 : memref<!tpu.dma_semaphore, #tpu.memory_space<semaphore_mem>>) src(%dma_wait3A_349 : memref<120xi32, #tpu.memory_space<hbm>>) dst(%arg7 : memref<120xi32, #tpu.memory_space<vmem>>)
    %add3A_350 = arith.constant 720 : i32
    %add3A_351 = arith.addi %mul3A_13, %add3A_350 : i32
    %dma_wait3A_352 = tpu.memref_slice %arg4[%add3A_351] : memref<161280xi32, #tpu.memory_space<hbm>> -> memref<120xi32, #tpu.memory_space<hbm>>
    %dma_wait3A_353 = tpu.memref_slice %arg4[%add3A_351] : memref<161280xi32, #tpu.memory_space<hbm>> -> memref<120xi32, #tpu.memory_space<hbm>>
    tpu.wait_dma2 semaphore(%arg22 : memref<!tpu.dma_semaphore, #tpu.memory_space<semaphore_mem>>) src(%dma_wait3A_353 : memref<120xi32, #tpu.memory_space<hbm>>) dst(%arg13 : memref<120xi32, #tpu.memory_space<vmem>>)
    %dma_start3A_354 = arith.constant 0 : i32
    %dma_start3A_355 = arith.constant 0 : i32
    %dma_start3A_356 = tpu.memref_slice %arg19[%dma_start3A_354, %dma_start3A_355] : memref<120x128xf32, #tpu.memory_space<vmem>> -> memref<64x128xf32, #tpu.memory_space<vmem>>
    %dma_start3A_357 = arith.constant 0 : i32
    %dma_start3A_358 = tpu.memref_slice %arg7[%dma_start3A_357] : memref<120xi32, #tpu.memory_space<vmem>> -> memref<64xi32, #tpu.memory_space<vmem>>
    %dma_start3A_359 = arith.constant 0 : i32
    %dma_start3A_360 = arith.constant 0 : i32
    %dma_start3A_361 = tpu.memref_slice %arg2[%dma_start3A_359, %dma_start3A_360] : memref<20000x128xf32, #tpu.memory_space<hbm>> -> memref<20000x128xf32, #tpu.memory_space<hbm>>
    tpu.enqueue_indirect_dma source(%dma_start3A_361 : memref<20000x128xf32, #tpu.memory_space<hbm>>) target(%dma_start3A_356 : memref<64x128xf32, #tpu.memory_space<vmem>>) offsets(%dma_start3A_358 : memref<64xi32, #tpu.memory_space<vmem>>) semaphore(%arg28 : memref<!tpu.dma_semaphore, #tpu.memory_space<semaphore_mem>>)
    %dma_start3A_362 = arith.constant 64 : i32
    %dma_start3A_363 = arith.constant 0 : i32
    %dma_start3A_364 = tpu.memref_slice %arg19[%dma_start3A_362, %dma_start3A_363] : memref<120x128xf32, #tpu.memory_space<vmem>> -> memref<56x128xf32, #tpu.memory_space<vmem>>
    %dma_start3A_365 = arith.constant 64 : i32
    %dma_start3A_366 = tpu.memref_slice %arg7[%dma_start3A_365] : memref<120xi32, #tpu.memory_space<vmem>> -> memref<56xi32, #tpu.memory_space<vmem>>
    %dma_start3A_367 = arith.constant 0 : i32
    %dma_start3A_368 = arith.constant 0 : i32
    %dma_start3A_369 = tpu.memref_slice %arg2[%dma_start3A_367, %dma_start3A_368] : memref<20000x128xf32, #tpu.memory_space<hbm>> -> memref<20000x128xf32, #tpu.memory_space<hbm>>
    tpu.enqueue_indirect_dma source(%dma_start3A_369 : memref<20000x128xf32, #tpu.memory_space<hbm>>) target(%dma_start3A_364 : memref<56x128xf32, #tpu.memory_space<vmem>>) offsets(%dma_start3A_366 : memref<56xi32, #tpu.memory_space<vmem>>) semaphore(%arg28 : memref<!tpu.dma_semaphore, #tpu.memory_space<semaphore_mem>>)
    %dma_wait3A_370 = arith.constant 0 : i32
    %dma_wait3A_371 = arith.constant 0 : i32
    %dma_wait3A_372 = tpu.memref_slice %arg21[%dma_wait3A_370, %dma_wait3A_371] : memref<120x128xf32, #tpu.memory_space<vmem>> -> memref<64x128xf32, #tpu.memory_space<vmem>>
    %dma_wait3A_373 = arith.constant 0 : i32
    %dma_wait3A_374 = tpu.memref_slice %arg12[%dma_wait3A_373] : memref<120xi32, #tpu.memory_space<vmem>> -> memref<64xi32, #tpu.memory_space<vmem>>
    %dma_wait3A_375 = arith.constant 0 : i32
    %dma_wait3A_376 = arith.constant 0 : i32
    %dma_wait3A_377 = tpu.memref_slice %arg2[%dma_wait3A_375, %dma_wait3A_376] : memref<20000x128xf32, #tpu.memory_space<hbm>> -> memref<20000x128xf32, #tpu.memory_space<hbm>>
    tpu.wait_indirect_dma semaphore(%arg30 : memref<!tpu.dma_semaphore, #tpu.memory_space<semaphore_mem>>) src(%dma_wait3A_377 : memref<20000x128xf32, #tpu.memory_space<hbm>>) dst(%dma_wait3A_372 : memref<64x128xf32, #tpu.memory_space<vmem>>)
    %dma_wait3A_378 = arith.constant 64 : i32
    %dma_wait3A_379 = arith.constant 0 : i32
    %dma_wait3A_380 = tpu.memref_slice %arg21[%dma_wait3A_378, %dma_wait3A_379] : memref<120x128xf32, #tpu.memory_space<vmem>> -> memref<56x128xf32, #tpu.memory_space<vmem>>
    %dma_wait3A_381 = arith.constant 64 : i32
    %dma_wait3A_382 = tpu.memref_slice %arg12[%dma_wait3A_381] : memref<120xi32, #tpu.memory_space<vmem>> -> memref<56xi32, #tpu.memory_space<vmem>>
    %dma_wait3A_383 = arith.constant 0 : i32
    %dma_wait3A_384 = arith.constant 0 : i32
    %dma_wait3A_385 = tpu.memref_slice %arg2[%dma_wait3A_383, %dma_wait3A_384] : memref<20000x128xf32, #tpu.memory_space<hbm>> -> memref<20000x128xf32, #tpu.memory_space<hbm>>
    tpu.wait_indirect_dma semaphore(%arg30 : memref<!tpu.dma_semaphore, #tpu.memory_space<semaphore_mem>>) src(%dma_wait3A_385 : memref<20000x128xf32, #tpu.memory_space<hbm>>) dst(%dma_wait3A_380 : memref<56x128xf32, #tpu.memory_space<vmem>>)
    %dma_start3A_386 = arith.constant 0 : i32
    %dma_start3A_387 = arith.constant 0 : i32
    %dma_start3A_388 = tpu.memref_slice %arg34[%dma_start3A_386, %dma_start3A_387] : memref<10112x128xf32, #tpu.memory_space<vmem_shared>> -> memref<10112x128xf32, #tpu.memory_space<vmem_shared>>
    tpu.enqueue_indirect_dma source(%arg21 : memref<120x128xf32, #tpu.memory_space<vmem>>) target(%dma_start3A_388 : memref<10112x128xf32, #tpu.memory_space<vmem_shared>>) offsets(%arg18 : memref<120xi32, #tpu.memory_space<vmem>>) semaphore(%arg33 : memref<!tpu.dma_semaphore, #tpu.memory_space<semaphore_mem>>) {add = true}
    %dma_wait3A_389 = arith.constant 0 : i32
    %dma_wait3A_390 = arith.constant 0 : i32
    %dma_wait3A_391 = tpu.memref_slice %arg34[%dma_wait3A_389, %dma_wait3A_390] : memref<10112x128xf32, #tpu.memory_space<vmem_shared>> -> memref<10112x128xf32, #tpu.memory_space<vmem_shared>>
    tpu.wait_indirect_dma semaphore(%arg32 : memref<!tpu.dma_semaphore, #tpu.memory_space<semaphore_mem>>) src(%arg20 : memref<120x128xf32, #tpu.memory_space<vmem>>) dst(%dma_wait3A_391 : memref<10112x128xf32, #tpu.memory_space<vmem_shared>>)
    %add3A_392 = arith.constant 1200 : i32
    %add3A_393 = arith.addi %add3A_16, %add3A_392 : i32
    %dma_start3A_394 = tpu.memref_slice %arg3[%add3A_393] : memref<322560xi32, #tpu.memory_space<hbm>> -> memref<120xi32, #tpu.memory_space<hbm>>
    %dma_start3A_395 = tpu.memref_slice %arg3[%add3A_393] : memref<322560xi32, #tpu.memory_space<hbm>> -> memref<120xi32, #tpu.memory_space<hbm>>
    tpu.enqueue_dma source(%dma_start3A_395 : memref<120xi32, #tpu.memory_space<hbm>>) target(%arg10 : memref<120xi32, #tpu.memory_space<vmem>>) target_semaphore(%arg25 : memref<!tpu.dma_semaphore, #tpu.memory_space<semaphore_mem>>)
    %add3A_396 = arith.constant 1200 : i32
    %add3A_397 = arith.addi %mul3A_13, %add3A_396 : i32
    %dma_start3A_398 = tpu.memref_slice %arg4[%add3A_397] : memref<161280xi32, #tpu.memory_space<hbm>> -> memref<120xi32, #tpu.memory_space<hbm>>
    %dma_start3A_399 = tpu.memref_slice %arg4[%add3A_397] : memref<161280xi32, #tpu.memory_space<hbm>> -> memref<120xi32, #tpu.memory_space<hbm>>
    tpu.enqueue_dma source(%dma_start3A_399 : memref<120xi32, #tpu.memory_space<hbm>>) target(%arg16 : memref<120xi32, #tpu.memory_space<vmem>>) target_semaphore(%arg25 : memref<!tpu.dma_semaphore, #tpu.memory_space<semaphore_mem>>)
    %add3A_400 = arith.constant 840 : i32
    %add3A_401 = arith.addi %add3A_16, %add3A_400 : i32
    %dma_wait3A_402 = tpu.memref_slice %arg3[%add3A_401] : memref<322560xi32, #tpu.memory_space<hbm>> -> memref<120xi32, #tpu.memory_space<hbm>>
    %dma_wait3A_403 = tpu.memref_slice %arg3[%add3A_401] : memref<322560xi32, #tpu.memory_space<hbm>> -> memref<120xi32, #tpu.memory_space<hbm>>
    tpu.wait_dma2 semaphore(%arg24 : memref<!tpu.dma_semaphore, #tpu.memory_space<semaphore_mem>>) src(%dma_wait3A_403 : memref<120xi32, #tpu.memory_space<hbm>>) dst(%arg9 : memref<120xi32, #tpu.memory_space<vmem>>)
    %add3A_404 = arith.constant 840 : i32
    %add3A_405 = arith.addi %mul3A_13, %add3A_404 : i32
    %dma_wait3A_406 = tpu.memref_slice %arg4[%add3A_405] : memref<161280xi32, #tpu.memory_space<hbm>> -> memref<120xi32, #tpu.memory_space<hbm>>
    %dma_wait3A_407 = tpu.memref_slice %arg4[%add3A_405] : memref<161280xi32, #tpu.memory_space<hbm>> -> memref<120xi32, #tpu.memory_space<hbm>>
    tpu.wait_dma2 semaphore(%arg24 : memref<!tpu.dma_semaphore, #tpu.memory_space<semaphore_mem>>) src(%dma_wait3A_407 : memref<120xi32, #tpu.memory_space<hbm>>) dst(%arg15 : memref<120xi32, #tpu.memory_space<vmem>>)
    %dma_start3A_408 = arith.constant 0 : i32
    %dma_start3A_409 = arith.constant 0 : i32
    %dma_start3A_410 = tpu.memref_slice %arg20[%dma_start3A_408, %dma_start3A_409] : memref<120x128xf32, #tpu.memory_space<vmem>> -> memref<64x128xf32, #tpu.memory_space<vmem>>
    %dma_start3A_411 = arith.constant 0 : i32
    %dma_start3A_412 = tpu.memref_slice %arg9[%dma_start3A_411] : memref<120xi32, #tpu.memory_space<vmem>> -> memref<64xi32, #tpu.memory_space<vmem>>
    %dma_start3A_413 = arith.constant 0 : i32
    %dma_start3A_414 = arith.constant 0 : i32
    %dma_start3A_415 = tpu.memref_slice %arg2[%dma_start3A_413, %dma_start3A_414] : memref<20000x128xf32, #tpu.memory_space<hbm>> -> memref<20000x128xf32, #tpu.memory_space<hbm>>
    tpu.enqueue_indirect_dma source(%dma_start3A_415 : memref<20000x128xf32, #tpu.memory_space<hbm>>) target(%dma_start3A_410 : memref<64x128xf32, #tpu.memory_space<vmem>>) offsets(%dma_start3A_412 : memref<64xi32, #tpu.memory_space<vmem>>) semaphore(%arg29 : memref<!tpu.dma_semaphore, #tpu.memory_space<semaphore_mem>>)
    %dma_start3A_416 = arith.constant 64 : i32
    %dma_start3A_417 = arith.constant 0 : i32
    %dma_start3A_418 = tpu.memref_slice %arg20[%dma_start3A_416, %dma_start3A_417] : memref<120x128xf32, #tpu.memory_space<vmem>> -> memref<56x128xf32, #tpu.memory_space<vmem>>
    %dma_start3A_419 = arith.constant 64 : i32
    %dma_start3A_420 = tpu.memref_slice %arg9[%dma_start3A_419] : memref<120xi32, #tpu.memory_space<vmem>> -> memref<56xi32, #tpu.memory_space<vmem>>
    %dma_start3A_421 = arith.constant 0 : i32
    %dma_start3A_422 = arith.constant 0 : i32
    %dma_start3A_423 = tpu.memref_slice %arg2[%dma_start3A_421, %dma_start3A_422] : memref<20000x128xf32, #tpu.memory_space<hbm>> -> memref<20000x128xf32, #tpu.memory_space<hbm>>
    tpu.enqueue_indirect_dma source(%dma_start3A_423 : memref<20000x128xf32, #tpu.memory_space<hbm>>) target(%dma_start3A_418 : memref<56x128xf32, #tpu.memory_space<vmem>>) offsets(%dma_start3A_420 : memref<56xi32, #tpu.memory_space<vmem>>) semaphore(%arg29 : memref<!tpu.dma_semaphore, #tpu.memory_space<semaphore_mem>>)
    %scan3A = arith.constant 0 : i32
    %scan3A_424 = arith.constant 1 : i32
    %scan3A_425 = arith.constant 12 : i32
    %scan3A_426 = arith.addi %scan3A_424, %scan3A_425 : i32
    %scan3A_427 = arith.constant 1 : i32
    scf.for %scan3A_696 = %scan3A_424 to %scan3A_426 step %scan3A_427  : i32 {
      %mul3A_697 = arith.constant 6 : i32
      %mul3A_698 = arith.muli %mul3A_697, %scan3A_696 : i32
      %add3A_699 = arith.constant 0 : i32
      %add3A_700 = arith.addi %mul3A_698, %add3A_699 : i32
      %dma_wait3A_701 = arith.constant 0 : i32
      %dma_wait3A_702 = arith.constant 0 : i32
      %dma_wait3A_703 = tpu.memref_slice %arg19[%dma_wait3A_701, %dma_wait3A_702] : memref<120x128xf32, #tpu.memory_space<vmem>> -> memref<64x128xf32, #tpu.memory_space<vmem>>
      %dma_wait3A_704 = arith.constant 0 : i32
      %dma_wait3A_705 = tpu.memref_slice %arg7[%dma_wait3A_704] : memref<120xi32, #tpu.memory_space<vmem>> -> memref<64xi32, #tpu.memory_space<vmem>>
      %dma_wait3A_706 = arith.constant 0 : i32
      %dma_wait3A_707 = arith.constant 0 : i32
      %dma_wait3A_708 = tpu.memref_slice %arg2[%dma_wait3A_706, %dma_wait3A_707] : memref<20000x128xf32, #tpu.memory_space<hbm>> -> memref<20000x128xf32, #tpu.memory_space<hbm>>
      tpu.wait_indirect_dma semaphore(%arg28 : memref<!tpu.dma_semaphore, #tpu.memory_space<semaphore_mem>>) src(%dma_wait3A_708 : memref<20000x128xf32, #tpu.memory_space<hbm>>) dst(%dma_wait3A_703 : memref<64x128xf32, #tpu.memory_space<vmem>>)
      %dma_wait3A_709 = arith.constant 64 : i32
      %dma_wait3A_710 = arith.constant 0 : i32
      %dma_wait3A_711 = tpu.memref_slice %arg19[%dma_wait3A_709, %dma_wait3A_710] : memref<120x128xf32, #tpu.memory_space<vmem>> -> memref<56x128xf32, #tpu.memory_space<vmem>>
      %dma_wait3A_712 = arith.constant 64 : i32
      %dma_wait3A_713 = tpu.memref_slice %arg7[%dma_wait3A_712] : memref<120xi32, #tpu.memory_space<vmem>> -> memref<56xi32, #tpu.memory_space<vmem>>
      %dma_wait3A_714 = arith.constant 0 : i32
      %dma_wait3A_715 = arith.constant 0 : i32
      %dma_wait3A_716 = tpu.memref_slice %arg2[%dma_wait3A_714, %dma_wait3A_715] : memref<20000x128xf32, #tpu.memory_space<hbm>> -> memref<20000x128xf32, #tpu.memory_space<hbm>>
      tpu.wait_indirect_dma semaphore(%arg28 : memref<!tpu.dma_semaphore, #tpu.memory_space<semaphore_mem>>) src(%dma_wait3A_716 : memref<20000x128xf32, #tpu.memory_space<hbm>>) dst(%dma_wait3A_711 : memref<56x128xf32, #tpu.memory_space<vmem>>)
      %dma_start3A_717 = arith.constant 0 : i32
      %dma_start3A_718 = arith.constant 0 : i32
      %dma_start3A_719 = tpu.memref_slice %arg34[%dma_start3A_717, %dma_start3A_718] : memref<10112x128xf32, #tpu.memory_space<vmem_shared>> -> memref<10112x128xf32, #tpu.memory_space<vmem_shared>>
      tpu.enqueue_indirect_dma source(%arg19 : memref<120x128xf32, #tpu.memory_space<vmem>>) target(%dma_start3A_719 : memref<10112x128xf32, #tpu.memory_space<vmem_shared>>) offsets(%arg13 : memref<120xi32, #tpu.memory_space<vmem>>) semaphore(%arg31 : memref<!tpu.dma_semaphore, #tpu.memory_space<semaphore_mem>>) {add = true}
      %sub3A = arith.constant 1 : i32
      %sub3A_720 = arith.subi %add3A_700, %sub3A : i32
      %dma_wait3A_721 = arith.constant 0 : i32
      %dma_wait3A_722 = arith.constant 0 : i32
      %dma_wait3A_723 = tpu.memref_slice %arg34[%dma_wait3A_721, %dma_wait3A_722] : memref<10112x128xf32, #tpu.memory_space<vmem_shared>> -> memref<10112x128xf32, #tpu.memory_space<vmem_shared>>
      tpu.wait_indirect_dma semaphore(%arg33 : memref<!tpu.dma_semaphore, #tpu.memory_space<semaphore_mem>>) src(%arg21 : memref<120x128xf32, #tpu.memory_space<vmem>>) dst(%dma_wait3A_723 : memref<10112x128xf32, #tpu.memory_space<vmem_shared>>)
      %add3A_724 = arith.constant 5 : i32
      %add3A_725 = arith.addi %add3A_700, %add3A_724 : i32
      %mul3A_726 = arith.constant 120 : i32
      %mul3A_727 = arith.muli %add3A_725, %mul3A_726 : i32
      %add3A_728 = arith.addi %add3A_16, %mul3A_727 : i32
      %dma_start3A_729 = tpu.memref_slice %arg3[%add3A_728] : memref<322560xi32, #tpu.memory_space<hbm>> -> memref<120xi32, #tpu.memory_space<hbm>>
      %dma_start3A_730 = tpu.memref_slice %arg3[%add3A_728] : memref<322560xi32, #tpu.memory_space<hbm>> -> memref<120xi32, #tpu.memory_space<hbm>>
      tpu.enqueue_dma source(%dma_start3A_730 : memref<120xi32, #tpu.memory_space<hbm>>) target(%arg12 : memref<120xi32, #tpu.memory_space<vmem>>) target_semaphore(%arg27 : memref<!tpu.dma_semaphore, #tpu.memory_space<semaphore_mem>>)
      %mul3A_731 = arith.constant 120 : i32
      %mul3A_732 = arith.muli %add3A_725, %mul3A_731 : i32
      %add3A_733 = arith.addi %mul3A_13, %mul3A_732 : i32
      %dma_start3A_734 = tpu.memref_slice %arg4[%add3A_733] : memref<161280xi32, #tpu.memory_space<hbm>> -> memref<120xi32, #tpu.memory_space<hbm>>
      %dma_start3A_735 = tpu.memref_slice %arg4[%add3A_733] : memref<161280xi32, #tpu.memory_space<hbm>> -> memref<120xi32, #tpu.memory_space<hbm>>
      tpu.enqueue_dma source(%dma_start3A_735 : memref<120xi32, #tpu.memory_space<hbm>>) target(%arg18 : memref<120xi32, #tpu.memory_space<vmem>>) target_semaphore(%arg27 : memref<!tpu.dma_semaphore, #tpu.memory_space<semaphore_mem>>)
      %add3A_736 = arith.constant 2 : i32
      %add3A_737 = arith.addi %add3A_700, %add3A_736 : i32
      %mul3A_738 = arith.constant 120 : i32
      %mul3A_739 = arith.muli %add3A_737, %mul3A_738 : i32
      %add3A_740 = arith.addi %add3A_16, %mul3A_739 : i32
      %dma_wait3A_741 = tpu.memref_slice %arg3[%add3A_740] : memref<322560xi32, #tpu.memory_space<hbm>> -> memref<120xi32, #tpu.memory_space<hbm>>
      %dma_wait3A_742 = tpu.memref_slice %arg3[%add3A_740] : memref<322560xi32, #tpu.memory_space<hbm>> -> memref<120xi32, #tpu.memory_space<hbm>>
      tpu.wait_dma2 semaphore(%arg26 : memref<!tpu.dma_semaphore, #tpu.memory_space<semaphore_mem>>) src(%dma_wait3A_742 : memref<120xi32, #tpu.memory_space<hbm>>) dst(%arg11 : memref<120xi32, #tpu.memory_space<vmem>>)
      %mul3A_743 = arith.constant 120 : i32
      %mul3A_744 = arith.muli %add3A_737, %mul3A_743 : i32
      %add3A_745 = arith.addi %mul3A_13, %mul3A_744 : i32
      %dma_wait3A_746 = tpu.memref_slice %arg4[%add3A_745] : memref<161280xi32, #tpu.memory_space<hbm>> -> memref<120xi32, #tpu.memory_space<hbm>>
      %dma_wait3A_747 = tpu.memref_slice %arg4[%add3A_745] : memref<161280xi32, #tpu.memory_space<hbm>> -> memref<120xi32, #tpu.memory_space<hbm>>
      tpu.wait_dma2 semaphore(%arg26 : memref<!tpu.dma_semaphore, #tpu.memory_space<semaphore_mem>>) src(%dma_wait3A_747 : memref<120xi32, #tpu.memory_space<hbm>>) dst(%arg17 : memref<120xi32, #tpu.memory_space<vmem>>)
      %add3A_748 = arith.constant 2 : i32
      %add3A_749 = arith.addi %add3A_700, %add3A_748 : i32
      %dma_start3A_750 = arith.constant 0 : i32
      %dma_start3A_751 = arith.constant 0 : i32
      %dma_start3A_752 = tpu.memref_slice %arg21[%dma_start3A_750, %dma_start3A_751] : memref<120x128xf32, #tpu.memory_space<vmem>> -> memref<64x128xf32, #tpu.memory_space<vmem>>
      %dma_start3A_753 = arith.constant 0 : i32
      %dma_start3A_754 = tpu.memref_slice %arg11[%dma_start3A_753] : memref<120xi32, #tpu.memory_space<vmem>> -> memref<64xi32, #tpu.memory_space<vmem>>
      %dma_start3A_755 = arith.constant 0 : i32
      %dma_start3A_756 = arith.constant 0 : i32
      %dma_start3A_757 = tpu.memref_slice %arg2[%dma_start3A_755, %dma_start3A_756] : memref<20000x128xf32, #tpu.memory_space<hbm>> -> memref<20000x128xf32, #tpu.memory_space<hbm>>
      tpu.enqueue_indirect_dma source(%dma_start3A_757 : memref<20000x128xf32, #tpu.memory_space<hbm>>) target(%dma_start3A_752 : memref<64x128xf32, #tpu.memory_space<vmem>>) offsets(%dma_start3A_754 : memref<64xi32, #tpu.memory_space<vmem>>) semaphore(%arg30 : memref<!tpu.dma_semaphore, #tpu.memory_space<semaphore_mem>>)
      %dma_start3A_758 = arith.constant 64 : i32
      %dma_start3A_759 = arith.constant 0 : i32
      %dma_start3A_760 = tpu.memref_slice %arg21[%dma_start3A_758, %dma_start3A_759] : memref<120x128xf32, #tpu.memory_space<vmem>> -> memref<56x128xf32, #tpu.memory_space<vmem>>
      %dma_start3A_761 = arith.constant 64 : i32
      %dma_start3A_762 = tpu.memref_slice %arg11[%dma_start3A_761] : memref<120xi32, #tpu.memory_space<vmem>> -> memref<56xi32, #tpu.memory_space<vmem>>
      %dma_start3A_763 = arith.constant 0 : i32
      %dma_start3A_764 = arith.constant 0 : i32
      %dma_start3A_765 = tpu.memref_slice %arg2[%dma_start3A_763, %dma_start3A_764] : memref<20000x128xf32, #tpu.memory_space<hbm>> -> memref<20000x128xf32, #tpu.memory_space<hbm>>
      tpu.enqueue_indirect_dma source(%dma_start3A_765 : memref<20000x128xf32, #tpu.memory_space<hbm>>) target(%dma_start3A_760 : memref<56x128xf32, #tpu.memory_space<vmem>>) offsets(%dma_start3A_762 : memref<56xi32, #tpu.memory_space<vmem>>) semaphore(%arg30 : memref<!tpu.dma_semaphore, #tpu.memory_space<semaphore_mem>>)
      %add3A_766 = arith.constant 1 : i32
      %add3A_767 = arith.addi %mul3A_698, %add3A_766 : i32
      %dma_wait3A_768 = arith.constant 0 : i32
      %dma_wait3A_769 = arith.constant 0 : i32
      %dma_wait3A_770 = tpu.memref_slice %arg20[%dma_wait3A_768, %dma_wait3A_769] : memref<120x128xf32, #tpu.memory_space<vmem>> -> memref<64x128xf32, #tpu.memory_space<vmem>>
      %dma_wait3A_771 = arith.constant 0 : i32
      %dma_wait3A_772 = tpu.memref_slice %arg9[%dma_wait3A_771] : memref<120xi32, #tpu.memory_space<vmem>> -> memref<64xi32, #tpu.memory_space<vmem>>
      %dma_wait3A_773 = arith.constant 0 : i32
      %dma_wait3A_774 = arith.constant 0 : i32
      %dma_wait3A_775 = tpu.memref_slice %arg2[%dma_wait3A_773, %dma_wait3A_774] : memref<20000x128xf32, #tpu.memory_space<hbm>> -> memref<20000x128xf32, #tpu.memory_space<hbm>>
      tpu.wait_indirect_dma semaphore(%arg29 : memref<!tpu.dma_semaphore, #tpu.memory_space<semaphore_mem>>) src(%dma_wait3A_775 : memref<20000x128xf32, #tpu.memory_space<hbm>>) dst(%dma_wait3A_770 : memref<64x128xf32, #tpu.memory_space<vmem>>)
      %dma_wait3A_776 = arith.constant 64 : i32
      %dma_wait3A_777 = arith.constant 0 : i32
      %dma_wait3A_778 = tpu.memref_slice %arg20[%dma_wait3A_776, %dma_wait3A_777] : memref<120x128xf32, #tpu.memory_space<vmem>> -> memref<56x128xf32, #tpu.memory_space<vmem>>
      %dma_wait3A_779 = arith.constant 64 : i32
      %dma_wait3A_780 = tpu.memref_slice %arg9[%dma_wait3A_779] : memref<120xi32, #tpu.memory_space<vmem>> -> memref<56xi32, #tpu.memory_space<vmem>>
      %dma_wait3A_781 = arith.constant 0 : i32
      %dma_wait3A_782 = arith.constant 0 : i32
      %dma_wait3A_783 = tpu.memref_slice %arg2[%dma_wait3A_781, %dma_wait3A_782] : memref<20000x128xf32, #tpu.memory_space<hbm>> -> memref<20000x128xf32, #tpu.memory_space<hbm>>
      tpu.wait_indirect_dma semaphore(%arg29 : memref<!tpu.dma_semaphore, #tpu.memory_space<semaphore_mem>>) src(%dma_wait3A_783 : memref<20000x128xf32, #tpu.memory_space<hbm>>) dst(%dma_wait3A_778 : memref<56x128xf32, #tpu.memory_space<vmem>>)
      %dma_start3A_784 = arith.constant 0 : i32
      %dma_start3A_785 = arith.constant 0 : i32
      %dma_start3A_786 = tpu.memref_slice %arg34[%dma_start3A_784, %dma_start3A_785] : memref<10112x128xf32, #tpu.memory_space<vmem_shared>> -> memref<10112x128xf32, #tpu.memory_space<vmem_shared>>
      tpu.enqueue_indirect_dma source(%arg20 : memref<120x128xf32, #tpu.memory_space<vmem>>) target(%dma_start3A_786 : memref<10112x128xf32, #tpu.memory_space<vmem_shared>>) offsets(%arg15 : memref<120xi32, #tpu.memory_space<vmem>>) semaphore(%arg32 : memref<!tpu.dma_semaphore, #tpu.memory_space<semaphore_mem>>) {add = true}
      %sub3A_787 = arith.constant 1 : i32
      %sub3A_788 = arith.subi %add3A_767, %sub3A_787 : i32
      %dma_wait3A_789 = arith.constant 0 : i32
      %dma_wait3A_790 = arith.constant 0 : i32
      %dma_wait3A_791 = tpu.memref_slice %arg34[%dma_wait3A_789, %dma_wait3A_790] : memref<10112x128xf32, #tpu.memory_space<vmem_shared>> -> memref<10112x128xf32, #tpu.memory_space<vmem_shared>>
      tpu.wait_indirect_dma semaphore(%arg31 : memref<!tpu.dma_semaphore, #tpu.memory_space<semaphore_mem>>) src(%arg19 : memref<120x128xf32, #tpu.memory_space<vmem>>) dst(%dma_wait3A_791 : memref<10112x128xf32, #tpu.memory_space<vmem_shared>>)
      %add3A_792 = arith.constant 5 : i32
      %add3A_793 = arith.addi %add3A_767, %add3A_792 : i32
      %mul3A_794 = arith.constant 120 : i32
      %mul3A_795 = arith.muli %add3A_793, %mul3A_794 : i32
      %add3A_796 = arith.addi %add3A_16, %mul3A_795 : i32
      %dma_start3A_797 = tpu.memref_slice %arg3[%add3A_796] : memref<322560xi32, #tpu.memory_space<hbm>> -> memref<120xi32, #tpu.memory_space<hbm>>
      %dma_start3A_798 = tpu.memref_slice %arg3[%add3A_796] : memref<322560xi32, #tpu.memory_space<hbm>> -> memref<120xi32, #tpu.memory_space<hbm>>
      tpu.enqueue_dma source(%dma_start3A_798 : memref<120xi32, #tpu.memory_space<hbm>>) target(%arg7 : memref<120xi32, #tpu.memory_space<vmem>>) target_semaphore(%arg22 : memref<!tpu.dma_semaphore, #tpu.memory_space<semaphore_mem>>)
      %mul3A_799 = arith.constant 120 : i32
      %mul3A_800 = arith.muli %add3A_793, %mul3A_799 : i32
      %add3A_801 = arith.addi %mul3A_13, %mul3A_800 : i32
      %dma_start3A_802 = tpu.memref_slice %arg4[%add3A_801] : memref<161280xi32, #tpu.memory_space<hbm>> -> memref<120xi32, #tpu.memory_space<hbm>>
      %dma_start3A_803 = tpu.memref_slice %arg4[%add3A_801] : memref<161280xi32, #tpu.memory_space<hbm>> -> memref<120xi32, #tpu.memory_space<hbm>>
      tpu.enqueue_dma source(%dma_start3A_803 : memref<120xi32, #tpu.memory_space<hbm>>) target(%arg13 : memref<120xi32, #tpu.memory_space<vmem>>) target_semaphore(%arg22 : memref<!tpu.dma_semaphore, #tpu.memory_space<semaphore_mem>>)
      %add3A_804 = arith.constant 2 : i32
      %add3A_805 = arith.addi %add3A_767, %add3A_804 : i32
      %mul3A_806 = arith.constant 120 : i32
      %mul3A_807 = arith.muli %add3A_805, %mul3A_806 : i32
      %add3A_808 = arith.addi %add3A_16, %mul3A_807 : i32
      %dma_wait3A_809 = tpu.memref_slice %arg3[%add3A_808] : memref<322560xi32, #tpu.memory_space<hbm>> -> memref<120xi32, #tpu.memory_space<hbm>>
      %dma_wait3A_810 = tpu.memref_slice %arg3[%add3A_808] : memref<322560xi32, #tpu.memory_space<hbm>> -> memref<120xi32, #tpu.memory_space<hbm>>
      tpu.wait_dma2 semaphore(%arg23 : memref<!tpu.dma_semaphore, #tpu.memory_space<semaphore_mem>>) src(%dma_wait3A_810 : memref<120xi32, #tpu.memory_space<hbm>>) dst(%arg8 : memref<120xi32, #tpu.memory_space<vmem>>)
      %mul3A_811 = arith.constant 120 : i32
      %mul3A_812 = arith.muli %add3A_805, %mul3A_811 : i32
      %add3A_813 = arith.addi %mul3A_13, %mul3A_812 : i32
      %dma_wait3A_814 = tpu.memref_slice %arg4[%add3A_813] : memref<161280xi32, #tpu.memory_space<hbm>> -> memref<120xi32, #tpu.memory_space<hbm>>
      %dma_wait3A_815 = tpu.memref_slice %arg4[%add3A_813] : memref<161280xi32, #tpu.memory_space<hbm>> -> memref<120xi32, #tpu.memory_space<hbm>>
      tpu.wait_dma2 semaphore(%arg23 : memref<!tpu.dma_semaphore, #tpu.memory_space<semaphore_mem>>) src(%dma_wait3A_815 : memref<120xi32, #tpu.memory_space<hbm>>) dst(%arg14 : memref<120xi32, #tpu.memory_space<vmem>>)
      %add3A_816 = arith.constant 2 : i32
      %add3A_817 = arith.addi %add3A_767, %add3A_816 : i32
      %dma_start3A_818 = arith.constant 0 : i32
      %dma_start3A_819 = arith.constant 0 : i32
      %dma_start3A_820 = tpu.memref_slice %arg19[%dma_start3A_818, %dma_start3A_819] : memref<120x128xf32, #tpu.memory_space<vmem>> -> memref<64x128xf32, #tpu.memory_space<vmem>>
      %dma_start3A_821 = arith.constant 0 : i32
      %dma_start3A_822 = tpu.memref_slice %arg8[%dma_start3A_821] : memref<120xi32, #tpu.memory_space<vmem>> -> memref<64xi32, #tpu.memory_space<vmem>>
      %dma_start3A_823 = arith.constant 0 : i32
      %dma_start3A_824 = arith.constant 0 : i32
      %dma_start3A_825 = tpu.memref_slice %arg2[%dma_start3A_823, %dma_start3A_824] : memref<20000x128xf32, #tpu.memory_space<hbm>> -> memref<20000x128xf32, #tpu.memory_space<hbm>>
      tpu.enqueue_indirect_dma source(%dma_start3A_825 : memref<20000x128xf32, #tpu.memory_space<hbm>>) target(%dma_start3A_820 : memref<64x128xf32, #tpu.memory_space<vmem>>) offsets(%dma_start3A_822 : memref<64xi32, #tpu.memory_space<vmem>>) semaphore(%arg28 : memref<!tpu.dma_semaphore, #tpu.memory_space<semaphore_mem>>)
      %dma_start3A_826 = arith.constant 64 : i32
      %dma_start3A_827 = arith.constant 0 : i32
      %dma_start3A_828 = tpu.memref_slice %arg19[%dma_start3A_826, %dma_start3A_827] : memref<120x128xf32, #tpu.memory_space<vmem>> -> memref<56x128xf32, #tpu.memory_space<vmem>>
      %dma_start3A_829 = arith.constant 64 : i32
      %dma_start3A_830 = tpu.memref_slice %arg8[%dma_start3A_829] : memref<120xi32, #tpu.memory_space<vmem>> -> memref<56xi32, #tpu.memory_space<vmem>>
      %dma_start3A_831 = arith.constant 0 : i32
      %dma_start3A_832 = arith.constant 0 : i32
      %dma_start3A_833 = tpu.memref_slice %arg2[%dma_start3A_831, %dma_start3A_832] : memref<20000x128xf32, #tpu.memory_space<hbm>> -> memref<20000x128xf32, #tpu.memory_space<hbm>>
      tpu.enqueue_indirect_dma source(%dma_start3A_833 : memref<20000x128xf32, #tpu.memory_space<hbm>>) target(%dma_start3A_828 : memref<56x128xf32, #tpu.memory_space<vmem>>) offsets(%dma_start3A_830 : memref<56xi32, #tpu.memory_space<vmem>>) semaphore(%arg28 : memref<!tpu.dma_semaphore, #tpu.memory_space<semaphore_mem>>)
      %add3A_834 = arith.constant 2 : i32
      %add3A_835 = arith.addi %mul3A_698, %add3A_834 : i32
      %dma_wait3A_836 = arith.constant 0 : i32
      %dma_wait3A_837 = arith.constant 0 : i32
      %dma_wait3A_838 = tpu.memref_slice %arg21[%dma_wait3A_836, %dma_wait3A_837] : memref<120x128xf32, #tpu.memory_space<vmem>> -> memref<64x128xf32, #tpu.memory_space<vmem>>
      %dma_wait3A_839 = arith.constant 0 : i32
      %dma_wait3A_840 = tpu.memref_slice %arg11[%dma_wait3A_839] : memref<120xi32, #tpu.memory_space<vmem>> -> memref<64xi32, #tpu.memory_space<vmem>>
      %dma_wait3A_841 = arith.constant 0 : i32
      %dma_wait3A_842 = arith.constant 0 : i32
      %dma_wait3A_843 = tpu.memref_slice %arg2[%dma_wait3A_841, %dma_wait3A_842] : memref<20000x128xf32, #tpu.memory_space<hbm>> -> memref<20000x128xf32, #tpu.memory_space<hbm>>
      tpu.wait_indirect_dma semaphore(%arg30 : memref<!tpu.dma_semaphore, #tpu.memory_space<semaphore_mem>>) src(%dma_wait3A_843 : memref<20000x128xf32, #tpu.memory_space<hbm>>) dst(%dma_wait3A_838 : memref<64x128xf32, #tpu.memory_space<vmem>>)
      %dma_wait3A_844 = arith.constant 64 : i32
      %dma_wait3A_845 = arith.constant 0 : i32
      %dma_wait3A_846 = tpu.memref_slice %arg21[%dma_wait3A_844, %dma_wait3A_845] : memref<120x128xf32, #tpu.memory_space<vmem>> -> memref<56x128xf32, #tpu.memory_space<vmem>>
      %dma_wait3A_847 = arith.constant 64 : i32
      %dma_wait3A_848 = tpu.memref_slice %arg11[%dma_wait3A_847] : memref<120xi32, #tpu.memory_space<vmem>> -> memref<56xi32, #tpu.memory_space<vmem>>
      %dma_wait3A_849 = arith.constant 0 : i32
      %dma_wait3A_850 = arith.constant 0 : i32
      %dma_wait3A_851 = tpu.memref_slice %arg2[%dma_wait3A_849, %dma_wait3A_850] : memref<20000x128xf32, #tpu.memory_space<hbm>> -> memref<20000x128xf32, #tpu.memory_space<hbm>>
      tpu.wait_indirect_dma semaphore(%arg30 : memref<!tpu.dma_semaphore, #tpu.memory_space<semaphore_mem>>) src(%dma_wait3A_851 : memref<20000x128xf32, #tpu.memory_space<hbm>>) dst(%dma_wait3A_846 : memref<56x128xf32, #tpu.memory_space<vmem>>)
      %dma_start3A_852 = arith.constant 0 : i32
      %dma_start3A_853 = arith.constant 0 : i32
      %dma_start3A_854 = tpu.memref_slice %arg34[%dma_start3A_852, %dma_start3A_853] : memref<10112x128xf32, #tpu.memory_space<vmem_shared>> -> memref<10112x128xf32, #tpu.memory_space<vmem_shared>>
      tpu.enqueue_indirect_dma source(%arg21 : memref<120x128xf32, #tpu.memory_space<vmem>>) target(%dma_start3A_854 : memref<10112x128xf32, #tpu.memory_space<vmem_shared>>) offsets(%arg17 : memref<120xi32, #tpu.memory_space<vmem>>) semaphore(%arg33 : memref<!tpu.dma_semaphore, #tpu.memory_space<semaphore_mem>>) {add = true}
      %sub3A_855 = arith.constant 1 : i32
      %sub3A_856 = arith.subi %add3A_835, %sub3A_855 : i32
      %dma_wait3A_857 = arith.constant 0 : i32
      %dma_wait3A_858 = arith.constant 0 : i32
      %dma_wait3A_859 = tpu.memref_slice %arg34[%dma_wait3A_857, %dma_wait3A_858] : memref<10112x128xf32, #tpu.memory_space<vmem_shared>> -> memref<10112x128xf32, #tpu.memory_space<vmem_shared>>
      tpu.wait_indirect_dma semaphore(%arg32 : memref<!tpu.dma_semaphore, #tpu.memory_space<semaphore_mem>>) src(%arg20 : memref<120x128xf32, #tpu.memory_space<vmem>>) dst(%dma_wait3A_859 : memref<10112x128xf32, #tpu.memory_space<vmem_shared>>)
      %add3A_860 = arith.constant 5 : i32
      %add3A_861 = arith.addi %add3A_835, %add3A_860 : i32
      %mul3A_862 = arith.constant 120 : i32
      %mul3A_863 = arith.muli %add3A_861, %mul3A_862 : i32
      %add3A_864 = arith.addi %add3A_16, %mul3A_863 : i32
      %dma_start3A_865 = tpu.memref_slice %arg3[%add3A_864] : memref<322560xi32, #tpu.memory_space<hbm>> -> memref<120xi32, #tpu.memory_space<hbm>>
      %dma_start3A_866 = tpu.memref_slice %arg3[%add3A_864] : memref<322560xi32, #tpu.memory_space<hbm>> -> memref<120xi32, #tpu.memory_space<hbm>>
      tpu.enqueue_dma source(%dma_start3A_866 : memref<120xi32, #tpu.memory_space<hbm>>) target(%arg9 : memref<120xi32, #tpu.memory_space<vmem>>) target_semaphore(%arg24 : memref<!tpu.dma_semaphore, #tpu.memory_space<semaphore_mem>>)
      %mul3A_867 = arith.constant 120 : i32
      %mul3A_868 = arith.muli %add3A_861, %mul3A_867 : i32
      %add3A_869 = arith.addi %mul3A_13, %mul3A_868 : i32
      %dma_start3A_870 = tpu.memref_slice %arg4[%add3A_869] : memref<161280xi32, #tpu.memory_space<hbm>> -> memref<120xi32, #tpu.memory_space<hbm>>
      %dma_start3A_871 = tpu.memref_slice %arg4[%add3A_869] : memref<161280xi32, #tpu.memory_space<hbm>> -> memref<120xi32, #tpu.memory_space<hbm>>
      tpu.enqueue_dma source(%dma_start3A_871 : memref<120xi32, #tpu.memory_space<hbm>>) target(%arg15 : memref<120xi32, #tpu.memory_space<vmem>>) target_semaphore(%arg24 : memref<!tpu.dma_semaphore, #tpu.memory_space<semaphore_mem>>)
      %add3A_872 = arith.constant 2 : i32
      %add3A_873 = arith.addi %add3A_835, %add3A_872 : i32
      %mul3A_874 = arith.constant 120 : i32
      %mul3A_875 = arith.muli %add3A_873, %mul3A_874 : i32
      %add3A_876 = arith.addi %add3A_16, %mul3A_875 : i32
      %dma_wait3A_877 = tpu.memref_slice %arg3[%add3A_876] : memref<322560xi32, #tpu.memory_space<hbm>> -> memref<120xi32, #tpu.memory_space<hbm>>
      %dma_wait3A_878 = tpu.memref_slice %arg3[%add3A_876] : memref<322560xi32, #tpu.memory_space<hbm>> -> memref<120xi32, #tpu.memory_space<hbm>>
      tpu.wait_dma2 semaphore(%arg25 : memref<!tpu.dma_semaphore, #tpu.memory_space<semaphore_mem>>) src(%dma_wait3A_878 : memref<120xi32, #tpu.memory_space<hbm>>) dst(%arg10 : memref<120xi32, #tpu.memory_space<vmem>>)
      %mul3A_879 = arith.constant 120 : i32
      %mul3A_880 = arith.muli %add3A_873, %mul3A_879 : i32
      %add3A_881 = arith.addi %mul3A_13, %mul3A_880 : i32
      %dma_wait3A_882 = tpu.memref_slice %arg4[%add3A_881] : memref<161280xi32, #tpu.memory_space<hbm>> -> memref<120xi32, #tpu.memory_space<hbm>>
      %dma_wait3A_883 = tpu.memref_slice %arg4[%add3A_881] : memref<161280xi32, #tpu.memory_space<hbm>> -> memref<120xi32, #tpu.memory_space<hbm>>
      tpu.wait_dma2 semaphore(%arg25 : memref<!tpu.dma_semaphore, #tpu.memory_space<semaphore_mem>>) src(%dma_wait3A_883 : memref<120xi32, #tpu.memory_space<hbm>>) dst(%arg16 : memref<120xi32, #tpu.memory_space<vmem>>)
      %add3A_884 = arith.constant 2 : i32
      %add3A_885 = arith.addi %add3A_835, %add3A_884 : i32
      %dma_start3A_886 = arith.constant 0 : i32
      %dma_start3A_887 = arith.constant 0 : i32
      %dma_start3A_888 = tpu.memref_slice %arg20[%dma_start3A_886, %dma_start3A_887] : memref<120x128xf32, #tpu.memory_space<vmem>> -> memref<64x128xf32, #tpu.memory_space<vmem>>
      %dma_start3A_889 = arith.constant 0 : i32
      %dma_start3A_890 = tpu.memref_slice %arg10[%dma_start3A_889] : memref<120xi32, #tpu.memory_space<vmem>> -> memref<64xi32, #tpu.memory_space<vmem>>
      %dma_start3A_891 = arith.constant 0 : i32
      %dma_start3A_892 = arith.constant 0 : i32
      %dma_start3A_893 = tpu.memref_slice %arg2[%dma_start3A_891, %dma_start3A_892] : memref<20000x128xf32, #tpu.memory_space<hbm>> -> memref<20000x128xf32, #tpu.memory_space<hbm>>
      tpu.enqueue_indirect_dma source(%dma_start3A_893 : memref<20000x128xf32, #tpu.memory_space<hbm>>) target(%dma_start3A_888 : memref<64x128xf32, #tpu.memory_space<vmem>>) offsets(%dma_start3A_890 : memref<64xi32, #tpu.memory_space<vmem>>) semaphore(%arg29 : memref<!tpu.dma_semaphore, #tpu.memory_space<semaphore_mem>>)
      %dma_start3A_894 = arith.constant 64 : i32
      %dma_start3A_895 = arith.constant 0 : i32
      %dma_start3A_896 = tpu.memref_slice %arg20[%dma_start3A_894, %dma_start3A_895] : memref<120x128xf32, #tpu.memory_space<vmem>> -> memref<56x128xf32, #tpu.memory_space<vmem>>
      %dma_start3A_897 = arith.constant 64 : i32
      %dma_start3A_898 = tpu.memref_slice %arg10[%dma_start3A_897] : memref<120xi32, #tpu.memory_space<vmem>> -> memref<56xi32, #tpu.memory_space<vmem>>
      %dma_start3A_899 = arith.constant 0 : i32
      %dma_start3A_900 = arith.constant 0 : i32
      %dma_start3A_901 = tpu.memref_slice %arg2[%dma_start3A_899, %dma_start3A_900] : memref<20000x128xf32, #tpu.memory_space<hbm>> -> memref<20000x128xf32, #tpu.memory_space<hbm>>
      tpu.enqueue_indirect_dma source(%dma_start3A_901 : memref<20000x128xf32, #tpu.memory_space<hbm>>) target(%dma_start3A_896 : memref<56x128xf32, #tpu.memory_space<vmem>>) offsets(%dma_start3A_898 : memref<56xi32, #tpu.memory_space<vmem>>) semaphore(%arg29 : memref<!tpu.dma_semaphore, #tpu.memory_space<semaphore_mem>>)
      %add3A_902 = arith.constant 3 : i32
      %add3A_903 = arith.addi %mul3A_698, %add3A_902 : i32
      %dma_wait3A_904 = arith.constant 0 : i32
      %dma_wait3A_905 = arith.constant 0 : i32
      %dma_wait3A_906 = tpu.memref_slice %arg19[%dma_wait3A_904, %dma_wait3A_905] : memref<120x128xf32, #tpu.memory_space<vmem>> -> memref<64x128xf32, #tpu.memory_space<vmem>>
      %dma_wait3A_907 = arith.constant 0 : i32
      %dma_wait3A_908 = tpu.memref_slice %arg8[%dma_wait3A_907] : memref<120xi32, #tpu.memory_space<vmem>> -> memref<64xi32, #tpu.memory_space<vmem>>
      %dma_wait3A_909 = arith.constant 0 : i32
      %dma_wait3A_910 = arith.constant 0 : i32
      %dma_wait3A_911 = tpu.memref_slice %arg2[%dma_wait3A_909, %dma_wait3A_910] : memref<20000x128xf32, #tpu.memory_space<hbm>> -> memref<20000x128xf32, #tpu.memory_space<hbm>>
      tpu.wait_indirect_dma semaphore(%arg28 : memref<!tpu.dma_semaphore, #tpu.memory_space<semaphore_mem>>) src(%dma_wait3A_911 : memref<20000x128xf32, #tpu.memory_space<hbm>>) dst(%dma_wait3A_906 : memref<64x128xf32, #tpu.memory_space<vmem>>)
      %dma_wait3A_912 = arith.constant 64 : i32
      %dma_wait3A_913 = arith.constant 0 : i32
      %dma_wait3A_914 = tpu.memref_slice %arg19[%dma_wait3A_912, %dma_wait3A_913] : memref<120x128xf32, #tpu.memory_space<vmem>> -> memref<56x128xf32, #tpu.memory_space<vmem>>
      %dma_wait3A_915 = arith.constant 64 : i32
      %dma_wait3A_916 = tpu.memref_slice %arg8[%dma_wait3A_915] : memref<120xi32, #tpu.memory_space<vmem>> -> memref<56xi32, #tpu.memory_space<vmem>>
      %dma_wait3A_917 = arith.constant 0 : i32
      %dma_wait3A_918 = arith.constant 0 : i32
      %dma_wait3A_919 = tpu.memref_slice %arg2[%dma_wait3A_917, %dma_wait3A_918] : memref<20000x128xf32, #tpu.memory_space<hbm>> -> memref<20000x128xf32, #tpu.memory_space<hbm>>
      tpu.wait_indirect_dma semaphore(%arg28 : memref<!tpu.dma_semaphore, #tpu.memory_space<semaphore_mem>>) src(%dma_wait3A_919 : memref<20000x128xf32, #tpu.memory_space<hbm>>) dst(%dma_wait3A_914 : memref<56x128xf32, #tpu.memory_space<vmem>>)
      %dma_start3A_920 = arith.constant 0 : i32
      %dma_start3A_921 = arith.constant 0 : i32
      %dma_start3A_922 = tpu.memref_slice %arg34[%dma_start3A_920, %dma_start3A_921] : memref<10112x128xf32, #tpu.memory_space<vmem_shared>> -> memref<10112x128xf32, #tpu.memory_space<vmem_shared>>
      tpu.enqueue_indirect_dma source(%arg19 : memref<120x128xf32, #tpu.memory_space<vmem>>) target(%dma_start3A_922 : memref<10112x128xf32, #tpu.memory_space<vmem_shared>>) offsets(%arg14 : memref<120xi32, #tpu.memory_space<vmem>>) semaphore(%arg31 : memref<!tpu.dma_semaphore, #tpu.memory_space<semaphore_mem>>) {add = true}
      %sub3A_923 = arith.constant 1 : i32
      %sub3A_924 = arith.subi %add3A_903, %sub3A_923 : i32
      %dma_wait3A_925 = arith.constant 0 : i32
      %dma_wait3A_926 = arith.constant 0 : i32
      %dma_wait3A_927 = tpu.memref_slice %arg34[%dma_wait3A_925, %dma_wait3A_926] : memref<10112x128xf32, #tpu.memory_space<vmem_shared>> -> memref<10112x128xf32, #tpu.memory_space<vmem_shared>>
      tpu.wait_indirect_dma semaphore(%arg33 : memref<!tpu.dma_semaphore, #tpu.memory_space<semaphore_mem>>) src(%arg21 : memref<120x128xf32, #tpu.memory_space<vmem>>) dst(%dma_wait3A_927 : memref<10112x128xf32, #tpu.memory_space<vmem_shared>>)
      %add3A_928 = arith.constant 5 : i32
      %add3A_929 = arith.addi %add3A_903, %add3A_928 : i32
      %mul3A_930 = arith.constant 120 : i32
      %mul3A_931 = arith.muli %add3A_929, %mul3A_930 : i32
      %add3A_932 = arith.addi %add3A_16, %mul3A_931 : i32
      %dma_start3A_933 = tpu.memref_slice %arg3[%add3A_932] : memref<322560xi32, #tpu.memory_space<hbm>> -> memref<120xi32, #tpu.memory_space<hbm>>
      %dma_start3A_934 = tpu.memref_slice %arg3[%add3A_932] : memref<322560xi32, #tpu.memory_space<hbm>> -> memref<120xi32, #tpu.memory_space<hbm>>
      tpu.enqueue_dma source(%dma_start3A_934 : memref<120xi32, #tpu.memory_space<hbm>>) target(%arg11 : memref<120xi32, #tpu.memory_space<vmem>>) target_semaphore(%arg26 : memref<!tpu.dma_semaphore, #tpu.memory_space<semaphore_mem>>)
      %mul3A_935 = arith.constant 120 : i32
      %mul3A_936 = arith.muli %add3A_929, %mul3A_935 : i32
      %add3A_937 = arith.addi %mul3A_13, %mul3A_936 : i32
      %dma_start3A_938 = tpu.memref_slice %arg4[%add3A_937] : memref<161280xi32, #tpu.memory_space<hbm>> -> memref<120xi32, #tpu.memory_space<hbm>>
      %dma_start3A_939 = tpu.memref_slice %arg4[%add3A_937] : memref<161280xi32, #tpu.memory_space<hbm>> -> memref<120xi32, #tpu.memory_space<hbm>>
      tpu.enqueue_dma source(%dma_start3A_939 : memref<120xi32, #tpu.memory_space<hbm>>) target(%arg17 : memref<120xi32, #tpu.memory_space<vmem>>) target_semaphore(%arg26 : memref<!tpu.dma_semaphore, #tpu.memory_space<semaphore_mem>>)
      %add3A_940 = arith.constant 2 : i32
      %add3A_941 = arith.addi %add3A_903, %add3A_940 : i32
      %mul3A_942 = arith.constant 120 : i32
      %mul3A_943 = arith.muli %add3A_941, %mul3A_942 : i32
      %add3A_944 = arith.addi %add3A_16, %mul3A_943 : i32
      %dma_wait3A_945 = tpu.memref_slice %arg3[%add3A_944] : memref<322560xi32, #tpu.memory_space<hbm>> -> memref<120xi32, #tpu.memory_space<hbm>>
      %dma_wait3A_946 = tpu.memref_slice %arg3[%add3A_944] : memref<322560xi32, #tpu.memory_space<hbm>> -> memref<120xi32, #tpu.memory_space<hbm>>
      tpu.wait_dma2 semaphore(%arg27 : memref<!tpu.dma_semaphore, #tpu.memory_space<semaphore_mem>>) src(%dma_wait3A_946 : memref<120xi32, #tpu.memory_space<hbm>>) dst(%arg12 : memref<120xi32, #tpu.memory_space<vmem>>)
      %mul3A_947 = arith.constant 120 : i32
      %mul3A_948 = arith.muli %add3A_941, %mul3A_947 : i32
      %add3A_949 = arith.addi %mul3A_13, %mul3A_948 : i32
      %dma_wait3A_950 = tpu.memref_slice %arg4[%add3A_949] : memref<161280xi32, #tpu.memory_space<hbm>> -> memref<120xi32, #tpu.memory_space<hbm>>
      %dma_wait3A_951 = tpu.memref_slice %arg4[%add3A_949] : memref<161280xi32, #tpu.memory_space<hbm>> -> memref<120xi32, #tpu.memory_space<hbm>>
      tpu.wait_dma2 semaphore(%arg27 : memref<!tpu.dma_semaphore, #tpu.memory_space<semaphore_mem>>) src(%dma_wait3A_951 : memref<120xi32, #tpu.memory_space<hbm>>) dst(%arg18 : memref<120xi32, #tpu.memory_space<vmem>>)
      %add3A_952 = arith.constant 2 : i32
      %add3A_953 = arith.addi %add3A_903, %add3A_952 : i32
      %dma_start3A_954 = arith.constant 0 : i32
      %dma_start3A_955 = arith.constant 0 : i32
      %dma_start3A_956 = tpu.memref_slice %arg21[%dma_start3A_954, %dma_start3A_955] : memref<120x128xf32, #tpu.memory_space<vmem>> -> memref<64x128xf32, #tpu.memory_space<vmem>>
      %dma_start3A_957 = arith.constant 0 : i32
      %dma_start3A_958 = tpu.memref_slice %arg12[%dma_start3A_957] : memref<120xi32, #tpu.memory_space<vmem>> -> memref<64xi32, #tpu.memory_space<vmem>>
      %dma_start3A_959 = arith.constant 0 : i32
      %dma_start3A_960 = arith.constant 0 : i32
      %dma_start3A_961 = tpu.memref_slice %arg2[%dma_start3A_959, %dma_start3A_960] : memref<20000x128xf32, #tpu.memory_space<hbm>> -> memref<20000x128xf32, #tpu.memory_space<hbm>>
      tpu.enqueue_indirect_dma source(%dma_start3A_961 : memref<20000x128xf32, #tpu.memory_space<hbm>>) target(%dma_start3A_956 : memref<64x128xf32, #tpu.memory_space<vmem>>) offsets(%dma_start3A_958 : memref<64xi32, #tpu.memory_space<vmem>>) semaphore(%arg30 : memref<!tpu.dma_semaphore, #tpu.memory_space<semaphore_mem>>)
      %dma_start3A_962 = arith.constant 64 : i32
      %dma_start3A_963 = arith.constant 0 : i32
      %dma_start3A_964 = tpu.memref_slice %arg21[%dma_start3A_962, %dma_start3A_963] : memref<120x128xf32, #tpu.memory_space<vmem>> -> memref<56x128xf32, #tpu.memory_space<vmem>>
      %dma_start3A_965 = arith.constant 64 : i32
      %dma_start3A_966 = tpu.memref_slice %arg12[%dma_start3A_965] : memref<120xi32, #tpu.memory_space<vmem>> -> memref<56xi32, #tpu.memory_space<vmem>>
      %dma_start3A_967 = arith.constant 0 : i32
      %dma_start3A_968 = arith.constant 0 : i32
      %dma_start3A_969 = tpu.memref_slice %arg2[%dma_start3A_967, %dma_start3A_968] : memref<20000x128xf32, #tpu.memory_space<hbm>> -> memref<20000x128xf32, #tpu.memory_space<hbm>>
      tpu.enqueue_indirect_dma source(%dma_start3A_969 : memref<20000x128xf32, #tpu.memory_space<hbm>>) target(%dma_start3A_964 : memref<56x128xf32, #tpu.memory_space<vmem>>) offsets(%dma_start3A_966 : memref<56xi32, #tpu.memory_space<vmem>>) semaphore(%arg30 : memref<!tpu.dma_semaphore, #tpu.memory_space<semaphore_mem>>)
      %add3A_970 = arith.constant 4 : i32
      %add3A_971 = arith.addi %mul3A_698, %add3A_970 : i32
      %dma_wait3A_972 = arith.constant 0 : i32
      %dma_wait3A_973 = arith.constant 0 : i32
      %dma_wait3A_974 = tpu.memref_slice %arg20[%dma_wait3A_972, %dma_wait3A_973] : memref<120x128xf32, #tpu.memory_space<vmem>> -> memref<64x128xf32, #tpu.memory_space<vmem>>
      %dma_wait3A_975 = arith.constant 0 : i32
      %dma_wait3A_976 = tpu.memref_slice %arg10[%dma_wait3A_975] : memref<120xi32, #tpu.memory_space<vmem>> -> memref<64xi32, #tpu.memory_space<vmem>>
      %dma_wait3A_977 = arith.constant 0 : i32
      %dma_wait3A_978 = arith.constant 0 : i32
      %dma_wait3A_979 = tpu.memref_slice %arg2[%dma_wait3A_977, %dma_wait3A_978] : memref<20000x128xf32, #tpu.memory_space<hbm>> -> memref<20000x128xf32, #tpu.memory_space<hbm>>
      tpu.wait_indirect_dma semaphore(%arg29 : memref<!tpu.dma_semaphore, #tpu.memory_space<semaphore_mem>>) src(%dma_wait3A_979 : memref<20000x128xf32, #tpu.memory_space<hbm>>) dst(%dma_wait3A_974 : memref<64x128xf32, #tpu.memory_space<vmem>>)
      %dma_wait3A_980 = arith.constant 64 : i32
      %dma_wait3A_981 = arith.constant 0 : i32
      %dma_wait3A_982 = tpu.memref_slice %arg20[%dma_wait3A_980, %dma_wait3A_981] : memref<120x128xf32, #tpu.memory_space<vmem>> -> memref<56x128xf32, #tpu.memory_space<vmem>>
      %dma_wait3A_983 = arith.constant 64 : i32
      %dma_wait3A_984 = tpu.memref_slice %arg10[%dma_wait3A_983] : memref<120xi32, #tpu.memory_space<vmem>> -> memref<56xi32, #tpu.memory_space<vmem>>
      %dma_wait3A_985 = arith.constant 0 : i32
      %dma_wait3A_986 = arith.constant 0 : i32
      %dma_wait3A_987 = tpu.memref_slice %arg2[%dma_wait3A_985, %dma_wait3A_986] : memref<20000x128xf32, #tpu.memory_space<hbm>> -> memref<20000x128xf32, #tpu.memory_space<hbm>>
      tpu.wait_indirect_dma semaphore(%arg29 : memref<!tpu.dma_semaphore, #tpu.memory_space<semaphore_mem>>) src(%dma_wait3A_987 : memref<20000x128xf32, #tpu.memory_space<hbm>>) dst(%dma_wait3A_982 : memref<56x128xf32, #tpu.memory_space<vmem>>)
      %dma_start3A_988 = arith.constant 0 : i32
      %dma_start3A_989 = arith.constant 0 : i32
      %dma_start3A_990 = tpu.memref_slice %arg34[%dma_start3A_988, %dma_start3A_989] : memref<10112x128xf32, #tpu.memory_space<vmem_shared>> -> memref<10112x128xf32, #tpu.memory_space<vmem_shared>>
      tpu.enqueue_indirect_dma source(%arg20 : memref<120x128xf32, #tpu.memory_space<vmem>>) target(%dma_start3A_990 : memref<10112x128xf32, #tpu.memory_space<vmem_shared>>) offsets(%arg16 : memref<120xi32, #tpu.memory_space<vmem>>) semaphore(%arg32 : memref<!tpu.dma_semaphore, #tpu.memory_space<semaphore_mem>>) {add = true}
      %sub3A_991 = arith.constant 1 : i32
      %sub3A_992 = arith.subi %add3A_971, %sub3A_991 : i32
      %dma_wait3A_993 = arith.constant 0 : i32
      %dma_wait3A_994 = arith.constant 0 : i32
      %dma_wait3A_995 = tpu.memref_slice %arg34[%dma_wait3A_993, %dma_wait3A_994] : memref<10112x128xf32, #tpu.memory_space<vmem_shared>> -> memref<10112x128xf32, #tpu.memory_space<vmem_shared>>
      tpu.wait_indirect_dma semaphore(%arg31 : memref<!tpu.dma_semaphore, #tpu.memory_space<semaphore_mem>>) src(%arg19 : memref<120x128xf32, #tpu.memory_space<vmem>>) dst(%dma_wait3A_995 : memref<10112x128xf32, #tpu.memory_space<vmem_shared>>)
      %add3A_996 = arith.constant 5 : i32
      %add3A_997 = arith.addi %add3A_971, %add3A_996 : i32
      %mul3A_998 = arith.constant 120 : i32
      %mul3A_999 = arith.muli %add3A_997, %mul3A_998 : i32
      %add3A_1000 = arith.addi %add3A_16, %mul3A_999 : i32
      %dma_start3A_1001 = tpu.memref_slice %arg3[%add3A_1000] : memref<322560xi32, #tpu.memory_space<hbm>> -> memref<120xi32, #tpu.memory_space<hbm>>
      %dma_start3A_1002 = tpu.memref_slice %arg3[%add3A_1000] : memref<322560xi32, #tpu.memory_space<hbm>> -> memref<120xi32, #tpu.memory_space<hbm>>
      tpu.enqueue_dma source(%dma_start3A_1002 : memref<120xi32, #tpu.memory_space<hbm>>) target(%arg8 : memref<120xi32, #tpu.memory_space<vmem>>) target_semaphore(%arg23 : memref<!tpu.dma_semaphore, #tpu.memory_space<semaphore_mem>>)
      %mul3A_1003 = arith.constant 120 : i32
      %mul3A_1004 = arith.muli %add3A_997, %mul3A_1003 : i32
      %add3A_1005 = arith.addi %mul3A_13, %mul3A_1004 : i32
      %dma_start3A_1006 = tpu.memref_slice %arg4[%add3A_1005] : memref<161280xi32, #tpu.memory_space<hbm>> -> memref<120xi32, #tpu.memory_space<hbm>>
      %dma_start3A_1007 = tpu.memref_slice %arg4[%add3A_1005] : memref<161280xi32, #tpu.memory_space<hbm>> -> memref<120xi32, #tpu.memory_space<hbm>>
      tpu.enqueue_dma source(%dma_start3A_1007 : memref<120xi32, #tpu.memory_space<hbm>>) target(%arg14 : memref<120xi32, #tpu.memory_space<vmem>>) target_semaphore(%arg23 : memref<!tpu.dma_semaphore, #tpu.memory_space<semaphore_mem>>)
      %add3A_1008 = arith.constant 2 : i32
      %add3A_1009 = arith.addi %add3A_971, %add3A_1008 : i32
      %mul3A_1010 = arith.constant 120 : i32
      %mul3A_1011 = arith.muli %add3A_1009, %mul3A_1010 : i32
      %add3A_1012 = arith.addi %add3A_16, %mul3A_1011 : i32
      %dma_wait3A_1013 = tpu.memref_slice %arg3[%add3A_1012] : memref<322560xi32, #tpu.memory_space<hbm>> -> memref<120xi32, #tpu.memory_space<hbm>>
      %dma_wait3A_1014 = tpu.memref_slice %arg3[%add3A_1012] : memref<322560xi32, #tpu.memory_space<hbm>> -> memref<120xi32, #tpu.memory_space<hbm>>
      tpu.wait_dma2 semaphore(%arg22 : memref<!tpu.dma_semaphore, #tpu.memory_space<semaphore_mem>>) src(%dma_wait3A_1014 : memref<120xi32, #tpu.memory_space<hbm>>) dst(%arg7 : memref<120xi32, #tpu.memory_space<vmem>>)
      %mul3A_1015 = arith.constant 120 : i32
      %mul3A_1016 = arith.muli %add3A_1009, %mul3A_1015 : i32
      %add3A_1017 = arith.addi %mul3A_13, %mul3A_1016 : i32
      %dma_wait3A_1018 = tpu.memref_slice %arg4[%add3A_1017] : memref<161280xi32, #tpu.memory_space<hbm>> -> memref<120xi32, #tpu.memory_space<hbm>>
      %dma_wait3A_1019 = tpu.memref_slice %arg4[%add3A_1017] : memref<161280xi32, #tpu.memory_space<hbm>> -> memref<120xi32, #tpu.memory_space<hbm>>
      tpu.wait_dma2 semaphore(%arg22 : memref<!tpu.dma_semaphore, #tpu.memory_space<semaphore_mem>>) src(%dma_wait3A_1019 : memref<120xi32, #tpu.memory_space<hbm>>) dst(%arg13 : memref<120xi32, #tpu.memory_space<vmem>>)
      %add3A_1020 = arith.constant 2 : i32
      %add3A_1021 = arith.addi %add3A_971, %add3A_1020 : i32
      %dma_start3A_1022 = arith.constant 0 : i32
      %dma_start3A_1023 = arith.constant 0 : i32
      %dma_start3A_1024 = tpu.memref_slice %arg19[%dma_start3A_1022, %dma_start3A_1023] : memref<120x128xf32, #tpu.memory_space<vmem>> -> memref<64x128xf32, #tpu.memory_space<vmem>>
      %dma_start3A_1025 = arith.constant 0 : i32
      %dma_start3A_1026 = tpu.memref_slice %arg7[%dma_start3A_1025] : memref<120xi32, #tpu.memory_space<vmem>> -> memref<64xi32, #tpu.memory_space<vmem>>
      %dma_start3A_1027 = arith.constant 0 : i32
      %dma_start3A_1028 = arith.constant 0 : i32
      %dma_start3A_1029 = tpu.memref_slice %arg2[%dma_start3A_1027, %dma_start3A_1028] : memref<20000x128xf32, #tpu.memory_space<hbm>> -> memref<20000x128xf32, #tpu.memory_space<hbm>>
      tpu.enqueue_indirect_dma source(%dma_start3A_1029 : memref<20000x128xf32, #tpu.memory_space<hbm>>) target(%dma_start3A_1024 : memref<64x128xf32, #tpu.memory_space<vmem>>) offsets(%dma_start3A_1026 : memref<64xi32, #tpu.memory_space<vmem>>) semaphore(%arg28 : memref<!tpu.dma_semaphore, #tpu.memory_space<semaphore_mem>>)
      %dma_start3A_1030 = arith.constant 64 : i32
      %dma_start3A_1031 = arith.constant 0 : i32
      %dma_start3A_1032 = tpu.memref_slice %arg19[%dma_start3A_1030, %dma_start3A_1031] : memref<120x128xf32, #tpu.memory_space<vmem>> -> memref<56x128xf32, #tpu.memory_space<vmem>>
      %dma_start3A_1033 = arith.constant 64 : i32
      %dma_start3A_1034 = tpu.memref_slice %arg7[%dma_start3A_1033] : memref<120xi32, #tpu.memory_space<vmem>> -> memref<56xi32, #tpu.memory_space<vmem>>
      %dma_start3A_1035 = arith.constant 0 : i32
      %dma_start3A_1036 = arith.constant 0 : i32
      %dma_start3A_1037 = tpu.memref_slice %arg2[%dma_start3A_1035, %dma_start3A_1036] : memref<20000x128xf32, #tpu.memory_space<hbm>> -> memref<20000x128xf32, #tpu.memory_space<hbm>>
      tpu.enqueue_indirect_dma source(%dma_start3A_1037 : memref<20000x128xf32, #tpu.memory_space<hbm>>) target(%dma_start3A_1032 : memref<56x128xf32, #tpu.memory_space<vmem>>) offsets(%dma_start3A_1034 : memref<56xi32, #tpu.memory_space<vmem>>) semaphore(%arg28 : memref<!tpu.dma_semaphore, #tpu.memory_space<semaphore_mem>>)
      %add3A_1038 = arith.constant 5 : i32
      %add3A_1039 = arith.addi %mul3A_698, %add3A_1038 : i32
      %dma_wait3A_1040 = arith.constant 0 : i32
      %dma_wait3A_1041 = arith.constant 0 : i32
      %dma_wait3A_1042 = tpu.memref_slice %arg21[%dma_wait3A_1040, %dma_wait3A_1041] : memref<120x128xf32, #tpu.memory_space<vmem>> -> memref<64x128xf32, #tpu.memory_space<vmem>>
      %dma_wait3A_1043 = arith.constant 0 : i32
      %dma_wait3A_1044 = tpu.memref_slice %arg12[%dma_wait3A_1043] : memref<120xi32, #tpu.memory_space<vmem>> -> memref<64xi32, #tpu.memory_space<vmem>>
      %dma_wait3A_1045 = arith.constant 0 : i32
      %dma_wait3A_1046 = arith.constant 0 : i32
      %dma_wait3A_1047 = tpu.memref_slice %arg2[%dma_wait3A_1045, %dma_wait3A_1046] : memref<20000x128xf32, #tpu.memory_space<hbm>> -> memref<20000x128xf32, #tpu.memory_space<hbm>>
      tpu.wait_indirect_dma semaphore(%arg30 : memref<!tpu.dma_semaphore, #tpu.memory_space<semaphore_mem>>) src(%dma_wait3A_1047 : memref<20000x128xf32, #tpu.memory_space<hbm>>) dst(%dma_wait3A_1042 : memref<64x128xf32, #tpu.memory_space<vmem>>)
      %dma_wait3A_1048 = arith.constant 64 : i32
      %dma_wait3A_1049 = arith.constant 0 : i32
      %dma_wait3A_1050 = tpu.memref_slice %arg21[%dma_wait3A_1048, %dma_wait3A_1049] : memref<120x128xf32, #tpu.memory_space<vmem>> -> memref<56x128xf32, #tpu.memory_space<vmem>>
      %dma_wait3A_1051 = arith.constant 64 : i32
      %dma_wait3A_1052 = tpu.memref_slice %arg12[%dma_wait3A_1051] : memref<120xi32, #tpu.memory_space<vmem>> -> memref<56xi32, #tpu.memory_space<vmem>>
      %dma_wait3A_1053 = arith.constant 0 : i32
      %dma_wait3A_1054 = arith.constant 0 : i32
      %dma_wait3A_1055 = tpu.memref_slice %arg2[%dma_wait3A_1053, %dma_wait3A_1054] : memref<20000x128xf32, #tpu.memory_space<hbm>> -> memref<20000x128xf32, #tpu.memory_space<hbm>>
      tpu.wait_indirect_dma semaphore(%arg30 : memref<!tpu.dma_semaphore, #tpu.memory_space<semaphore_mem>>) src(%dma_wait3A_1055 : memref<20000x128xf32, #tpu.memory_space<hbm>>) dst(%dma_wait3A_1050 : memref<56x128xf32, #tpu.memory_space<vmem>>)
      %dma_start3A_1056 = arith.constant 0 : i32
      %dma_start3A_1057 = arith.constant 0 : i32
      %dma_start3A_1058 = tpu.memref_slice %arg34[%dma_start3A_1056, %dma_start3A_1057] : memref<10112x128xf32, #tpu.memory_space<vmem_shared>> -> memref<10112x128xf32, #tpu.memory_space<vmem_shared>>
      tpu.enqueue_indirect_dma source(%arg21 : memref<120x128xf32, #tpu.memory_space<vmem>>) target(%dma_start3A_1058 : memref<10112x128xf32, #tpu.memory_space<vmem_shared>>) offsets(%arg18 : memref<120xi32, #tpu.memory_space<vmem>>) semaphore(%arg33 : memref<!tpu.dma_semaphore, #tpu.memory_space<semaphore_mem>>) {add = true}
      %sub3A_1059 = arith.constant 1 : i32
      %sub3A_1060 = arith.subi %add3A_1039, %sub3A_1059 : i32
      %dma_wait3A_1061 = arith.constant 0 : i32
      %dma_wait3A_1062 = arith.constant 0 : i32
      %dma_wait3A_1063 = tpu.memref_slice %arg34[%dma_wait3A_1061, %dma_wait3A_1062] : memref<10112x128xf32, #tpu.memory_space<vmem_shared>> -> memref<10112x128xf32, #tpu.memory_space<vmem_shared>>
      tpu.wait_indirect_dma semaphore(%arg32 : memref<!tpu.dma_semaphore, #tpu.memory_space<semaphore_mem>>) src(%arg20 : memref<120x128xf32, #tpu.memory_space<vmem>>) dst(%dma_wait3A_1063 : memref<10112x128xf32, #tpu.memory_space<vmem_shared>>)
      %add3A_1064 = arith.constant 5 : i32
      %add3A_1065 = arith.addi %add3A_1039, %add3A_1064 : i32
      %mul3A_1066 = arith.constant 120 : i32
      %mul3A_1067 = arith.muli %add3A_1065, %mul3A_1066 : i32
      %add3A_1068 = arith.addi %add3A_16, %mul3A_1067 : i32
      %dma_start3A_1069 = tpu.memref_slice %arg3[%add3A_1068] : memref<322560xi32, #tpu.memory_space<hbm>> -> memref<120xi32, #tpu.memory_space<hbm>>
      %dma_start3A_1070 = tpu.memref_slice %arg3[%add3A_1068] : memref<322560xi32, #tpu.memory_space<hbm>> -> memref<120xi32, #tpu.memory_space<hbm>>
      tpu.enqueue_dma source(%dma_start3A_1070 : memref<120xi32, #tpu.memory_space<hbm>>) target(%arg10 : memref<120xi32, #tpu.memory_space<vmem>>) target_semaphore(%arg25 : memref<!tpu.dma_semaphore, #tpu.memory_space<semaphore_mem>>)
      %mul3A_1071 = arith.constant 120 : i32
      %mul3A_1072 = arith.muli %add3A_1065, %mul3A_1071 : i32
      %add3A_1073 = arith.addi %mul3A_13, %mul3A_1072 : i32
      %dma_start3A_1074 = tpu.memref_slice %arg4[%add3A_1073] : memref<161280xi32, #tpu.memory_space<hbm>> -> memref<120xi32, #tpu.memory_space<hbm>>
      %dma_start3A_1075 = tpu.memref_slice %arg4[%add3A_1073] : memref<161280xi32, #tpu.memory_space<hbm>> -> memref<120xi32, #tpu.memory_space<hbm>>
      tpu.enqueue_dma source(%dma_start3A_1075 : memref<120xi32, #tpu.memory_space<hbm>>) target(%arg16 : memref<120xi32, #tpu.memory_space<vmem>>) target_semaphore(%arg25 : memref<!tpu.dma_semaphore, #tpu.memory_space<semaphore_mem>>)
      %add3A_1076 = arith.constant 2 : i32
      %add3A_1077 = arith.addi %add3A_1039, %add3A_1076 : i32
      %mul3A_1078 = arith.constant 120 : i32
      %mul3A_1079 = arith.muli %add3A_1077, %mul3A_1078 : i32
      %add3A_1080 = arith.addi %add3A_16, %mul3A_1079 : i32
      %dma_wait3A_1081 = tpu.memref_slice %arg3[%add3A_1080] : memref<322560xi32, #tpu.memory_space<hbm>> -> memref<120xi32, #tpu.memory_space<hbm>>
      %dma_wait3A_1082 = tpu.memref_slice %arg3[%add3A_1080] : memref<322560xi32, #tpu.memory_space<hbm>> -> memref<120xi32, #tpu.memory_space<hbm>>
      tpu.wait_dma2 semaphore(%arg24 : memref<!tpu.dma_semaphore, #tpu.memory_space<semaphore_mem>>) src(%dma_wait3A_1082 : memref<120xi32, #tpu.memory_space<hbm>>) dst(%arg9 : memref<120xi32, #tpu.memory_space<vmem>>)
      %mul3A_1083 = arith.constant 120 : i32
      %mul3A_1084 = arith.muli %add3A_1077, %mul3A_1083 : i32
      %add3A_1085 = arith.addi %mul3A_13, %mul3A_1084 : i32
      %dma_wait3A_1086 = tpu.memref_slice %arg4[%add3A_1085] : memref<161280xi32, #tpu.memory_space<hbm>> -> memref<120xi32, #tpu.memory_space<hbm>>
      %dma_wait3A_1087 = tpu.memref_slice %arg4[%add3A_1085] : memref<161280xi32, #tpu.memory_space<hbm>> -> memref<120xi32, #tpu.memory_space<hbm>>
      tpu.wait_dma2 semaphore(%arg24 : memref<!tpu.dma_semaphore, #tpu.memory_space<semaphore_mem>>) src(%dma_wait3A_1087 : memref<120xi32, #tpu.memory_space<hbm>>) dst(%arg15 : memref<120xi32, #tpu.memory_space<vmem>>)
      %add3A_1088 = arith.constant 2 : i32
      %add3A_1089 = arith.addi %add3A_1039, %add3A_1088 : i32
      %dma_start3A_1090 = arith.constant 0 : i32
      %dma_start3A_1091 = arith.constant 0 : i32
      %dma_start3A_1092 = tpu.memref_slice %arg20[%dma_start3A_1090, %dma_start3A_1091] : memref<120x128xf32, #tpu.memory_space<vmem>> -> memref<64x128xf32, #tpu.memory_space<vmem>>
      %dma_start3A_1093 = arith.constant 0 : i32
      %dma_start3A_1094 = tpu.memref_slice %arg9[%dma_start3A_1093] : memref<120xi32, #tpu.memory_space<vmem>> -> memref<64xi32, #tpu.memory_space<vmem>>
      %dma_start3A_1095 = arith.constant 0 : i32
      %dma_start3A_1096 = arith.constant 0 : i32
      %dma_start3A_1097 = tpu.memref_slice %arg2[%dma_start3A_1095, %dma_start3A_1096] : memref<20000x128xf32, #tpu.memory_space<hbm>> -> memref<20000x128xf32, #tpu.memory_space<hbm>>
      tpu.enqueue_indirect_dma source(%dma_start3A_1097 : memref<20000x128xf32, #tpu.memory_space<hbm>>) target(%dma_start3A_1092 : memref<64x128xf32, #tpu.memory_space<vmem>>) offsets(%dma_start3A_1094 : memref<64xi32, #tpu.memory_space<vmem>>) semaphore(%arg29 : memref<!tpu.dma_semaphore, #tpu.memory_space<semaphore_mem>>)
      %dma_start3A_1098 = arith.constant 64 : i32
      %dma_start3A_1099 = arith.constant 0 : i32
      %dma_start3A_1100 = tpu.memref_slice %arg20[%dma_start3A_1098, %dma_start3A_1099] : memref<120x128xf32, #tpu.memory_space<vmem>> -> memref<56x128xf32, #tpu.memory_space<vmem>>
      %dma_start3A_1101 = arith.constant 64 : i32
      %dma_start3A_1102 = tpu.memref_slice %arg9[%dma_start3A_1101] : memref<120xi32, #tpu.memory_space<vmem>> -> memref<56xi32, #tpu.memory_space<vmem>>
      %dma_start3A_1103 = arith.constant 0 : i32
      %dma_start3A_1104 = arith.constant 0 : i32
      %dma_start3A_1105 = tpu.memref_slice %arg2[%dma_start3A_1103, %dma_start3A_1104] : memref<20000x128xf32, #tpu.memory_space<hbm>> -> memref<20000x128xf32, #tpu.memory_space<hbm>>
      tpu.enqueue_indirect_dma source(%dma_start3A_1105 : memref<20000x128xf32, #tpu.memory_space<hbm>>) target(%dma_start3A_1100 : memref<56x128xf32, #tpu.memory_space<vmem>>) offsets(%dma_start3A_1102 : memref<56xi32, #tpu.memory_space<vmem>>) semaphore(%arg29 : memref<!tpu.dma_semaphore, #tpu.memory_space<semaphore_mem>>)
    }
    %scan3A_428 = arith.constant 12 : i32
    %dma_wait3A_429 = arith.constant 0 : i32
    %dma_wait3A_430 = arith.constant 0 : i32
    %dma_wait3A_431 = tpu.memref_slice %arg19[%dma_wait3A_429, %dma_wait3A_430] : memref<120x128xf32, #tpu.memory_space<vmem>> -> memref<64x128xf32, #tpu.memory_space<vmem>>
    %dma_wait3A_432 = arith.constant 0 : i32
    %dma_wait3A_433 = tpu.memref_slice %arg7[%dma_wait3A_432] : memref<120xi32, #tpu.memory_space<vmem>> -> memref<64xi32, #tpu.memory_space<vmem>>
    %dma_wait3A_434 = arith.constant 0 : i32
    %dma_wait3A_435 = arith.constant 0 : i32
    %dma_wait3A_436 = tpu.memref_slice %arg2[%dma_wait3A_434, %dma_wait3A_435] : memref<20000x128xf32, #tpu.memory_space<hbm>> -> memref<20000x128xf32, #tpu.memory_space<hbm>>
    tpu.wait_indirect_dma semaphore(%arg28 : memref<!tpu.dma_semaphore, #tpu.memory_space<semaphore_mem>>) src(%dma_wait3A_436 : memref<20000x128xf32, #tpu.memory_space<hbm>>) dst(%dma_wait3A_431 : memref<64x128xf32, #tpu.memory_space<vmem>>)
    %dma_wait3A_437 = arith.constant 64 : i32
    %dma_wait3A_438 = arith.constant 0 : i32
    %dma_wait3A_439 = tpu.memref_slice %arg19[%dma_wait3A_437, %dma_wait3A_438] : memref<120x128xf32, #tpu.memory_space<vmem>> -> memref<56x128xf32, #tpu.memory_space<vmem>>
    %dma_wait3A_440 = arith.constant 64 : i32
    %dma_wait3A_441 = tpu.memref_slice %arg7[%dma_wait3A_440] : memref<120xi32, #tpu.memory_space<vmem>> -> memref<56xi32, #tpu.memory_space<vmem>>
    %dma_wait3A_442 = arith.constant 0 : i32
    %dma_wait3A_443 = arith.constant 0 : i32
    %dma_wait3A_444 = tpu.memref_slice %arg2[%dma_wait3A_442, %dma_wait3A_443] : memref<20000x128xf32, #tpu.memory_space<hbm>> -> memref<20000x128xf32, #tpu.memory_space<hbm>>
    tpu.wait_indirect_dma semaphore(%arg28 : memref<!tpu.dma_semaphore, #tpu.memory_space<semaphore_mem>>) src(%dma_wait3A_444 : memref<20000x128xf32, #tpu.memory_space<hbm>>) dst(%dma_wait3A_439 : memref<56x128xf32, #tpu.memory_space<vmem>>)
    %dma_start3A_445 = arith.constant 0 : i32
    %dma_start3A_446 = arith.constant 0 : i32
    %dma_start3A_447 = tpu.memref_slice %arg34[%dma_start3A_445, %dma_start3A_446] : memref<10112x128xf32, #tpu.memory_space<vmem_shared>> -> memref<10112x128xf32, #tpu.memory_space<vmem_shared>>
    tpu.enqueue_indirect_dma source(%arg19 : memref<120x128xf32, #tpu.memory_space<vmem>>) target(%dma_start3A_447 : memref<10112x128xf32, #tpu.memory_space<vmem_shared>>) offsets(%arg13 : memref<120xi32, #tpu.memory_space<vmem>>) semaphore(%arg31 : memref<!tpu.dma_semaphore, #tpu.memory_space<semaphore_mem>>) {add = true}
    %dma_wait3A_448 = arith.constant 0 : i32
    %dma_wait3A_449 = arith.constant 0 : i32
    %dma_wait3A_450 = tpu.memref_slice %arg34[%dma_wait3A_448, %dma_wait3A_449] : memref<10112x128xf32, #tpu.memory_space<vmem_shared>> -> memref<10112x128xf32, #tpu.memory_space<vmem_shared>>
    tpu.wait_indirect_dma semaphore(%arg33 : memref<!tpu.dma_semaphore, #tpu.memory_space<semaphore_mem>>) src(%arg21 : memref<120x128xf32, #tpu.memory_space<vmem>>) dst(%dma_wait3A_450 : memref<10112x128xf32, #tpu.memory_space<vmem_shared>>)
    %add3A_451 = arith.constant 9960 : i32
    %add3A_452 = arith.addi %add3A_16, %add3A_451 : i32
    %dma_start3A_453 = tpu.memref_slice %arg3[%add3A_452] : memref<322560xi32, #tpu.memory_space<hbm>> -> memref<120xi32, #tpu.memory_space<hbm>>
    %dma_start3A_454 = tpu.memref_slice %arg3[%add3A_452] : memref<322560xi32, #tpu.memory_space<hbm>> -> memref<120xi32, #tpu.memory_space<hbm>>
    tpu.enqueue_dma source(%dma_start3A_454 : memref<120xi32, #tpu.memory_space<hbm>>) target(%arg12 : memref<120xi32, #tpu.memory_space<vmem>>) target_semaphore(%arg27 : memref<!tpu.dma_semaphore, #tpu.memory_space<semaphore_mem>>)
    %add3A_455 = arith.constant 9960 : i32
    %add3A_456 = arith.addi %mul3A_13, %add3A_455 : i32
    %dma_start3A_457 = tpu.memref_slice %arg4[%add3A_456] : memref<161280xi32, #tpu.memory_space<hbm>> -> memref<120xi32, #tpu.memory_space<hbm>>
    %dma_start3A_458 = tpu.memref_slice %arg4[%add3A_456] : memref<161280xi32, #tpu.memory_space<hbm>> -> memref<120xi32, #tpu.memory_space<hbm>>
    tpu.enqueue_dma source(%dma_start3A_458 : memref<120xi32, #tpu.memory_space<hbm>>) target(%arg18 : memref<120xi32, #tpu.memory_space<vmem>>) target_semaphore(%arg27 : memref<!tpu.dma_semaphore, #tpu.memory_space<semaphore_mem>>)
    %add3A_459 = arith.constant 9600 : i32
    %add3A_460 = arith.addi %add3A_16, %add3A_459 : i32
    %dma_wait3A_461 = tpu.memref_slice %arg3[%add3A_460] : memref<322560xi32, #tpu.memory_space<hbm>> -> memref<120xi32, #tpu.memory_space<hbm>>
    %dma_wait3A_462 = tpu.memref_slice %arg3[%add3A_460] : memref<322560xi32, #tpu.memory_space<hbm>> -> memref<120xi32, #tpu.memory_space<hbm>>
    tpu.wait_dma2 semaphore(%arg26 : memref<!tpu.dma_semaphore, #tpu.memory_space<semaphore_mem>>) src(%dma_wait3A_462 : memref<120xi32, #tpu.memory_space<hbm>>) dst(%arg11 : memref<120xi32, #tpu.memory_space<vmem>>)
    %add3A_463 = arith.constant 9600 : i32
    %add3A_464 = arith.addi %mul3A_13, %add3A_463 : i32
    %dma_wait3A_465 = tpu.memref_slice %arg4[%add3A_464] : memref<161280xi32, #tpu.memory_space<hbm>> -> memref<120xi32, #tpu.memory_space<hbm>>
    %dma_wait3A_466 = tpu.memref_slice %arg4[%add3A_464] : memref<161280xi32, #tpu.memory_space<hbm>> -> memref<120xi32, #tpu.memory_space<hbm>>
    tpu.wait_dma2 semaphore(%arg26 : memref<!tpu.dma_semaphore, #tpu.memory_space<semaphore_mem>>) src(%dma_wait3A_466 : memref<120xi32, #tpu.memory_space<hbm>>) dst(%arg17 : memref<120xi32, #tpu.memory_space<vmem>>)
    %dma_start3A_467 = arith.constant 0 : i32
    %dma_start3A_468 = arith.constant 0 : i32
    %dma_start3A_469 = tpu.memref_slice %arg21[%dma_start3A_467, %dma_start3A_468] : memref<120x128xf32, #tpu.memory_space<vmem>> -> memref<64x128xf32, #tpu.memory_space<vmem>>
    %dma_start3A_470 = arith.constant 0 : i32
    %dma_start3A_471 = tpu.memref_slice %arg11[%dma_start3A_470] : memref<120xi32, #tpu.memory_space<vmem>> -> memref<64xi32, #tpu.memory_space<vmem>>
    %dma_start3A_472 = arith.constant 0 : i32
    %dma_start3A_473 = arith.constant 0 : i32
    %dma_start3A_474 = tpu.memref_slice %arg2[%dma_start3A_472, %dma_start3A_473] : memref<20000x128xf32, #tpu.memory_space<hbm>> -> memref<20000x128xf32, #tpu.memory_space<hbm>>
    tpu.enqueue_indirect_dma source(%dma_start3A_474 : memref<20000x128xf32, #tpu.memory_space<hbm>>) target(%dma_start3A_469 : memref<64x128xf32, #tpu.memory_space<vmem>>) offsets(%dma_start3A_471 : memref<64xi32, #tpu.memory_space<vmem>>) semaphore(%arg30 : memref<!tpu.dma_semaphore, #tpu.memory_space<semaphore_mem>>)
    %dma_start3A_475 = arith.constant 64 : i32
    %dma_start3A_476 = arith.constant 0 : i32
    %dma_start3A_477 = tpu.memref_slice %arg21[%dma_start3A_475, %dma_start3A_476] : memref<120x128xf32, #tpu.memory_space<vmem>> -> memref<56x128xf32, #tpu.memory_space<vmem>>
    %dma_start3A_478 = arith.constant 64 : i32
    %dma_start3A_479 = tpu.memref_slice %arg11[%dma_start3A_478] : memref<120xi32, #tpu.memory_space<vmem>> -> memref<56xi32, #tpu.memory_space<vmem>>
    %dma_start3A_480 = arith.constant 0 : i32
    %dma_start3A_481 = arith.constant 0 : i32
    %dma_start3A_482 = tpu.memref_slice %arg2[%dma_start3A_480, %dma_start3A_481] : memref<20000x128xf32, #tpu.memory_space<hbm>> -> memref<20000x128xf32, #tpu.memory_space<hbm>>
    tpu.enqueue_indirect_dma source(%dma_start3A_482 : memref<20000x128xf32, #tpu.memory_space<hbm>>) target(%dma_start3A_477 : memref<56x128xf32, #tpu.memory_space<vmem>>) offsets(%dma_start3A_479 : memref<56xi32, #tpu.memory_space<vmem>>) semaphore(%arg30 : memref<!tpu.dma_semaphore, #tpu.memory_space<semaphore_mem>>)
    %dma_wait3A_483 = arith.constant 0 : i32
    %dma_wait3A_484 = arith.constant 0 : i32
    %dma_wait3A_485 = tpu.memref_slice %arg20[%dma_wait3A_483, %dma_wait3A_484] : memref<120x128xf32, #tpu.memory_space<vmem>> -> memref<64x128xf32, #tpu.memory_space<vmem>>
    %dma_wait3A_486 = arith.constant 0 : i32
    %dma_wait3A_487 = tpu.memref_slice %arg9[%dma_wait3A_486] : memref<120xi32, #tpu.memory_space<vmem>> -> memref<64xi32, #tpu.memory_space<vmem>>
    %dma_wait3A_488 = arith.constant 0 : i32
    %dma_wait3A_489 = arith.constant 0 : i32
    %dma_wait3A_490 = tpu.memref_slice %arg2[%dma_wait3A_488, %dma_wait3A_489] : memref<20000x128xf32, #tpu.memory_space<hbm>> -> memref<20000x128xf32, #tpu.memory_space<hbm>>
    tpu.wait_indirect_dma semaphore(%arg29 : memref<!tpu.dma_semaphore, #tpu.memory_space<semaphore_mem>>) src(%dma_wait3A_490 : memref<20000x128xf32, #tpu.memory_space<hbm>>) dst(%dma_wait3A_485 : memref<64x128xf32, #tpu.memory_space<vmem>>)
    %dma_wait3A_491 = arith.constant 64 : i32
    %dma_wait3A_492 = arith.constant 0 : i32
    %dma_wait3A_493 = tpu.memref_slice %arg20[%dma_wait3A_491, %dma_wait3A_492] : memref<120x128xf32, #tpu.memory_space<vmem>> -> memref<56x128xf32, #tpu.memory_space<vmem>>
    %dma_wait3A_494 = arith.constant 64 : i32
    %dma_wait3A_495 = tpu.memref_slice %arg9[%dma_wait3A_494] : memref<120xi32, #tpu.memory_space<vmem>> -> memref<56xi32, #tpu.memory_space<vmem>>
    %dma_wait3A_496 = arith.constant 0 : i32
    %dma_wait3A_497 = arith.constant 0 : i32
    %dma_wait3A_498 = tpu.memref_slice %arg2[%dma_wait3A_496, %dma_wait3A_497] : memref<20000x128xf32, #tpu.memory_space<hbm>> -> memref<20000x128xf32, #tpu.memory_space<hbm>>
    tpu.wait_indirect_dma semaphore(%arg29 : memref<!tpu.dma_semaphore, #tpu.memory_space<semaphore_mem>>) src(%dma_wait3A_498 : memref<20000x128xf32, #tpu.memory_space<hbm>>) dst(%dma_wait3A_493 : memref<56x128xf32, #tpu.memory_space<vmem>>)
    %dma_start3A_499 = arith.constant 0 : i32
    %dma_start3A_500 = arith.constant 0 : i32
    %dma_start3A_501 = tpu.memref_slice %arg34[%dma_start3A_499, %dma_start3A_500] : memref<10112x128xf32, #tpu.memory_space<vmem_shared>> -> memref<10112x128xf32, #tpu.memory_space<vmem_shared>>
    tpu.enqueue_indirect_dma source(%arg20 : memref<120x128xf32, #tpu.memory_space<vmem>>) target(%dma_start3A_501 : memref<10112x128xf32, #tpu.memory_space<vmem_shared>>) offsets(%arg15 : memref<120xi32, #tpu.memory_space<vmem>>) semaphore(%arg32 : memref<!tpu.dma_semaphore, #tpu.memory_space<semaphore_mem>>) {add = true}
    %dma_wait3A_502 = arith.constant 0 : i32
    %dma_wait3A_503 = arith.constant 0 : i32
    %dma_wait3A_504 = tpu.memref_slice %arg34[%dma_wait3A_502, %dma_wait3A_503] : memref<10112x128xf32, #tpu.memory_space<vmem_shared>> -> memref<10112x128xf32, #tpu.memory_space<vmem_shared>>
    tpu.wait_indirect_dma semaphore(%arg31 : memref<!tpu.dma_semaphore, #tpu.memory_space<semaphore_mem>>) src(%arg19 : memref<120x128xf32, #tpu.memory_space<vmem>>) dst(%dma_wait3A_504 : memref<10112x128xf32, #tpu.memory_space<vmem_shared>>)
    %add3A_505 = arith.constant 9720 : i32
    %add3A_506 = arith.addi %add3A_16, %add3A_505 : i32
    %dma_wait3A_507 = tpu.memref_slice %arg3[%add3A_506] : memref<322560xi32, #tpu.memory_space<hbm>> -> memref<120xi32, #tpu.memory_space<hbm>>
    %dma_wait3A_508 = tpu.memref_slice %arg3[%add3A_506] : memref<322560xi32, #tpu.memory_space<hbm>> -> memref<120xi32, #tpu.memory_space<hbm>>
    tpu.wait_dma2 semaphore(%arg23 : memref<!tpu.dma_semaphore, #tpu.memory_space<semaphore_mem>>) src(%dma_wait3A_508 : memref<120xi32, #tpu.memory_space<hbm>>) dst(%arg8 : memref<120xi32, #tpu.memory_space<vmem>>)
    %add3A_509 = arith.constant 9720 : i32
    %add3A_510 = arith.addi %mul3A_13, %add3A_509 : i32
    %dma_wait3A_511 = tpu.memref_slice %arg4[%add3A_510] : memref<161280xi32, #tpu.memory_space<hbm>> -> memref<120xi32, #tpu.memory_space<hbm>>
    %dma_wait3A_512 = tpu.memref_slice %arg4[%add3A_510] : memref<161280xi32, #tpu.memory_space<hbm>> -> memref<120xi32, #tpu.memory_space<hbm>>
    tpu.wait_dma2 semaphore(%arg23 : memref<!tpu.dma_semaphore, #tpu.memory_space<semaphore_mem>>) src(%dma_wait3A_512 : memref<120xi32, #tpu.memory_space<hbm>>) dst(%arg14 : memref<120xi32, #tpu.memory_space<vmem>>)
    %dma_start3A_513 = arith.constant 0 : i32
    %dma_start3A_514 = arith.constant 0 : i32
    %dma_start3A_515 = tpu.memref_slice %arg19[%dma_start3A_513, %dma_start3A_514] : memref<120x128xf32, #tpu.memory_space<vmem>> -> memref<64x128xf32, #tpu.memory_space<vmem>>
    %dma_start3A_516 = arith.constant 0 : i32
    %dma_start3A_517 = tpu.memref_slice %arg8[%dma_start3A_516] : memref<120xi32, #tpu.memory_space<vmem>> -> memref<64xi32, #tpu.memory_space<vmem>>
    %dma_start3A_518 = arith.constant 0 : i32
    %dma_start3A_519 = arith.constant 0 : i32
    %dma_start3A_520 = tpu.memref_slice %arg2[%dma_start3A_518, %dma_start3A_519] : memref<20000x128xf32, #tpu.memory_space<hbm>> -> memref<20000x128xf32, #tpu.memory_space<hbm>>
    tpu.enqueue_indirect_dma source(%dma_start3A_520 : memref<20000x128xf32, #tpu.memory_space<hbm>>) target(%dma_start3A_515 : memref<64x128xf32, #tpu.memory_space<vmem>>) offsets(%dma_start3A_517 : memref<64xi32, #tpu.memory_space<vmem>>) semaphore(%arg28 : memref<!tpu.dma_semaphore, #tpu.memory_space<semaphore_mem>>)
    %dma_start3A_521 = arith.constant 64 : i32
    %dma_start3A_522 = arith.constant 0 : i32
    %dma_start3A_523 = tpu.memref_slice %arg19[%dma_start3A_521, %dma_start3A_522] : memref<120x128xf32, #tpu.memory_space<vmem>> -> memref<56x128xf32, #tpu.memory_space<vmem>>
    %dma_start3A_524 = arith.constant 64 : i32
    %dma_start3A_525 = tpu.memref_slice %arg8[%dma_start3A_524] : memref<120xi32, #tpu.memory_space<vmem>> -> memref<56xi32, #tpu.memory_space<vmem>>
    %dma_start3A_526 = arith.constant 0 : i32
    %dma_start3A_527 = arith.constant 0 : i32
    %dma_start3A_528 = tpu.memref_slice %arg2[%dma_start3A_526, %dma_start3A_527] : memref<20000x128xf32, #tpu.memory_space<hbm>> -> memref<20000x128xf32, #tpu.memory_space<hbm>>
    tpu.enqueue_indirect_dma source(%dma_start3A_528 : memref<20000x128xf32, #tpu.memory_space<hbm>>) target(%dma_start3A_523 : memref<56x128xf32, #tpu.memory_space<vmem>>) offsets(%dma_start3A_525 : memref<56xi32, #tpu.memory_space<vmem>>) semaphore(%arg28 : memref<!tpu.dma_semaphore, #tpu.memory_space<semaphore_mem>>)
    %dma_wait3A_529 = arith.constant 0 : i32
    %dma_wait3A_530 = arith.constant 0 : i32
    %dma_wait3A_531 = tpu.memref_slice %arg21[%dma_wait3A_529, %dma_wait3A_530] : memref<120x128xf32, #tpu.memory_space<vmem>> -> memref<64x128xf32, #tpu.memory_space<vmem>>
    %dma_wait3A_532 = arith.constant 0 : i32
    %dma_wait3A_533 = tpu.memref_slice %arg11[%dma_wait3A_532] : memref<120xi32, #tpu.memory_space<vmem>> -> memref<64xi32, #tpu.memory_space<vmem>>
    %dma_wait3A_534 = arith.constant 0 : i32
    %dma_wait3A_535 = arith.constant 0 : i32
    %dma_wait3A_536 = tpu.memref_slice %arg2[%dma_wait3A_534, %dma_wait3A_535] : memref<20000x128xf32, #tpu.memory_space<hbm>> -> memref<20000x128xf32, #tpu.memory_space<hbm>>
    tpu.wait_indirect_dma semaphore(%arg30 : memref<!tpu.dma_semaphore, #tpu.memory_space<semaphore_mem>>) src(%dma_wait3A_536 : memref<20000x128xf32, #tpu.memory_space<hbm>>) dst(%dma_wait3A_531 : memref<64x128xf32, #tpu.memory_space<vmem>>)
    %dma_wait3A_537 = arith.constant 64 : i32
    %dma_wait3A_538 = arith.constant 0 : i32
    %dma_wait3A_539 = tpu.memref_slice %arg21[%dma_wait3A_537, %dma_wait3A_538] : memref<120x128xf32, #tpu.memory_space<vmem>> -> memref<56x128xf32, #tpu.memory_space<vmem>>
    %dma_wait3A_540 = arith.constant 64 : i32
    %dma_wait3A_541 = tpu.memref_slice %arg11[%dma_wait3A_540] : memref<120xi32, #tpu.memory_space<vmem>> -> memref<56xi32, #tpu.memory_space<vmem>>
    %dma_wait3A_542 = arith.constant 0 : i32
    %dma_wait3A_543 = arith.constant 0 : i32
    %dma_wait3A_544 = tpu.memref_slice %arg2[%dma_wait3A_542, %dma_wait3A_543] : memref<20000x128xf32, #tpu.memory_space<hbm>> -> memref<20000x128xf32, #tpu.memory_space<hbm>>
    tpu.wait_indirect_dma semaphore(%arg30 : memref<!tpu.dma_semaphore, #tpu.memory_space<semaphore_mem>>) src(%dma_wait3A_544 : memref<20000x128xf32, #tpu.memory_space<hbm>>) dst(%dma_wait3A_539 : memref<56x128xf32, #tpu.memory_space<vmem>>)
    %dma_start3A_545 = arith.constant 0 : i32
    %dma_start3A_546 = arith.constant 0 : i32
    %dma_start3A_547 = tpu.memref_slice %arg34[%dma_start3A_545, %dma_start3A_546] : memref<10112x128xf32, #tpu.memory_space<vmem_shared>> -> memref<10112x128xf32, #tpu.memory_space<vmem_shared>>
    tpu.enqueue_indirect_dma source(%arg21 : memref<120x128xf32, #tpu.memory_space<vmem>>) target(%dma_start3A_547 : memref<10112x128xf32, #tpu.memory_space<vmem_shared>>) offsets(%arg17 : memref<120xi32, #tpu.memory_space<vmem>>) semaphore(%arg33 : memref<!tpu.dma_semaphore, #tpu.memory_space<semaphore_mem>>) {add = true}
    %dma_wait3A_548 = arith.constant 0 : i32
    %dma_wait3A_549 = arith.constant 0 : i32
    %dma_wait3A_550 = tpu.memref_slice %arg34[%dma_wait3A_548, %dma_wait3A_549] : memref<10112x128xf32, #tpu.memory_space<vmem_shared>> -> memref<10112x128xf32, #tpu.memory_space<vmem_shared>>
    tpu.wait_indirect_dma semaphore(%arg32 : memref<!tpu.dma_semaphore, #tpu.memory_space<semaphore_mem>>) src(%arg20 : memref<120x128xf32, #tpu.memory_space<vmem>>) dst(%dma_wait3A_550 : memref<10112x128xf32, #tpu.memory_space<vmem_shared>>)
    %add3A_551 = arith.constant 9840 : i32
    %add3A_552 = arith.addi %add3A_16, %add3A_551 : i32
    %dma_wait3A_553 = tpu.memref_slice %arg3[%add3A_552] : memref<322560xi32, #tpu.memory_space<hbm>> -> memref<120xi32, #tpu.memory_space<hbm>>
    %dma_wait3A_554 = tpu.memref_slice %arg3[%add3A_552] : memref<322560xi32, #tpu.memory_space<hbm>> -> memref<120xi32, #tpu.memory_space<hbm>>
    tpu.wait_dma2 semaphore(%arg25 : memref<!tpu.dma_semaphore, #tpu.memory_space<semaphore_mem>>) src(%dma_wait3A_554 : memref<120xi32, #tpu.memory_space<hbm>>) dst(%arg10 : memref<120xi32, #tpu.memory_space<vmem>>)
    %add3A_555 = arith.constant 9840 : i32
    %add3A_556 = arith.addi %mul3A_13, %add3A_555 : i32
    %dma_wait3A_557 = tpu.memref_slice %arg4[%add3A_556] : memref<161280xi32, #tpu.memory_space<hbm>> -> memref<120xi32, #tpu.memory_space<hbm>>
    %dma_wait3A_558 = tpu.memref_slice %arg4[%add3A_556] : memref<161280xi32, #tpu.memory_space<hbm>> -> memref<120xi32, #tpu.memory_space<hbm>>
    tpu.wait_dma2 semaphore(%arg25 : memref<!tpu.dma_semaphore, #tpu.memory_space<semaphore_mem>>) src(%dma_wait3A_558 : memref<120xi32, #tpu.memory_space<hbm>>) dst(%arg16 : memref<120xi32, #tpu.memory_space<vmem>>)
    %dma_start3A_559 = arith.constant 0 : i32
    %dma_start3A_560 = arith.constant 0 : i32
    %dma_start3A_561 = tpu.memref_slice %arg20[%dma_start3A_559, %dma_start3A_560] : memref<120x128xf32, #tpu.memory_space<vmem>> -> memref<64x128xf32, #tpu.memory_space<vmem>>
    %dma_start3A_562 = arith.constant 0 : i32
    %dma_start3A_563 = tpu.memref_slice %arg10[%dma_start3A_562] : memref<120xi32, #tpu.memory_space<vmem>> -> memref<64xi32, #tpu.memory_space<vmem>>
    %dma_start3A_564 = arith.constant 0 : i32
    %dma_start3A_565 = arith.constant 0 : i32
    %dma_start3A_566 = tpu.memref_slice %arg2[%dma_start3A_564, %dma_start3A_565] : memref<20000x128xf32, #tpu.memory_space<hbm>> -> memref<20000x128xf32, #tpu.memory_space<hbm>>
    tpu.enqueue_indirect_dma source(%dma_start3A_566 : memref<20000x128xf32, #tpu.memory_space<hbm>>) target(%dma_start3A_561 : memref<64x128xf32, #tpu.memory_space<vmem>>) offsets(%dma_start3A_563 : memref<64xi32, #tpu.memory_space<vmem>>) semaphore(%arg29 : memref<!tpu.dma_semaphore, #tpu.memory_space<semaphore_mem>>)
    %dma_start3A_567 = arith.constant 64 : i32
    %dma_start3A_568 = arith.constant 0 : i32
    %dma_start3A_569 = tpu.memref_slice %arg20[%dma_start3A_567, %dma_start3A_568] : memref<120x128xf32, #tpu.memory_space<vmem>> -> memref<56x128xf32, #tpu.memory_space<vmem>>
    %dma_start3A_570 = arith.constant 64 : i32
    %dma_start3A_571 = tpu.memref_slice %arg10[%dma_start3A_570] : memref<120xi32, #tpu.memory_space<vmem>> -> memref<56xi32, #tpu.memory_space<vmem>>
    %dma_start3A_572 = arith.constant 0 : i32
    %dma_start3A_573 = arith.constant 0 : i32
    %dma_start3A_574 = tpu.memref_slice %arg2[%dma_start3A_572, %dma_start3A_573] : memref<20000x128xf32, #tpu.memory_space<hbm>> -> memref<20000x128xf32, #tpu.memory_space<hbm>>
    tpu.enqueue_indirect_dma source(%dma_start3A_574 : memref<20000x128xf32, #tpu.memory_space<hbm>>) target(%dma_start3A_569 : memref<56x128xf32, #tpu.memory_space<vmem>>) offsets(%dma_start3A_571 : memref<56xi32, #tpu.memory_space<vmem>>) semaphore(%arg29 : memref<!tpu.dma_semaphore, #tpu.memory_space<semaphore_mem>>)
    %dma_wait3A_575 = arith.constant 0 : i32
    %dma_wait3A_576 = arith.constant 0 : i32
    %dma_wait3A_577 = tpu.memref_slice %arg19[%dma_wait3A_575, %dma_wait3A_576] : memref<120x128xf32, #tpu.memory_space<vmem>> -> memref<64x128xf32, #tpu.memory_space<vmem>>
    %dma_wait3A_578 = arith.constant 0 : i32
    %dma_wait3A_579 = tpu.memref_slice %arg8[%dma_wait3A_578] : memref<120xi32, #tpu.memory_space<vmem>> -> memref<64xi32, #tpu.memory_space<vmem>>
    %dma_wait3A_580 = arith.constant 0 : i32
    %dma_wait3A_581 = arith.constant 0 : i32
    %dma_wait3A_582 = tpu.memref_slice %arg2[%dma_wait3A_580, %dma_wait3A_581] : memref<20000x128xf32, #tpu.memory_space<hbm>> -> memref<20000x128xf32, #tpu.memory_space<hbm>>
    tpu.wait_indirect_dma semaphore(%arg28 : memref<!tpu.dma_semaphore, #tpu.memory_space<semaphore_mem>>) src(%dma_wait3A_582 : memref<20000x128xf32, #tpu.memory_space<hbm>>) dst(%dma_wait3A_577 : memref<64x128xf32, #tpu.memory_space<vmem>>)
    %dma_wait3A_583 = arith.constant 64 : i32
    %dma_wait3A_584 = arith.constant 0 : i32
    %dma_wait3A_585 = tpu.memref_slice %arg19[%dma_wait3A_583, %dma_wait3A_584] : memref<120x128xf32, #tpu.memory_space<vmem>> -> memref<56x128xf32, #tpu.memory_space<vmem>>
    %dma_wait3A_586 = arith.constant 64 : i32
    %dma_wait3A_587 = tpu.memref_slice %arg8[%dma_wait3A_586] : memref<120xi32, #tpu.memory_space<vmem>> -> memref<56xi32, #tpu.memory_space<vmem>>
    %dma_wait3A_588 = arith.constant 0 : i32
    %dma_wait3A_589 = arith.constant 0 : i32
    %dma_wait3A_590 = tpu.memref_slice %arg2[%dma_wait3A_588, %dma_wait3A_589] : memref<20000x128xf32, #tpu.memory_space<hbm>> -> memref<20000x128xf32, #tpu.memory_space<hbm>>
    tpu.wait_indirect_dma semaphore(%arg28 : memref<!tpu.dma_semaphore, #tpu.memory_space<semaphore_mem>>) src(%dma_wait3A_590 : memref<20000x128xf32, #tpu.memory_space<hbm>>) dst(%dma_wait3A_585 : memref<56x128xf32, #tpu.memory_space<vmem>>)
    %dma_start3A_591 = arith.constant 0 : i32
    %dma_start3A_592 = arith.constant 0 : i32
    %dma_start3A_593 = tpu.memref_slice %arg34[%dma_start3A_591, %dma_start3A_592] : memref<10112x128xf32, #tpu.memory_space<vmem_shared>> -> memref<10112x128xf32, #tpu.memory_space<vmem_shared>>
    tpu.enqueue_indirect_dma source(%arg19 : memref<120x128xf32, #tpu.memory_space<vmem>>) target(%dma_start3A_593 : memref<10112x128xf32, #tpu.memory_space<vmem_shared>>) offsets(%arg14 : memref<120xi32, #tpu.memory_space<vmem>>) semaphore(%arg31 : memref<!tpu.dma_semaphore, #tpu.memory_space<semaphore_mem>>) {add = true}
    %dma_wait3A_594 = arith.constant 0 : i32
    %dma_wait3A_595 = arith.constant 0 : i32
    %dma_wait3A_596 = tpu.memref_slice %arg34[%dma_wait3A_594, %dma_wait3A_595] : memref<10112x128xf32, #tpu.memory_space<vmem_shared>> -> memref<10112x128xf32, #tpu.memory_space<vmem_shared>>
    tpu.wait_indirect_dma semaphore(%arg33 : memref<!tpu.dma_semaphore, #tpu.memory_space<semaphore_mem>>) src(%arg21 : memref<120x128xf32, #tpu.memory_space<vmem>>) dst(%dma_wait3A_596 : memref<10112x128xf32, #tpu.memory_space<vmem_shared>>)
    %add3A_597 = arith.constant 9960 : i32
    %add3A_598 = arith.addi %add3A_16, %add3A_597 : i32
    %dma_wait3A_599 = tpu.memref_slice %arg3[%add3A_598] : memref<322560xi32, #tpu.memory_space<hbm>> -> memref<120xi32, #tpu.memory_space<hbm>>
    %dma_wait3A_600 = tpu.memref_slice %arg3[%add3A_598] : memref<322560xi32, #tpu.memory_space<hbm>> -> memref<120xi32, #tpu.memory_space<hbm>>
    tpu.wait_dma2 semaphore(%arg27 : memref<!tpu.dma_semaphore, #tpu.memory_space<semaphore_mem>>) src(%dma_wait3A_600 : memref<120xi32, #tpu.memory_space<hbm>>) dst(%arg12 : memref<120xi32, #tpu.memory_space<vmem>>)
    %add3A_601 = arith.constant 9960 : i32
    %add3A_602 = arith.addi %mul3A_13, %add3A_601 : i32
    %dma_wait3A_603 = tpu.memref_slice %arg4[%add3A_602] : memref<161280xi32, #tpu.memory_space<hbm>> -> memref<120xi32, #tpu.memory_space<hbm>>
    %dma_wait3A_604 = tpu.memref_slice %arg4[%add3A_602] : memref<161280xi32, #tpu.memory_space<hbm>> -> memref<120xi32, #tpu.memory_space<hbm>>
    tpu.wait_dma2 semaphore(%arg27 : memref<!tpu.dma_semaphore, #tpu.memory_space<semaphore_mem>>) src(%dma_wait3A_604 : memref<120xi32, #tpu.memory_space<hbm>>) dst(%arg18 : memref<120xi32, #tpu.memory_space<vmem>>)
    %dma_start3A_605 = arith.constant 0 : i32
    %dma_start3A_606 = arith.constant 0 : i32
    %dma_start3A_607 = tpu.memref_slice %arg21[%dma_start3A_605, %dma_start3A_606] : memref<120x128xf32, #tpu.memory_space<vmem>> -> memref<64x128xf32, #tpu.memory_space<vmem>>
    %dma_start3A_608 = arith.constant 0 : i32
    %dma_start3A_609 = tpu.memref_slice %arg12[%dma_start3A_608] : memref<120xi32, #tpu.memory_space<vmem>> -> memref<64xi32, #tpu.memory_space<vmem>>
    %dma_start3A_610 = arith.constant 0 : i32
    %dma_start3A_611 = arith.constant 0 : i32
    %dma_start3A_612 = tpu.memref_slice %arg2[%dma_start3A_610, %dma_start3A_611] : memref<20000x128xf32, #tpu.memory_space<hbm>> -> memref<20000x128xf32, #tpu.memory_space<hbm>>
    tpu.enqueue_indirect_dma source(%dma_start3A_612 : memref<20000x128xf32, #tpu.memory_space<hbm>>) target(%dma_start3A_607 : memref<64x128xf32, #tpu.memory_space<vmem>>) offsets(%dma_start3A_609 : memref<64xi32, #tpu.memory_space<vmem>>) semaphore(%arg30 : memref<!tpu.dma_semaphore, #tpu.memory_space<semaphore_mem>>)
    %dma_start3A_613 = arith.constant 64 : i32
    %dma_start3A_614 = arith.constant 0 : i32
    %dma_start3A_615 = tpu.memref_slice %arg21[%dma_start3A_613, %dma_start3A_614] : memref<120x128xf32, #tpu.memory_space<vmem>> -> memref<56x128xf32, #tpu.memory_space<vmem>>
    %dma_start3A_616 = arith.constant 64 : i32
    %dma_start3A_617 = tpu.memref_slice %arg12[%dma_start3A_616] : memref<120xi32, #tpu.memory_space<vmem>> -> memref<56xi32, #tpu.memory_space<vmem>>
    %dma_start3A_618 = arith.constant 0 : i32
    %dma_start3A_619 = arith.constant 0 : i32
    %dma_start3A_620 = tpu.memref_slice %arg2[%dma_start3A_618, %dma_start3A_619] : memref<20000x128xf32, #tpu.memory_space<hbm>> -> memref<20000x128xf32, #tpu.memory_space<hbm>>
    tpu.enqueue_indirect_dma source(%dma_start3A_620 : memref<20000x128xf32, #tpu.memory_space<hbm>>) target(%dma_start3A_615 : memref<56x128xf32, #tpu.memory_space<vmem>>) offsets(%dma_start3A_617 : memref<56xi32, #tpu.memory_space<vmem>>) semaphore(%arg30 : memref<!tpu.dma_semaphore, #tpu.memory_space<semaphore_mem>>)
    %dma_wait3A_621 = arith.constant 0 : i32
    %dma_wait3A_622 = arith.constant 0 : i32
    %dma_wait3A_623 = tpu.memref_slice %arg20[%dma_wait3A_621, %dma_wait3A_622] : memref<120x128xf32, #tpu.memory_space<vmem>> -> memref<64x128xf32, #tpu.memory_space<vmem>>
    %dma_wait3A_624 = arith.constant 0 : i32
    %dma_wait3A_625 = tpu.memref_slice %arg10[%dma_wait3A_624] : memref<120xi32, #tpu.memory_space<vmem>> -> memref<64xi32, #tpu.memory_space<vmem>>
    %dma_wait3A_626 = arith.constant 0 : i32
    %dma_wait3A_627 = arith.constant 0 : i32
    %dma_wait3A_628 = tpu.memref_slice %arg2[%dma_wait3A_626, %dma_wait3A_627] : memref<20000x128xf32, #tpu.memory_space<hbm>> -> memref<20000x128xf32, #tpu.memory_space<hbm>>
    tpu.wait_indirect_dma semaphore(%arg29 : memref<!tpu.dma_semaphore, #tpu.memory_space<semaphore_mem>>) src(%dma_wait3A_628 : memref<20000x128xf32, #tpu.memory_space<hbm>>) dst(%dma_wait3A_623 : memref<64x128xf32, #tpu.memory_space<vmem>>)
    %dma_wait3A_629 = arith.constant 64 : i32
    %dma_wait3A_630 = arith.constant 0 : i32
    %dma_wait3A_631 = tpu.memref_slice %arg20[%dma_wait3A_629, %dma_wait3A_630] : memref<120x128xf32, #tpu.memory_space<vmem>> -> memref<56x128xf32, #tpu.memory_space<vmem>>
    %dma_wait3A_632 = arith.constant 64 : i32
    %dma_wait3A_633 = tpu.memref_slice %arg10[%dma_wait3A_632] : memref<120xi32, #tpu.memory_space<vmem>> -> memref<56xi32, #tpu.memory_space<vmem>>
    %dma_wait3A_634 = arith.constant 0 : i32
    %dma_wait3A_635 = arith.constant 0 : i32
    %dma_wait3A_636 = tpu.memref_slice %arg2[%dma_wait3A_634, %dma_wait3A_635] : memref<20000x128xf32, #tpu.memory_space<hbm>> -> memref<20000x128xf32, #tpu.memory_space<hbm>>
    tpu.wait_indirect_dma semaphore(%arg29 : memref<!tpu.dma_semaphore, #tpu.memory_space<semaphore_mem>>) src(%dma_wait3A_636 : memref<20000x128xf32, #tpu.memory_space<hbm>>) dst(%dma_wait3A_631 : memref<56x128xf32, #tpu.memory_space<vmem>>)
    %dma_start3A_637 = arith.constant 0 : i32
    %dma_start3A_638 = arith.constant 0 : i32
    %dma_start3A_639 = tpu.memref_slice %arg34[%dma_start3A_637, %dma_start3A_638] : memref<10112x128xf32, #tpu.memory_space<vmem_shared>> -> memref<10112x128xf32, #tpu.memory_space<vmem_shared>>
    tpu.enqueue_indirect_dma source(%arg20 : memref<120x128xf32, #tpu.memory_space<vmem>>) target(%dma_start3A_639 : memref<10112x128xf32, #tpu.memory_space<vmem_shared>>) offsets(%arg16 : memref<120xi32, #tpu.memory_space<vmem>>) semaphore(%arg32 : memref<!tpu.dma_semaphore, #tpu.memory_space<semaphore_mem>>) {add = true}
    %dma_wait3A_640 = arith.constant 0 : i32
    %dma_wait3A_641 = arith.constant 0 : i32
    %dma_wait3A_642 = tpu.memref_slice %arg34[%dma_wait3A_640, %dma_wait3A_641] : memref<10112x128xf32, #tpu.memory_space<vmem_shared>> -> memref<10112x128xf32, #tpu.memory_space<vmem_shared>>
    tpu.wait_indirect_dma semaphore(%arg31 : memref<!tpu.dma_semaphore, #tpu.memory_space<semaphore_mem>>) src(%arg19 : memref<120x128xf32, #tpu.memory_space<vmem>>) dst(%dma_wait3A_642 : memref<10112x128xf32, #tpu.memory_space<vmem_shared>>)
    %dma_wait3A_643 = arith.constant 0 : i32
    %dma_wait3A_644 = arith.constant 0 : i32
    %dma_wait3A_645 = tpu.memref_slice %arg21[%dma_wait3A_643, %dma_wait3A_644] : memref<120x128xf32, #tpu.memory_space<vmem>> -> memref<64x128xf32, #tpu.memory_space<vmem>>
    %dma_wait3A_646 = arith.constant 0 : i32
    %dma_wait3A_647 = tpu.memref_slice %arg12[%dma_wait3A_646] : memref<120xi32, #tpu.memory_space<vmem>> -> memref<64xi32, #tpu.memory_space<vmem>>
    %dma_wait3A_648 = arith.constant 0 : i32
    %dma_wait3A_649 = arith.constant 0 : i32
    %dma_wait3A_650 = tpu.memref_slice %arg2[%dma_wait3A_648, %dma_wait3A_649] : memref<20000x128xf32, #tpu.memory_space<hbm>> -> memref<20000x128xf32, #tpu.memory_space<hbm>>
    tpu.wait_indirect_dma semaphore(%arg30 : memref<!tpu.dma_semaphore, #tpu.memory_space<semaphore_mem>>) src(%dma_wait3A_650 : memref<20000x128xf32, #tpu.memory_space<hbm>>) dst(%dma_wait3A_645 : memref<64x128xf32, #tpu.memory_space<vmem>>)
    %dma_wait3A_651 = arith.constant 64 : i32
    %dma_wait3A_652 = arith.constant 0 : i32
    %dma_wait3A_653 = tpu.memref_slice %arg21[%dma_wait3A_651, %dma_wait3A_652] : memref<120x128xf32, #tpu.memory_space<vmem>> -> memref<56x128xf32, #tpu.memory_space<vmem>>
    %dma_wait3A_654 = arith.constant 64 : i32
    %dma_wait3A_655 = tpu.memref_slice %arg12[%dma_wait3A_654] : memref<120xi32, #tpu.memory_space<vmem>> -> memref<56xi32, #tpu.memory_space<vmem>>
    %dma_wait3A_656 = arith.constant 0 : i32
    %dma_wait3A_657 = arith.constant 0 : i32
    %dma_wait3A_658 = tpu.memref_slice %arg2[%dma_wait3A_656, %dma_wait3A_657] : memref<20000x128xf32, #tpu.memory_space<hbm>> -> memref<20000x128xf32, #tpu.memory_space<hbm>>
    tpu.wait_indirect_dma semaphore(%arg30 : memref<!tpu.dma_semaphore, #tpu.memory_space<semaphore_mem>>) src(%dma_wait3A_658 : memref<20000x128xf32, #tpu.memory_space<hbm>>) dst(%dma_wait3A_653 : memref<56x128xf32, #tpu.memory_space<vmem>>)
    %dma_start3A_659 = arith.constant 0 : i32
    %dma_start3A_660 = arith.constant 0 : i32
    %dma_start3A_661 = tpu.memref_slice %arg34[%dma_start3A_659, %dma_start3A_660] : memref<10112x128xf32, #tpu.memory_space<vmem_shared>> -> memref<10112x128xf32, #tpu.memory_space<vmem_shared>>
    tpu.enqueue_indirect_dma source(%arg21 : memref<120x128xf32, #tpu.memory_space<vmem>>) target(%dma_start3A_661 : memref<10112x128xf32, #tpu.memory_space<vmem_shared>>) offsets(%arg18 : memref<120xi32, #tpu.memory_space<vmem>>) semaphore(%arg33 : memref<!tpu.dma_semaphore, #tpu.memory_space<semaphore_mem>>) {add = true}
    %dma_wait3A_662 = arith.constant 0 : i32
    %dma_wait3A_663 = arith.constant 0 : i32
    %dma_wait3A_664 = tpu.memref_slice %arg34[%dma_wait3A_662, %dma_wait3A_663] : memref<10112x128xf32, #tpu.memory_space<vmem_shared>> -> memref<10112x128xf32, #tpu.memory_space<vmem_shared>>
    tpu.wait_indirect_dma semaphore(%arg32 : memref<!tpu.dma_semaphore, #tpu.memory_space<semaphore_mem>>) src(%arg20 : memref<120x128xf32, #tpu.memory_space<vmem>>) dst(%dma_wait3A_664 : memref<10112x128xf32, #tpu.memory_space<vmem_shared>>)
    %dma_wait3A_665 = arith.constant 0 : i32
    %dma_wait3A_666 = arith.constant 0 : i32
    %dma_wait3A_667 = tpu.memref_slice %arg34[%dma_wait3A_665, %dma_wait3A_666] : memref<10112x128xf32, #tpu.memory_space<vmem_shared>> -> memref<10112x128xf32, #tpu.memory_space<vmem_shared>>
    tpu.wait_indirect_dma semaphore(%arg33 : memref<!tpu.dma_semaphore, #tpu.memory_space<semaphore_mem>>) src(%arg21 : memref<120x128xf32, #tpu.memory_space<vmem>>) dst(%dma_wait3A_667 : memref<10112x128xf32, #tpu.memory_space<vmem_shared>>)
    %barrier3A_668 = arith.constant 0 : index
    tpu.barrier barrier_id(%barrier3A_668)
    %mul3A_669 = arith.constant 10112 : i32
    %mul3A_670 = arith.muli %arg0, %mul3A_669 : i32
    %add3A_671 = arith.addi %mul3A_670, %mul3A_0 : i32
    %add3A_672 = arith.constant 0 : i32
    %add3A_673 = arith.addi %mul3A_0, %add3A_672 : i32
    "tpu.region"() ({
      %run_scoped3A = tpu.sem_alloc : memref<!tpu.dma_semaphore, #tpu.memory_space<semaphore_mem>>
      %dma_start3A_696 = arith.constant 0 : i32
      %dma_start3A_697 = tpu.memref_slice %arg34[%add3A_673, %dma_start3A_696] : memref<10112x128xf32, #tpu.memory_space<vmem_shared>> -> memref<120x128xf32, #tpu.memory_space<vmem_shared>>
      %dma_start3A_698 = arith.constant 0 : i32
      %dma_start3A_699 = tpu.memref_slice %arg34[%add3A_673, %dma_start3A_698] : memref<10112x128xf32, #tpu.memory_space<vmem_shared>> -> memref<120x128xf32, #tpu.memory_space<vmem_shared>>
      tpu.enqueue_dma source(%dma_start3A_699 : memref<120x128xf32, #tpu.memory_space<vmem_shared>>) target(%arg19 : memref<120x128xf32, #tpu.memory_space<vmem>>) target_semaphore(%run_scoped3A : memref<!tpu.dma_semaphore, #tpu.memory_space<semaphore_mem>>)
      %dma_wait3A_700 = arith.constant 0 : i32
      %dma_wait3A_701 = tpu.memref_slice %arg34[%add3A_673, %dma_wait3A_700] : memref<10112x128xf32, #tpu.memory_space<vmem_shared>> -> memref<120x128xf32, #tpu.memory_space<vmem_shared>>
      %dma_wait3A_702 = arith.constant 0 : i32
      %dma_wait3A_703 = tpu.memref_slice %arg34[%add3A_673, %dma_wait3A_702] : memref<10112x128xf32, #tpu.memory_space<vmem_shared>> -> memref<120x128xf32, #tpu.memory_space<vmem_shared>>
      tpu.wait_dma2 semaphore(%run_scoped3A : memref<!tpu.dma_semaphore, #tpu.memory_space<semaphore_mem>>) src(%dma_wait3A_703 : memref<120x128xf32, #tpu.memory_space<vmem_shared>>) dst(%arg19 : memref<120x128xf32, #tpu.memory_space<vmem>>)
      tpu.yield
    }) : () -> ()
    %add3A_674 = arith.constant 0 : i32
    %add3A_675 = arith.addi %add3A_671, %add3A_674 : i32
    "tpu.region"() ({
      %run_scoped3A = tpu.sem_alloc : memref<!tpu.dma_semaphore, #tpu.memory_space<semaphore_mem>>
      %dma_start3A_696 = arith.constant 0 : i32
      %dma_start3A_697 = tpu.memref_slice %arg6[%add3A_675, %dma_start3A_696] : memref<20224x128xf32, #tpu.memory_space<hbm>> -> memref<120x128xf32, #tpu.memory_space<hbm>>
      %dma_start3A_698 = arith.constant 0 : i32
      %dma_start3A_699 = tpu.memref_slice %arg6[%add3A_675, %dma_start3A_698] : memref<20224x128xf32, #tpu.memory_space<hbm>> -> memref<120x128xf32, #tpu.memory_space<hbm>>
      tpu.enqueue_dma source(%arg19 : memref<120x128xf32, #tpu.memory_space<vmem>>) target(%dma_start3A_699 : memref<120x128xf32, #tpu.memory_space<hbm>>) target_semaphore(%run_scoped3A : memref<!tpu.dma_semaphore, #tpu.memory_space<semaphore_mem>>)
      %dma_wait3A_700 = arith.constant 0 : i32
      %dma_wait3A_701 = tpu.memref_slice %arg6[%add3A_675, %dma_wait3A_700] : memref<20224x128xf32, #tpu.memory_space<hbm>> -> memref<120x128xf32, #tpu.memory_space<hbm>>
      %dma_wait3A_702 = arith.constant 0 : i32
      %dma_wait3A_703 = tpu.memref_slice %arg6[%add3A_675, %dma_wait3A_702] : memref<20224x128xf32, #tpu.memory_space<hbm>> -> memref<120x128xf32, #tpu.memory_space<hbm>>
      tpu.wait_dma2 semaphore(%run_scoped3A : memref<!tpu.dma_semaphore, #tpu.memory_space<semaphore_mem>>) src(%arg19 : memref<120x128xf32, #tpu.memory_space<vmem>>) dst(%dma_wait3A_703 : memref<120x128xf32, #tpu.memory_space<hbm>>)
      tpu.yield
    }) : () -> ()
    %add3A_676 = arith.constant 120 : i32
    %add3A_677 = arith.addi %mul3A_0, %add3A_676 : i32
    "tpu.region"() ({
      %run_scoped3A = tpu.sem_alloc : memref<!tpu.dma_semaphore, #tpu.memory_space<semaphore_mem>>
      %dma_start3A_696 = arith.constant 0 : i32
      %dma_start3A_697 = tpu.memref_slice %arg34[%add3A_677, %dma_start3A_696] : memref<10112x128xf32, #tpu.memory_space<vmem_shared>> -> memref<120x128xf32, #tpu.memory_space<vmem_shared>>
      %dma_start3A_698 = arith.constant 0 : i32
      %dma_start3A_699 = tpu.memref_slice %arg34[%add3A_677, %dma_start3A_698] : memref<10112x128xf32, #tpu.memory_space<vmem_shared>> -> memref<120x128xf32, #tpu.memory_space<vmem_shared>>
      tpu.enqueue_dma source(%dma_start3A_699 : memref<120x128xf32, #tpu.memory_space<vmem_shared>>) target(%arg19 : memref<120x128xf32, #tpu.memory_space<vmem>>) target_semaphore(%run_scoped3A : memref<!tpu.dma_semaphore, #tpu.memory_space<semaphore_mem>>)
      %dma_wait3A_700 = arith.constant 0 : i32
      %dma_wait3A_701 = tpu.memref_slice %arg34[%add3A_677, %dma_wait3A_700] : memref<10112x128xf32, #tpu.memory_space<vmem_shared>> -> memref<120x128xf32, #tpu.memory_space<vmem_shared>>
      %dma_wait3A_702 = arith.constant 0 : i32
      %dma_wait3A_703 = tpu.memref_slice %arg34[%add3A_677, %dma_wait3A_702] : memref<10112x128xf32, #tpu.memory_space<vmem_shared>> -> memref<120x128xf32, #tpu.memory_space<vmem_shared>>
      tpu.wait_dma2 semaphore(%run_scoped3A : memref<!tpu.dma_semaphore, #tpu.memory_space<semaphore_mem>>) src(%dma_wait3A_703 : memref<120x128xf32, #tpu.memory_space<vmem_shared>>) dst(%arg19 : memref<120x128xf32, #tpu.memory_space<vmem>>)
      tpu.yield
    }) : () -> ()
    %add3A_678 = arith.constant 120 : i32
    %add3A_679 = arith.addi %add3A_671, %add3A_678 : i32
    "tpu.region"() ({
      %run_scoped3A = tpu.sem_alloc : memref<!tpu.dma_semaphore, #tpu.memory_space<semaphore_mem>>
      %dma_start3A_696 = arith.constant 0 : i32
      %dma_start3A_697 = tpu.memref_slice %arg6[%add3A_679, %dma_start3A_696] : memref<20224x128xf32, #tpu.memory_space<hbm>> -> memref<120x128xf32, #tpu.memory_space<hbm>>
      %dma_start3A_698 = arith.constant 0 : i32
      %dma_start3A_699 = tpu.memref_slice %arg6[%add3A_679, %dma_start3A_698] : memref<20224x128xf32, #tpu.memory_space<hbm>> -> memref<120x128xf32, #tpu.memory_space<hbm>>
      tpu.enqueue_dma source(%arg19 : memref<120x128xf32, #tpu.memory_space<vmem>>) target(%dma_start3A_699 : memref<120x128xf32, #tpu.memory_space<hbm>>) target_semaphore(%run_scoped3A : memref<!tpu.dma_semaphore, #tpu.memory_space<semaphore_mem>>)
      %dma_wait3A_700 = arith.constant 0 : i32
      %dma_wait3A_701 = tpu.memref_slice %arg6[%add3A_679, %dma_wait3A_700] : memref<20224x128xf32, #tpu.memory_space<hbm>> -> memref<120x128xf32, #tpu.memory_space<hbm>>
      %dma_wait3A_702 = arith.constant 0 : i32
      %dma_wait3A_703 = tpu.memref_slice %arg6[%add3A_679, %dma_wait3A_702] : memref<20224x128xf32, #tpu.memory_space<hbm>> -> memref<120x128xf32, #tpu.memory_space<hbm>>
      tpu.wait_dma2 semaphore(%run_scoped3A : memref<!tpu.dma_semaphore, #tpu.memory_space<semaphore_mem>>) src(%arg19 : memref<120x128xf32, #tpu.memory_space<vmem>>) dst(%dma_wait3A_703 : memref<120x128xf32, #tpu.memory_space<hbm>>)
      tpu.yield
    }) : () -> ()
    %add3A_680 = arith.constant 240 : i32
    %add3A_681 = arith.addi %mul3A_0, %add3A_680 : i32
    "tpu.region"() ({
      %run_scoped3A = tpu.sem_alloc : memref<!tpu.dma_semaphore, #tpu.memory_space<semaphore_mem>>
      %dma_start3A_696 = arith.constant 0 : i32
      %dma_start3A_697 = tpu.memref_slice %arg34[%add3A_681, %dma_start3A_696] : memref<10112x128xf32, #tpu.memory_space<vmem_shared>> -> memref<120x128xf32, #tpu.memory_space<vmem_shared>>
      %dma_start3A_698 = arith.constant 0 : i32
      %dma_start3A_699 = tpu.memref_slice %arg34[%add3A_681, %dma_start3A_698] : memref<10112x128xf32, #tpu.memory_space<vmem_shared>> -> memref<120x128xf32, #tpu.memory_space<vmem_shared>>
      tpu.enqueue_dma source(%dma_start3A_699 : memref<120x128xf32, #tpu.memory_space<vmem_shared>>) target(%arg19 : memref<120x128xf32, #tpu.memory_space<vmem>>) target_semaphore(%run_scoped3A : memref<!tpu.dma_semaphore, #tpu.memory_space<semaphore_mem>>)
      %dma_wait3A_700 = arith.constant 0 : i32
      %dma_wait3A_701 = tpu.memref_slice %arg34[%add3A_681, %dma_wait3A_700] : memref<10112x128xf32, #tpu.memory_space<vmem_shared>> -> memref<120x128xf32, #tpu.memory_space<vmem_shared>>
      %dma_wait3A_702 = arith.constant 0 : i32
      %dma_wait3A_703 = tpu.memref_slice %arg34[%add3A_681, %dma_wait3A_702] : memref<10112x128xf32, #tpu.memory_space<vmem_shared>> -> memref<120x128xf32, #tpu.memory_space<vmem_shared>>
      tpu.wait_dma2 semaphore(%run_scoped3A : memref<!tpu.dma_semaphore, #tpu.memory_space<semaphore_mem>>) src(%dma_wait3A_703 : memref<120x128xf32, #tpu.memory_space<vmem_shared>>) dst(%arg19 : memref<120x128xf32, #tpu.memory_space<vmem>>)
      tpu.yield
    }) : () -> ()
    %add3A_682 = arith.constant 240 : i32
    %add3A_683 = arith.addi %add3A_671, %add3A_682 : i32
    "tpu.region"() ({
      %run_scoped3A = tpu.sem_alloc : memref<!tpu.dma_semaphore, #tpu.memory_space<semaphore_mem>>
      %dma_start3A_696 = arith.constant 0 : i32
      %dma_start3A_697 = tpu.memref_slice %arg6[%add3A_683, %dma_start3A_696] : memref<20224x128xf32, #tpu.memory_space<hbm>> -> memref<120x128xf32, #tpu.memory_space<hbm>>
      %dma_start3A_698 = arith.constant 0 : i32
      %dma_start3A_699 = tpu.memref_slice %arg6[%add3A_683, %dma_start3A_698] : memref<20224x128xf32, #tpu.memory_space<hbm>> -> memref<120x128xf32, #tpu.memory_space<hbm>>
      tpu.enqueue_dma source(%arg19 : memref<120x128xf32, #tpu.memory_space<vmem>>) target(%dma_start3A_699 : memref<120x128xf32, #tpu.memory_space<hbm>>) target_semaphore(%run_scoped3A : memref<!tpu.dma_semaphore, #tpu.memory_space<semaphore_mem>>)
      %dma_wait3A_700 = arith.constant 0 : i32
      %dma_wait3A_701 = tpu.memref_slice %arg6[%add3A_683, %dma_wait3A_700] : memref<20224x128xf32, #tpu.memory_space<hbm>> -> memref<120x128xf32, #tpu.memory_space<hbm>>
      %dma_wait3A_702 = arith.constant 0 : i32
      %dma_wait3A_703 = tpu.memref_slice %arg6[%add3A_683, %dma_wait3A_702] : memref<20224x128xf32, #tpu.memory_space<hbm>> -> memref<120x128xf32, #tpu.memory_space<hbm>>
      tpu.wait_dma2 semaphore(%run_scoped3A : memref<!tpu.dma_semaphore, #tpu.memory_space<semaphore_mem>>) src(%arg19 : memref<120x128xf32, #tpu.memory_space<vmem>>) dst(%dma_wait3A_703 : memref<120x128xf32, #tpu.memory_space<hbm>>)
      tpu.yield
    }) : () -> ()
    %add3A_684 = arith.constant 360 : i32
    %add3A_685 = arith.addi %mul3A_0, %add3A_684 : i32
    "tpu.region"() ({
      %run_scoped3A = tpu.sem_alloc : memref<!tpu.dma_semaphore, #tpu.memory_space<semaphore_mem>>
      %dma_start3A_696 = arith.constant 0 : i32
      %dma_start3A_697 = tpu.memref_slice %arg34[%add3A_685, %dma_start3A_696] : memref<10112x128xf32, #tpu.memory_space<vmem_shared>> -> memref<120x128xf32, #tpu.memory_space<vmem_shared>>
      %dma_start3A_698 = arith.constant 0 : i32
      %dma_start3A_699 = tpu.memref_slice %arg34[%add3A_685, %dma_start3A_698] : memref<10112x128xf32, #tpu.memory_space<vmem_shared>> -> memref<120x128xf32, #tpu.memory_space<vmem_shared>>
      tpu.enqueue_dma source(%dma_start3A_699 : memref<120x128xf32, #tpu.memory_space<vmem_shared>>) target(%arg19 : memref<120x128xf32, #tpu.memory_space<vmem>>) target_semaphore(%run_scoped3A : memref<!tpu.dma_semaphore, #tpu.memory_space<semaphore_mem>>)
      %dma_wait3A_700 = arith.constant 0 : i32
      %dma_wait3A_701 = tpu.memref_slice %arg34[%add3A_685, %dma_wait3A_700] : memref<10112x128xf32, #tpu.memory_space<vmem_shared>> -> memref<120x128xf32, #tpu.memory_space<vmem_shared>>
      %dma_wait3A_702 = arith.constant 0 : i32
      %dma_wait3A_703 = tpu.memref_slice %arg34[%add3A_685, %dma_wait3A_702] : memref<10112x128xf32, #tpu.memory_space<vmem_shared>> -> memref<120x128xf32, #tpu.memory_space<vmem_shared>>
      tpu.wait_dma2 semaphore(%run_scoped3A : memref<!tpu.dma_semaphore, #tpu.memory_space<semaphore_mem>>) src(%dma_wait3A_703 : memref<120x128xf32, #tpu.memory_space<vmem_shared>>) dst(%arg19 : memref<120x128xf32, #tpu.memory_space<vmem>>)
      tpu.yield
    }) : () -> ()
    %add3A_686 = arith.constant 360 : i32
    %add3A_687 = arith.addi %add3A_671, %add3A_686 : i32
    "tpu.region"() ({
      %run_scoped3A = tpu.sem_alloc : memref<!tpu.dma_semaphore, #tpu.memory_space<semaphore_mem>>
      %dma_start3A_696 = arith.constant 0 : i32
      %dma_start3A_697 = tpu.memref_slice %arg6[%add3A_687, %dma_start3A_696] : memref<20224x128xf32, #tpu.memory_space<hbm>> -> memref<120x128xf32, #tpu.memory_space<hbm>>
      %dma_start3A_698 = arith.constant 0 : i32
      %dma_start3A_699 = tpu.memref_slice %arg6[%add3A_687, %dma_start3A_698] : memref<20224x128xf32, #tpu.memory_space<hbm>> -> memref<120x128xf32, #tpu.memory_space<hbm>>
      tpu.enqueue_dma source(%arg19 : memref<120x128xf32, #tpu.memory_space<vmem>>) target(%dma_start3A_699 : memref<120x128xf32, #tpu.memory_space<hbm>>) target_semaphore(%run_scoped3A : memref<!tpu.dma_semaphore, #tpu.memory_space<semaphore_mem>>)
      %dma_wait3A_700 = arith.constant 0 : i32
      %dma_wait3A_701 = tpu.memref_slice %arg6[%add3A_687, %dma_wait3A_700] : memref<20224x128xf32, #tpu.memory_space<hbm>> -> memref<120x128xf32, #tpu.memory_space<hbm>>
      %dma_wait3A_702 = arith.constant 0 : i32
      %dma_wait3A_703 = tpu.memref_slice %arg6[%add3A_687, %dma_wait3A_702] : memref<20224x128xf32, #tpu.memory_space<hbm>> -> memref<120x128xf32, #tpu.memory_space<hbm>>
      tpu.wait_dma2 semaphore(%run_scoped3A : memref<!tpu.dma_semaphore, #tpu.memory_space<semaphore_mem>>) src(%arg19 : memref<120x128xf32, #tpu.memory_space<vmem>>) dst(%dma_wait3A_703 : memref<120x128xf32, #tpu.memory_space<hbm>>)
      tpu.yield
    }) : () -> ()
    %add3A_688 = arith.constant 480 : i32
    %add3A_689 = arith.addi %mul3A_0, %add3A_688 : i32
    "tpu.region"() ({
      %run_scoped3A = tpu.sem_alloc : memref<!tpu.dma_semaphore, #tpu.memory_space<semaphore_mem>>
      %dma_start3A_696 = arith.constant 0 : i32
      %dma_start3A_697 = tpu.memref_slice %arg34[%add3A_689, %dma_start3A_696] : memref<10112x128xf32, #tpu.memory_space<vmem_shared>> -> memref<120x128xf32, #tpu.memory_space<vmem_shared>>
      %dma_start3A_698 = arith.constant 0 : i32
      %dma_start3A_699 = tpu.memref_slice %arg34[%add3A_689, %dma_start3A_698] : memref<10112x128xf32, #tpu.memory_space<vmem_shared>> -> memref<120x128xf32, #tpu.memory_space<vmem_shared>>
      tpu.enqueue_dma source(%dma_start3A_699 : memref<120x128xf32, #tpu.memory_space<vmem_shared>>) target(%arg19 : memref<120x128xf32, #tpu.memory_space<vmem>>) target_semaphore(%run_scoped3A : memref<!tpu.dma_semaphore, #tpu.memory_space<semaphore_mem>>)
      %dma_wait3A_700 = arith.constant 0 : i32
      %dma_wait3A_701 = tpu.memref_slice %arg34[%add3A_689, %dma_wait3A_700] : memref<10112x128xf32, #tpu.memory_space<vmem_shared>> -> memref<120x128xf32, #tpu.memory_space<vmem_shared>>
      %dma_wait3A_702 = arith.constant 0 : i32
      %dma_wait3A_703 = tpu.memref_slice %arg34[%add3A_689, %dma_wait3A_702] : memref<10112x128xf32, #tpu.memory_space<vmem_shared>> -> memref<120x128xf32, #tpu.memory_space<vmem_shared>>
      tpu.wait_dma2 semaphore(%run_scoped3A : memref<!tpu.dma_semaphore, #tpu.memory_space<semaphore_mem>>) src(%dma_wait3A_703 : memref<120x128xf32, #tpu.memory_space<vmem_shared>>) dst(%arg19 : memref<120x128xf32, #tpu.memory_space<vmem>>)
      tpu.yield
    }) : () -> ()
    %add3A_690 = arith.constant 480 : i32
    %add3A_691 = arith.addi %add3A_671, %add3A_690 : i32
    "tpu.region"() ({
      %run_scoped3A = tpu.sem_alloc : memref<!tpu.dma_semaphore, #tpu.memory_space<semaphore_mem>>
      %dma_start3A_696 = arith.constant 0 : i32
      %dma_start3A_697 = tpu.memref_slice %arg6[%add3A_691, %dma_start3A_696] : memref<20224x128xf32, #tpu.memory_space<hbm>> -> memref<120x128xf32, #tpu.memory_space<hbm>>
      %dma_start3A_698 = arith.constant 0 : i32
      %dma_start3A_699 = tpu.memref_slice %arg6[%add3A_691, %dma_start3A_698] : memref<20224x128xf32, #tpu.memory_space<hbm>> -> memref<120x128xf32, #tpu.memory_space<hbm>>
      tpu.enqueue_dma source(%arg19 : memref<120x128xf32, #tpu.memory_space<vmem>>) target(%dma_start3A_699 : memref<120x128xf32, #tpu.memory_space<hbm>>) target_semaphore(%run_scoped3A : memref<!tpu.dma_semaphore, #tpu.memory_space<semaphore_mem>>)
      %dma_wait3A_700 = arith.constant 0 : i32
      %dma_wait3A_701 = tpu.memref_slice %arg6[%add3A_691, %dma_wait3A_700] : memref<20224x128xf32, #tpu.memory_space<hbm>> -> memref<120x128xf32, #tpu.memory_space<hbm>>
      %dma_wait3A_702 = arith.constant 0 : i32
      %dma_wait3A_703 = tpu.memref_slice %arg6[%add3A_691, %dma_wait3A_702] : memref<20224x128xf32, #tpu.memory_space<hbm>> -> memref<120x128xf32, #tpu.memory_space<hbm>>
      tpu.wait_dma2 semaphore(%run_scoped3A : memref<!tpu.dma_semaphore, #tpu.memory_space<semaphore_mem>>) src(%arg19 : memref<120x128xf32, #tpu.memory_space<vmem>>) dst(%dma_wait3A_703 : memref<120x128xf32, #tpu.memory_space<hbm>>)
      tpu.yield
    }) : () -> ()
    %add3A_692 = arith.constant 600 : i32
    %add3A_693 = arith.addi %mul3A_0, %add3A_692 : i32
    "tpu.region"() ({
      %run_scoped3A = tpu.sem_alloc : memref<!tpu.dma_semaphore, #tpu.memory_space<semaphore_mem>>
      %dma_start3A_696 = arith.constant 0 : i32
      %dma_start3A_697 = arith.constant 0 : i32
      %dma_start3A_698 = tpu.memref_slice %arg19[%dma_start3A_696, %dma_start3A_697] : memref<120x128xf32, #tpu.memory_space<vmem>> -> memref<32x128xf32, #tpu.memory_space<vmem>>
      %dma_start3A_699 = arith.constant 0 : i32
      %dma_start3A_700 = tpu.memref_slice %arg34[%add3A_693, %dma_start3A_699] : memref<10112x128xf32, #tpu.memory_space<vmem_shared>> -> memref<32x128xf32, #tpu.memory_space<vmem_shared>>
      %dma_start3A_701 = arith.constant 0 : i32
      %dma_start3A_702 = arith.constant 0 : i32
      %dma_start3A_703 = tpu.memref_slice %arg19[%dma_start3A_701, %dma_start3A_702] : memref<120x128xf32, #tpu.memory_space<vmem>> -> memref<32x128xf32, #tpu.memory_space<vmem>>
      %dma_start3A_704 = arith.constant 0 : i32
      %dma_start3A_705 = tpu.memref_slice %arg34[%add3A_693, %dma_start3A_704] : memref<10112x128xf32, #tpu.memory_space<vmem_shared>> -> memref<32x128xf32, #tpu.memory_space<vmem_shared>>
      tpu.enqueue_dma source(%dma_start3A_705 : memref<32x128xf32, #tpu.memory_space<vmem_shared>>) target(%dma_start3A_703 : memref<32x128xf32, #tpu.memory_space<vmem>>) target_semaphore(%run_scoped3A : memref<!tpu.dma_semaphore, #tpu.memory_space<semaphore_mem>>)
      %dma_wait3A_706 = arith.constant 0 : i32
      %dma_wait3A_707 = arith.constant 0 : i32
      %dma_wait3A_708 = tpu.memref_slice %arg19[%dma_wait3A_706, %dma_wait3A_707] : memref<120x128xf32, #tpu.memory_space<vmem>> -> memref<32x128xf32, #tpu.memory_space<vmem>>
      %dma_wait3A_709 = arith.constant 0 : i32
      %dma_wait3A_710 = tpu.memref_slice %arg34[%add3A_693, %dma_wait3A_709] : memref<10112x128xf32, #tpu.memory_space<vmem_shared>> -> memref<32x128xf32, #tpu.memory_space<vmem_shared>>
      %dma_wait3A_711 = arith.constant 0 : i32
      %dma_wait3A_712 = arith.constant 0 : i32
      %dma_wait3A_713 = tpu.memref_slice %arg19[%dma_wait3A_711, %dma_wait3A_712] : memref<120x128xf32, #tpu.memory_space<vmem>> -> memref<32x128xf32, #tpu.memory_space<vmem>>
      %dma_wait3A_714 = arith.constant 0 : i32
      %dma_wait3A_715 = tpu.memref_slice %arg34[%add3A_693, %dma_wait3A_714] : memref<10112x128xf32, #tpu.memory_space<vmem_shared>> -> memref<32x128xf32, #tpu.memory_space<vmem_shared>>
      tpu.wait_dma2 semaphore(%run_scoped3A : memref<!tpu.dma_semaphore, #tpu.memory_space<semaphore_mem>>) src(%dma_wait3A_715 : memref<32x128xf32, #tpu.memory_space<vmem_shared>>) dst(%dma_wait3A_713 : memref<32x128xf32, #tpu.memory_space<vmem>>)
      tpu.yield
    }) : () -> ()
    %add3A_694 = arith.constant 600 : i32
    %add3A_695 = arith.addi %add3A_671, %add3A_694 : i32
    "tpu.region"() ({
      %run_scoped3A = tpu.sem_alloc : memref<!tpu.dma_semaphore, #tpu.memory_space<semaphore_mem>>
      %dma_start3A_696 = arith.constant 0 : i32
      %dma_start3A_697 = arith.constant 0 : i32
      %dma_start3A_698 = tpu.memref_slice %arg19[%dma_start3A_696, %dma_start3A_697] : memref<120x128xf32, #tpu.memory_space<vmem>> -> memref<32x128xf32, #tpu.memory_space<vmem>>
      %dma_start3A_699 = arith.constant 0 : i32
      %dma_start3A_700 = tpu.memref_slice %arg6[%add3A_695, %dma_start3A_699] : memref<20224x128xf32, #tpu.memory_space<hbm>> -> memref<32x128xf32, #tpu.memory_space<hbm>>
      %dma_start3A_701 = arith.constant 0 : i32
      %dma_start3A_702 = tpu.memref_slice %arg6[%add3A_695, %dma_start3A_701] : memref<20224x128xf32, #tpu.memory_space<hbm>> -> memref<32x128xf32, #tpu.memory_space<hbm>>
      %dma_start3A_703 = arith.constant 0 : i32
      %dma_start3A_704 = arith.constant 0 : i32
      %dma_start3A_705 = tpu.memref_slice %arg19[%dma_start3A_703, %dma_start3A_704] : memref<120x128xf32, #tpu.memory_space<vmem>> -> memref<32x128xf32, #tpu.memory_space<vmem>>
      tpu.enqueue_dma source(%dma_start3A_705 : memref<32x128xf32, #tpu.memory_space<vmem>>) target(%dma_start3A_702 : memref<32x128xf32, #tpu.memory_space<hbm>>) target_semaphore(%run_scoped3A : memref<!tpu.dma_semaphore, #tpu.memory_space<semaphore_mem>>)
      %dma_wait3A_706 = arith.constant 0 : i32
      %dma_wait3A_707 = arith.constant 0 : i32
      %dma_wait3A_708 = tpu.memref_slice %arg19[%dma_wait3A_706, %dma_wait3A_707] : memref<120x128xf32, #tpu.memory_space<vmem>> -> memref<32x128xf32, #tpu.memory_space<vmem>>
      %dma_wait3A_709 = arith.constant 0 : i32
      %dma_wait3A_710 = tpu.memref_slice %arg6[%add3A_695, %dma_wait3A_709] : memref<20224x128xf32, #tpu.memory_space<hbm>> -> memref<32x128xf32, #tpu.memory_space<hbm>>
      %dma_wait3A_711 = arith.constant 0 : i32
      %dma_wait3A_712 = tpu.memref_slice %arg6[%add3A_695, %dma_wait3A_711] : memref<20224x128xf32, #tpu.memory_space<hbm>> -> memref<32x128xf32, #tpu.memory_space<hbm>>
      %dma_wait3A_713 = arith.constant 0 : i32
      %dma_wait3A_714 = arith.constant 0 : i32
      %dma_wait3A_715 = tpu.memref_slice %arg19[%dma_wait3A_713, %dma_wait3A_714] : memref<120x128xf32, #tpu.memory_space<vmem>> -> memref<32x128xf32, #tpu.memory_space<vmem>>
      tpu.wait_dma2 semaphore(%run_scoped3A : memref<!tpu.dma_semaphore, #tpu.memory_space<semaphore_mem>>) src(%dma_wait3A_715 : memref<32x128xf32, #tpu.memory_space<vmem>>) dst(%dma_wait3A_712 : memref<32x128xf32, #tpu.memory_space<hbm>>)
      tpu.yield
    }) : () -> ()
    return
  }
}

#map = affine_map<(d0, d1) -> (0)>
#map1 = affine_map<(d0, d1) -> (0, 0)>
module attributes {stable_mosaic.version = 14 : i64} {
  func.func @_sc_degree(%arg0: i32, %arg1: i32, %arg2: memref<161280xi32, #tpu.memory_space<hbm>>, %arg3: memref<128x128xf32, #tpu.memory_space<hbm>>, %arg4: memref<128x128xf32, #tpu.memory_space<hbm>>, %arg5: memref<20224x128xf32, #tpu.memory_space<hbm>>, %arg6: memref<120xi32, #tpu.memory_space<vmem>>, %arg7: memref<120xi32, #tpu.memory_space<vmem>>, %arg8: memref<128x128xf32, #tpu.memory_space<vmem>>, %arg9: memref<!tpu.dma_semaphore, #tpu.memory_space<semaphore_mem>>, %arg10: memref<!tpu.dma_semaphore, #tpu.memory_space<semaphore_mem>>, %arg11: memref<10112x128xf32, #tpu.memory_space<vmem_shared>>) attributes {dimension_semantics = [#tpu.dimension_semantics<core_parallel>, #tpu.dimension_semantics<subcore_parallel>], iteration_bounds = array<i64: 2, 16>, scalar_prefetch = 0 : i64, scratch_operands = 6 : i64, tpu.core_type = #tpu.core_type<sc_vector_subcore>, window_params = [{transform_indices = #map}, {transform_indices = #map1}, {transform_indices = #map1}, {transform_indices = #map1}]} {
    %mul3A = arith.constant 632 : i32
    %mul3A_0 = arith.muli %arg1, %mul3A : i32
    "tpu.region"() ({
      %run_scoped3A = tpu.sem_alloc : memref<!tpu.dma_semaphore, #tpu.memory_space<semaphore_mem>>
      tpu.enqueue_dma source(%arg3 : memref<128x128xf32, #tpu.memory_space<hbm>>) target(%arg8 : memref<128x128xf32, #tpu.memory_space<vmem>>) target_semaphore(%run_scoped3A : memref<!tpu.dma_semaphore, #tpu.memory_space<semaphore_mem>>)
      tpu.wait_dma2 semaphore(%run_scoped3A : memref<!tpu.dma_semaphore, #tpu.memory_space<semaphore_mem>>) src(%arg3 : memref<128x128xf32, #tpu.memory_space<hbm>>) dst(%arg8 : memref<128x128xf32, #tpu.memory_space<vmem>>)
      tpu.yield
    }) : () -> ()
    %add3A = arith.constant 0 : i32
    %add3A_1 = arith.addi %mul3A_0, %add3A : i32
    "tpu.region"() ({
      %run_scoped3A = tpu.sem_alloc : memref<!tpu.dma_semaphore, #tpu.memory_space<semaphore_mem>>
      %dma_start3A_64 = arith.constant 0 : i32
      %dma_start3A_65 = tpu.memref_slice %arg11[%add3A_1, %dma_start3A_64] : memref<10112x128xf32, #tpu.memory_space<vmem_shared>> -> memref<128x128xf32, #tpu.memory_space<vmem_shared>>
      %dma_start3A_66 = arith.constant 0 : i32
      %dma_start3A_67 = tpu.memref_slice %arg11[%add3A_1, %dma_start3A_66] : memref<10112x128xf32, #tpu.memory_space<vmem_shared>> -> memref<128x128xf32, #tpu.memory_space<vmem_shared>>
      tpu.enqueue_dma source(%arg8 : memref<128x128xf32, #tpu.memory_space<vmem>>) target(%dma_start3A_67 : memref<128x128xf32, #tpu.memory_space<vmem_shared>>) target_semaphore(%run_scoped3A : memref<!tpu.dma_semaphore, #tpu.memory_space<semaphore_mem>>)
      %dma_wait3A_68 = arith.constant 0 : i32
      %dma_wait3A_69 = tpu.memref_slice %arg11[%add3A_1, %dma_wait3A_68] : memref<10112x128xf32, #tpu.memory_space<vmem_shared>> -> memref<128x128xf32, #tpu.memory_space<vmem_shared>>
      %dma_wait3A_70 = arith.constant 0 : i32
      %dma_wait3A_71 = tpu.memref_slice %arg11[%add3A_1, %dma_wait3A_70] : memref<10112x128xf32, #tpu.memory_space<vmem_shared>> -> memref<128x128xf32, #tpu.memory_space<vmem_shared>>
      tpu.wait_dma2 semaphore(%run_scoped3A : memref<!tpu.dma_semaphore, #tpu.memory_space<semaphore_mem>>) src(%arg8 : memref<128x128xf32, #tpu.memory_space<vmem>>) dst(%dma_wait3A_71 : memref<128x128xf32, #tpu.memory_space<vmem_shared>>)
      tpu.yield
    }) : () -> ()
    %add3A_2 = arith.constant 128 : i32
    %add3A_3 = arith.addi %mul3A_0, %add3A_2 : i32
    "tpu.region"() ({
      %run_scoped3A = tpu.sem_alloc : memref<!tpu.dma_semaphore, #tpu.memory_space<semaphore_mem>>
      %dma_start3A_64 = arith.constant 0 : i32
      %dma_start3A_65 = tpu.memref_slice %arg11[%add3A_3, %dma_start3A_64] : memref<10112x128xf32, #tpu.memory_space<vmem_shared>> -> memref<128x128xf32, #tpu.memory_space<vmem_shared>>
      %dma_start3A_66 = arith.constant 0 : i32
      %dma_start3A_67 = tpu.memref_slice %arg11[%add3A_3, %dma_start3A_66] : memref<10112x128xf32, #tpu.memory_space<vmem_shared>> -> memref<128x128xf32, #tpu.memory_space<vmem_shared>>
      tpu.enqueue_dma source(%arg8 : memref<128x128xf32, #tpu.memory_space<vmem>>) target(%dma_start3A_67 : memref<128x128xf32, #tpu.memory_space<vmem_shared>>) target_semaphore(%run_scoped3A : memref<!tpu.dma_semaphore, #tpu.memory_space<semaphore_mem>>)
      %dma_wait3A_68 = arith.constant 0 : i32
      %dma_wait3A_69 = tpu.memref_slice %arg11[%add3A_3, %dma_wait3A_68] : memref<10112x128xf32, #tpu.memory_space<vmem_shared>> -> memref<128x128xf32, #tpu.memory_space<vmem_shared>>
      %dma_wait3A_70 = arith.constant 0 : i32
      %dma_wait3A_71 = tpu.memref_slice %arg11[%add3A_3, %dma_wait3A_70] : memref<10112x128xf32, #tpu.memory_space<vmem_shared>> -> memref<128x128xf32, #tpu.memory_space<vmem_shared>>
      tpu.wait_dma2 semaphore(%run_scoped3A : memref<!tpu.dma_semaphore, #tpu.memory_space<semaphore_mem>>) src(%arg8 : memref<128x128xf32, #tpu.memory_space<vmem>>) dst(%dma_wait3A_71 : memref<128x128xf32, #tpu.memory_space<vmem_shared>>)
      tpu.yield
    }) : () -> ()
    %add3A_4 = arith.constant 256 : i32
    %add3A_5 = arith.addi %mul3A_0, %add3A_4 : i32
    "tpu.region"() ({
      %run_scoped3A = tpu.sem_alloc : memref<!tpu.dma_semaphore, #tpu.memory_space<semaphore_mem>>
      %dma_start3A_64 = arith.constant 0 : i32
      %dma_start3A_65 = tpu.memref_slice %arg11[%add3A_5, %dma_start3A_64] : memref<10112x128xf32, #tpu.memory_space<vmem_shared>> -> memref<128x128xf32, #tpu.memory_space<vmem_shared>>
      %dma_start3A_66 = arith.constant 0 : i32
      %dma_start3A_67 = tpu.memref_slice %arg11[%add3A_5, %dma_start3A_66] : memref<10112x128xf32, #tpu.memory_space<vmem_shared>> -> memref<128x128xf32, #tpu.memory_space<vmem_shared>>
      tpu.enqueue_dma source(%arg8 : memref<128x128xf32, #tpu.memory_space<vmem>>) target(%dma_start3A_67 : memref<128x128xf32, #tpu.memory_space<vmem_shared>>) target_semaphore(%run_scoped3A : memref<!tpu.dma_semaphore, #tpu.memory_space<semaphore_mem>>)
      %dma_wait3A_68 = arith.constant 0 : i32
      %dma_wait3A_69 = tpu.memref_slice %arg11[%add3A_5, %dma_wait3A_68] : memref<10112x128xf32, #tpu.memory_space<vmem_shared>> -> memref<128x128xf32, #tpu.memory_space<vmem_shared>>
      %dma_wait3A_70 = arith.constant 0 : i32
      %dma_wait3A_71 = tpu.memref_slice %arg11[%add3A_5, %dma_wait3A_70] : memref<10112x128xf32, #tpu.memory_space<vmem_shared>> -> memref<128x128xf32, #tpu.memory_space<vmem_shared>>
      tpu.wait_dma2 semaphore(%run_scoped3A : memref<!tpu.dma_semaphore, #tpu.memory_space<semaphore_mem>>) src(%arg8 : memref<128x128xf32, #tpu.memory_space<vmem>>) dst(%dma_wait3A_71 : memref<128x128xf32, #tpu.memory_space<vmem_shared>>)
      tpu.yield
    }) : () -> ()
    %add3A_6 = arith.constant 384 : i32
    %add3A_7 = arith.addi %mul3A_0, %add3A_6 : i32
    "tpu.region"() ({
      %run_scoped3A = tpu.sem_alloc : memref<!tpu.dma_semaphore, #tpu.memory_space<semaphore_mem>>
      %dma_start3A_64 = arith.constant 0 : i32
      %dma_start3A_65 = tpu.memref_slice %arg11[%add3A_7, %dma_start3A_64] : memref<10112x128xf32, #tpu.memory_space<vmem_shared>> -> memref<128x128xf32, #tpu.memory_space<vmem_shared>>
      %dma_start3A_66 = arith.constant 0 : i32
      %dma_start3A_67 = tpu.memref_slice %arg11[%add3A_7, %dma_start3A_66] : memref<10112x128xf32, #tpu.memory_space<vmem_shared>> -> memref<128x128xf32, #tpu.memory_space<vmem_shared>>
      tpu.enqueue_dma source(%arg8 : memref<128x128xf32, #tpu.memory_space<vmem>>) target(%dma_start3A_67 : memref<128x128xf32, #tpu.memory_space<vmem_shared>>) target_semaphore(%run_scoped3A : memref<!tpu.dma_semaphore, #tpu.memory_space<semaphore_mem>>)
      %dma_wait3A_68 = arith.constant 0 : i32
      %dma_wait3A_69 = tpu.memref_slice %arg11[%add3A_7, %dma_wait3A_68] : memref<10112x128xf32, #tpu.memory_space<vmem_shared>> -> memref<128x128xf32, #tpu.memory_space<vmem_shared>>
      %dma_wait3A_70 = arith.constant 0 : i32
      %dma_wait3A_71 = tpu.memref_slice %arg11[%add3A_7, %dma_wait3A_70] : memref<10112x128xf32, #tpu.memory_space<vmem_shared>> -> memref<128x128xf32, #tpu.memory_space<vmem_shared>>
      tpu.wait_dma2 semaphore(%run_scoped3A : memref<!tpu.dma_semaphore, #tpu.memory_space<semaphore_mem>>) src(%arg8 : memref<128x128xf32, #tpu.memory_space<vmem>>) dst(%dma_wait3A_71 : memref<128x128xf32, #tpu.memory_space<vmem_shared>>)
      tpu.yield
    }) : () -> ()
    %add3A_8 = arith.constant 512 : i32
    %add3A_9 = arith.addi %mul3A_0, %add3A_8 : i32
    "tpu.region"() ({
      %run_scoped3A = tpu.sem_alloc : memref<!tpu.dma_semaphore, #tpu.memory_space<semaphore_mem>>
      %dma_start3A_64 = arith.constant 0 : i32
      %dma_start3A_65 = arith.constant 0 : i32
      %dma_start3A_66 = tpu.memref_slice %arg8[%dma_start3A_64, %dma_start3A_65] : memref<128x128xf32, #tpu.memory_space<vmem>> -> memref<120x128xf32, #tpu.memory_space<vmem>>
      %dma_start3A_67 = arith.constant 0 : i32
      %dma_start3A_68 = tpu.memref_slice %arg11[%add3A_9, %dma_start3A_67] : memref<10112x128xf32, #tpu.memory_space<vmem_shared>> -> memref<120x128xf32, #tpu.memory_space<vmem_shared>>
      %dma_start3A_69 = arith.constant 0 : i32
      %dma_start3A_70 = tpu.memref_slice %arg11[%add3A_9, %dma_start3A_69] : memref<10112x128xf32, #tpu.memory_space<vmem_shared>> -> memref<120x128xf32, #tpu.memory_space<vmem_shared>>
      %dma_start3A_71 = arith.constant 0 : i32
      %dma_start3A_72 = arith.constant 0 : i32
      %dma_start3A_73 = tpu.memref_slice %arg8[%dma_start3A_71, %dma_start3A_72] : memref<128x128xf32, #tpu.memory_space<vmem>> -> memref<120x128xf32, #tpu.memory_space<vmem>>
      tpu.enqueue_dma source(%dma_start3A_73 : memref<120x128xf32, #tpu.memory_space<vmem>>) target(%dma_start3A_70 : memref<120x128xf32, #tpu.memory_space<vmem_shared>>) target_semaphore(%run_scoped3A : memref<!tpu.dma_semaphore, #tpu.memory_space<semaphore_mem>>)
      %dma_wait3A_74 = arith.constant 0 : i32
      %dma_wait3A_75 = arith.constant 0 : i32
      %dma_wait3A_76 = tpu.memref_slice %arg8[%dma_wait3A_74, %dma_wait3A_75] : memref<128x128xf32, #tpu.memory_space<vmem>> -> memref<120x128xf32, #tpu.memory_space<vmem>>
      %dma_wait3A_77 = arith.constant 0 : i32
      %dma_wait3A_78 = tpu.memref_slice %arg11[%add3A_9, %dma_wait3A_77] : memref<10112x128xf32, #tpu.memory_space<vmem_shared>> -> memref<120x128xf32, #tpu.memory_space<vmem_shared>>
      %dma_wait3A_79 = arith.constant 0 : i32
      %dma_wait3A_80 = tpu.memref_slice %arg11[%add3A_9, %dma_wait3A_79] : memref<10112x128xf32, #tpu.memory_space<vmem_shared>> -> memref<120x128xf32, #tpu.memory_space<vmem_shared>>
      %dma_wait3A_81 = arith.constant 0 : i32
      %dma_wait3A_82 = arith.constant 0 : i32
      %dma_wait3A_83 = tpu.memref_slice %arg8[%dma_wait3A_81, %dma_wait3A_82] : memref<128x128xf32, #tpu.memory_space<vmem>> -> memref<120x128xf32, #tpu.memory_space<vmem>>
      tpu.wait_dma2 semaphore(%run_scoped3A : memref<!tpu.dma_semaphore, #tpu.memory_space<semaphore_mem>>) src(%dma_wait3A_83 : memref<120x128xf32, #tpu.memory_space<vmem>>) dst(%dma_wait3A_80 : memref<120x128xf32, #tpu.memory_space<vmem_shared>>)
      tpu.yield
    }) : () -> ()
    "tpu.region"() ({
      %run_scoped3A = tpu.sem_alloc : memref<!tpu.dma_semaphore, #tpu.memory_space<semaphore_mem>>
      tpu.enqueue_dma source(%arg4 : memref<128x128xf32, #tpu.memory_space<hbm>>) target(%arg8 : memref<128x128xf32, #tpu.memory_space<vmem>>) target_semaphore(%run_scoped3A : memref<!tpu.dma_semaphore, #tpu.memory_space<semaphore_mem>>)
      tpu.wait_dma2 semaphore(%run_scoped3A : memref<!tpu.dma_semaphore, #tpu.memory_space<semaphore_mem>>) src(%arg4 : memref<128x128xf32, #tpu.memory_space<hbm>>) dst(%arg8 : memref<128x128xf32, #tpu.memory_space<vmem>>)
      tpu.yield
    }) : () -> ()
    %barrier3A = arith.constant 0 : index
    tpu.barrier barrier_id(%barrier3A)
    %mul3A_10 = arith.constant 80640 : i32
    %mul3A_11 = arith.muli %arg0, %mul3A_10 : i32
    %mul3A_12 = arith.constant 42 : i32
    %mul3A_13 = arith.muli %arg1, %mul3A_12 : i32
    %add3A_14 = arith.constant 0 : i32
    %add3A_15 = arith.addi %mul3A_13, %add3A_14 : i32
    %mul3A_16 = arith.constant 120 : i32
    %mul3A_17 = arith.muli %add3A_15, %mul3A_16 : i32
    %add3A_18 = arith.addi %mul3A_11, %mul3A_17 : i32
    "tpu.region"() ({
      %run_scoped3A = tpu.sem_alloc : memref<!tpu.dma_semaphore, #tpu.memory_space<semaphore_mem>>
      %dma_start3A_64 = tpu.memref_slice %arg2[%add3A_18] : memref<161280xi32, #tpu.memory_space<hbm>> -> memref<120xi32, #tpu.memory_space<hbm>>
      %dma_start3A_65 = tpu.memref_slice %arg2[%add3A_18] : memref<161280xi32, #tpu.memory_space<hbm>> -> memref<120xi32, #tpu.memory_space<hbm>>
      tpu.enqueue_dma source(%dma_start3A_65 : memref<120xi32, #tpu.memory_space<hbm>>) target(%arg6 : memref<120xi32, #tpu.memory_space<vmem>>) target_semaphore(%run_scoped3A : memref<!tpu.dma_semaphore, #tpu.memory_space<semaphore_mem>>)
      %dma_wait3A_66 = tpu.memref_slice %arg2[%add3A_18] : memref<161280xi32, #tpu.memory_space<hbm>> -> memref<120xi32, #tpu.memory_space<hbm>>
      %dma_wait3A_67 = tpu.memref_slice %arg2[%add3A_18] : memref<161280xi32, #tpu.memory_space<hbm>> -> memref<120xi32, #tpu.memory_space<hbm>>
      tpu.wait_dma2 semaphore(%run_scoped3A : memref<!tpu.dma_semaphore, #tpu.memory_space<semaphore_mem>>) src(%dma_wait3A_67 : memref<120xi32, #tpu.memory_space<hbm>>) dst(%arg6 : memref<120xi32, #tpu.memory_space<vmem>>)
      tpu.yield
    }) : () -> ()
    %mul3A_19 = arith.constant 42 : i32
    %mul3A_20 = arith.muli %arg1, %mul3A_19 : i32
    %add3A_21 = arith.constant 1 : i32
    %add3A_22 = arith.addi %mul3A_20, %add3A_21 : i32
    %mul3A_23 = arith.constant 120 : i32
    %mul3A_24 = arith.muli %add3A_22, %mul3A_23 : i32
    %add3A_25 = arith.addi %mul3A_11, %mul3A_24 : i32
    %dma_start3A = tpu.memref_slice %arg2[%add3A_25] : memref<161280xi32, #tpu.memory_space<hbm>> -> memref<120xi32, #tpu.memory_space<hbm>>
    %dma_start3A_26 = tpu.memref_slice %arg2[%add3A_25] : memref<161280xi32, #tpu.memory_space<hbm>> -> memref<120xi32, #tpu.memory_space<hbm>>
    tpu.enqueue_dma source(%dma_start3A_26 : memref<120xi32, #tpu.memory_space<hbm>>) target(%arg7 : memref<120xi32, #tpu.memory_space<vmem>>) target_semaphore(%arg10 : memref<!tpu.dma_semaphore, #tpu.memory_space<semaphore_mem>>)
    %scan3A = arith.constant 0 : i32
    %scan3A_27 = arith.constant 0 : i32
    %scan3A_28 = arith.constant 20 : i32
    %scan3A_29 = arith.addi %scan3A_27, %scan3A_28 : i32
    %scan3A_30 = arith.constant 1 : i32
    scf.for %scan3A_64 = %scan3A_27 to %scan3A_29 step %scan3A_30  : i32 {
      "tpu.region"() ({
        %run_scoped3A = tpu.sem_alloc : memref<!tpu.dma_semaphore, #tpu.memory_space<semaphore_mem>>
        %dma_start3A_113 = arith.constant 0 : i32
        %dma_start3A_114 = arith.constant 0 : i32
        %dma_start3A_115 = tpu.memref_slice %arg8[%dma_start3A_113, %dma_start3A_114] : memref<128x128xf32, #tpu.memory_space<vmem>> -> memref<120x128xf32, #tpu.memory_space<vmem>>
        %dma_start3A_116 = arith.constant 0 : i32
        %dma_start3A_117 = arith.constant 0 : i32
        %dma_start3A_118 = tpu.memref_slice %arg11[%dma_start3A_116, %dma_start3A_117] : memref<10112x128xf32, #tpu.memory_space<vmem_shared>> -> memref<10112x128xf32, #tpu.memory_space<vmem_shared>>
        tpu.enqueue_indirect_dma source(%dma_start3A_115 : memref<120x128xf32, #tpu.memory_space<vmem>>) target(%dma_start3A_118 : memref<10112x128xf32, #tpu.memory_space<vmem_shared>>) offsets(%arg6 : memref<120xi32, #tpu.memory_space<vmem>>) semaphore(%run_scoped3A : memref<!tpu.dma_semaphore, #tpu.memory_space<semaphore_mem>>) {add = true}
        %dma_wait3A_119 = arith.constant 0 : i32
        %dma_wait3A_120 = arith.constant 0 : i32
        %dma_wait3A_121 = tpu.memref_slice %arg8[%dma_wait3A_119, %dma_wait3A_120] : memref<128x128xf32, #tpu.memory_space<vmem>> -> memref<120x128xf32, #tpu.memory_space<vmem>>
        %dma_wait3A_122 = arith.constant 0 : i32
        %dma_wait3A_123 = arith.constant 0 : i32
        %dma_wait3A_124 = tpu.memref_slice %arg11[%dma_wait3A_122, %dma_wait3A_123] : memref<10112x128xf32, #tpu.memory_space<vmem_shared>> -> memref<10112x128xf32, #tpu.memory_space<vmem_shared>>
        tpu.wait_indirect_dma semaphore(%run_scoped3A : memref<!tpu.dma_semaphore, #tpu.memory_space<semaphore_mem>>) src(%dma_wait3A_121 : memref<120x128xf32, #tpu.memory_space<vmem>>) dst(%dma_wait3A_124 : memref<10112x128xf32, #tpu.memory_space<vmem_shared>>)
        tpu.yield
      }) : () -> ()
      %mul3A_65 = arith.constant 2 : i32
      %mul3A_66 = arith.muli %mul3A_65, %scan3A_64 : i32
      %add3A_67 = arith.constant 1 : i32
      %add3A_68 = arith.addi %mul3A_66, %add3A_67 : i32
      %mul3A_69 = arith.constant 42 : i32
      %mul3A_70 = arith.muli %arg1, %mul3A_69 : i32
      %add3A_71 = arith.addi %mul3A_70, %add3A_68 : i32
      %mul3A_72 = arith.constant 120 : i32
      %mul3A_73 = arith.muli %add3A_71, %mul3A_72 : i32
      %add3A_74 = arith.addi %mul3A_11, %mul3A_73 : i32
      %dma_wait3A_75 = tpu.memref_slice %arg2[%add3A_74] : memref<161280xi32, #tpu.memory_space<hbm>> -> memref<120xi32, #tpu.memory_space<hbm>>
      %dma_wait3A_76 = tpu.memref_slice %arg2[%add3A_74] : memref<161280xi32, #tpu.memory_space<hbm>> -> memref<120xi32, #tpu.memory_space<hbm>>
      tpu.wait_dma2 semaphore(%arg10 : memref<!tpu.dma_semaphore, #tpu.memory_space<semaphore_mem>>) src(%dma_wait3A_76 : memref<120xi32, #tpu.memory_space<hbm>>) dst(%arg7 : memref<120xi32, #tpu.memory_space<vmem>>)
      %mul3A_77 = arith.constant 2 : i32
      %mul3A_78 = arith.muli %mul3A_77, %scan3A_64 : i32
      %add3A_79 = arith.constant 2 : i32
      %add3A_80 = arith.addi %mul3A_78, %add3A_79 : i32
      %mul3A_81 = arith.constant 42 : i32
      %mul3A_82 = arith.muli %arg1, %mul3A_81 : i32
      %add3A_83 = arith.addi %mul3A_82, %add3A_80 : i32
      %mul3A_84 = arith.constant 120 : i32
      %mul3A_85 = arith.muli %add3A_83, %mul3A_84 : i32
      %add3A_86 = arith.addi %mul3A_11, %mul3A_85 : i32
      %dma_start3A_87 = tpu.memref_slice %arg2[%add3A_86] : memref<161280xi32, #tpu.memory_space<hbm>> -> memref<120xi32, #tpu.memory_space<hbm>>
      %dma_start3A_88 = tpu.memref_slice %arg2[%add3A_86] : memref<161280xi32, #tpu.memory_space<hbm>> -> memref<120xi32, #tpu.memory_space<hbm>>
      tpu.enqueue_dma source(%dma_start3A_88 : memref<120xi32, #tpu.memory_space<hbm>>) target(%arg6 : memref<120xi32, #tpu.memory_space<vmem>>) target_semaphore(%arg9 : memref<!tpu.dma_semaphore, #tpu.memory_space<semaphore_mem>>)
      "tpu.region"() ({
        %run_scoped3A = tpu.sem_alloc : memref<!tpu.dma_semaphore, #tpu.memory_space<semaphore_mem>>
        %dma_start3A_113 = arith.constant 0 : i32
        %dma_start3A_114 = arith.constant 0 : i32
        %dma_start3A_115 = tpu.memref_slice %arg8[%dma_start3A_113, %dma_start3A_114] : memref<128x128xf32, #tpu.memory_space<vmem>> -> memref<120x128xf32, #tpu.memory_space<vmem>>
        %dma_start3A_116 = arith.constant 0 : i32
        %dma_start3A_117 = arith.constant 0 : i32
        %dma_start3A_118 = tpu.memref_slice %arg11[%dma_start3A_116, %dma_start3A_117] : memref<10112x128xf32, #tpu.memory_space<vmem_shared>> -> memref<10112x128xf32, #tpu.memory_space<vmem_shared>>
        tpu.enqueue_indirect_dma source(%dma_start3A_115 : memref<120x128xf32, #tpu.memory_space<vmem>>) target(%dma_start3A_118 : memref<10112x128xf32, #tpu.memory_space<vmem_shared>>) offsets(%arg7 : memref<120xi32, #tpu.memory_space<vmem>>) semaphore(%run_scoped3A : memref<!tpu.dma_semaphore, #tpu.memory_space<semaphore_mem>>) {add = true}
        %dma_wait3A_119 = arith.constant 0 : i32
        %dma_wait3A_120 = arith.constant 0 : i32
        %dma_wait3A_121 = tpu.memref_slice %arg8[%dma_wait3A_119, %dma_wait3A_120] : memref<128x128xf32, #tpu.memory_space<vmem>> -> memref<120x128xf32, #tpu.memory_space<vmem>>
        %dma_wait3A_122 = arith.constant 0 : i32
        %dma_wait3A_123 = arith.constant 0 : i32
        %dma_wait3A_124 = tpu.memref_slice %arg11[%dma_wait3A_122, %dma_wait3A_123] : memref<10112x128xf32, #tpu.memory_space<vmem_shared>> -> memref<10112x128xf32, #tpu.memory_space<vmem_shared>>
        tpu.wait_indirect_dma semaphore(%run_scoped3A : memref<!tpu.dma_semaphore, #tpu.memory_space<semaphore_mem>>) src(%dma_wait3A_121 : memref<120x128xf32, #tpu.memory_space<vmem>>) dst(%dma_wait3A_124 : memref<10112x128xf32, #tpu.memory_space<vmem_shared>>)
        tpu.yield
      }) : () -> ()
      %mul3A_89 = arith.constant 2 : i32
      %mul3A_90 = arith.muli %mul3A_89, %scan3A_64 : i32
      %add3A_91 = arith.constant 2 : i32
      %add3A_92 = arith.addi %mul3A_90, %add3A_91 : i32
      %mul3A_93 = arith.constant 42 : i32
      %mul3A_94 = arith.muli %arg1, %mul3A_93 : i32
      %add3A_95 = arith.addi %mul3A_94, %add3A_92 : i32
      %mul3A_96 = arith.constant 120 : i32
      %mul3A_97 = arith.muli %add3A_95, %mul3A_96 : i32
      %add3A_98 = arith.addi %mul3A_11, %mul3A_97 : i32
      %dma_wait3A_99 = tpu.memref_slice %arg2[%add3A_98] : memref<161280xi32, #tpu.memory_space<hbm>> -> memref<120xi32, #tpu.memory_space<hbm>>
      %dma_wait3A_100 = tpu.memref_slice %arg2[%add3A_98] : memref<161280xi32, #tpu.memory_space<hbm>> -> memref<120xi32, #tpu.memory_space<hbm>>
      tpu.wait_dma2 semaphore(%arg9 : memref<!tpu.dma_semaphore, #tpu.memory_space<semaphore_mem>>) src(%dma_wait3A_100 : memref<120xi32, #tpu.memory_space<hbm>>) dst(%arg6 : memref<120xi32, #tpu.memory_space<vmem>>)
      %mul3A_101 = arith.constant 2 : i32
      %mul3A_102 = arith.muli %mul3A_101, %scan3A_64 : i32
      %add3A_103 = arith.constant 3 : i32
      %add3A_104 = arith.addi %mul3A_102, %add3A_103 : i32
      %mul3A_105 = arith.constant 42 : i32
      %mul3A_106 = arith.muli %arg1, %mul3A_105 : i32
      %add3A_107 = arith.addi %mul3A_106, %add3A_104 : i32
      %mul3A_108 = arith.constant 120 : i32
      %mul3A_109 = arith.muli %add3A_107, %mul3A_108 : i32
      %add3A_110 = arith.addi %mul3A_11, %mul3A_109 : i32
      %dma_start3A_111 = tpu.memref_slice %arg2[%add3A_110] : memref<161280xi32, #tpu.memory_space<hbm>> -> memref<120xi32, #tpu.memory_space<hbm>>
      %dma_start3A_112 = tpu.memref_slice %arg2[%add3A_110] : memref<161280xi32, #tpu.memory_space<hbm>> -> memref<120xi32, #tpu.memory_space<hbm>>
      tpu.enqueue_dma source(%dma_start3A_112 : memref<120xi32, #tpu.memory_space<hbm>>) target(%arg7 : memref<120xi32, #tpu.memory_space<vmem>>) target_semaphore(%arg10 : memref<!tpu.dma_semaphore, #tpu.memory_space<semaphore_mem>>)
    }
    %scan3A_31 = arith.constant 20 : i32
    "tpu.region"() ({
      %run_scoped3A = tpu.sem_alloc : memref<!tpu.dma_semaphore, #tpu.memory_space<semaphore_mem>>
      %dma_start3A_64 = arith.constant 0 : i32
      %dma_start3A_65 = arith.constant 0 : i32
      %dma_start3A_66 = tpu.memref_slice %arg8[%dma_start3A_64, %dma_start3A_65] : memref<128x128xf32, #tpu.memory_space<vmem>> -> memref<120x128xf32, #tpu.memory_space<vmem>>
      %dma_start3A_67 = arith.constant 0 : i32
      %dma_start3A_68 = arith.constant 0 : i32
      %dma_start3A_69 = tpu.memref_slice %arg11[%dma_start3A_67, %dma_start3A_68] : memref<10112x128xf32, #tpu.memory_space<vmem_shared>> -> memref<10112x128xf32, #tpu.memory_space<vmem_shared>>
      tpu.enqueue_indirect_dma source(%dma_start3A_66 : memref<120x128xf32, #tpu.memory_space<vmem>>) target(%dma_start3A_69 : memref<10112x128xf32, #tpu.memory_space<vmem_shared>>) offsets(%arg6 : memref<120xi32, #tpu.memory_space<vmem>>) semaphore(%run_scoped3A : memref<!tpu.dma_semaphore, #tpu.memory_space<semaphore_mem>>) {add = true}
      %dma_wait3A_70 = arith.constant 0 : i32
      %dma_wait3A_71 = arith.constant 0 : i32
      %dma_wait3A_72 = tpu.memref_slice %arg8[%dma_wait3A_70, %dma_wait3A_71] : memref<128x128xf32, #tpu.memory_space<vmem>> -> memref<120x128xf32, #tpu.memory_space<vmem>>
      %dma_wait3A_73 = arith.constant 0 : i32
      %dma_wait3A_74 = arith.constant 0 : i32
      %dma_wait3A_75 = tpu.memref_slice %arg11[%dma_wait3A_73, %dma_wait3A_74] : memref<10112x128xf32, #tpu.memory_space<vmem_shared>> -> memref<10112x128xf32, #tpu.memory_space<vmem_shared>>
      tpu.wait_indirect_dma semaphore(%run_scoped3A : memref<!tpu.dma_semaphore, #tpu.memory_space<semaphore_mem>>) src(%dma_wait3A_72 : memref<120x128xf32, #tpu.memory_space<vmem>>) dst(%dma_wait3A_75 : memref<10112x128xf32, #tpu.memory_space<vmem_shared>>)
      tpu.yield
    }) : () -> ()
    %mul3A_32 = arith.constant 42 : i32
    %mul3A_33 = arith.muli %arg1, %mul3A_32 : i32
    %add3A_34 = arith.constant 41 : i32
    %add3A_35 = arith.addi %mul3A_33, %add3A_34 : i32
    %mul3A_36 = arith.constant 120 : i32
    %mul3A_37 = arith.muli %add3A_35, %mul3A_36 : i32
    %add3A_38 = arith.addi %mul3A_11, %mul3A_37 : i32
    %dma_wait3A = tpu.memref_slice %arg2[%add3A_38] : memref<161280xi32, #tpu.memory_space<hbm>> -> memref<120xi32, #tpu.memory_space<hbm>>
    %dma_wait3A_39 = tpu.memref_slice %arg2[%add3A_38] : memref<161280xi32, #tpu.memory_space<hbm>> -> memref<120xi32, #tpu.memory_space<hbm>>
    tpu.wait_dma2 semaphore(%arg10 : memref<!tpu.dma_semaphore, #tpu.memory_space<semaphore_mem>>) src(%dma_wait3A_39 : memref<120xi32, #tpu.memory_space<hbm>>) dst(%arg7 : memref<120xi32, #tpu.memory_space<vmem>>)
    "tpu.region"() ({
      %run_scoped3A = tpu.sem_alloc : memref<!tpu.dma_semaphore, #tpu.memory_space<semaphore_mem>>
      %dma_start3A_64 = arith.constant 0 : i32
      %dma_start3A_65 = arith.constant 0 : i32
      %dma_start3A_66 = tpu.memref_slice %arg8[%dma_start3A_64, %dma_start3A_65] : memref<128x128xf32, #tpu.memory_space<vmem>> -> memref<120x128xf32, #tpu.memory_space<vmem>>
      %dma_start3A_67 = arith.constant 0 : i32
      %dma_start3A_68 = arith.constant 0 : i32
      %dma_start3A_69 = tpu.memref_slice %arg11[%dma_start3A_67, %dma_start3A_68] : memref<10112x128xf32, #tpu.memory_space<vmem_shared>> -> memref<10112x128xf32, #tpu.memory_space<vmem_shared>>
      tpu.enqueue_indirect_dma source(%dma_start3A_66 : memref<120x128xf32, #tpu.memory_space<vmem>>) target(%dma_start3A_69 : memref<10112x128xf32, #tpu.memory_space<vmem_shared>>) offsets(%arg7 : memref<120xi32, #tpu.memory_space<vmem>>) semaphore(%run_scoped3A : memref<!tpu.dma_semaphore, #tpu.memory_space<semaphore_mem>>) {add = true}
      %dma_wait3A_70 = arith.constant 0 : i32
      %dma_wait3A_71 = arith.constant 0 : i32
      %dma_wait3A_72 = tpu.memref_slice %arg8[%dma_wait3A_70, %dma_wait3A_71] : memref<128x128xf32, #tpu.memory_space<vmem>> -> memref<120x128xf32, #tpu.memory_space<vmem>>
      %dma_wait3A_73 = arith.constant 0 : i32
      %dma_wait3A_74 = arith.constant 0 : i32
      %dma_wait3A_75 = tpu.memref_slice %arg11[%dma_wait3A_73, %dma_wait3A_74] : memref<10112x128xf32, #tpu.memory_space<vmem_shared>> -> memref<10112x128xf32, #tpu.memory_space<vmem_shared>>
      tpu.wait_indirect_dma semaphore(%run_scoped3A : memref<!tpu.dma_semaphore, #tpu.memory_space<semaphore_mem>>) src(%dma_wait3A_72 : memref<120x128xf32, #tpu.memory_space<vmem>>) dst(%dma_wait3A_75 : memref<10112x128xf32, #tpu.memory_space<vmem_shared>>)
      tpu.yield
    }) : () -> ()
    %barrier3A_40 = arith.constant 0 : index
    tpu.barrier barrier_id(%barrier3A_40)
    %mul3A_41 = arith.constant 10112 : i32
    %mul3A_42 = arith.muli %arg0, %mul3A_41 : i32
    %add3A_43 = arith.addi %mul3A_42, %mul3A_0 : i32
    %add3A_44 = arith.constant 0 : i32
    %add3A_45 = arith.addi %mul3A_0, %add3A_44 : i32
    "tpu.region"() ({
      %run_scoped3A = tpu.sem_alloc : memref<!tpu.dma_semaphore, #tpu.memory_space<semaphore_mem>>
      %dma_start3A_64 = arith.constant 0 : i32
      %dma_start3A_65 = tpu.memref_slice %arg11[%add3A_45, %dma_start3A_64] : memref<10112x128xf32, #tpu.memory_space<vmem_shared>> -> memref<128x128xf32, #tpu.memory_space<vmem_shared>>
      %dma_start3A_66 = arith.constant 0 : i32
      %dma_start3A_67 = tpu.memref_slice %arg11[%add3A_45, %dma_start3A_66] : memref<10112x128xf32, #tpu.memory_space<vmem_shared>> -> memref<128x128xf32, #tpu.memory_space<vmem_shared>>
      tpu.enqueue_dma source(%dma_start3A_67 : memref<128x128xf32, #tpu.memory_space<vmem_shared>>) target(%arg8 : memref<128x128xf32, #tpu.memory_space<vmem>>) target_semaphore(%run_scoped3A : memref<!tpu.dma_semaphore, #tpu.memory_space<semaphore_mem>>)
      %dma_wait3A_68 = arith.constant 0 : i32
      %dma_wait3A_69 = tpu.memref_slice %arg11[%add3A_45, %dma_wait3A_68] : memref<10112x128xf32, #tpu.memory_space<vmem_shared>> -> memref<128x128xf32, #tpu.memory_space<vmem_shared>>
      %dma_wait3A_70 = arith.constant 0 : i32
      %dma_wait3A_71 = tpu.memref_slice %arg11[%add3A_45, %dma_wait3A_70] : memref<10112x128xf32, #tpu.memory_space<vmem_shared>> -> memref<128x128xf32, #tpu.memory_space<vmem_shared>>
      tpu.wait_dma2 semaphore(%run_scoped3A : memref<!tpu.dma_semaphore, #tpu.memory_space<semaphore_mem>>) src(%dma_wait3A_71 : memref<128x128xf32, #tpu.memory_space<vmem_shared>>) dst(%arg8 : memref<128x128xf32, #tpu.memory_space<vmem>>)
      tpu.yield
    }) : () -> ()
    %add3A_46 = arith.constant 0 : i32
    %add3A_47 = arith.addi %add3A_43, %add3A_46 : i32
    "tpu.region"() ({
      %run_scoped3A = tpu.sem_alloc : memref<!tpu.dma_semaphore, #tpu.memory_space<semaphore_mem>>
      %dma_start3A_64 = arith.constant 0 : i32
      %dma_start3A_65 = tpu.memref_slice %arg5[%add3A_47, %dma_start3A_64] : memref<20224x128xf32, #tpu.memory_space<hbm>> -> memref<128x128xf32, #tpu.memory_space<hbm>>
      %dma_start3A_66 = arith.constant 0 : i32
      %dma_start3A_67 = tpu.memref_slice %arg5[%add3A_47, %dma_start3A_66] : memref<20224x128xf32, #tpu.memory_space<hbm>> -> memref<128x128xf32, #tpu.memory_space<hbm>>
      tpu.enqueue_dma source(%arg8 : memref<128x128xf32, #tpu.memory_space<vmem>>) target(%dma_start3A_67 : memref<128x128xf32, #tpu.memory_space<hbm>>) target_semaphore(%run_scoped3A : memref<!tpu.dma_semaphore, #tpu.memory_space<semaphore_mem>>)
      %dma_wait3A_68 = arith.constant 0 : i32
      %dma_wait3A_69 = tpu.memref_slice %arg5[%add3A_47, %dma_wait3A_68] : memref<20224x128xf32, #tpu.memory_space<hbm>> -> memref<128x128xf32, #tpu.memory_space<hbm>>
      %dma_wait3A_70 = arith.constant 0 : i32
      %dma_wait3A_71 = tpu.memref_slice %arg5[%add3A_47, %dma_wait3A_70] : memref<20224x128xf32, #tpu.memory_space<hbm>> -> memref<128x128xf32, #tpu.memory_space<hbm>>
      tpu.wait_dma2 semaphore(%run_scoped3A : memref<!tpu.dma_semaphore, #tpu.memory_space<semaphore_mem>>) src(%arg8 : memref<128x128xf32, #tpu.memory_space<vmem>>) dst(%dma_wait3A_71 : memref<128x128xf32, #tpu.memory_space<hbm>>)
      tpu.yield
    }) : () -> ()
    %add3A_48 = arith.constant 128 : i32
    %add3A_49 = arith.addi %mul3A_0, %add3A_48 : i32
    "tpu.region"() ({
      %run_scoped3A = tpu.sem_alloc : memref<!tpu.dma_semaphore, #tpu.memory_space<semaphore_mem>>
      %dma_start3A_64 = arith.constant 0 : i32
      %dma_start3A_65 = tpu.memref_slice %arg11[%add3A_49, %dma_start3A_64] : memref<10112x128xf32, #tpu.memory_space<vmem_shared>> -> memref<128x128xf32, #tpu.memory_space<vmem_shared>>
      %dma_start3A_66 = arith.constant 0 : i32
      %dma_start3A_67 = tpu.memref_slice %arg11[%add3A_49, %dma_start3A_66] : memref<10112x128xf32, #tpu.memory_space<vmem_shared>> -> memref<128x128xf32, #tpu.memory_space<vmem_shared>>
      tpu.enqueue_dma source(%dma_start3A_67 : memref<128x128xf32, #tpu.memory_space<vmem_shared>>) target(%arg8 : memref<128x128xf32, #tpu.memory_space<vmem>>) target_semaphore(%run_scoped3A : memref<!tpu.dma_semaphore, #tpu.memory_space<semaphore_mem>>)
      %dma_wait3A_68 = arith.constant 0 : i32
      %dma_wait3A_69 = tpu.memref_slice %arg11[%add3A_49, %dma_wait3A_68] : memref<10112x128xf32, #tpu.memory_space<vmem_shared>> -> memref<128x128xf32, #tpu.memory_space<vmem_shared>>
      %dma_wait3A_70 = arith.constant 0 : i32
      %dma_wait3A_71 = tpu.memref_slice %arg11[%add3A_49, %dma_wait3A_70] : memref<10112x128xf32, #tpu.memory_space<vmem_shared>> -> memref<128x128xf32, #tpu.memory_space<vmem_shared>>
      tpu.wait_dma2 semaphore(%run_scoped3A : memref<!tpu.dma_semaphore, #tpu.memory_space<semaphore_mem>>) src(%dma_wait3A_71 : memref<128x128xf32, #tpu.memory_space<vmem_shared>>) dst(%arg8 : memref<128x128xf32, #tpu.memory_space<vmem>>)
      tpu.yield
    }) : () -> ()
    %add3A_50 = arith.constant 128 : i32
    %add3A_51 = arith.addi %add3A_43, %add3A_50 : i32
    "tpu.region"() ({
      %run_scoped3A = tpu.sem_alloc : memref<!tpu.dma_semaphore, #tpu.memory_space<semaphore_mem>>
      %dma_start3A_64 = arith.constant 0 : i32
      %dma_start3A_65 = tpu.memref_slice %arg5[%add3A_51, %dma_start3A_64] : memref<20224x128xf32, #tpu.memory_space<hbm>> -> memref<128x128xf32, #tpu.memory_space<hbm>>
      %dma_start3A_66 = arith.constant 0 : i32
      %dma_start3A_67 = tpu.memref_slice %arg5[%add3A_51, %dma_start3A_66] : memref<20224x128xf32, #tpu.memory_space<hbm>> -> memref<128x128xf32, #tpu.memory_space<hbm>>
      tpu.enqueue_dma source(%arg8 : memref<128x128xf32, #tpu.memory_space<vmem>>) target(%dma_start3A_67 : memref<128x128xf32, #tpu.memory_space<hbm>>) target_semaphore(%run_scoped3A : memref<!tpu.dma_semaphore, #tpu.memory_space<semaphore_mem>>)
      %dma_wait3A_68 = arith.constant 0 : i32
      %dma_wait3A_69 = tpu.memref_slice %arg5[%add3A_51, %dma_wait3A_68] : memref<20224x128xf32, #tpu.memory_space<hbm>> -> memref<128x128xf32, #tpu.memory_space<hbm>>
      %dma_wait3A_70 = arith.constant 0 : i32
      %dma_wait3A_71 = tpu.memref_slice %arg5[%add3A_51, %dma_wait3A_70] : memref<20224x128xf32, #tpu.memory_space<hbm>> -> memref<128x128xf32, #tpu.memory_space<hbm>>
      tpu.wait_dma2 semaphore(%run_scoped3A : memref<!tpu.dma_semaphore, #tpu.memory_space<semaphore_mem>>) src(%arg8 : memref<128x128xf32, #tpu.memory_space<vmem>>) dst(%dma_wait3A_71 : memref<128x128xf32, #tpu.memory_space<hbm>>)
      tpu.yield
    }) : () -> ()
    %add3A_52 = arith.constant 256 : i32
    %add3A_53 = arith.addi %mul3A_0, %add3A_52 : i32
    "tpu.region"() ({
      %run_scoped3A = tpu.sem_alloc : memref<!tpu.dma_semaphore, #tpu.memory_space<semaphore_mem>>
      %dma_start3A_64 = arith.constant 0 : i32
      %dma_start3A_65 = tpu.memref_slice %arg11[%add3A_53, %dma_start3A_64] : memref<10112x128xf32, #tpu.memory_space<vmem_shared>> -> memref<128x128xf32, #tpu.memory_space<vmem_shared>>
      %dma_start3A_66 = arith.constant 0 : i32
      %dma_start3A_67 = tpu.memref_slice %arg11[%add3A_53, %dma_start3A_66] : memref<10112x128xf32, #tpu.memory_space<vmem_shared>> -> memref<128x128xf32, #tpu.memory_space<vmem_shared>>
      tpu.enqueue_dma source(%dma_start3A_67 : memref<128x128xf32, #tpu.memory_space<vmem_shared>>) target(%arg8 : memref<128x128xf32, #tpu.memory_space<vmem>>) target_semaphore(%run_scoped3A : memref<!tpu.dma_semaphore, #tpu.memory_space<semaphore_mem>>)
      %dma_wait3A_68 = arith.constant 0 : i32
      %dma_wait3A_69 = tpu.memref_slice %arg11[%add3A_53, %dma_wait3A_68] : memref<10112x128xf32, #tpu.memory_space<vmem_shared>> -> memref<128x128xf32, #tpu.memory_space<vmem_shared>>
      %dma_wait3A_70 = arith.constant 0 : i32
      %dma_wait3A_71 = tpu.memref_slice %arg11[%add3A_53, %dma_wait3A_70] : memref<10112x128xf32, #tpu.memory_space<vmem_shared>> -> memref<128x128xf32, #tpu.memory_space<vmem_shared>>
      tpu.wait_dma2 semaphore(%run_scoped3A : memref<!tpu.dma_semaphore, #tpu.memory_space<semaphore_mem>>) src(%dma_wait3A_71 : memref<128x128xf32, #tpu.memory_space<vmem_shared>>) dst(%arg8 : memref<128x128xf32, #tpu.memory_space<vmem>>)
      tpu.yield
    }) : () -> ()
    %add3A_54 = arith.constant 256 : i32
    %add3A_55 = arith.addi %add3A_43, %add3A_54 : i32
    "tpu.region"() ({
      %run_scoped3A = tpu.sem_alloc : memref<!tpu.dma_semaphore, #tpu.memory_space<semaphore_mem>>
      %dma_start3A_64 = arith.constant 0 : i32
      %dma_start3A_65 = tpu.memref_slice %arg5[%add3A_55, %dma_start3A_64] : memref<20224x128xf32, #tpu.memory_space<hbm>> -> memref<128x128xf32, #tpu.memory_space<hbm>>
      %dma_start3A_66 = arith.constant 0 : i32
      %dma_start3A_67 = tpu.memref_slice %arg5[%add3A_55, %dma_start3A_66] : memref<20224x128xf32, #tpu.memory_space<hbm>> -> memref<128x128xf32, #tpu.memory_space<hbm>>
      tpu.enqueue_dma source(%arg8 : memref<128x128xf32, #tpu.memory_space<vmem>>) target(%dma_start3A_67 : memref<128x128xf32, #tpu.memory_space<hbm>>) target_semaphore(%run_scoped3A : memref<!tpu.dma_semaphore, #tpu.memory_space<semaphore_mem>>)
      %dma_wait3A_68 = arith.constant 0 : i32
      %dma_wait3A_69 = tpu.memref_slice %arg5[%add3A_55, %dma_wait3A_68] : memref<20224x128xf32, #tpu.memory_space<hbm>> -> memref<128x128xf32, #tpu.memory_space<hbm>>
      %dma_wait3A_70 = arith.constant 0 : i32
      %dma_wait3A_71 = tpu.memref_slice %arg5[%add3A_55, %dma_wait3A_70] : memref<20224x128xf32, #tpu.memory_space<hbm>> -> memref<128x128xf32, #tpu.memory_space<hbm>>
      tpu.wait_dma2 semaphore(%run_scoped3A : memref<!tpu.dma_semaphore, #tpu.memory_space<semaphore_mem>>) src(%arg8 : memref<128x128xf32, #tpu.memory_space<vmem>>) dst(%dma_wait3A_71 : memref<128x128xf32, #tpu.memory_space<hbm>>)
      tpu.yield
    }) : () -> ()
    %add3A_56 = arith.constant 384 : i32
    %add3A_57 = arith.addi %mul3A_0, %add3A_56 : i32
    "tpu.region"() ({
      %run_scoped3A = tpu.sem_alloc : memref<!tpu.dma_semaphore, #tpu.memory_space<semaphore_mem>>
      %dma_start3A_64 = arith.constant 0 : i32
      %dma_start3A_65 = tpu.memref_slice %arg11[%add3A_57, %dma_start3A_64] : memref<10112x128xf32, #tpu.memory_space<vmem_shared>> -> memref<128x128xf32, #tpu.memory_space<vmem_shared>>
      %dma_start3A_66 = arith.constant 0 : i32
      %dma_start3A_67 = tpu.memref_slice %arg11[%add3A_57, %dma_start3A_66] : memref<10112x128xf32, #tpu.memory_space<vmem_shared>> -> memref<128x128xf32, #tpu.memory_space<vmem_shared>>
      tpu.enqueue_dma source(%dma_start3A_67 : memref<128x128xf32, #tpu.memory_space<vmem_shared>>) target(%arg8 : memref<128x128xf32, #tpu.memory_space<vmem>>) target_semaphore(%run_scoped3A : memref<!tpu.dma_semaphore, #tpu.memory_space<semaphore_mem>>)
      %dma_wait3A_68 = arith.constant 0 : i32
      %dma_wait3A_69 = tpu.memref_slice %arg11[%add3A_57, %dma_wait3A_68] : memref<10112x128xf32, #tpu.memory_space<vmem_shared>> -> memref<128x128xf32, #tpu.memory_space<vmem_shared>>
      %dma_wait3A_70 = arith.constant 0 : i32
      %dma_wait3A_71 = tpu.memref_slice %arg11[%add3A_57, %dma_wait3A_70] : memref<10112x128xf32, #tpu.memory_space<vmem_shared>> -> memref<128x128xf32, #tpu.memory_space<vmem_shared>>
      tpu.wait_dma2 semaphore(%run_scoped3A : memref<!tpu.dma_semaphore, #tpu.memory_space<semaphore_mem>>) src(%dma_wait3A_71 : memref<128x128xf32, #tpu.memory_space<vmem_shared>>) dst(%arg8 : memref<128x128xf32, #tpu.memory_space<vmem>>)
      tpu.yield
    }) : () -> ()
    %add3A_58 = arith.constant 384 : i32
    %add3A_59 = arith.addi %add3A_43, %add3A_58 : i32
    "tpu.region"() ({
      %run_scoped3A = tpu.sem_alloc : memref<!tpu.dma_semaphore, #tpu.memory_space<semaphore_mem>>
      %dma_start3A_64 = arith.constant 0 : i32
      %dma_start3A_65 = tpu.memref_slice %arg5[%add3A_59, %dma_start3A_64] : memref<20224x128xf32, #tpu.memory_space<hbm>> -> memref<128x128xf32, #tpu.memory_space<hbm>>
      %dma_start3A_66 = arith.constant 0 : i32
      %dma_start3A_67 = tpu.memref_slice %arg5[%add3A_59, %dma_start3A_66] : memref<20224x128xf32, #tpu.memory_space<hbm>> -> memref<128x128xf32, #tpu.memory_space<hbm>>
      tpu.enqueue_dma source(%arg8 : memref<128x128xf32, #tpu.memory_space<vmem>>) target(%dma_start3A_67 : memref<128x128xf32, #tpu.memory_space<hbm>>) target_semaphore(%run_scoped3A : memref<!tpu.dma_semaphore, #tpu.memory_space<semaphore_mem>>)
      %dma_wait3A_68 = arith.constant 0 : i32
      %dma_wait3A_69 = tpu.memref_slice %arg5[%add3A_59, %dma_wait3A_68] : memref<20224x128xf32, #tpu.memory_space<hbm>> -> memref<128x128xf32, #tpu.memory_space<hbm>>
      %dma_wait3A_70 = arith.constant 0 : i32
      %dma_wait3A_71 = tpu.memref_slice %arg5[%add3A_59, %dma_wait3A_70] : memref<20224x128xf32, #tpu.memory_space<hbm>> -> memref<128x128xf32, #tpu.memory_space<hbm>>
      tpu.wait_dma2 semaphore(%run_scoped3A : memref<!tpu.dma_semaphore, #tpu.memory_space<semaphore_mem>>) src(%arg8 : memref<128x128xf32, #tpu.memory_space<vmem>>) dst(%dma_wait3A_71 : memref<128x128xf32, #tpu.memory_space<hbm>>)
      tpu.yield
    }) : () -> ()
    %add3A_60 = arith.constant 512 : i32
    %add3A_61 = arith.addi %mul3A_0, %add3A_60 : i32
    "tpu.region"() ({
      %run_scoped3A = tpu.sem_alloc : memref<!tpu.dma_semaphore, #tpu.memory_space<semaphore_mem>>
      %dma_start3A_64 = arith.constant 0 : i32
      %dma_start3A_65 = arith.constant 0 : i32
      %dma_start3A_66 = tpu.memref_slice %arg8[%dma_start3A_64, %dma_start3A_65] : memref<128x128xf32, #tpu.memory_space<vmem>> -> memref<120x128xf32, #tpu.memory_space<vmem>>
      %dma_start3A_67 = arith.constant 0 : i32
      %dma_start3A_68 = tpu.memref_slice %arg11[%add3A_61, %dma_start3A_67] : memref<10112x128xf32, #tpu.memory_space<vmem_shared>> -> memref<120x128xf32, #tpu.memory_space<vmem_shared>>
      %dma_start3A_69 = arith.constant 0 : i32
      %dma_start3A_70 = arith.constant 0 : i32
      %dma_start3A_71 = tpu.memref_slice %arg8[%dma_start3A_69, %dma_start3A_70] : memref<128x128xf32, #tpu.memory_space<vmem>> -> memref<120x128xf32, #tpu.memory_space<vmem>>
      %dma_start3A_72 = arith.constant 0 : i32
      %dma_start3A_73 = tpu.memref_slice %arg11[%add3A_61, %dma_start3A_72] : memref<10112x128xf32, #tpu.memory_space<vmem_shared>> -> memref<120x128xf32, #tpu.memory_space<vmem_shared>>
      tpu.enqueue_dma source(%dma_start3A_73 : memref<120x128xf32, #tpu.memory_space<vmem_shared>>) target(%dma_start3A_71 : memref<120x128xf32, #tpu.memory_space<vmem>>) target_semaphore(%run_scoped3A : memref<!tpu.dma_semaphore, #tpu.memory_space<semaphore_mem>>)
      %dma_wait3A_74 = arith.constant 0 : i32
      %dma_wait3A_75 = arith.constant 0 : i32
      %dma_wait3A_76 = tpu.memref_slice %arg8[%dma_wait3A_74, %dma_wait3A_75] : memref<128x128xf32, #tpu.memory_space<vmem>> -> memref<120x128xf32, #tpu.memory_space<vmem>>
      %dma_wait3A_77 = arith.constant 0 : i32
      %dma_wait3A_78 = tpu.memref_slice %arg11[%add3A_61, %dma_wait3A_77] : memref<10112x128xf32, #tpu.memory_space<vmem_shared>> -> memref<120x128xf32, #tpu.memory_space<vmem_shared>>
      %dma_wait3A_79 = arith.constant 0 : i32
      %dma_wait3A_80 = arith.constant 0 : i32
      %dma_wait3A_81 = tpu.memref_slice %arg8[%dma_wait3A_79, %dma_wait3A_80] : memref<128x128xf32, #tpu.memory_space<vmem>> -> memref<120x128xf32, #tpu.memory_space<vmem>>
      %dma_wait3A_82 = arith.constant 0 : i32
      %dma_wait3A_83 = tpu.memref_slice %arg11[%add3A_61, %dma_wait3A_82] : memref<10112x128xf32, #tpu.memory_space<vmem_shared>> -> memref<120x128xf32, #tpu.memory_space<vmem_shared>>
      tpu.wait_dma2 semaphore(%run_scoped3A : memref<!tpu.dma_semaphore, #tpu.memory_space<semaphore_mem>>) src(%dma_wait3A_83 : memref<120x128xf32, #tpu.memory_space<vmem_shared>>) dst(%dma_wait3A_81 : memref<120x128xf32, #tpu.memory_space<vmem>>)
      tpu.yield
    }) : () -> ()
    %add3A_62 = arith.constant 512 : i32
    %add3A_63 = arith.addi %add3A_43, %add3A_62 : i32
    "tpu.region"() ({
      %run_scoped3A = tpu.sem_alloc : memref<!tpu.dma_semaphore, #tpu.memory_space<semaphore_mem>>
      %dma_start3A_64 = arith.constant 0 : i32
      %dma_start3A_65 = arith.constant 0 : i32
      %dma_start3A_66 = tpu.memref_slice %arg8[%dma_start3A_64, %dma_start3A_65] : memref<128x128xf32, #tpu.memory_space<vmem>> -> memref<120x128xf32, #tpu.memory_space<vmem>>
      %dma_start3A_67 = arith.constant 0 : i32
      %dma_start3A_68 = tpu.memref_slice %arg5[%add3A_63, %dma_start3A_67] : memref<20224x128xf32, #tpu.memory_space<hbm>> -> memref<120x128xf32, #tpu.memory_space<hbm>>
      %dma_start3A_69 = arith.constant 0 : i32
      %dma_start3A_70 = tpu.memref_slice %arg5[%add3A_63, %dma_start3A_69] : memref<20224x128xf32, #tpu.memory_space<hbm>> -> memref<120x128xf32, #tpu.memory_space<hbm>>
      %dma_start3A_71 = arith.constant 0 : i32
      %dma_start3A_72 = arith.constant 0 : i32
      %dma_start3A_73 = tpu.memref_slice %arg8[%dma_start3A_71, %dma_start3A_72] : memref<128x128xf32, #tpu.memory_space<vmem>> -> memref<120x128xf32, #tpu.memory_space<vmem>>
      tpu.enqueue_dma source(%dma_start3A_73 : memref<120x128xf32, #tpu.memory_space<vmem>>) target(%dma_start3A_70 : memref<120x128xf32, #tpu.memory_space<hbm>>) target_semaphore(%run_scoped3A : memref<!tpu.dma_semaphore, #tpu.memory_space<semaphore_mem>>)
      %dma_wait3A_74 = arith.constant 0 : i32
      %dma_wait3A_75 = arith.constant 0 : i32
      %dma_wait3A_76 = tpu.memref_slice %arg8[%dma_wait3A_74, %dma_wait3A_75] : memref<128x128xf32, #tpu.memory_space<vmem>> -> memref<120x128xf32, #tpu.memory_space<vmem>>
      %dma_wait3A_77 = arith.constant 0 : i32
      %dma_wait3A_78 = tpu.memref_slice %arg5[%add3A_63, %dma_wait3A_77] : memref<20224x128xf32, #tpu.memory_space<hbm>> -> memref<120x128xf32, #tpu.memory_space<hbm>>
      %dma_wait3A_79 = arith.constant 0 : i32
      %dma_wait3A_80 = tpu.memref_slice %arg5[%add3A_63, %dma_wait3A_79] : memref<20224x128xf32, #tpu.memory_space<hbm>> -> memref<120x128xf32, #tpu.memory_space<hbm>>
      %dma_wait3A_81 = arith.constant 0 : i32
      %dma_wait3A_82 = arith.constant 0 : i32
      %dma_wait3A_83 = tpu.memref_slice %arg8[%dma_wait3A_81, %dma_wait3A_82] : memref<128x128xf32, #tpu.memory_space<vmem>> -> memref<120x128xf32, #tpu.memory_space<vmem>>
      tpu.wait_dma2 semaphore(%run_scoped3A : memref<!tpu.dma_semaphore, #tpu.memory_space<semaphore_mem>>) src(%dma_wait3A_83 : memref<120x128xf32, #tpu.memory_space<vmem>>) dst(%dma_wait3A_80 : memref<120x128xf32, #tpu.memory_space<hbm>>)
      tpu.yield
    }) : () -> ()
    return
  }
}

module attributes {stable_mosaic.version = 14 : i64} {
  func.func @_tc_body(%arg0: i32, %arg1: memref<1000x256xf32, #tpu.memory_space<vmem>>, %arg2: memref<256x256xf32, #tpu.memory_space<vmem>>, %arg3: memref<256x128xf32, #tpu.memory_space<vmem>>, %arg4: memref<256x128xf32, #tpu.memory_space<vmem>>, %arg5: memref<256xf32, #tpu.memory_space<vmem>>, %arg6: memref<1000x128xf32, #tpu.memory_space<vmem>>, %arg7: memref<1000x128xf32, #tpu.memory_space<vmem>>, %arg8: memref<1000x1xf32, #tpu.memory_space<vmem>>, %arg9: memref<1000x1xf32, #tpu.memory_space<vmem>>, %arg10: memref<1000x256xf32, #tpu.memory_space<vmem>>) attributes {dimension_semantics = [#tpu.dimension_semantics<arbitrary>], iteration_bounds = array<i64: 10>, scalar_prefetch = 0 : i64, scratch_operands = 0 : i64, tpu.core_type = #tpu.core_type<tc>, window_params = [{transform_indices = @transform_0, window_bounds = array<i64: 1000, 256>}, {pipeline_mode = #tpu.pipeline_mode<synchronous>, transform_indices = @transform_1, window_bounds = array<i64: 256, 256>}, {pipeline_mode = #tpu.pipeline_mode<synchronous>, transform_indices = @transform_2, window_bounds = array<i64: 256, 128>}, {pipeline_mode = #tpu.pipeline_mode<synchronous>, transform_indices = @transform_3, window_bounds = array<i64: 256, 128>}, {pipeline_mode = #tpu.pipeline_mode<synchronous>, transform_indices = @transform_4, window_bounds = array<i64: 256>}, {transform_indices = @transform_5, window_bounds = array<i64: 1000, 128>}, {transform_indices = @transform_6, window_bounds = array<i64: 1000, 128>}, {transform_indices = @transform_7, window_bounds = array<i64: 1000, 1>}, {transform_indices = @transform_8, window_bounds = array<i64: 1000, 1>}, {transform_indices = @transform_9, window_bounds = array<i64: 1000, 256>}]} {
    %get3A = arith.constant 0 : index
    %get3A_0 = arith.constant 0 : index
    %get3A_1 = vector.load %arg8[%get3A, %get3A_0] : memref<1000x1xf32, #tpu.memory_space<vmem>>, vector<1000x1xf32>
    %get3A_2 = arith.constant 0 : index
    %get3A_3 = arith.constant 0 : index
    %get3A_4 = vector.load %arg9[%get3A_2, %get3A_3] : memref<1000x1xf32, #tpu.memory_space<vmem>>, vector<1000x1xf32>
    %add3A = arith.addf %get3A_1, %get3A_4 : vector<1000x1xf32>
    %max3A = arith.constant 1.000000e+00 : f32
    %max3A_5 = vector.broadcast %max3A : f32 to vector<1000x1xf32>
    %max3A_6 = arith.maximumf %add3A, %max3A_5 : vector<1000x1xf32>
    %div3A = arith.constant 1.000000e+00 : f32
    %div3A_7 = vector.broadcast %div3A : f32 to vector<1000x1xf32>
    %div3A_8 = arith.divf %div3A_7, %max3A_6 : vector<1000x1xf32>
    %get3A_9 = arith.constant 0 : index
    %get3A_10 = arith.constant 0 : index
    %get3A_11 = vector.load %arg1[%get3A_9, %get3A_10] : memref<1000x256xf32, #tpu.memory_space<vmem>>, vector<1000x256xf32>
    %get3A_12 = arith.constant 0 : index
    %get3A_13 = arith.constant 0 : index
    %get3A_14 = vector.load %arg2[%get3A_12, %get3A_13] : memref<256x256xf32, #tpu.memory_space<vmem>>, vector<256x256xf32>
    %dot_general3A = arith.constant dense<0.000000e+00> : vector<1000x256xf32>
    %dot_general3A_15 = tpu.matmul %get3A_11, %get3A_14, %dot_general3A {dimension_numbers = #tpu.dot_dimension_numbers<[1], [1], [0], [0], [0, 0, 1, 0], [], []>, transpose_lhs_hint = false} : vector<1000x256xf32>, vector<256x256xf32>, vector<1000x256xf32> -> vector<1000x256xf32>
    %get3A_16 = arith.constant 0 : index
    %get3A_17 = arith.constant 0 : index
    %get3A_18 = vector.load %arg6[%get3A_16, %get3A_17] : memref<1000x128xf32, #tpu.memory_space<vmem>>, vector<1000x128xf32>
    %mul3A = vector.broadcast %div3A_8 : vector<1000x1xf32> to vector<1000x128xf32>
    %mul3A_19 = arith.mulf %get3A_18, %mul3A : vector<1000x128xf32>
    %get3A_20 = arith.constant 0 : index
    %get3A_21 = arith.constant 0 : index
    %get3A_22 = vector.load %arg3[%get3A_20, %get3A_21] : memref<256x128xf32, #tpu.memory_space<vmem>>, vector<256x128xf32>
    %dot_general3A_23 = arith.constant dense<0.000000e+00> : vector<1000x256xf32>
    %dot_general3A_24 = tpu.matmul %mul3A_19, %get3A_22, %dot_general3A_23 {dimension_numbers = #tpu.dot_dimension_numbers<[1], [1], [0], [0], [0, 0, 1, 0], [], []>, transpose_lhs_hint = false} : vector<1000x128xf32>, vector<256x128xf32>, vector<1000x256xf32> -> vector<1000x256xf32>
    %add3A_25 = arith.addf %dot_general3A_15, %dot_general3A_24 : vector<1000x256xf32>
    %get3A_26 = arith.constant 0 : index
    %get3A_27 = arith.constant 0 : index
    %get3A_28 = vector.load %arg7[%get3A_26, %get3A_27] : memref<1000x128xf32, #tpu.memory_space<vmem>>, vector<1000x128xf32>
    %mul3A_29 = vector.broadcast %div3A_8 : vector<1000x1xf32> to vector<1000x128xf32>
    %mul3A_30 = arith.mulf %get3A_28, %mul3A_29 : vector<1000x128xf32>
    %get3A_31 = arith.constant 0 : index
    %get3A_32 = arith.constant 0 : index
    %get3A_33 = vector.load %arg4[%get3A_31, %get3A_32] : memref<256x128xf32, #tpu.memory_space<vmem>>, vector<256x128xf32>
    %dot_general3A_34 = arith.constant dense<0.000000e+00> : vector<1000x256xf32>
    %dot_general3A_35 = tpu.matmul %mul3A_30, %get3A_33, %dot_general3A_34 {dimension_numbers = #tpu.dot_dimension_numbers<[1], [1], [0], [0], [0, 0, 1, 0], [], []>, transpose_lhs_hint = false} : vector<1000x128xf32>, vector<256x128xf32>, vector<1000x256xf32> -> vector<1000x256xf32>
    %add3A_36 = arith.addf %add3A_25, %dot_general3A_35 : vector<1000x256xf32>
    %get3A_37 = arith.constant 0 : index
    %get3A_38 = vector.load %arg5[%get3A_37] : memref<256xf32, #tpu.memory_space<vmem>>, vector<256xf32>
    %broadcast_in_dim3A = vector.shape_cast %get3A_38 : vector<256xf32> to vector<1x256xf32>
    %add3A_39 = vector.broadcast %broadcast_in_dim3A : vector<1x256xf32> to vector<1000x256xf32>
    %add3A_40 = arith.addf %add3A_36, %add3A_39 : vector<1000x256xf32>
    %swap3A = arith.constant 0 : index
    %swap3A_41 = arith.constant 0 : index
    %swap3A_42 = vector.load %arg10[%swap3A, %swap3A_41] : memref<1000x256xf32, #tpu.memory_space<vmem>>, vector<1000x256xf32>
    tpu.vector_store %arg10[%swap3A, %swap3A_41], %add3A_40 {strides = array<i32>} : memref<1000x256xf32, #tpu.memory_space<vmem>>, vector<1000x256xf32>,
    return
  }
  func.func @transform_0(%arg0: i32) -> (i32, i32) {
    %c0_i32 = arith.constant 0 : i32
    %c0_i32_0 = arith.constant 0 : i32
    return %arg0, %c0_i32 : i32, i32
  }
  func.func @transform_1(%arg0: i32) -> (i32, i32) {
    %c0_i32 = arith.constant 0 : i32
    %c0_i32_0 = arith.constant 0 : i32
    %c0_i32_1 = arith.constant 0 : i32
    return %c0_i32, %c0_i32_0 : i32, i32
  }
  func.func @transform_2(%arg0: i32) -> (i32, i32) {
    %c0_i32 = arith.constant 0 : i32
    %c0_i32_0 = arith.constant 0 : i32
    %c0_i32_1 = arith.constant 0 : i32
    return %c0_i32, %c0_i32_0 : i32, i32
  }
  func.func @transform_3(%arg0: i32) -> (i32, i32) {
    %c0_i32 = arith.constant 0 : i32
    %c0_i32_0 = arith.constant 0 : i32
    %c0_i32_1 = arith.constant 0 : i32
    return %c0_i32, %c0_i32_0 : i32, i32
  }
  func.func @transform_4(%arg0: i32) -> i32 {
    %c0_i32 = arith.constant 0 : i32
    %c0_i32_0 = arith.constant 0 : i32
    return %c0_i32 : i32
  }
  func.func @transform_5(%arg0: i32) -> (i32, i32) {
    %c0_i32 = arith.constant 0 : i32
    %c0_i32_0 = arith.constant 0 : i32
    return %arg0, %c0_i32 : i32, i32
  }
  func.func @transform_6(%arg0: i32) -> (i32, i32) {
    %c0_i32 = arith.constant 0 : i32
    %c0_i32_0 = arith.constant 0 : i32
    return %arg0, %c0_i32 : i32, i32
  }
  func.func @transform_7(%arg0: i32) -> (i32, i32) {
    %c0_i32 = arith.constant 0 : i32
    %c0_i32_0 = arith.constant 0 : i32
    return %arg0, %c0_i32 : i32, i32
  }
  func.func @transform_8(%arg0: i32) -> (i32, i32) {
    %c0_i32 = arith.constant 0 : i32
    %c0_i32_0 = arith.constant 0 : i32
    return %arg0, %c0_i32 : i32, i32
  }
  func.func @transform_9(%arg0: i32) -> (i32, i32) {
    %c0_i32 = arith.constant 0 : i32
    %c0_i32_0 = arith.constant 0 : i32
    return %arg0, %c0_i32 : i32, i32
  }
}

</mosaic_0001>

<sc_bundles>
// kernel: kernel.5.cloned.1.call-start
scs
__scs_entry_jumppad:
0x0: {  	(pc) =	sbr.rel $0x88, $3  }
0x1: {  	(tag) =	ssettag $0x0;
	lr =	simm.s32 $0x1  }
0x2: {  	[smem:$0x3F9C] =	sst lr;
	_ =	strace $0xD0000000  }
0x3: {  	_ = 	snop  }
0x4: {  	_ = 	snop  }
0x5: {  	_ = 	snop  }
0x6: {  	_ = 	snop  }
0x7: {  	_ = 	snop  }
__scs_overlays_trampoline_lowered:
0x8: {  	[smem:$0x3FAB] =	sst s0  }
0x9: {  	[smem:$0x3FAC] =	sst s1  }
0xa: {  	[smem:$0x3FAD] =	sst s2  }
0xb: {  	[smem:$0x3FAE] =	sst s3  }
0xc: {  	[smem:$0x3FAF] =	sst s4  }
0xd: {  	[smem:$0x3FB0] =	sst s5  }
0xe: {  	[smem:$0x3FB1] =	sst s6  }
0xf: {  	[smem:$0x3FB2] =	sst s7  }
0x10: {  	[smem:$0x3FB3] =	sst s8  }
0x11: {  	[smem:$0x3FB4] =	sst s9;
	s0 =	simm.s32 @!p0 $0x0  }
0x12: {  	s1 =	sld [smem:$0x3F9A];
	s0 =	simm.s32 @p0 $0x1  }
0x13: {  	[smem:$0x3FB5] =	sst s0;
	s0 =	simm.s32 @!p1 $0x0  }
0x14: {  	s2 =	sld [smem:$0x3F99];
	s0 =	simm.s32 @p1 $0x1  }
0x15: {  	[smem:$0x3FB6] =	sst s0;
	s0 =	simm.s32 @!p2 $0x0  }
0x16: {  	s3 =	sld [smem:$0x3FDB];
	s0 =	simm.s32 @p2 $0x1  }
0x17: {  	s4 =	simm.s32 $0x1BF5;
	[smem:$0x3FB8] =	sst s0  }
0x18: {  	s0 =	sld [smem:$0x3F9B];
	_ =	swait.ge [sflag:s4], $0x0  }
0x19: {  	s7 =	sld [smem:$0x3F9C]  }
0x1a: {  	s8 =	sadd.s32 $0xFFFFE003, lr  }
0x1b: {  	s9 =	sadd.s32 $0xFFFFFEF7, lr;
	s5 =	simm.s32 $0xFFFFFFFF;
	p2 =	slt.u32 s8, $0xFFFFF086  }
0x1c: {  	p1 =	slt.u32 s9, $0xF7A;
	s5 =	simm.s32 @!p2 $0x0  }
0x1d: {  	s5 =	simm.s32 @p1 $0x1;
	p0 =	seq.s32 s7, s2  }
0x1e: {  	s7 =	smul.u32 @!p0 $0xF7A, s2;
	p2 =	seq.s32 @!p0 s5, $0x0  }
0x1f: {  	s9 =	smul.u32 $0xF7A, s1;
	s8 =	simm.s32 @!p0 $0x1BF5;
	p2 =	por !p2, p0  }
0x20: {  	[sflag:s8] =	ssyncset.s32 @!p0 $0xFFFFF086;
	s6 =	sadd.s32 @!p0 s3, s7;
	s7 =	simm.s32 @!p0 $0x108  }
0x21: {  	s3 =	sadd.s32 s3, s9;
	s6 =	sadd.s32 @!p0 $0x88, s6;
	s7 =	simm.s32 @p2 $0x1082  }
0x22: {  	[simem:s7], [sflag:s8] =	dma.local @!p0 [hbm:s6], $0xF7A  }
0x23: {  	s9 =	sor.u32 $0xD0000000, s2;
	s6 =	simm.s32 $0x108;
	_ =	swait.ge @!p0 [sflag:s8], $0x0  }
0x24: {  	s3 =	sadd.s32 $0x88, s3;
	s6 =	simm.s32 @!p1 $0x1082;
	[sflag:s4] =	ssyncset.s32 $0xFFFFF086  }
0x25: {  	[simem:s6], [sflag:s4] =	dma.local [hbm:s3], $0xF7A  }
0x26: {  	[smem:$0x3F9C] =	sst s1;
	(tag) =	ssettag s2;
	_ =	strace s9  }
0x27: {  	s1 =	sld [smem:$0x3FAC]  }
0x28: {  	s2 =	sld [smem:$0x3FAD]  }
0x29: {  	s4 =	sld [smem:$0x3FAF]  }
0x2a: {  	p0 =	seq.s32 s5, $0x0;
	s5 =	sld [smem:$0x3FB0]  }
0x2b: {  	s6 =	sld [smem:$0x3FB1]  }
0x2c: {  	s7 =	sld [smem:$0x3FB2]  }
0x2d: {  	s3 =	simm.s32 $0x108;
	s8 =	sld [smem:$0x3FB3]  }
0x2e: {  	s3 =	simm.s32 @!p0 $0x1082;
	s9 =	sld [smem:$0x3FB4]  }
0x2f: {  	lr =	sadd.s32 s0, s3;
	s0 =	sld [smem:$0x3FAB]  }
0x30: {  	s3 =	sld [smem:$0x3FAE]  }
0x31: {  	[smem:$0x3FB7] =	sst s10  }
0x32: {  	s10 =	sld [smem:$0x3FB5];
	_ =	sdelay $0x3  }
0x33: {  	p0 =	seq.s32 s10, $0x1;
	s10 =	sld [smem:$0x3FB7];
	_ =	sdelay $0x3  }
0x34: {  	[smem:$0x3FB7] =	sst s10  }
0x35: {  	s10 =	sld [smem:$0x3FB6];
	_ =	sdelay $0x3  }
0x36: {  	p1 =	seq.s32 s10, $0x1;
	s10 =	sld [smem:$0x3FB7];
	_ =	sdelay $0x3  }
0x37: {  	[smem:$0x3FB7] =	sst s10  }
0x38: {  	s10 =	sld [smem:$0x3FB8]  }
0x39: {  	_ = 	snop;
	(pc) =	sbr.ind lr, $3  }
0x3a: {  	_ = 	snop  }
0x3b: {  	_ = 	snop  }
0x3c: {  	p2 =	seq.s32 s10, $0x1;
	s10 =	sld [smem:$0x3FB7]  }
0x3d: {  	_ =	shalt  }
0x3e: {  	_ =	shalt  }
0x3f: {  	_ =	shalt  }
0x40: {  	_ =	shalt  }
0x41: {  	_ =	shalt  }
0x42: {  	_ =	shalt  }
0x43: {  	_ =	shalt  }
0x44: {  	_ =	shalt  }
0x45: {  	_ =	shalt  }
0x46: {  	_ =	shalt  }
0x47: {  	_ =	shalt  }
0x48: {  	_ =	shalt  }
0x49: {  	_ =	shalt  }
0x4a: {  	_ =	shalt  }
0x4b: {  	_ =	shalt  }
0x4c: {  	_ =	shalt  }
0x4d: {  	_ =	shalt  }
0x4e: {  	_ =	shalt  }
0x4f: {  	_ =	shalt  }
0x50: {  	_ =	shalt  }
0x51: {  	_ =	shalt  }
0x52: {  	_ =	shalt  }
0x53: {  	_ =	shalt  }
0x54: {  	_ =	shalt  }
0x55: {  	_ =	shalt  }
0x56: {  	_ =	shalt  }
0x57: {  	_ =	shalt  }
0x58: {  	_ =	shalt  }
0x59: {  	_ =	shalt  }
0x5a: {  	_ =	shalt  }
0x5b: {  	_ =	shalt  }
0x5c: {  	_ =	shalt  }
0x5d: {  	_ =	shalt  }
0x5e: {  	_ =	shalt  }
0x5f: {  	_ =	shalt  }
0x60: {  	_ =	shalt  }
0x61: {  	_ =	shalt  }
0x62: {  	_ =	shalt  }
0x63: {  	_ =	shalt  }
0x64: {  	_ =	shalt  }
0x65: {  	_ =	shalt  }
0x66: {  	_ =	shalt  }
0x67: {  	_ =	shalt  }
0x68: {  	_ =	shalt  }
0x69: {  	_ =	shalt  }
0x6a: {  	_ =	shalt  }
0x6b: {  	_ =	shalt  }
0x6c: {  	_ =	shalt  }
0x6d: {  	_ =	shalt  }
0x6e: {  	_ =	shalt  }
0x6f: {  	_ =	shalt  }
0x70: {  	_ =	shalt  }
0x71: {  	_ =	shalt  }
0x72: {  	_ =	shalt  }
0x73: {  	_ =	shalt  }
0x74: {  	_ =	shalt  }
0x75: {  	_ =	shalt  }
0x76: {  	_ =	shalt  }
0x77: {  	_ =	shalt  }
0x78: {  	_ =	shalt  }
0x79: {  	_ =	shalt  }
0x7a: {  	_ =	shalt  }
0x7b: {  	_ =	shalt  }
0x7c: {  	_ =	shalt  }
0x7d: {  	_ =	shalt  }
0x7e: {  	_ =	shalt  }
0x7f: {  	_ =	shalt  }
0x80: {  	_ =	shalt  }
0x81: {  	_ =	shalt  }
0x82: {  	_ =	shalt  }
0x83: {  	_ =	shalt  }
0x84: {  	_ =	shalt  }
0x85: {  	_ =	shalt  }
0x86: {  	_ =	shalt  }
0x87: {  	_ =	shalt  }
.Lfunc_end0:
.L_simem_size_0:
called_computation_lowered:
.L_overlay_start_0:
0x88: {  	s2 =	sld [smem:$0x3FD9]  }
0x89: {  	s3 =	sld [smem:$0x3FFE];
	_ =	sdelay $0x1  }
0x8a: {  	s1 =	srdreg.scid  }
0x8b: {  	s0 =	sand.u32 $0x1, s1  }
0x8c: {  	s17 =	sshll.u32 s0, $0xA;
	s2 =	sadd.s32 s3, s2  }
0x8d: {  	s2 =	sadd.s32 s2, s17  }
0x8e: {  	[smem:$0x3FC3] =	sst s2  }
0x8f: {  	_ = 	snop  }
0x90: {  	s2 =	sld [smem:$0x3FD0];
	(tm) =	ssettm $0x1  }
0x91: {  	s18 =	sld [smem:$0x3FFB];
	_ =	sdelay $0x3  }
0x92: {  	_ =	strace s18  }
0x93: {  	s3 =	sld [smem:$0x3FFC];
	_ =	sdelay $0x3  }
0x94: {  	_ =	strace s3  }
0x95: {  	s3 =	sld [smem:$0x3FFD];
	_ =	sdelay $0x3  }
0x96: {  	_ =	strace s3  }
0x97: {  	_ =	strace $0x8FFFFFFF  }
0x98: {  	s19 =	sld [smem:$0x3FDB];
	_ =	sdelay $0x1  }
0x99: {  	s4 =	simm.s32 $_scs_section_size  }
0x9a: {  	s5 =	simm.s32 $_size__tile_overlayer_lowered;
	s6 =	simm.s32 $_tile_overlayer_lowered  }
0x9b: {  	s22 =	simm.s32 $0x1BFF;
	s21 =	sshll.u32 s6, $0x1;
	s3 =	sadd.s32 s4, s19  }
0x9c: {  	s7 =	simm.s32 $0x0;
	s20 =	sshll.u32 s5, $0x1;
	s5 =	sadd.s32 s21, s3  }
0x9d: {  	[timem:s7], [sflag:s22] =	dma.local [hbm:s5], s20  }
0x9e: {  	_ =	swait.ge [sflag:s22], s20  }
0x9f: {  	s4 =	ssub.s32 $0x0, s20;
	[sflag:s22] =	ssyncset.done $0x0  }
0xa0: {  	[sflag:s22] =	ssyncadd.s32 s4;
	_ =	sdelay $0x1  }
0xa1: {  	s23 =	simm.s32 $0x1B8B  }
0xa2: {  	_ =	swait.ge [sflag:s23], $0x1  }
0xa3: {  	[sflag:s23] =	ssyncset.done $0x0  }
0xa4: {  	s25 =	simm.s32 $0x1B8E;
	s24 =	sld [smem:$0x3FFE];
	[sflag:s23] =	ssyncadd.s32 $0xFFFFFFFF  }
0xa5: {  	s26 =	simm.s32 $execute0_lowered;
	[smem:$0x3FD2] =	sst s25  }
0xa6: {  	s5 =	sshll.u32 s26, $0x1;
	_ =	strace $0x80000046;
	[dreg:$0x1] =	wrdreg $0xFFFFFFFF  }
0xa7: {  	s28 =	simm.s32 $_size_execute0_lowered;
	s3 =	sadd.s32 s3, s5;
	[dreg:$0x0] =	wrdreg $0x0  }
0xa8: {  	s5 =	sshll.u32 s28, $0x1;
	[dreg:$0x2] =	wrdreg s3  }
0xa9: {  	[dreg:$0x3] =	wrdreg s5  }
0xaa: {  	[dreg:$0x4] =	wrdreg $0xC0  }
0xab: {  	_ =	task [dreg:s7], $0x5FFFF  }
0xac: {  	[dreg:$0x1] =	wrdreg $0xFFFFFFFF  }
0xad: {  	[dreg:$0x0] =	wrdreg $0x60  }
0xae: {  	[dreg:$0x2] =	wrdreg s2  }
0xaf: {  	[dreg:$0x3] =	wrdreg s24  }
0xb0: {  	[dreg:$0x4] =	wrdreg $0xBA000  }
0xb1: {  	[dreg:$0x5] =	wrdreg $0x9  }
0xb2: {  	_ =	task.clear_ibuf [dreg:s7], $0x6FFFF;
	_ =	strace $0x90000046  }
0xb3: {  	s29 =	simm.s32 $0x9;
	_ =	strace $0x80000048  }
0xb4: {  	_ =	swait.ge [sflag:s29], $0x1  }
0xb5: {  	[sflag:s29] =	ssyncadd.s32 $0xFFFFFFFF  }
0xb6: {  	_ =	strace $0x90000048  }
0xb7: {  	_ =	sfence  }
0xb8: {  	s30 =	sld [smem:$0x0];
	_ =	sdelay $0x2  }
0xb9: {  	s31 =	sshll.u32 s1, $0xD;
	s1 =	sshrl.u32 s1, $0x2  }
0xba: {  	s3 =	sand.u32 $0x4000, s31;
	s1 =	sadd.s32 s1, s30  }
0xbb: {  	s0 =	sor.u32 s3, s0;
	s1 =	sshll.u32 s1, $0x11  }
0xbc: {  	s0 =	sor.u32 s1, s0  }
0xbd: {  	s0 =	sadd.s32 $0x8F2B, s0  }
0xbe: {  	[sflag:s0] =	ssyncadd.remote.s32 $0x1  }
0xbf: {  	_ =	sfence.sel $0xFFFF  }
0xc0: {  	[dreg:$0x0] =	wrdreg $0xFFFFFFFF;
	(pc) =	sbr.abs _section_cstart, $3  }
0xc1: {  	[dreg:$0x1] =	wrdreg $0xFFFFFFFF  }
0xc2: {  	_ =	task.clear_ibuf [dreg:s7], $0x2FFFF;
	_ =	strace $0x9FFFFFFF  }
0xc3: {  	(tm) =	ssettm $0x7FFFFFFF  }
tec
execute0_lowered:
.L_overlay_start_1:
0x0: {  	(tag) =	ssettag $0x1  }
0x1: {  	s2 =	rddreg [dreg:$0x1]  }
0x2: {  	s3 =	rddreg [dreg:$0x2]  }
0x3: {  	s0 =	srdreg.scid;
	s13 =	stileid.u32;
	s1 =	simm.s32 $0x0  }
0x4: {  	s5 =	sand.u32 $0x1, s0;
	s6 =	smul.u32 $0x278, s13;
	[smem:$0x7FF] =	sst s1  }
0x5: {  	s0 =	sadd.s32 $0xE00, s2;
	s8 =	smul.u32 $0x4F000, s13;
	s9 =	sadd.s32 $0xAC00, s2  }
0x6: {  	s17 =	sadd.s32 $0xFC00, s2;
	s7 =	smul.u32 $0x2780, s5;
	_ =	strace $0x80000047  }
0x7: {  	s10 =	ssub.s32 $0x2, s5;
	s11 =	smul.u32 $0x27600, s5;
	[dreg:$0xb] =	wrdreg s17  }
0x8: {  	s18 =	sshrl.u32 s10, $0x1;
	s8 =	sshrl.u32 s8, $0x2;
	s6 =	sadd.s32 s6, s7  }
0x9: {  	s7 =	smul.u32 $0x2760, s13;
	s5 =	ssub.s32 s10, s18;
	s1 =	sadd.s32 s8, s3  }
0xa: {  	s18 =	smul.u32 $0x4EC, s13;
	s6 =	sshll.u32 s6, $0x4;
	s28 =	sadd.s32 $0xB400, s1  }
0xb: {  	[dreg:$0xc] =	wrdreg s1;
	s2 =	sadd.s32 s6, s2;
	s6 =	sadd.s32 s7, s11  }
0xc: {  	s20 =	sshrl.u32 s7, $0x3;
	s22 =	sadd.s32 $0x78, s7;
	s26 =	sadd.s32 $0x168, s7  }
0xd: {  	s30 =	sadd.s32 $0x258, s7;
	s12 =	sadd.s32 $0x348, s7;
	[smem:$0x7FB] =	sst s28  }
0xe: {  	s19 =	sshrl.u32 s6, $0x3;
	s15 =	sadd.s32 s9, s20;
	s20 =	sadd.s32 s18, s9  }
0xf: {  	s21 =	sadd.s32 $0x78, s6;
	s13 =	sadd.s32 $0x12980, s2;
	[dreg:$0x5] =	wrdreg s20  }
0x10: {  	s11 =	sadd.s32 $0x168, s6;
	s4 =	sshrl.u32 s30, $0x3;
	[smem:$0x7ED] =	sst s13  }
0x11: {  	s23 =	sshrl.u32 s22, $0x3;
	s10 =	sadd.s32 s9, s4;
	[dreg:$0xe] =	wrdreg s15  }
0x12: {  	s14 =	sadd.s32 s0, s19;
	s18 =	sadd.s32 $0x1E, s15;
	[dreg:$0x14] =	wrdreg s10  }
0x13: {  	s8 =	sshrl.u32 s21, $0x3;
	s20 =	sadd.s32 $0x3C, s15;
	[smem:$0x7F0] =	sst s18  }
0x14: {  	s24 =	sshrl.u32 s11, $0x3;
	s19 =	sadd.s32 $0x438, s6;
	[smem:$0x7F2] =	sst s20  }
0x15: {  	s8 =	sadd.s32 s0, s8;
	s25 =	sadd.s32 s0, s24;
	[dreg:$0xd] =	wrdreg s14  }
0x16: {  	s10 =	sshrl.u32 s12, $0x3;
	s12 =	sadd.s32 $0x438, s7;
	[dreg:$0xf] =	wrdreg s8  }
0x17: {  	s22 =	sshrl.u32 s19, $0x3;
	s19 =	sadd.s32 $0x3C, s14;
	[dreg:$0x11] =	wrdreg s25  }
0x18: {  	s7 =	sadd.s32 $0x26E8, s7;
	s8 =	sadd.s32 s9, s23;
	[smem:$0x7F1] =	sst s19  }
0x19: {  	s24 =	sadd.s32 $0x690, s6;
	s10 =	sadd.s32 s9, s10;
	[dreg:$0x10] =	wrdreg s8  }
0x1a: {  	s17 =	sshrl.u32 s12, $0x3;
	s12 =	sadd.s32 $0x12200, s2;
	[dreg:$0x15] =	wrdreg s10  }
0x1b: {  	s25 =	sshrl.u32 s24, $0x3;
	s24 =	sadd.s32 $0xF000, s1;
	[dreg:$0x1f] =	wrdreg s12  }
0x1c: {  	s7 =	sshrl.u32 s7, $0x3;
	s10 =	sadd.s32 s9, s17;
	[smem:$0x7FC] =	sst s24  }
0x1d: {  	s29 =	sadd.s32 $0x258, s6;
	s7 =	sadd.s32 s9, s7;
	[dreg:$0x16] =	wrdreg s10  }
0x1e: {  	s8 =	sshrl.u32 s26, $0x3;
	s17 =	sadd.s32 $0x1E, s14;
	[dreg:$0x17] =	wrdreg s7  }
0x1f: {  	s3 =	sshrl.u32 s29, $0x3;
	s8 =	sadd.s32 s9, s8;
	[smem:$0x7EF] =	sst s17  }
0x20: {  	s21 =	sadd.s32 $0x708, s6;
	s7 =	sadd.s32 s25, s0;
	[dreg:$0x12] =	wrdreg s8  }
0x21: {  	s26 =	sadd.s32 $0x618, s6;
	s10 =	sadd.s32 $0x11300, s2;
	[dreg:$0x7] =	wrdreg s7  }
0x22: {  	s9 =	sshrl.u32 s21, $0x3;
	s21 =	sadd.s32 $0x5A, s14;
	[dreg:$0x1d] =	wrdreg s10  }
0x23: {  	s29 =	sshrl.u32 s26, $0x3;
	s26 =	sadd.s32 $0x78, s15;
	[smem:$0x7F3] =	sst s21  }
0x24: {  	s25 =	sadd.s32 $0x12C00, s1;
	[smem:$0x7F6] =	sst s26  }
0x25: {  	s8 =	sadd.s32 s0, s3;
	[smem:$0x7FD] =	sst s25  }
0x26: {  	s23 =	sadd.s32 s9, s0;
	[dreg:$0x13] =	wrdreg s8  }
0x27: {  	s16 =	sadd.s32 $0x780, s6;
	s30 =	sadd.s32 s29, s0;
	[dreg:$0x6] =	wrdreg s23  }
0x28: {  	s11 =	sadd.s32 $0x348, s6;
	s9 =	sadd.s32 $0x10B80, s2;
	[dreg:$0x8] =	wrdreg s30  }
0x29: {  	s4 =	sadd.s32 $0x26E8, s6;
	s29 =	sadd.s32 $0x96, s14;
	[dreg:$0x1c] =	wrdreg s9  }
0x2a: {  	s7 =	sshrl.u32 s4, $0x3;
	s4 =	sadd.s32 $0x7800, s1;
	[smem:$0x7F7] =	sst s29  }
0x2b: {  	s8 =	sshrl.u32 s11, $0x3;
	s7 =	sadd.s32 s0, s7;
	[smem:$0x7FA] =	sst s4  }
0x2c: {  	s11 =	sshrl.u32 s16, $0x3;
	s16 =	smax.u32 s5, $0x1;
	[dreg:$0x1a] =	wrdreg s7  }
0x2d: {  	s23 =	sadd.s32 $0x78, s14;
	[smem:$0x7EE] =	sst s16  }
0x2e: {  	s30 =	sadd.s32 $0x96, s15;
	[smem:$0x7F5] =	sst s23  }
0x2f: {  	s11 =	sadd.s32 s11, s0;
	[smem:$0x7F8] =	sst s30  }
0x30: {  	s31 =	simm.s32 $0x9;
	s8 =	sadd.s32 s0, s8;
	[dreg:$0x4] =	wrdreg s11  }
0x31: {  	s13 =	simm.s32 $0x1;
	[dreg:$0x18] =	wrdreg s8;
	s8 =	sadd.s32 s0, s22  }
0x32: {  	s3 =	sadd.s32 $0x5A0, s6;
	s11 =	sadd.s32 $0x11A80, s2;
	[dreg:$0x19] =	wrdreg s8  }
0x33: {  	s6 =	sadd.s32 $0x528, s6;
	s22 =	sadd.s32 $0x5A, s15;
	[dreg:$0x1e] =	wrdreg s11  }
0x34: {  	s8 =	sshrl.u32 s3, $0x3;
	s3 =	sadd.s32 $0x3C00, s1;
	[smem:$0x7F4] =	sst s22  }
0x35: {  	s6 =	sshrl.u32 s6, $0x3;
	s8 =	sadd.s32 s8, s0;
	[smem:$0x7F9] =	sst s3  }
0x36: {  	s19 =	simm.s32 $0x3;
	s0 =	sadd.s32 s6, s0;
	[dreg:$0x9] =	wrdreg s8  }
0x37: {  	s17 =	simm.s32 $0x7;
	s8 =	sadd.s32 $0x10400, s2;
	[dreg:$0xa] =	wrdreg s0  }
0x38: {  	s2 =	simm.s32 $0x8;
	s0 =	simm.s32 $0x0;
	[dreg:$0x1b] =	wrdreg s8  }
.LBB2_1:
0x39: {  	[smem:$0x7EC] =	sst s0;
	s26 =	simm.s32 $0xD  }
0x3a: {  	s5 =	rddreg [dreg:$0xb];
	s12 =	simm.s32 $0x600;
	s0 =	simm.s32 $0x0  }
0x3b: {  	[tilespmem:s12], [sflag:$0xD] =	stream.linear.gather [hbm4b:s5+s0], $0x3C00, $0x38;
	[tilespmem:$0x1F600] =	vst v63  }
0x3c: {  	_ =	swait.ge [sflag:s26], $0x3C00  }
0x3d: {  	[sflag:s26] =	ssyncset.done $0x0  }
0x3e: {  	[sflag:s26] =	ssyncadd.s32 $0xFFFFC400  }
0x3f: {  	[spmem:s1] =	stream.linear.scatter [tilespmem:s12], [sflag:$0xD], $0x3C00, $0x38;
	[tilespmem:$0x1F600] =	vst v63  }
0x40: {  	_ =	swait.ge [sflag:s26], $0x3C00  }
0x41: {  	[sflag:s26] =	ssyncset.done $0x0  }
0x42: {  	[sflag:s26] =	ssyncadd.s32 $0xFFFFC400  }
0x43: {  	[spmem:s3] =	stream.linear.scatter [tilespmem:s12], [sflag:$0xD], $0x3C00, $0x38;
	[tilespmem:$0x1F600] =	vst v63  }
0x44: {  	_ =	swait.ge [sflag:s26], $0x3C00  }
0x45: {  	[sflag:s26] =	ssyncset.done $0x0  }
0x46: {  	[sflag:s26] =	ssyncadd.s32 $0xFFFFC400  }
0x47: {  	[spmem:s4] =	stream.linear.scatter [tilespmem:s12], [sflag:$0xD], $0x3C00, $0x38;
	[tilespmem:$0x1F600] =	vst v63  }
0x48: {  	_ =	swait.ge [sflag:s26], $0x3C00  }
0x49: {  	[sflag:s26] =	ssyncset.done $0x0  }
0x4a: {  	[sflag:s26] =	ssyncadd.s32 $0xFFFFC400  }
0x4b: {  	[spmem:s28] =	stream.linear.scatter [tilespmem:s12], [sflag:$0xD], $0x3C00, $0x38;
	[tilespmem:$0x1F600] =	vst v63  }
0x4c: {  	_ =	swait.ge [sflag:s26], $0x3C00  }
0x4d: {  	[sflag:s26] =	ssyncset.done $0x0  }
0x4e: {  	[sflag:s26] =	ssyncadd.s32 $0xFFFFC400  }
0x4f: {  	[spmem:s24] =	stream.linear.scatter [tilespmem:s12], [sflag:$0xD], $0x3C00, $0x38;
	[tilespmem:$0x1F600] =	vst v63  }
0x50: {  	_ =	swait.ge [sflag:s26], $0x3C00  }
0x51: {  	[sflag:s26] =	ssyncset.done $0x0  }
0x52: {  	[sflag:s26] =	ssyncadd.s32 $0xFFFFC400  }
0x53: {  	[spmem:s25] =	stream.linear.scatter [tilespmem:s12], [sflag:$0xD], $0x1000, $0x38;
	[tilespmem:$0x1F600] =	vst v63  }
0x54: {  	_ =	swait.ge [sflag:s26], $0x1000  }
0x55: {  	[sflag:s26] =	ssyncset.done $0x0  }
0x56: {  	[sflag:s26] =	ssyncadd.s32 $0xFFFFF000  }
0x57: {  	[bflag:$0x0] =	sbarrier.arrive $0xFFFF  }
0x58: {  	s7 =	rddreg [dreg:$0xd]  }
0x59: {  	s8 =	rddreg [dreg:$0xe]  }
0x5a: {  	[tilespmem:s0], [sflag:$0x1] =	stream.linear.gather [hbm4b:s7+s0], $0x78, $0x38;
	[tilespmem:$0x1F600] =	vst v63  }
0x5b: {  	s22 =	simm.s32 $0x300;
	s9 =	rddreg [dreg:$0xf]  }
0x5c: {  	[tilespmem:s22], [sflag:$0x1] =	stream.linear.gather [hbm4b:s8+s0], $0x78, $0x38;
	[tilespmem:$0x1F600] =	vst v63  }
0x5d: {  	s10 =	simm.s32 $0x100;
	s14 =	rddreg [dreg:$0x10]  }
0x5e: {  	[tilespmem:s10], [sflag:$0x3] =	stream.linear.gather [hbm4b:s9+s0], $0x78, $0x38;
	[tilespmem:$0x1F600] =	vst v63  }
0x5f: {  	s26 =	simm.s32 $0x400;
	s15 =	sld [smem:$0x7EF]  }
0x60: {  	[tilespmem:s26], [sflag:$0x3] =	stream.linear.gather [hbm4b:s14+s0], $0x78, $0x38;
	[tilespmem:$0x1F600] =	vst v63  }
0x61: {  	s30 =	simm.s32 $0x200;
	s16 =	sld [smem:$0x7F0]  }
0x62: {  	[tilespmem:s30], [sflag:$0x5] =	stream.linear.gather [hbm4b:s15+s0], $0x78, $0x38;
	[tilespmem:$0x1F600] =	vst v63  }
0x63: {  	s18 =	simm.s32 $0x500;
	s20 =	rddreg [dreg:$0x11]  }
0x64: {  	[tilespmem:s18], [sflag:$0x5] =	stream.linear.gather [hbm4b:s16+s0], $0x78, $0x38;
	[tilespmem:$0x1F600] =	vst v63  }
0x65: {  	s21 =	simm.s32 $0x80;
	s23 =	rddreg [dreg:$0x12]  }
0x66: {  	[tilespmem:s21], [sflag:$0x2] =	stream.linear.gather [hbm4b:s20+s0], $0x78, $0x38;
	[tilespmem:$0x1F600] =	vst v63  }
0x67: {  	s24 =	simm.s32 $0x380;
	s25 =	sld [smem:$0x7F1]  }
0x68: {  	[tilespmem:s24], [sflag:$0x2] =	stream.linear.gather [hbm4b:s23+s0], $0x78, $0x38;
	[tilespmem:$0x1F600] =	vst v63  }
0x69: {  	s29 =	simm.s32 $0x180;
	s1 =	sld [smem:$0x7F2]  }
0x6a: {  	[tilespmem:s29], [sflag:$0x4] =	stream.linear.gather [hbm4b:s25+s0], $0x78, $0x38;
	[tilespmem:$0x1F600] =	vst v63  }
0x6b: {  	s4 =	simm.s32 $0x480  }
0x6c: {  	[tilespmem:s4], [sflag:$0x4] =	stream.linear.gather [hbm4b:s1+s0], $0x78, $0x38;
	[tilespmem:$0x1F600] =	vst v63  }
0x6d: {  	_ =	swait.ge [sflag:s13], $0x78  }
0x6e: {  	[sflag:s13] =	ssyncset.done $0x0  }
0x6f: {  	[sflag:s13] =	ssyncadd.s32 $0xFFFFFF88  }
0x70: {  	_ =	swait.ge [sflag:s13], $0x78  }
0x71: {  	[sflag:s13] =	ssyncset.done $0x0  }
0x72: {  	[sflag:s13] =	ssyncadd.s32 $0xFFFFFF88  }
0x73: {  	s10 =	simm.s32 $0x40;
	s4 =	rddreg [dreg:$0x0]  }
0x74: {  	[tilespmem:s12], [sflag:$0x7] =	stream.indirect.gather [hbm4b:s4+s10], $0x80, s0, s10, $0xb8;
	[tilespmem:$0x1F600] =	vst v63  }
0x75: {  	s7 =	simm.s32 $0x2600;
	s14 =	simm.s32 $0x38  }
0x76: {  	[tilespmem:s7], [sflag:$0x7] =	stream.indirect.gather [hbm4b:s4+s14], $0x80, s10, s14, $0xb8;
	[tilespmem:$0x1F600] =	vst v63  }
0x77: {  	_ =	swait.ge [sflag:s19], $0x78  }
0x78: {  	[sflag:s19] =	ssyncset.done $0x0  }
0x79: {  	[sflag:s19] =	ssyncadd.s32 $0xFFFFFF88  }
0x7a: {  	_ =	swait.ge [sflag:s19], $0x78  }
0x7b: {  	[sflag:s19] =	ssyncset.done $0x0  }
0x7c: {  	s11 =	simm.s32 $0x100;
	s29 =	simm.s32 $0x4200;
	[sflag:s19] =	ssyncadd.s32 $0xFFFFFF88  }
0x7d: {  	[tilespmem:s29], [sflag:$0x8] =	stream.indirect.gather [hbm4b:s4+s10], $0x80, s11, s10, $0xb8;
	[tilespmem:$0x1F600] =	vst v63  }
0x7e: {  	s8 =	simm.s32 $0x140;
	s9 =	simm.s32 $0x6200  }
0x7f: {  	[tilespmem:s9], [sflag:$0x8] =	stream.indirect.gather [hbm4b:s4+s14], $0x80, s8, s14, $0xb8;
	[tilespmem:$0x1F600] =	vst v63  }
0x80: {  	_ =	swait.ge [sflag:s17], $0x2000  }
0x81: {  	[sflag:s17] =	ssyncset.done $0x0  }
0x82: {  	[sflag:s17] =	ssyncadd.s32 $0xFFFFE000  }
0x83: {  	_ =	swait.ge [sflag:s17], $0x1C00  }
0x84: {  	[sflag:s17] =	ssyncset.done $0x0  }
0x85: {  	[sflag:s17] =	ssyncadd.s32 $0xFFFFE400  }
0x86: {  	s20 =	simm.s32 $0x78;
	s15 =	rddreg [dreg:$0x2]  }
0x87: {  	[spmem:s15] =	stream.indirect.scatter.add.f32 [tilespmem:s12], [sflag:$0xA], $0x80, s22, s20, $0xb8;
	[tilespmem:$0x1F600] =	vst v63  }
0x88: {  	s16 =	simm.s32 $0x280;
	s11 =	rddreg [dreg:$0x13]  }
0x89: {  	[tilespmem:s16], [sflag:$0x6] =	stream.linear.gather [hbm4b:s11+s0], $0x78, $0x38;
	[tilespmem:$0x1F600] =	vst v63  }
0x8a: {  	s23 =	simm.s32 $0x580;
	s21 =	rddreg [dreg:$0x14]  }
0x8b: {  	[tilespmem:s23], [sflag:$0x6] =	stream.linear.gather [hbm4b:s21+s0], $0x78, $0x38;
	[tilespmem:$0x1F600] =	vst v63  }
0x8c: {  	s21 =	simm.s32 $0x5  }
0x8d: {  	_ =	swait.ge [sflag:s21], $0x78  }
0x8e: {  	[sflag:s21] =	ssyncset.done $0x0  }
0x8f: {  	[sflag:s21] =	ssyncadd.s32 $0xFFFFFF88  }
0x90: {  	_ =	swait.ge [sflag:s21], $0x78  }
0x91: {  	[sflag:s21] =	ssyncset.done $0x0  }
0x92: {  	s16 =	simm.s32 $0x7E00;
	[sflag:s21] =	ssyncadd.s32 $0xFFFFFF88  }
0x93: {  	[tilespmem:s16], [sflag:$0x9] =	stream.indirect.gather [hbm4b:s4+s10], $0x80, s30, s10, $0xb8;
	[tilespmem:$0x1F600] =	vst v63  }
0x94: {  	s24 =	simm.s32 $0x240;
	s25 =	simm.s32 $0x9E00  }
0x95: {  	[tilespmem:s25], [sflag:$0x9] =	stream.indirect.gather [hbm4b:s4+s14], $0x80, s24, s14, $0xb8;
	[tilespmem:$0x1F600] =	vst v63  }
0x96: {  	_ =	swait.ge [sflag:s2], $0x2000  }
0x97: {  	[sflag:s2] =	ssyncset.done $0x0  }
0x98: {  	[sflag:s2] =	ssyncadd.s32 $0xFFFFE000  }
0x99: {  	_ =	swait.ge [sflag:s2], $0x1C00  }
0x9a: {  	[sflag:s2] =	ssyncset.done $0x0  }
0x9b: {  	s23 =	simm.s32 $0xA;
	[sflag:s2] =	ssyncadd.s32 $0xFFFFE400  }
0x9c: {  	[spmem:s15] =	stream.indirect.scatter.add.f32 [tilespmem:s29], [sflag:$0xB], $0x80, s26, s20, $0xb8;
	[tilespmem:$0x1F600] =	vst v63  }
0x9d: {  	_ =	swait.ge [sflag:s23], $0x3C00  }
0x9e: {  	s1 =	sld [smem:$0x7F3]  }
0x9f: {  	[sflag:s23] =	ssyncset.done $0x0  }
0xa0: {  	s3 =	sld [smem:$0x7F4];
	[sflag:s23] =	ssyncadd.s32 $0xFFFFC400  }
0xa1: {  	[tilespmem:s0], [sflag:$0x1] =	stream.linear.gather [hbm4b:s1+s0], $0x78, $0x38;
	[tilespmem:$0x1F600] =	vst v63  }
0xa2: {  	s1 =	simm.s32 $0x2  }
0xa3: {  	[tilespmem:s22], [sflag:$0x1] =	stream.linear.gather [hbm4b:s3+s0], $0x78, $0x38;
	[tilespmem:$0x1F600] =	vst v63  }
0xa4: {  	_ =	swait.ge [sflag:s1], $0x78  }
0xa5: {  	[sflag:s1] =	ssyncset.done $0x0  }
0xa6: {  	[sflag:s1] =	ssyncadd.s32 $0xFFFFFF88  }
0xa7: {  	_ =	swait.ge [sflag:s1], $0x78  }
0xa8: {  	[sflag:s1] =	ssyncset.done $0x0  }
0xa9: {  	s6 =	simm.s32 $0x80;
	[sflag:s1] =	ssyncadd.s32 $0xFFFFFF88  }
0xaa: {  	[tilespmem:s12], [sflag:$0x7] =	stream.indirect.gather [hbm4b:s4+s10], $0x80, s6, s10, $0xb8;
	[tilespmem:$0x1F600] =	vst v63  }
0xab: {  	s7 =	simm.s32 $0x2600;
	s6 =	simm.s32 $0xC0  }
0xac: {  	[tilespmem:s7], [sflag:$0x7] =	stream.indirect.gather [hbm4b:s4+s14], $0x80, s6, s14, $0xb8;
	[tilespmem:$0x1F600] =	vst v63  }
0xad: {  	_ =	swait.ge [sflag:s31], $0x2000  }
0xae: {  	[sflag:s31] =	ssyncset.done $0x0  }
0xaf: {  	[sflag:s31] =	ssyncadd.s32 $0xFFFFE000  }
0xb0: {  	_ =	swait.ge [sflag:s31], $0x1C00  }
0xb1: {  	[sflag:s31] =	ssyncset.done $0x0  }
0xb2: {  	s28 =	simm.s32 $0x500;
	s9 =	simm.s32 $0xB;
	[sflag:s31] =	ssyncadd.s32 $0xFFFFE400  }
0xb3: {  	[spmem:s15] =	stream.indirect.scatter.add.f32 [tilespmem:s16], [sflag:$0xC], $0x80, s28, s20, $0xb8;
	[tilespmem:$0x1F600] =	vst v63  }
0xb4: {  	_ =	swait.ge [sflag:s9], $0x3C00  }
0xb5: {  	[sflag:s9] =	ssyncset.done $0x0  }
0xb6: {  	s18 =	simm.s32 $0x100;
	s7 =	rddreg [dreg:$0x18];
	[sflag:s9] =	ssyncadd.s32 $0xFFFFC400  }
0xb7: {  	[tilespmem:s18], [sflag:$0x3] =	stream.linear.gather [hbm4b:s7+s0], $0x78, $0x38;
	[tilespmem:$0x1F600] =	vst v63  }
0xb8: {  	s3 =	rddreg [dreg:$0x15]  }
0xb9: {  	[tilespmem:s26], [sflag:$0x3] =	stream.linear.gather [hbm4b:s3+s0], $0x78, $0x38;
	[tilespmem:$0x1F600] =	vst v63  }
0xba: {  	s3 =	simm.s32 $0x4  }
0xbb: {  	_ =	swait.ge [sflag:s3], $0x78  }
0xbc: {  	[sflag:s3] =	ssyncset.done $0x0  }
0xbd: {  	[sflag:s3] =	ssyncadd.s32 $0xFFFFFF88  }
0xbe: {  	_ =	swait.ge [sflag:s3], $0x78  }
0xbf: {  	[sflag:s3] =	ssyncset.done $0x0  }
0xc0: {  	s6 =	simm.s32 $0x180;
	[sflag:s3] =	ssyncadd.s32 $0xFFFFFF88  }
0xc1: {  	[tilespmem:s29], [sflag:$0x8] =	stream.indirect.gather [hbm4b:s4+s10], $0x80, s6, s10, $0xb8;
	[tilespmem:$0x1F600] =	vst v63  }
0xc2: {  	s8 =	simm.s32 $0x6200;
	s7 =	simm.s32 $0x1C0  }
0xc3: {  	[tilespmem:s8], [sflag:$0x8] =	stream.indirect.gather [hbm4b:s4+s14], $0x80, s7, s14, $0xb8;
	[tilespmem:$0x1F600] =	vst v63  }
0xc4: {  	_ =	swait.ge [sflag:s17], $0x2000  }
0xc5: {  	[sflag:s17] =	ssyncset.done $0x0  }
0xc6: {  	[sflag:s17] =	ssyncadd.s32 $0xFFFFE000  }
0xc7: {  	_ =	swait.ge [sflag:s17], $0x1C00  }
0xc8: {  	[sflag:s17] =	ssyncset.done $0x0  }
0xc9: {  	s8 =	simm.s32 $0x380;
	s7 =	simm.s32 $0xC;
	[sflag:s17] =	ssyncadd.s32 $0xFFFFE400  }
0xca: {  	[spmem:s15] =	stream.indirect.scatter.add.f32 [tilespmem:s12], [sflag:$0xA], $0x80, s8, s20, $0xb8;
	[tilespmem:$0x1F600] =	vst v63  }
0xcb: {  	_ =	swait.ge [sflag:s7], $0x3C00  }
0xcc: {  	s6 =	sld [smem:$0x7F5]  }
0xcd: {  	[sflag:s7] =	ssyncset.done $0x0  }
0xce: {  	[sflag:s7] =	ssyncadd.s32 $0xFFFFC400  }
0xcf: {  	[tilespmem:s30], [sflag:$0x5] =	stream.linear.gather [hbm4b:s6+s0], $0x78, $0x38;
	[tilespmem:$0x1F600] =	vst v63  }
0xd0: {  	s6 =	sld [smem:$0x7F6];
	_ =	sdelay $0x2  }
0xd1: {  	[tilespmem:s28], [sflag:$0x5] =	stream.linear.gather [hbm4b:s6+s0], $0x78, $0x38;
	[tilespmem:$0x1F600] =	vst v63  }
0xd2: {  	s6 =	simm.s32 $0x6  }
0xd3: {  	_ =	swait.ge [sflag:s6], $0x78  }
0xd4: {  	[sflag:s6] =	ssyncset.done $0x0  }
0xd5: {  	[sflag:s6] =	ssyncadd.s32 $0xFFFFFF88  }
0xd6: {  	_ =	swait.ge [sflag:s6], $0x78  }
0xd7: {  	[sflag:s6] =	ssyncset.done $0x0  }
0xd8: {  	s28 =	simm.s32 $0x280;
	[sflag:s6] =	ssyncadd.s32 $0xFFFFFF88  }
0xd9: {  	[tilespmem:s16], [sflag:$0x9] =	stream.indirect.gather [hbm4b:s4+s10], $0x80, s28, s10, $0xb8;
	[tilespmem:$0x1F600] =	vst v63  }
0xda: {  	s5 =	simm.s32 $0x2C0;
	s24 =	simm.s32 $0x9E00  }
0xdb: {  	[tilespmem:s24], [sflag:$0x9] =	stream.indirect.gather [hbm4b:s4+s14], $0x80, s5, s14, $0xb8;
	[tilespmem:$0x1F600] =	vst v63  }
0xdc: {  	_ =	swait.ge [sflag:s2], $0x2000  }
0xdd: {  	[sflag:s2] =	ssyncset.done $0x0  }
0xde: {  	[sflag:s2] =	ssyncadd.s32 $0xFFFFE000  }
0xdf: {  	_ =	swait.ge [sflag:s2], $0x1C00  }
0xe0: {  	[sflag:s2] =	ssyncset.done $0x0  }
0xe1: {  	s24 =	simm.s32 $0x480;
	[sflag:s2] =	ssyncadd.s32 $0xFFFFE400  }
0xe2: {  	[spmem:s15] =	stream.indirect.scatter.add.f32 [tilespmem:s29], [sflag:$0xB], $0x80, s24, s20, $0xb8;
	[tilespmem:$0x1F600] =	vst v63  }
0xe3: {  	_ =	swait.ge [sflag:s23], $0x3C00  }
0xe4: {  	[sflag:s23] =	ssyncset.done $0x0  }
0xe5: {  	s11 =	simm.s32 $0x80;
	s5 =	rddreg [dreg:$0x19];
	[sflag:s23] =	ssyncadd.s32 $0xFFFFC400  }
0xe6: {  	[tilespmem:s11], [sflag:$0x2] =	stream.linear.gather [hbm4b:s5+s0], $0x78, $0x38;
	[tilespmem:$0x1F600] =	vst v63  }
0xe7: {  	s11 =	rddreg [dreg:$0x16]  }
0xe8: {  	[tilespmem:s8], [sflag:$0x2] =	stream.linear.gather [hbm4b:s11+s0], $0x78, $0x38;
	[tilespmem:$0x1F600] =	vst v63  }
0xe9: {  	_ =	swait.ge [sflag:s13], $0x78  }
0xea: {  	[sflag:s13] =	ssyncset.done $0x0  }
0xeb: {  	[sflag:s13] =	ssyncadd.s32 $0xFFFFFF88  }
0xec: {  	_ =	swait.ge [sflag:s13], $0x78  }
0xed: {  	[sflag:s13] =	ssyncset.done $0x0  }
0xee: {  	[sflag:s13] =	ssyncadd.s32 $0xFFFFFF88  }
0xef: {  	[tilespmem:s12], [sflag:$0x7] =	stream.indirect.gather [hbm4b:s4+s10], $0x80, s0, s10, $0xb8;
	[tilespmem:$0x1F600] =	vst v63  }
0xf0: {  	s25 =	simm.s32 $0x2600  }
0xf1: {  	[tilespmem:s25], [sflag:$0x7] =	stream.indirect.gather [hbm4b:s4+s14], $0x80, s10, s14, $0xb8;
	[tilespmem:$0x1F600] =	vst v63  }
0xf2: {  	_ =	swait.ge [sflag:s31], $0x2000  }
0xf3: {  	[sflag:s31] =	ssyncset.done $0x0  }
0xf4: {  	[sflag:s31] =	ssyncadd.s32 $0xFFFFE000  }
0xf5: {  	_ =	swait.ge [sflag:s31], $0x1C00  }
0xf6: {  	[sflag:s31] =	ssyncset.done $0x0  }
0xf7: {  	s11 =	simm.s32 $0x580;
	[sflag:s31] =	ssyncadd.s32 $0xFFFFE400  }
0xf8: {  	[spmem:s15] =	stream.indirect.scatter.add.f32 [tilespmem:s16], [sflag:$0xC], $0x80, s11, s20, $0xb8;
	[tilespmem:$0x1F600] =	vst v63  }
0xf9: {  	_ =	swait.ge [sflag:s9], $0x3C00  }
0xfa: {  	s8 =	sld [smem:$0x7F7]  }
0xfb: {  	[sflag:s9] =	ssyncset.done $0x0  }
0xfc: {  	s18 =	simm.s32 $0x180;
	[sflag:s9] =	ssyncadd.s32 $0xFFFFC400  }
0xfd: {  	[tilespmem:s18], [sflag:$0x4] =	stream.linear.gather [hbm4b:s8+s0], $0x78, $0x38;
	[tilespmem:$0x1F600] =	vst v63  }
0xfe: {  	s18 =	sld [smem:$0x7F8];
	_ =	sdelay $0x2  }
0xff: {  	[tilespmem:s24], [sflag:$0x4] =	stream.linear.gather [hbm4b:s18+s0], $0x78, $0x38;
	[tilespmem:$0x1F600] =	vst v63  }
0x100: {  	_ =	swait.ge [sflag:s19], $0x78  }
0x101: {  	[sflag:s19] =	ssyncset.done $0x0  }
0x102: {  	[sflag:s19] =	ssyncadd.s32 $0xFFFFFF88  }
0x103: {  	_ =	swait.ge [sflag:s19], $0x78  }
0x104: {  	[sflag:s19] =	ssyncset.done $0x0  }
0x105: {  	s5 =	simm.s32 $0x100;
	[sflag:s19] =	ssyncadd.s32 $0xFFFFFF88  }
0x106: {  	[tilespmem:s29], [sflag:$0x8] =	stream.indirect.gather [hbm4b:s4+s10], $0x80, s5, s10, $0xb8;
	[tilespmem:$0x1F600] =	vst v63  }
0x107: {  	s25 =	simm.s32 $0x6200;
	s8 =	simm.s32 $0x140  }
0x108: {  	[tilespmem:s25], [sflag:$0x8] =	stream.indirect.gather [hbm4b:s4+s14], $0x80, s8, s14, $0xb8;
	[tilespmem:$0x1F600] =	vst v63  }
0x109: {  	_ =	swait.ge [sflag:s17], $0x2000  }
0x10a: {  	[sflag:s17] =	ssyncset.done $0x0  }
0x10b: {  	[sflag:s17] =	ssyncadd.s32 $0xFFFFE000  }
0x10c: {  	_ =	swait.ge [sflag:s17], $0x1C00  }
0x10d: {  	[sflag:s17] =	ssyncset.done $0x0  }
0x10e: {  	[sflag:s17] =	ssyncadd.s32 $0xFFFFE400  }
0x10f: {  	[spmem:s15] =	stream.indirect.scatter.add.f32 [tilespmem:s12], [sflag:$0xA], $0x80, s22, s20, $0xb8;
	[tilespmem:$0x1F600] =	vst v63  }
0x110: {  	_ =	swait.ge [sflag:s7], $0x3C00  }
0x111: {  	s28 =	simm.s32 $0x280;
	s25 =	rddreg [dreg:$0xa];
	[sflag:s7] =	ssyncset.done $0x0  }
0x112: {  	s8 =	rddreg [dreg:$0x5];
	[sflag:s7] =	ssyncadd.s32 $0xFFFFC400;
	s24 =	sadd.s32 $0x0, s25  }
0x113: {  	[tilespmem:s28], [sflag:$0x6] =	stream.linear.gather [hbm4b:s24+s0], $0x78, $0x38;
	[tilespmem:$0x1F600] =	vst v63  }
0x114: {  	s24 =	sadd.s32 $0x0, s8  }
0x115: {  	s25 =	sadd.s32 $0xA5, s24  }
0x116: {  	[tilespmem:s11], [sflag:$0x6] =	stream.linear.gather [hbm4b:s25+s0], $0x78, $0x38;
	[tilespmem:$0x1F600] =	vst v63  }
0x117: {  	_ =	swait.ge [sflag:s21], $0x78  }
0x118: {  	[sflag:s21] =	ssyncset.done $0x0  }
0x119: {  	[sflag:s21] =	ssyncadd.s32 $0xFFFFFF88  }
0x11a: {  	_ =	swait.ge [sflag:s21], $0x78  }
0x11b: {  	[sflag:s21] =	ssyncset.done $0x0  }
0x11c: {  	[sflag:s21] =	ssyncadd.s32 $0xFFFFFF88  }
0x11d: {  	[tilespmem:s16], [sflag:$0x9] =	stream.indirect.gather [hbm4b:s4+s10], $0x80, s30, s10, $0xb8;
	[tilespmem:$0x1F600] =	vst v63  }
0x11e: {  	s28 =	simm.s32 $0x240;
	s21 =	simm.s32 $0x9E00  }
0x11f: {  	[tilespmem:s21], [sflag:$0x9] =	stream.indirect.gather [hbm4b:s4+s14], $0x80, s28, s14, $0xb8;
	[tilespmem:$0x1F600] =	vst v63  }
0x120: {  	_ =	swait.ge [sflag:s2], $0x2000  }
0x121: {  	[sflag:s2] =	ssyncset.done $0x0  }
0x122: {  	[sflag:s2] =	ssyncadd.s32 $0xFFFFE000  }
0x123: {  	_ =	swait.ge [sflag:s2], $0x1C00  }
0x124: {  	[sflag:s2] =	ssyncset.done $0x0  }
0x125: {  	[sflag:s2] =	ssyncadd.s32 $0xFFFFE400  }
0x126: {  	[spmem:s15] =	stream.indirect.scatter.add.f32 [tilespmem:s29], [sflag:$0xB], $0x80, s26, s20, $0xb8;
	[tilespmem:$0x1F600] =	vst v63  }
0x127: {  	_ =	swait.ge [sflag:s23], $0x3C00  }
0x128: {  	s8 =	rddreg [dreg:$0x9];
	[sflag:s23] =	ssyncset.done $0x0  }
0x129: {  	[sflag:s23] =	ssyncadd.s32 $0xFFFFC400;
	s25 =	sadd.s32 $0x0, s8  }
0x12a: {  	[tilespmem:s0], [sflag:$0x1] =	stream.linear.gather [hbm4b:s25+s0], $0x78, $0x38;
	[tilespmem:$0x1F600] =	vst v63  }
0x12b: {  	s11 =	sadd.s32 $0xB4, s24  }
0x12c: {  	[tilespmem:s22], [sflag:$0x1] =	stream.linear.gather [hbm4b:s11+s0], $0x78, $0x38;
	[tilespmem:$0x1F600] =	vst v63  }
0x12d: {  	_ =	swait.ge [sflag:s1], $0x78  }
0x12e: {  	[sflag:s1] =	ssyncset.done $0x0  }
0x12f: {  	[sflag:s1] =	ssyncadd.s32 $0xFFFFFF88  }
0x130: {  	_ =	swait.ge [sflag:s1], $0x78  }
0x131: {  	[sflag:s1] =	ssyncset.done $0x0  }
0x132: {  	s8 =	simm.s32 $0x80;
	[sflag:s1] =	ssyncadd.s32 $0xFFFFFF88  }
0x133: {  	[tilespmem:s12], [sflag:$0x7] =	stream.indirect.gather [hbm4b:s4+s10], $0x80, s8, s10, $0xb8;
	[tilespmem:$0x1F600] =	vst v63  }
0x134: {  	s28 =	simm.s32 $0xC0;
	s11 =	simm.s32 $0x2600  }
0x135: {  	[tilespmem:s11], [sflag:$0x7] =	stream.indirect.gather [hbm4b:s4+s14], $0x80, s28, s14, $0xb8;
	[tilespmem:$0x1F600] =	vst v63  }
0x136: {  	_ =	swait.ge [sflag:s31], $0x2000  }
0x137: {  	[sflag:s31] =	ssyncset.done $0x0  }
0x138: {  	[sflag:s31] =	ssyncadd.s32 $0xFFFFE000  }
0x139: {  	_ =	swait.ge [sflag:s31], $0x1C00  }
0x13a: {  	[sflag:s31] =	ssyncset.done $0x0  }
0x13b: {  	s28 =	simm.s32 $0x500;
	[sflag:s31] =	ssyncadd.s32 $0xFFFFE400  }
0x13c: {  	[spmem:s15] =	stream.indirect.scatter.add.f32 [tilespmem:s16], [sflag:$0xC], $0x80, s28, s20, $0xb8;
	[tilespmem:$0x1F600] =	vst v63  }
0x13d: {  	_ =	swait.ge [sflag:s9], $0x3C00  }
0x13e: {  	s1 =	rddreg [dreg:$0x8];
	[sflag:s9] =	ssyncset.done $0x0  }
0x13f: {  	[sflag:s9] =	ssyncadd.s32 $0xFFFFC400;
	s25 =	sadd.s32 $0x0, s1  }
0x140: {  	[tilespmem:s5], [sflag:$0x3] =	stream.linear.gather [hbm4b:s25+s0], $0x78, $0x38;
	[tilespmem:$0x1F600] =	vst v63  }
0x141: {  	s5 =	sadd.s32 $0xC3, s24  }
0x142: {  	[tilespmem:s26], [sflag:$0x3] =	stream.linear.gather [hbm4b:s5+s0], $0x78, $0x38;
	[tilespmem:$0x1F600] =	vst v63  }
0x143: {  	_ =	swait.ge [sflag:s3], $0x78  }
0x144: {  	[sflag:s3] =	ssyncset.done $0x0  }
0x145: {  	[sflag:s3] =	ssyncadd.s32 $0xFFFFFF88  }
0x146: {  	_ =	swait.ge [sflag:s3], $0x78  }
0x147: {  	[sflag:s3] =	ssyncset.done $0x0  }
0x148: {  	[sflag:s3] =	ssyncadd.s32 $0xFFFFFF88;
	s3 =	simm.s32 $0x180  }
0x149: {  	[tilespmem:s29], [sflag:$0x8] =	stream.indirect.gather [hbm4b:s4+s10], $0x80, s3, s10, $0xb8;
	[tilespmem:$0x1F600] =	vst v63  }
0x14a: {  	s18 =	simm.s32 $0x6200;
	s25 =	simm.s32 $0x1C0  }
0x14b: {  	[tilespmem:s18], [sflag:$0x8] =	stream.indirect.gather [hbm4b:s4+s14], $0x80, s25, s14, $0xb8;
	[tilespmem:$0x1F600] =	vst v63  }
0x14c: {  	_ =	swait.ge [sflag:s17], $0x2000  }
0x14d: {  	[sflag:s17] =	ssyncset.done $0x0  }
0x14e: {  	[sflag:s17] =	ssyncadd.s32 $0xFFFFE000  }
0x14f: {  	_ =	swait.ge [sflag:s17], $0x1C00  }
0x150: {  	[sflag:s17] =	ssyncset.done $0x0  }
0x151: {  	s5 =	simm.s32 $0x380;
	[sflag:s17] =	ssyncadd.s32 $0xFFFFE400  }
0x152: {  	[spmem:s15] =	stream.indirect.scatter.add.f32 [tilespmem:s12], [sflag:$0xA], $0x80, s5, s20, $0xb8;
	[tilespmem:$0x1F600] =	vst v63  }
0x153: {  	_ =	swait.ge [sflag:s7], $0x3C00  }
0x154: {  	s26 =	rddreg [dreg:$0x7];
	[sflag:s7] =	ssyncset.done $0x0  }
0x155: {  	[sflag:s7] =	ssyncadd.s32 $0xFFFFC400;
	s25 =	sadd.s32 $0x0, s26  }
0x156: {  	[tilespmem:s30], [sflag:$0x5] =	stream.linear.gather [hbm4b:s25+s0], $0x78, $0x38;
	[tilespmem:$0x1F600] =	vst v63  }
0x157: {  	s1 =	sadd.s32 $0xD2, s24  }
0x158: {  	[tilespmem:s28], [sflag:$0x5] =	stream.linear.gather [hbm4b:s1+s0], $0x78, $0x38;
	[tilespmem:$0x1F600] =	vst v63  }
0x159: {  	_ =	swait.ge [sflag:s6], $0x78  }
0x15a: {  	[sflag:s6] =	ssyncset.done $0x0  }
0x15b: {  	[sflag:s6] =	ssyncadd.s32 $0xFFFFFF88  }
0x15c: {  	_ =	swait.ge [sflag:s6], $0x78  }
0x15d: {  	[sflag:s6] =	ssyncset.done $0x0  }
0x15e: {  	[sflag:s6] =	ssyncadd.s32 $0xFFFFFF88;
	s6 =	simm.s32 $0x280  }
0x15f: {  	[tilespmem:s16], [sflag:$0x9] =	stream.indirect.gather [hbm4b:s4+s10], $0x80, s6, s10, $0xb8;
	[tilespmem:$0x1F600] =	vst v63  }
0x160: {  	s7 =	simm.s32 $0x2C0  }
0x161: {  	[tilespmem:s21], [sflag:$0x9] =	stream.indirect.gather [hbm4b:s4+s14], $0x80, s7, s14, $0xb8;
	[tilespmem:$0x1F600] =	vst v63  }
0x162: {  	_ =	swait.ge [sflag:s2], $0x2000  }
0x163: {  	[sflag:s2] =	ssyncset.done $0x0  }
0x164: {  	[sflag:s2] =	ssyncadd.s32 $0xFFFFE000  }
0x165: {  	_ =	swait.ge [sflag:s2], $0x1C00  }
0x166: {  	[sflag:s2] =	ssyncset.done $0x0  }
0x167: {  	s18 =	simm.s32 $0x480;
	[sflag:s2] =	ssyncadd.s32 $0xFFFFE400  }
0x168: {  	[spmem:s15] =	stream.indirect.scatter.add.f32 [tilespmem:s29], [sflag:$0xB], $0x80, s18, s20, $0xb8;
	[tilespmem:$0x1F600] =	vst v63  }
0x169: {  	_ =	swait.ge [sflag:s23], $0x3C00  }
0x16a: {  	s21 =	rddreg [dreg:$0x6];
	[sflag:s23] =	ssyncset.done $0x0  }
0x16b: {  	[sflag:s23] =	ssyncadd.s32 $0xFFFFC400;
	s25 =	sadd.s32 $0x0, s21  }
0x16c: {  	[tilespmem:s8], [sflag:$0x2] =	stream.linear.gather [hbm4b:s25+s0], $0x78, $0x38;
	[tilespmem:$0x1F600] =	vst v63  }
0x16d: {  	s26 =	sadd.s32 $0xE1, s24  }
0x16e: {  	[tilespmem:s5], [sflag:$0x2] =	stream.linear.gather [hbm4b:s26+s0], $0x78, $0x38;
	[tilespmem:$0x1F600] =	vst v63  }
0x16f: {  	_ =	swait.ge [sflag:s13], $0x78  }
0x170: {  	[sflag:s13] =	ssyncset.done $0x0  }
0x171: {  	[sflag:s13] =	ssyncadd.s32 $0xFFFFFF88  }
0x172: {  	_ =	swait.ge [sflag:s13], $0x78  }
0x173: {  	[sflag:s13] =	ssyncset.done $0x0  }
0x174: {  	[sflag:s13] =	ssyncadd.s32 $0xFFFFFF88  }
0x175: {  	[tilespmem:s12], [sflag:$0x7] =	stream.indirect.gather [hbm4b:s4+s10], $0x80, s0, s10, $0xb8;
	[tilespmem:$0x1F600] =	vst v63  }
0x176: {  	_ = 	snop  }
0x177: {  	[tilespmem:s11], [sflag:$0x7] =	stream.indirect.gather [hbm4b:s4+s14], $0x80, s10, s14, $0xb8;
	[tilespmem:$0x1F600] =	vst v63  }
0x178: {  	_ =	swait.ge [sflag:s31], $0x2000  }
0x179: {  	[sflag:s31] =	ssyncset.done $0x0  }
0x17a: {  	[sflag:s31] =	ssyncadd.s32 $0xFFFFE000  }
0x17b: {  	_ =	swait.ge [sflag:s31], $0x1C00  }
0x17c: {  	[sflag:s31] =	ssyncset.done $0x0  }
0x17d: {  	s28 =	simm.s32 $0x580;
	[sflag:s31] =	ssyncadd.s32 $0xFFFFE400  }
0x17e: {  	[spmem:s15] =	stream.indirect.scatter.add.f32 [tilespmem:s16], [sflag:$0xC], $0x80, s28, s20, $0xb8;
	[tilespmem:$0x1F600] =	vst v63  }
0x17f: {  	_ =	swait.ge [sflag:s9], $0x3C00  }
0x180: {  	s30 =	rddreg [dreg:$0x4];
	[sflag:s9] =	ssyncset.done $0x0  }
0x181: {  	[sflag:s9] =	ssyncadd.s32 $0xFFFFC400;
	s25 =	sadd.s32 $0x0, s30  }
0x182: {  	[tilespmem:s3], [sflag:$0x4] =	stream.linear.gather [hbm4b:s25+s0], $0x78, $0x38;
	[tilespmem:$0x1F600] =	vst v63  }
0x183: {  	s24 =	sadd.s32 $0xF0, s24  }
0x184: {  	[tilespmem:s18], [sflag:$0x4] =	stream.linear.gather [hbm4b:s24+s0], $0x78, $0x38;
	[tilespmem:$0x1F600] =	vst v63  }
0x185: {  	_ =	swait.ge [sflag:s19], $0x78  }
0x186: {  	[sflag:s19] =	ssyncset.done $0x0  }
0x187: {  	[sflag:s19] =	ssyncadd.s32 $0xFFFFFF88  }
0x188: {  	_ =	swait.ge [sflag:s19], $0x78  }
0x189: {  	s22 =	simm.s32 $0x100;
	[sflag:s19] =	ssyncset.done $0x0  }
0x18a: {  	s7 =	simm.s32 $0x1;
	s24 =	simm.s32 $0x5A;
	[sflag:s19] =	ssyncadd.s32 $0xFFFFFF88  }
0x18b: {  	[tilespmem:s29], [sflag:$0x8] =	stream.indirect.gather [hbm4b:s4+s10], $0x80, s22, s10, $0xb8;
	[tilespmem:$0x1F600] =	vst v63  }
.LBB2_2:
0x18c: {  	s29 =	simm.s32 $0x38  }
0x18d: {  	s0 =	simm.s32 $0x140;
	s3 =	simm.s32 $0x6200;
	s4 =	rddreg [dreg:$0x0]  }
0x18e: {  	[tilespmem:s3], [sflag:$0x8] =	stream.indirect.gather [hbm4b:s4+s29], $0x80, s0, s29, $0xb8;
	[tilespmem:$0x1F600] =	vst v63  }
0x18f: {  	_ =	swait.ge [sflag:s17], $0x2000  }
0x190: {  	[sflag:s17] =	ssyncset.done $0x0  }
0x191: {  	[sflag:s17] =	ssyncadd.s32 $0xFFFFE000  }
0x192: {  	_ =	swait.ge [sflag:s17], $0x1C00  }
0x193: {  	[sflag:s17] =	ssyncset.done $0x0  }
0x194: {  	s16 =	simm.s32 $0x300;
	s14 =	simm.s32 $0x600;
	[sflag:s17] =	ssyncadd.s32 $0xFFFFE400  }
0x195: {  	s20 =	simm.s32 $0x78;
	s1 =	simm.s32 $0xC;
	s9 =	rddreg [dreg:$0x2]  }
0x196: {  	[spmem:s9] =	stream.indirect.scatter.add.f32 [tilespmem:s14], [sflag:$0xA], $0x80, s16, s20, $0xb8;
	[tilespmem:$0x1F600] =	vst v63  }
0x197: {  	s25 =	smov.u32 s24;
	s13 =	simm.s32 $0x280;
	_ =	swait.ge [sflag:s1], $0x3C00  }
0x198: {  	s8 =	simm.s32 $0x0;
	s26 =	rddreg [dreg:$0xa];
	[sflag:s1] =	ssyncset.done $0x0  }
0x199: {  	s28 =	rddreg [dreg:$0x5];
	[sflag:s1] =	ssyncadd.s32 $0xFFFFC400;
	s26 =	sadd.s32 s25, s26  }
0x19a: {  	[tilespmem:s13], [sflag:$0x6] =	stream.linear.gather [hbm4b:s26+s8], $0x78, $0x38;
	[tilespmem:$0x1F600] =	vst v63  }
0x19b: {  	s26 =	sadd.s32 s25, s28  }
0x19c: {  	s12 =	simm.s32 $0x580;
	s15 =	simm.s32 $0x5;
	s28 =	sadd.s32 $0xA5, s26  }
0x19d: {  	[tilespmem:s12], [sflag:$0x6] =	stream.linear.gather [hbm4b:s28+s8], $0x78, $0x38;
	[tilespmem:$0x1F600] =	vst v63  }
0x19e: {  	_ =	swait.ge [sflag:s15], $0x78  }
0x19f: {  	[sflag:s15] =	ssyncset.done $0x0  }
0x1a0: {  	[sflag:s15] =	ssyncadd.s32 $0xFFFFFF88  }
0x1a1: {  	_ =	swait.ge [sflag:s15], $0x78  }
0x1a2: {  	s22 =	simm.s32 $0x7E00;
	[sflag:s15] =	ssyncset.done $0x0  }
0x1a3: {  	s0 =	simm.s32 $0x200;
	s12 =	simm.s32 $0x40;
	[sflag:s15] =	ssyncadd.s32 $0xFFFFFF88  }
0x1a4: {  	[tilespmem:s22], [sflag:$0x9] =	stream.indirect.gather [hbm4b:s4+s12], $0x80, s0, s12, $0xb8;
	[tilespmem:$0x1F600] =	vst v63  }
0x1a5: {  	s5 =	simm.s32 $0x240;
	s23 =	simm.s32 $0x9E00  }
0x1a6: {  	[tilespmem:s23], [sflag:$0x9] =	stream.indirect.gather [hbm4b:s4+s29], $0x80, s5, s29, $0xb8;
	[tilespmem:$0x1F600] =	vst v63  }
0x1a7: {  	_ =	swait.ge [sflag:s2], $0x2000  }
0x1a8: {  	[sflag:s2] =	ssyncset.done $0x0  }
0x1a9: {  	[sflag:s2] =	ssyncadd.s32 $0xFFFFE000  }
0x1aa: {  	_ =	swait.ge [sflag:s2], $0x1C00  }
0x1ab: {  	s6 =	simm.s32 $0x400;
	[sflag:s2] =	ssyncset.done $0x0  }
0x1ac: {  	s10 =	simm.s32 $0xA;
	s15 =	simm.s32 $0x4200;
	[sflag:s2] =	ssyncadd.s32 $0xFFFFE400  }
0x1ad: {  	[spmem:s9] =	stream.indirect.scatter.add.f32 [tilespmem:s15], [sflag:$0xB], $0x80, s6, s20, $0xb8;
	[tilespmem:$0x1F600] =	vst v63  }
0x1ae: {  	_ =	swait.ge [sflag:s10], $0x3C00  }
0x1af: {  	s28 =	rddreg [dreg:$0x9];
	[sflag:s10] =	ssyncset.done $0x0  }
0x1b0: {  	[sflag:s10] =	ssyncadd.s32 $0xFFFFC400;
	s28 =	sadd.s32 s25, s28  }
0x1b1: {  	[tilespmem:s8], [sflag:$0x1] =	stream.linear.gather [hbm4b:s28+s8], $0x78, $0x38;
	[tilespmem:$0x1F600] =	vst v63  }
0x1b2: {  	s19 =	simm.s32 $0x2;
	s18 =	sadd.s32 $0xB4, s26  }
0x1b3: {  	[tilespmem:s16], [sflag:$0x1] =	stream.linear.gather [hbm4b:s18+s8], $0x78, $0x38;
	[tilespmem:$0x1F600] =	vst v63  }
0x1b4: {  	_ =	swait.ge [sflag:s19], $0x78  }
0x1b5: {  	[sflag:s19] =	ssyncset.done $0x0  }
0x1b6: {  	[sflag:s19] =	ssyncadd.s32 $0xFFFFFF88  }
0x1b7: {  	_ =	swait.ge [sflag:s19], $0x78  }
0x1b8: {  	[sflag:s19] =	ssyncset.done $0x0  }
0x1b9: {  	s30 =	simm.s32 $0x80;
	[sflag:s19] =	ssyncadd.s32 $0xFFFFFF88  }
0x1ba: {  	[tilespmem:s14], [sflag:$0x7] =	stream.indirect.gather [hbm4b:s4+s12], $0x80, s30, s12, $0xb8;
	[tilespmem:$0x1F600] =	vst v63  }
0x1bb: {  	s21 =	simm.s32 $0xC0;
	s19 =	simm.s32 $0x2600  }
0x1bc: {  	[tilespmem:s19], [sflag:$0x7] =	stream.indirect.gather [hbm4b:s4+s29], $0x80, s21, s29, $0xb8;
	[tilespmem:$0x1F600] =	vst v63  }
0x1bd: {  	_ =	swait.ge [sflag:s31], $0x2000  }
0x1be: {  	[sflag:s31] =	ssyncset.done $0x0  }
0x1bf: {  	[sflag:s31] =	ssyncadd.s32 $0xFFFFE000  }
0x1c0: {  	_ =	swait.ge [sflag:s31], $0x1C00  }
0x1c1: {  	[sflag:s31] =	ssyncset.done $0x0  }
0x1c2: {  	s18 =	simm.s32 $0x500;
	s21 =	simm.s32 $0xB;
	[sflag:s31] =	ssyncadd.s32 $0xFFFFE400  }
0x1c3: {  	[spmem:s9] =	stream.indirect.scatter.add.f32 [tilespmem:s22], [sflag:$0xC], $0x80, s18, s20, $0xb8;
	[tilespmem:$0x1F600] =	vst v63  }
0x1c4: {  	_ =	swait.ge [sflag:s21], $0x3C00  }
0x1c5: {  	s16 =	rddreg [dreg:$0x8];
	[sflag:s21] =	ssyncset.done $0x0  }
0x1c6: {  	s11 =	simm.s32 $0x100;
	[sflag:s21] =	ssyncadd.s32 $0xFFFFC400;
	s5 =	sadd.s32 s25, s16  }
0x1c7: {  	[tilespmem:s11], [sflag:$0x3] =	stream.linear.gather [hbm4b:s5+s8], $0x78, $0x38;
	[tilespmem:$0x1F600] =	vst v63  }
0x1c8: {  	s28 =	sadd.s32 $0xC3, s26;
	s11 =	simm.s32 $0x4  }
0x1c9: {  	[tilespmem:s6], [sflag:$0x3] =	stream.linear.gather [hbm4b:s28+s8], $0x78, $0x38;
	[tilespmem:$0x1F600] =	vst v63  }
0x1ca: {  	_ =	swait.ge [sflag:s11], $0x78  }
0x1cb: {  	[sflag:s11] =	ssyncset.done $0x0  }
0x1cc: {  	[sflag:s11] =	ssyncadd.s32 $0xFFFFFF88  }
0x1cd: {  	_ =	swait.ge [sflag:s11], $0x78  }
0x1ce: {  	[sflag:s11] =	ssyncset.done $0x0  }
0x1cf: {  	[sflag:s11] =	ssyncadd.s32 $0xFFFFFF88;
	s11 =	simm.s32 $0x180  }
0x1d0: {  	[tilespmem:s15], [sflag:$0x8] =	stream.indirect.gather [hbm4b:s4+s12], $0x80, s11, s12, $0xb8;
	[tilespmem:$0x1F600] =	vst v63  }
0x1d1: {  	s6 =	simm.s32 $0x1C0  }
0x1d2: {  	[tilespmem:s3], [sflag:$0x8] =	stream.indirect.gather [hbm4b:s4+s29], $0x80, s6, s29, $0xb8;
	[tilespmem:$0x1F600] =	vst v63  }
0x1d3: {  	_ =	swait.ge [sflag:s17], $0x2000  }
0x1d4: {  	[sflag:s17] =	ssyncset.done $0x0  }
0x1d5: {  	[sflag:s17] =	ssyncadd.s32 $0xFFFFE000  }
0x1d6: {  	_ =	swait.ge [sflag:s17], $0x1C00  }
0x1d7: {  	[sflag:s17] =	ssyncset.done $0x0  }
0x1d8: {  	s3 =	simm.s32 $0x380;
	[sflag:s17] =	ssyncadd.s32 $0xFFFFE400  }
0x1d9: {  	[spmem:s9] =	stream.indirect.scatter.add.f32 [tilespmem:s14], [sflag:$0xA], $0x80, s3, s20, $0xb8;
	[tilespmem:$0x1F600] =	vst v63  }
0x1da: {  	_ =	swait.ge [sflag:s1], $0x3C00  }
0x1db: {  	s6 =	rddreg [dreg:$0x7];
	[sflag:s1] =	ssyncset.done $0x0  }
0x1dc: {  	[sflag:s1] =	ssyncadd.s32 $0xFFFFC400;
	s5 =	sadd.s32 s25, s6  }
0x1dd: {  	[tilespmem:s0], [sflag:$0x5] =	stream.linear.gather [hbm4b:s5+s8], $0x78, $0x38;
	[tilespmem:$0x1F600] =	vst v63  }
0x1de: {  	s28 =	sadd.s32 $0xD2, s26;
	s5 =	simm.s32 $0x6  }
0x1df: {  	[tilespmem:s18], [sflag:$0x5] =	stream.linear.gather [hbm4b:s28+s8], $0x78, $0x38;
	[tilespmem:$0x1F600] =	vst v63  }
0x1e0: {  	_ =	swait.ge [sflag:s5], $0x78  }
0x1e1: {  	[sflag:s5] =	ssyncset.done $0x0  }
0x1e2: {  	[sflag:s5] =	ssyncadd.s32 $0xFFFFFF88  }
0x1e3: {  	_ =	swait.ge [sflag:s5], $0x78  }
0x1e4: {  	[sflag:s5] =	ssyncset.done $0x0  }
0x1e5: {  	[sflag:s5] =	ssyncadd.s32 $0xFFFFFF88  }
0x1e6: {  	[tilespmem:s22], [sflag:$0x9] =	stream.indirect.gather [hbm4b:s4+s12], $0x80, s13, s12, $0xb8;
	[tilespmem:$0x1F600] =	vst v63  }
0x1e7: {  	s18 =	simm.s32 $0x2C0  }
0x1e8: {  	[tilespmem:s23], [sflag:$0x9] =	stream.indirect.gather [hbm4b:s4+s29], $0x80, s18, s29, $0xb8;
	[tilespmem:$0x1F600] =	vst v63  }
0x1e9: {  	_ =	swait.ge [sflag:s2], $0x2000  }
0x1ea: {  	[sflag:s2] =	ssyncset.done $0x0  }
0x1eb: {  	[sflag:s2] =	ssyncadd.s32 $0xFFFFE000  }
0x1ec: {  	_ =	swait.ge [sflag:s2], $0x1C00  }
0x1ed: {  	[sflag:s2] =	ssyncset.done $0x0  }
0x1ee: {  	s13 =	simm.s32 $0x480;
	[sflag:s2] =	ssyncadd.s32 $0xFFFFE400  }
0x1ef: {  	[spmem:s9] =	stream.indirect.scatter.add.f32 [tilespmem:s15], [sflag:$0xB], $0x80, s13, s20, $0xb8;
	[tilespmem:$0x1F600] =	vst v63  }
0x1f0: {  	_ =	swait.ge [sflag:s10], $0x3C00  }
0x1f1: {  	s1 =	rddreg [dreg:$0x6];
	[sflag:s10] =	ssyncset.done $0x0  }
0x1f2: {  	[sflag:s10] =	ssyncadd.s32 $0xFFFFC400;
	s5 =	sadd.s32 s25, s1  }
0x1f3: {  	[tilespmem:s30], [sflag:$0x2] =	stream.linear.gather [hbm4b:s5+s8], $0x78, $0x38;
	[tilespmem:$0x1F600] =	vst v63  }
0x1f4: {  	s28 =	sadd.s32 $0xE1, s26  }
0x1f5: {  	[tilespmem:s3], [sflag:$0x2] =	stream.linear.gather [hbm4b:s28+s8], $0x78, $0x38;
	[tilespmem:$0x1F600] =	vst v63  }
0x1f6: {  	_ =	swait.ge [sflag:s7], $0x78  }
0x1f7: {  	[sflag:s7] =	ssyncset.done $0x0  }
0x1f8: {  	[sflag:s7] =	ssyncadd.s32 $0xFFFFFF88  }
0x1f9: {  	_ =	swait.ge [sflag:s7], $0x78  }
0x1fa: {  	[sflag:s7] =	ssyncset.done $0x0  }
0x1fb: {  	[sflag:s7] =	ssyncadd.s32 $0xFFFFFF88  }
0x1fc: {  	[tilespmem:s14], [sflag:$0x7] =	stream.indirect.gather [hbm4b:s4+s12], $0x80, s8, s12, $0xb8;
	[tilespmem:$0x1F600] =	vst v63  }
0x1fd: {  	_ = 	snop  }
0x1fe: {  	[tilespmem:s19], [sflag:$0x7] =	stream.indirect.gather [hbm4b:s4+s29], $0x80, s12, s29, $0xb8;
	[tilespmem:$0x1F600] =	vst v63  }
0x1ff: {  	_ =	swait.ge [sflag:s31], $0x2000  }
0x200: {  	[sflag:s31] =	ssyncset.done $0x0  }
0x201: {  	[sflag:s31] =	ssyncadd.s32 $0xFFFFE000  }
0x202: {  	_ =	swait.ge [sflag:s31], $0x1C00  }
0x203: {  	[sflag:s31] =	ssyncset.done $0x0  }
0x204: {  	s14 =	simm.s32 $0x580;
	[sflag:s31] =	ssyncadd.s32 $0xFFFFE400  }
0x205: {  	[spmem:s9] =	stream.indirect.scatter.add.f32 [tilespmem:s22], [sflag:$0xC], $0x80, s14, s20, $0xb8;
	[tilespmem:$0x1F600] =	vst v63  }
0x206: {  	_ =	swait.ge [sflag:s21], $0x3C00  }
0x207: {  	s23 =	rddreg [dreg:$0x4];
	[sflag:s21] =	ssyncset.done $0x0  }
0x208: {  	[sflag:s21] =	ssyncadd.s32 $0xFFFFC400;
	s5 =	sadd.s32 s25, s23  }
0x209: {  	[tilespmem:s11], [sflag:$0x4] =	stream.linear.gather [hbm4b:s5+s8], $0x78, $0x38;
	[tilespmem:$0x1F600] =	vst v63  }
0x20a: {  	s26 =	sadd.s32 $0xF0, s26;
	s19 =	simm.s32 $0x3  }
0x20b: {  	[tilespmem:s13], [sflag:$0x4] =	stream.linear.gather [hbm4b:s26+s8], $0x78, $0x38;
	[tilespmem:$0x1F600] =	vst v63  }
0x20c: {  	p0 =	sne.s32 s24, $0x3DE;
	s24 =	sadd.s32 $0x5A, s24;
	_ =	swait.ge [sflag:s19], $0x78  }
0x20d: {  	s16 =	simm.s32 $0x400;
	s6 =	simm.s32 $0x200;
	[sflag:s19] =	ssyncset.done $0x0  }
.Ltmp0:
0x20e: {  	s0 =	simm.s32 $0x500;
	[sflag:s19] =	ssyncadd.s32 $0xFFFFFF88;
	(pc) =	sbr.rel @p0 .LBB2_2-.Ltmp0, $4  }
0x20f: {  	s18 =	simm.s32 $0x80;
	s30 =	simm.s32 $0x380;
	_ =	swait.ge [sflag:s19], $0x78  }
0x210: {  	s28 =	simm.s32 $0x2600;
	s29 =	simm.s32 $0x100;
	[sflag:s19] =	ssyncset.done $0x0  }
0x211: {  	s9 =	simm.s32 $0x180;
	s11 =	simm.s32 $0x480;
	[sflag:s19] =	ssyncadd.s32 $0xFFFFFF88  }
0x212: {  	[tilespmem:s15], [sflag:$0x8] =	stream.indirect.gather [hbm4b:s4+s12], $0x80, s29, s12, $0xb8;
	[tilespmem:$0x1F600] =	vst v63  }
0x213: {  	s7 =	simm.s32 $0x38  }
0x214: {  	s3 =	simm.s32 $0x140;
	s13 =	simm.s32 $0x6200;
	s4 =	rddreg [dreg:$0x0]  }
0x215: {  	[tilespmem:s13], [sflag:$0x8] =	stream.indirect.gather [hbm4b:s4+s7], $0x80, s3, s7, $0xb8;
	[tilespmem:$0x1F600] =	vst v63  }
0x216: {  	_ =	swait.ge [sflag:s17], $0x2000  }
0x217: {  	[sflag:s17] =	ssyncset.done $0x0  }
0x218: {  	[sflag:s17] =	ssyncadd.s32 $0xFFFFE000  }
0x219: {  	_ =	swait.ge [sflag:s17], $0x1C00  }
0x21a: {  	[sflag:s17] =	ssyncset.done $0x0  }
0x21b: {  	s14 =	simm.s32 $0x600;
	s15 =	simm.s32 $0x78;
	[sflag:s17] =	ssyncadd.s32 $0xFFFFE400  }
0x21c: {  	s5 =	simm.s32 $0x300;
	s1 =	simm.s32 $0xC;
	s3 =	rddreg [dreg:$0x2]  }
0x21d: {  	[spmem:s3] =	stream.indirect.scatter.add.f32 [tilespmem:s14], [sflag:$0xA], $0x80, s5, s15, $0xb8;
	[tilespmem:$0x1F600] =	vst v63  }
0x21e: {  	_ =	swait.ge [sflag:s1], $0x3C00  }
0x21f: {  	s12 =	simm.s32 $0x280;
	[sflag:s1] =	ssyncset.done $0x0  }
0x220: {  	s23 =	simm.s32 $0x0;
	s8 =	rddreg [dreg:$0x1a];
	[sflag:s1] =	ssyncadd.s32 $0xFFFFC400  }
0x221: {  	[tilespmem:s12], [sflag:$0x6] =	stream.linear.gather [hbm4b:s8+s23], $0x78, $0x38;
	[tilespmem:$0x1F600] =	vst v63  }
0x222: {  	s20 =	simm.s32 $0x580;
	s21 =	simm.s32 $0x5;
	s10 =	rddreg [dreg:$0x17]  }
0x223: {  	[tilespmem:s20], [sflag:$0x6] =	stream.linear.gather [hbm4b:s10+s23], $0x78, $0x38;
	[tilespmem:$0x1F600] =	vst v63  }
0x224: {  	_ =	swait.ge [sflag:s21], $0x78  }
0x225: {  	[sflag:s21] =	ssyncset.done $0x0  }
0x226: {  	[sflag:s21] =	ssyncadd.s32 $0xFFFFFF88  }
0x227: {  	_ =	swait.ge [sflag:s21], $0x78  }
0x228: {  	[sflag:s21] =	ssyncset.done $0x0  }
0x229: {  	s10 =	simm.s32 $0x40;
	[sflag:s21] =	ssyncadd.s32 $0xFFFFFF88;
	s21 =	simm.s32 $0x7E00  }
0x22a: {  	[tilespmem:s21], [sflag:$0x9] =	stream.indirect.gather [hbm4b:s4+s10], $0x80, s6, s10, $0xb8;
	[tilespmem:$0x1F600] =	vst v63  }
0x22b: {  	s22 =	simm.s32 $0x240;
	s6 =	simm.s32 $0x9E00  }
0x22c: {  	[tilespmem:s6], [sflag:$0x9] =	stream.indirect.gather [hbm4b:s4+s7], $0x80, s22, s7, $0xb8;
	[tilespmem:$0x1F600] =	vst v63  }
0x22d: {  	_ =	swait.ge [sflag:s2], $0x2000  }
0x22e: {  	[sflag:s2] =	ssyncset.done $0x0  }
0x22f: {  	[sflag:s2] =	ssyncadd.s32 $0xFFFFE000  }
0x230: {  	_ =	swait.ge [sflag:s2], $0x1C00  }
0x231: {  	[sflag:s2] =	ssyncset.done $0x0  }
0x232: {  	s5 =	simm.s32 $0x4200;
	s8 =	simm.s32 $0xA;
	[sflag:s2] =	ssyncadd.s32 $0xFFFFE400  }
0x233: {  	[spmem:s3] =	stream.indirect.scatter.add.f32 [tilespmem:s5], [sflag:$0xB], $0x80, s16, s15, $0xb8;
	[tilespmem:$0x1F600] =	vst v63  }
0x234: {  	_ =	swait.ge [sflag:s8], $0x3C00  }
0x235: {  	[sflag:s8] =	ssyncset.done $0x0  }
0x236: {  	s22 =	simm.s32 $0x2;
	[sflag:s8] =	ssyncadd.s32 $0xFFFFC400  }
0x237: {  	_ =	swait.ge [sflag:s22], $0x78  }
0x238: {  	[sflag:s22] =	ssyncset.done $0x0  }
0x239: {  	[sflag:s22] =	ssyncadd.s32 $0xFFFFFF88  }
0x23a: {  	_ =	swait.ge [sflag:s22], $0x78  }
0x23b: {  	[sflag:s22] =	ssyncset.done $0x0  }
0x23c: {  	[sflag:s22] =	ssyncadd.s32 $0xFFFFFF88  }
0x23d: {  	[tilespmem:s14], [sflag:$0x7] =	stream.indirect.gather [hbm4b:s4+s10], $0x80, s18, s10, $0xb8;
	[tilespmem:$0x1F600] =	vst v63  }
0x23e: {  	s24 =	simm.s32 $0xC0  }
0x23f: {  	[tilespmem:s28], [sflag:$0x7] =	stream.indirect.gather [hbm4b:s4+s7], $0x80, s24, s7, $0xb8;
	[tilespmem:$0x1F600] =	vst v63  }
0x240: {  	_ =	swait.ge [sflag:s31], $0x2000  }
0x241: {  	[sflag:s31] =	ssyncset.done $0x0  }
0x242: {  	[sflag:s31] =	ssyncadd.s32 $0xFFFFE000  }
0x243: {  	_ =	swait.ge [sflag:s31], $0x1C00  }
0x244: {  	[sflag:s31] =	ssyncset.done $0x0  }
0x245: {  	s25 =	simm.s32 $0xB;
	[sflag:s31] =	ssyncadd.s32 $0xFFFFE400  }
0x246: {  	[spmem:s3] =	stream.indirect.scatter.add.f32 [tilespmem:s21], [sflag:$0xC], $0x80, s0, s15, $0xb8;
	[tilespmem:$0x1F600] =	vst v63  }
0x247: {  	_ =	swait.ge [sflag:s25], $0x3C00  }
0x248: {  	[sflag:s25] =	ssyncset.done $0x0  }
0x249: {  	s26 =	simm.s32 $0x4;
	[sflag:s25] =	ssyncadd.s32 $0xFFFFC400  }
0x24a: {  	_ =	swait.ge [sflag:s26], $0x78  }
0x24b: {  	[sflag:s26] =	ssyncset.done $0x0  }
0x24c: {  	[sflag:s26] =	ssyncadd.s32 $0xFFFFFF88  }
0x24d: {  	_ =	swait.ge [sflag:s26], $0x78  }
0x24e: {  	[sflag:s26] =	ssyncset.done $0x0  }
0x24f: {  	[sflag:s26] =	ssyncadd.s32 $0xFFFFFF88  }
0x250: {  	[tilespmem:s5], [sflag:$0x8] =	stream.indirect.gather [hbm4b:s4+s10], $0x80, s9, s10, $0xb8;
	[tilespmem:$0x1F600] =	vst v63  }
0x251: {  	s29 =	simm.s32 $0x1C0  }
0x252: {  	[tilespmem:s13], [sflag:$0x8] =	stream.indirect.gather [hbm4b:s4+s7], $0x80, s29, s7, $0xb8;
	[tilespmem:$0x1F600] =	vst v63  }
0x253: {  	_ =	swait.ge [sflag:s17], $0x2000  }
0x254: {  	[sflag:s17] =	ssyncset.done $0x0  }
0x255: {  	[sflag:s17] =	ssyncadd.s32 $0xFFFFE000  }
0x256: {  	_ =	swait.ge [sflag:s17], $0x1C00  }
0x257: {  	[sflag:s17] =	ssyncset.done $0x0  }
0x258: {  	[sflag:s17] =	ssyncadd.s32 $0xFFFFE400  }
0x259: {  	[spmem:s3] =	stream.indirect.scatter.add.f32 [tilespmem:s14], [sflag:$0xA], $0x80, s30, s15, $0xb8;
	[tilespmem:$0x1F600] =	vst v63  }
0x25a: {  	_ =	swait.ge [sflag:s1], $0x3C00  }
0x25b: {  	[sflag:s1] =	ssyncset.done $0x0  }
0x25c: {  	s30 =	simm.s32 $0x6;
	[sflag:s1] =	ssyncadd.s32 $0xFFFFC400  }
0x25d: {  	_ =	swait.ge [sflag:s30], $0x78  }
0x25e: {  	[sflag:s30] =	ssyncset.done $0x0  }
0x25f: {  	[sflag:s30] =	ssyncadd.s32 $0xFFFFFF88  }
0x260: {  	_ =	swait.ge [sflag:s30], $0x78  }
0x261: {  	[sflag:s30] =	ssyncset.done $0x0  }
0x262: {  	[sflag:s30] =	ssyncadd.s32 $0xFFFFFF88  }
0x263: {  	[tilespmem:s21], [sflag:$0x9] =	stream.indirect.gather [hbm4b:s4+s10], $0x80, s12, s10, $0xb8;
	[tilespmem:$0x1F600] =	vst v63  }
0x264: {  	s13 =	simm.s32 $0x2C0  }
0x265: {  	[tilespmem:s6], [sflag:$0x9] =	stream.indirect.gather [hbm4b:s4+s7], $0x80, s13, s7, $0xb8;
	[tilespmem:$0x1F600] =	vst v63  }
0x266: {  	_ =	swait.ge [sflag:s2], $0x2000  }
0x267: {  	[sflag:s2] =	ssyncset.done $0x0  }
0x268: {  	[sflag:s2] =	ssyncadd.s32 $0xFFFFE000  }
0x269: {  	_ =	swait.ge [sflag:s2], $0x1C00  }
0x26a: {  	[sflag:s2] =	ssyncset.done $0x0  }
0x26b: {  	[sflag:s2] =	ssyncadd.s32 $0xFFFFE400  }
0x26c: {  	[spmem:s3] =	stream.indirect.scatter.add.f32 [tilespmem:s5], [sflag:$0xB], $0x80, s11, s15, $0xb8;
	[tilespmem:$0x1F600] =	vst v63  }
0x26d: {  	_ =	swait.ge [sflag:s8], $0x3C00  }
0x26e: {  	[sflag:s8] =	ssyncset.done $0x0  }
0x26f: {  	[sflag:s8] =	ssyncadd.s32 $0xFFFFC400  }
0x270: {  	_ =	swait.ge [sflag:s31], $0x2000  }
0x271: {  	[sflag:s31] =	ssyncset.done $0x0  }
0x272: {  	[sflag:s31] =	ssyncadd.s32 $0xFFFFE000  }
0x273: {  	_ =	swait.ge [sflag:s31], $0x1C00  }
0x274: {  	[sflag:s31] =	ssyncset.done $0x0  }
0x275: {  	[sflag:s31] =	ssyncadd.s32 $0xFFFFE400  }
0x276: {  	[spmem:s3] =	stream.indirect.scatter.add.f32 [tilespmem:s21], [sflag:$0xC], $0x80, s20, s15, $0xb8;
	[tilespmem:$0x1F600] =	vst v63  }
0x277: {  	_ =	swait.ge [sflag:s25], $0x3C00  }
0x278: {  	[sflag:s25] =	ssyncset.done $0x0  }
0x279: {  	[sflag:s25] =	ssyncadd.s32 $0xFFFFC400  }
0x27a: {  	_ =	swait.ge [sflag:s1], $0x3C00  }
0x27b: {  	[sflag:s1] =	ssyncset.done $0x0  }
0x27c: {  	[sflag:s1] =	ssyncadd.s32 $0xFFFFC400  }
0x27d: {  	[bflag:$0x0] =	sbarrier.arrive $0xFFFF  }
0x27e: {  	s26 =	simm.s32 $0xD;
	s1 =	rddreg [dreg:$0xc]  }
0x27f: {  	[tilespmem:s14], [sflag:$0xD] =	stream.linear.gather [spmem:s1], $0x3C00, $0x38;
	[tilespmem:$0x1F600] =	vst v63  }
0x280: {  	_ =	swait.ge [sflag:s26], $0x3C00  }
0x281: {  	[sflag:s26] =	ssyncset.done $0x0  }
0x282: {  	s15 =	rddreg [dreg:$0x1b];
	[sflag:s26] =	ssyncadd.s32 $0xFFFFC400  }
0x283: {  	[hbm4b:s15+s23] =	stream.linear.scatter [tilespmem:s14], [sflag:$0xD], $0x3C00, $0x38;
	[tilespmem:$0x1F600] =	vst v63  }
0x284: {  	_ =	swait.ge [sflag:s26], $0x3C00  }
0x285: {  	s3 =	sld [smem:$0x7F9]  }
0x286: {  	[sflag:s26] =	ssyncset.done $0x0  }
0x287: {  	[sflag:s26] =	ssyncadd.s32 $0xFFFFC400  }
0x288: {  	[tilespmem:s14], [sflag:$0xD] =	stream.linear.gather [spmem:s3], $0x3C00, $0x38;
	[tilespmem:$0x1F600] =	vst v63  }
0x289: {  	_ =	swait.ge [sflag:s26], $0x3C00  }
0x28a: {  	[sflag:s26] =	ssyncset.done $0x0  }
0x28b: {  	s16 =	rddreg [dreg:$0x1c];
	[sflag:s26] =	ssyncadd.s32 $0xFFFFC400  }
0x28c: {  	[hbm4b:s16+s23] =	stream.linear.scatter [tilespmem:s14], [sflag:$0xD], $0x3C00, $0x38;
	[tilespmem:$0x1F600] =	vst v63  }
0x28d: {  	_ =	swait.ge [sflag:s26], $0x3C00  }
0x28e: {  	s4 =	sld [smem:$0x7FA]  }
0x28f: {  	[sflag:s26] =	ssyncset.done $0x0  }
0x290: {  	[sflag:s26] =	ssyncadd.s32 $0xFFFFC400  }
0x291: {  	[tilespmem:s14], [sflag:$0xD] =	stream.linear.gather [spmem:s4], $0x3C00, $0x38;
	[tilespmem:$0x1F600] =	vst v63  }
0x292: {  	_ =	swait.ge [sflag:s26], $0x3C00  }
0x293: {  	[sflag:s26] =	ssyncset.done $0x0  }
0x294: {  	s18 =	rddreg [dreg:$0x1d];
	[sflag:s26] =	ssyncadd.s32 $0xFFFFC400  }
0x295: {  	[hbm4b:s18+s23] =	stream.linear.scatter [tilespmem:s14], [sflag:$0xD], $0x3C00, $0x38;
	[tilespmem:$0x1F600] =	vst v63  }
0x296: {  	_ =	swait.ge [sflag:s26], $0x3C00  }
0x297: {  	s28 =	sld [smem:$0x7FB]  }
0x298: {  	[sflag:s26] =	ssyncset.done $0x0  }
0x299: {  	[sflag:s26] =	ssyncadd.s32 $0xFFFFC400  }
0x29a: {  	[tilespmem:s14], [sflag:$0xD] =	stream.linear.gather [spmem:s28], $0x3C00, $0x38;
	[tilespmem:$0x1F600] =	vst v63  }
0x29b: {  	_ =	swait.ge [sflag:s26], $0x3C00  }
0x29c: {  	[sflag:s26] =	ssyncset.done $0x0  }
0x29d: {  	s20 =	rddreg [dreg:$0x1e];
	[sflag:s26] =	ssyncadd.s32 $0xFFFFC400  }
0x29e: {  	[hbm4b:s20+s23] =	stream.linear.scatter [tilespmem:s14], [sflag:$0xD], $0x3C00, $0x38;
	[tilespmem:$0x1F600] =	vst v63  }
0x29f: {  	_ =	swait.ge [sflag:s26], $0x3C00  }
0x2a0: {  	s24 =	sld [smem:$0x7FC]  }
0x2a1: {  	[sflag:s26] =	ssyncset.done $0x0  }
0x2a2: {  	[sflag:s26] =	ssyncadd.s32 $0xFFFFC400  }
0x2a3: {  	[tilespmem:s14], [sflag:$0xD] =	stream.linear.gather [spmem:s24], $0x3C00, $0x38;
	[tilespmem:$0x1F600] =	vst v63  }
0x2a4: {  	_ =	swait.ge [sflag:s26], $0x3C00  }
0x2a5: {  	[sflag:s26] =	ssyncset.done $0x0  }
0x2a6: {  	s21 =	rddreg [dreg:$0x1f];
	[sflag:s26] =	ssyncadd.s32 $0xFFFFC400  }
0x2a7: {  	[hbm4b:s21+s23] =	stream.linear.scatter [tilespmem:s14], [sflag:$0xD], $0x3C00, $0x38;
	[tilespmem:$0x1F600] =	vst v63  }
0x2a8: {  	_ =	swait.ge [sflag:s26], $0x3C00  }
0x2a9: {  	s25 =	sld [smem:$0x7FD]  }
0x2aa: {  	[sflag:s26] =	ssyncset.done $0x0  }
0x2ab: {  	[sflag:s26] =	ssyncadd.s32 $0xFFFFC400  }
0x2ac: {  	[tilespmem:s14], [sflag:$0xD] =	stream.linear.gather [spmem:s25], $0x1000, $0x38;
	[tilespmem:$0x1F600] =	vst v63  }
0x2ad: {  	_ =	swait.ge [sflag:s26], $0x1000  }
0x2ae: {  	s22 =	sld [smem:$0x7ED]  }
0x2af: {  	[sflag:s26] =	ssyncset.done $0x0  }
0x2b0: {  	[sflag:s26] =	ssyncadd.s32 $0xFFFFF000  }
0x2b1: {  	[hbm4b:s22+s23] =	stream.linear.scatter [tilespmem:s14], [sflag:$0xD], $0x1000, $0x38;
	[tilespmem:$0x1F600] =	vst v63  }
0x2b2: {  	_ =	swait.ge [sflag:s26], $0x1000  }
0x2b3: {  	s23 =	sld [smem:$0x7EC]  }
0x2b4: {  	s29 =	sld [smem:$0x7EE];
	_ =	sdelay $0x1  }
0x2b5: {  	s0 =	sadd.s32 $0x1, s23  }
0x2b6: {  	p0 =	sne.s32 s0, s29  }
.Ltmp1:
0x2b7: {  	_ = 	snop;
	(pc) =	sbr.rel @p0 .LBB2_1-.Ltmp1, $3  }
0x2b8: {  	_ =	sdelay $0x1  }
0x2b9: {  	s30 =	simm.s32 $0xD;
	[sflag:s26] =	ssyncset.done $0x0  }
0x2ba: {  	s13 =	simm.s32 $0x1;
	[sflag:s30] =	ssyncadd.s32 $0xFFFFF000  }
0x2bb: {  	_ =	sfence.sel $0x180000  }
0x2bc: {  	[bflag:$0x0] =	sbarrier.arrive $0xFFFF  }
0x2bd: {  	_ =	strace $0x90000047  }
0x2be: {  	s0 =	stileid.u32;
	[bflag:$0x2] =	sbarrier.arrive $0xFFFF  }
0x2bf: {  	p0 =	sne.s32 s0, $0x0;
	s0 =	rddreg [dreg:$0x3]  }
0x2c0: {  	s0 =	sadd.s32 @!p0 $0x100000, s0  }
0x2c1: {  	[sflag:s0] =	ssyncadd.tile.s32 @!p0 $0x1;
	_ =	shalt  }
.Lfunc_end2:
_tile_overlayer_lowered:
.L_overlay_start_2:
0x2c2: {  	(tag) =	ssettag $0x2  }
0x2c3: {  	s0 =	rddreg [dreg:$0x0];
	s2 =	stileid.u32  }
0x2c4: {  	s1 =	rddreg [dreg:$0x1];
	p0 =	sne.s32 s2, $0x0  }
0x2c5: {  	s3 =	rddreg [dreg:$0x2];
	[bflag:$0x3] =	sbarrier.arrive $0xFFFF;
	s2 =	simm.s32 @!p0 $0x1C0D  }
0x2c6: {  	[timem:s3], [sflag:s2] =	dma.local @!p0 [hbm:s0], s1  }
0x2c7: {  	s0 =	simm.s32 @!p0 $0xD  }
0x2c8: {  	_ =	swait.ge @!p0 [sflag:s0], s1  }
0x2c9: {  	s1 =	ssub.s32 @!p0 $0x0, s1;
	[sflag:s0] =	ssyncset.done @!p0 $0x0  }
0x2ca: {  	[sflag:s0] =	ssyncadd.s32 @!p0 s1  }
0x2cb: {  	[bflag:$0x3] =	sbarrier.arrive $0xFFFF  }
0x2cc: {  	_ =	shalt  }

// kernel: kernel.8.cloned.1.call-start
scs
__scs_entry_jumppad:
0x0: {  	(pc) =	sbr.rel $0x88, $3  }
0x1: {  	(tag) =	ssettag $0x0;
	lr =	simm.s32 $0x1  }
0x2: {  	[smem:$0x3F9C] =	sst lr;
	_ =	strace $0xD0000000  }
0x3: {  	_ = 	snop  }
0x4: {  	_ = 	snop  }
0x5: {  	_ = 	snop  }
0x6: {  	_ = 	snop  }
0x7: {  	_ = 	snop  }
__scs_overlays_trampoline_lowered:
0x8: {  	[smem:$0x3FAB] =	sst s0  }
0x9: {  	[smem:$0x3FAC] =	sst s1  }
0xa: {  	[smem:$0x3FAD] =	sst s2  }
0xb: {  	[smem:$0x3FAE] =	sst s3  }
0xc: {  	[smem:$0x3FAF] =	sst s4  }
0xd: {  	[smem:$0x3FB0] =	sst s5  }
0xe: {  	[smem:$0x3FB1] =	sst s6  }
0xf: {  	[smem:$0x3FB2] =	sst s7  }
0x10: {  	[smem:$0x3FB3] =	sst s8  }
0x11: {  	[smem:$0x3FB4] =	sst s9;
	s0 =	simm.s32 @!p0 $0x0  }
0x12: {  	s1 =	sld [smem:$0x3F9A];
	s0 =	simm.s32 @p0 $0x1  }
0x13: {  	[smem:$0x3FB5] =	sst s0;
	s0 =	simm.s32 @!p1 $0x0  }
0x14: {  	s2 =	sld [smem:$0x3F99];
	s0 =	simm.s32 @p1 $0x1  }
0x15: {  	[smem:$0x3FB6] =	sst s0;
	s0 =	simm.s32 @!p2 $0x0  }
0x16: {  	s3 =	sld [smem:$0x3FDB];
	s0 =	simm.s32 @p2 $0x1  }
0x17: {  	s4 =	simm.s32 $0x1BF5;
	[smem:$0x3FB8] =	sst s0  }
0x18: {  	s0 =	sld [smem:$0x3F9B];
	_ =	swait.ge [sflag:s4], $0x0  }
0x19: {  	s7 =	sld [smem:$0x3F9C]  }
0x1a: {  	s8 =	sadd.s32 $0xFFFFE003, lr  }
0x1b: {  	s9 =	sadd.s32 $0xFFFFFEF7, lr;
	s5 =	simm.s32 $0xFFFFFFFF;
	p2 =	slt.u32 s8, $0xFFFFF086  }
0x1c: {  	p1 =	slt.u32 s9, $0xF7A;
	s5 =	simm.s32 @!p2 $0x0  }
0x1d: {  	s5 =	simm.s32 @p1 $0x1;
	p0 =	seq.s32 s7, s2  }
0x1e: {  	s7 =	smul.u32 @!p0 $0xF7A, s2;
	p2 =	seq.s32 @!p0 s5, $0x0  }
0x1f: {  	s9 =	smul.u32 $0xF7A, s1;
	s8 =	simm.s32 @!p0 $0x1BF5;
	p2 =	por !p2, p0  }
0x20: {  	[sflag:s8] =	ssyncset.s32 @!p0 $0xFFFFF086;
	s6 =	sadd.s32 @!p0 s3, s7;
	s7 =	simm.s32 @!p0 $0x108  }
0x21: {  	s3 =	sadd.s32 s3, s9;
	s6 =	sadd.s32 @!p0 $0x88, s6;
	s7 =	simm.s32 @p2 $0x1082  }
0x22: {  	[simem:s7], [sflag:s8] =	dma.local @!p0 [hbm:s6], $0xF7A  }
0x23: {  	s9 =	sor.u32 $0xD0000000, s2;
	s6 =	simm.s32 $0x108;
	_ =	swait.ge @!p0 [sflag:s8], $0x0  }
0x24: {  	s3 =	sadd.s32 $0x88, s3;
	s6 =	simm.s32 @!p1 $0x1082;
	[sflag:s4] =	ssyncset.s32 $0xFFFFF086  }
0x25: {  	[simem:s6], [sflag:s4] =	dma.local [hbm:s3], $0xF7A  }
0x26: {  	[smem:$0x3F9C] =	sst s1;
	(tag) =	ssettag s2;
	_ =	strace s9  }
0x27: {  	s1 =	sld [smem:$0x3FAC]  }
0x28: {  	s2 =	sld [smem:$0x3FAD]  }
0x29: {  	s4 =	sld [smem:$0x3FAF]  }
0x2a: {  	p0 =	seq.s32 s5, $0x0;
	s5 =	sld [smem:$0x3FB0]  }
0x2b: {  	s6 =	sld [smem:$0x3FB1]  }
0x2c: {  	s7 =	sld [smem:$0x3FB2]  }
0x2d: {  	s3 =	simm.s32 $0x108;
	s8 =	sld [smem:$0x3FB3]  }
0x2e: {  	s3 =	simm.s32 @!p0 $0x1082;
	s9 =	sld [smem:$0x3FB4]  }
0x2f: {  	lr =	sadd.s32 s0, s3;
	s0 =	sld [smem:$0x3FAB]  }
0x30: {  	s3 =	sld [smem:$0x3FAE]  }
0x31: {  	[smem:$0x3FB7] =	sst s10  }
0x32: {  	s10 =	sld [smem:$0x3FB5];
	_ =	sdelay $0x3  }
0x33: {  	p0 =	seq.s32 s10, $0x1;
	s10 =	sld [smem:$0x3FB7];
	_ =	sdelay $0x3  }
0x34: {  	[smem:$0x3FB7] =	sst s10  }
0x35: {  	s10 =	sld [smem:$0x3FB6];
	_ =	sdelay $0x3  }
0x36: {  	p1 =	seq.s32 s10, $0x1;
	s10 =	sld [smem:$0x3FB7];
	_ =	sdelay $0x3  }
0x37: {  	[smem:$0x3FB7] =	sst s10  }
0x38: {  	s10 =	sld [smem:$0x3FB8]  }
0x39: {  	_ = 	snop;
	(pc) =	sbr.ind lr, $3  }
0x3a: {  	_ = 	snop  }
0x3b: {  	_ = 	snop  }
0x3c: {  	p2 =	seq.s32 s10, $0x1;
	s10 =	sld [smem:$0x3FB7]  }
0x3d: {  	_ =	shalt  }
0x3e: {  	_ =	shalt  }
0x3f: {  	_ =	shalt  }
0x40: {  	_ =	shalt  }
0x41: {  	_ =	shalt  }
0x42: {  	_ =	shalt  }
0x43: {  	_ =	shalt  }
0x44: {  	_ =	shalt  }
0x45: {  	_ =	shalt  }
0x46: {  	_ =	shalt  }
0x47: {  	_ =	shalt  }
0x48: {  	_ =	shalt  }
0x49: {  	_ =	shalt  }
0x4a: {  	_ =	shalt  }
0x4b: {  	_ =	shalt  }
0x4c: {  	_ =	shalt  }
0x4d: {  	_ =	shalt  }
0x4e: {  	_ =	shalt  }
0x4f: {  	_ =	shalt  }
0x50: {  	_ =	shalt  }
0x51: {  	_ =	shalt  }
0x52: {  	_ =	shalt  }
0x53: {  	_ =	shalt  }
0x54: {  	_ =	shalt  }
0x55: {  	_ =	shalt  }
0x56: {  	_ =	shalt  }
0x57: {  	_ =	shalt  }
0x58: {  	_ =	shalt  }
0x59: {  	_ =	shalt  }
0x5a: {  	_ =	shalt  }
0x5b: {  	_ =	shalt  }
0x5c: {  	_ =	shalt  }
0x5d: {  	_ =	shalt  }
0x5e: {  	_ =	shalt  }
0x5f: {  	_ =	shalt  }
0x60: {  	_ =	shalt  }
0x61: {  	_ =	shalt  }
0x62: {  	_ =	shalt  }
0x63: {  	_ =	shalt  }
0x64: {  	_ =	shalt  }
0x65: {  	_ =	shalt  }
0x66: {  	_ =	shalt  }
0x67: {  	_ =	shalt  }
0x68: {  	_ =	shalt  }
0x69: {  	_ =	shalt  }
0x6a: {  	_ =	shalt  }
0x6b: {  	_ =	shalt  }
0x6c: {  	_ =	shalt  }
0x6d: {  	_ =	shalt  }
0x6e: {  	_ =	shalt  }
0x6f: {  	_ =	shalt  }
0x70: {  	_ =	shalt  }
0x71: {  	_ =	shalt  }
0x72: {  	_ =	shalt  }
0x73: {  	_ =	shalt  }
0x74: {  	_ =	shalt  }
0x75: {  	_ =	shalt  }
0x76: {  	_ =	shalt  }
0x77: {  	_ =	shalt  }
0x78: {  	_ =	shalt  }
0x79: {  	_ =	shalt  }
0x7a: {  	_ =	shalt  }
0x7b: {  	_ =	shalt  }
0x7c: {  	_ =	shalt  }
0x7d: {  	_ =	shalt  }
0x7e: {  	_ =	shalt  }
0x7f: {  	_ =	shalt  }
0x80: {  	_ =	shalt  }
0x81: {  	_ =	shalt  }
0x82: {  	_ =	shalt  }
0x83: {  	_ =	shalt  }
0x84: {  	_ =	shalt  }
0x85: {  	_ =	shalt  }
0x86: {  	_ =	shalt  }
0x87: {  	_ =	shalt  }
.Lfunc_end0:
.L_simem_size_0:
called_computation.1_lowered:
.L_overlay_start_0:
0x88: {  	s2 =	sld [smem:$0x3FD9]  }
0x89: {  	s3 =	sld [smem:$0x3FFE];
	_ =	sdelay $0x1  }
0x8a: {  	s1 =	srdreg.scid  }
0x8b: {  	s0 =	sand.u32 $0x1, s1  }
0x8c: {  	s17 =	sshll.u32 s0, $0xA;
	s2 =	sadd.s32 s3, s2  }
0x8d: {  	s2 =	sadd.s32 s2, s17  }
0x8e: {  	[smem:$0x3FC3] =	sst s2  }
0x8f: {  	_ = 	snop  }
0x90: {  	(tm) =	ssettm $0x1  }
0x91: {  	s18 =	sld [smem:$0x3FFB];
	_ =	sdelay $0x3  }
0x92: {  	_ =	strace s18  }
0x93: {  	s2 =	sld [smem:$0x3FFC];
	_ =	sdelay $0x3  }
0x94: {  	_ =	strace s2  }
0x95: {  	s2 =	sld [smem:$0x3FFD];
	_ =	sdelay $0x3  }
0x96: {  	_ =	strace s2  }
0x97: {  	_ =	strace $0x8FFFFFFF  }
0x98: {  	s19 =	sld [smem:$0x3FDB];
	_ =	sdelay $0x1  }
0x99: {  	s20 =	simm.s32 $_scs_section_size  }
0x9a: {  	s4 =	simm.s32 $_size__tile_overlayer_lowered;
	s5 =	simm.s32 $_tile_overlayer_lowered  }
0x9b: {  	s6 =	simm.s32 $0x1BFF;
	s21 =	sshll.u32 s5, $0x1;
	s3 =	sadd.s32 s20, s19  }
0x9c: {  	s22 =	simm.s32 $0x0;
	s4 =	sshll.u32 s4, $0x1;
	s5 =	sadd.s32 s21, s3  }
0x9d: {  	[timem:s22], [sflag:s6] =	dma.local [hbm:s5], s4  }
0x9e: {  	_ =	swait.ge [sflag:s6], s4  }
0x9f: {  	s4 =	ssub.s32 $0x0, s4;
	[sflag:s6] =	ssyncset.done $0x0  }
0xa0: {  	[sflag:s6] =	ssyncadd.s32 s4;
	_ =	sdelay $0x1  }
0xa1: {  	s23 =	simm.s32 $0x1B8B  }
0xa2: {  	_ =	swait.ge [sflag:s23], $0x1  }
0xa3: {  	[sflag:s23] =	ssyncset.done $0x0  }
0xa4: {  	[sflag:s23] =	ssyncadd.s32 $0xFFFFFFFF  }
0xa5: {  	s4 =	sld [smem:$0x0]  }
0xa6: {  	s5 =	sand.u32 $0xFFFFFFFE, s1  }
0xa7: {  	p0 =	sne.s32 s1, s5  }
0xa8: {  	s5 =	sshll.u32 @p0 s5, $0xE  }
0xa9: {  	s5 =	sadd.s32 @p0 $0x11B8D, s5;
	s6 =	sshll.u32 @p0 s4, $0x11  }
0xaa: {  	s5 =	sor.u32 @p0 s6, s5  }
0xab: {  	[sflag:s5] =	ssyncadd.remote.s32 @p0 $0x1;
	_ =	sdelay $0x1  }
0xac: {  	s5 =	simm.s32 @p0 $0x1B8D  }
0xad: {  	_ =	swait.eq @p0 [sflag:s5], $0x1  }
0xae: {  	[sflag:s5] =	ssyncadd.s32 @p0 $0xFFFFFFFF  }
0xaf: {  	s6 =	sshll.u32 @!p0 s1, $0xE  }
0xb0: {  	s6 =	sor.u32 @!p0 $0x4000, s6;
	s5 =	simm.s32 @!p0 $0x1B8D  }
0xb1: {  	s4 =	sshll.u32 @!p0 s4, $0x11;
	s6 =	sadd.s32 @!p0 $0x11B8D, s6;
	_ =	swait.eq @!p0 [sflag:s5], $0x1  }
0xb2: {  	s4 =	sor.u32 @!p0 s4, s6;
	[sflag:s5] =	ssyncadd.s32 @!p0 $0xFFFFFFFF  }
0xb3: {  	s25 =	simm.s32 $0x1B8E;
	s24 =	sld [smem:$0x3FFE];
	[sflag:s4] =	ssyncadd.remote.s32 @!p0 $0x1  }
0xb4: {  	s26 =	simm.s32 $execute0_lowered;
	[smem:$0x3FD2] =	sst s25  }
0xb5: {  	s5 =	sshll.u32 s26, $0x1;
	_ =	strace $0x80000049;
	[dreg:$0x1] =	wrdreg $0xFFFFFFFF  }
0xb6: {  	s28 =	simm.s32 $_size_execute0_lowered;
	s3 =	sadd.s32 s3, s5;
	[dreg:$0x0] =	wrdreg $0x0  }
0xb7: {  	s5 =	sshll.u32 s28, $0x1;
	[dreg:$0x2] =	wrdreg s3  }
0xb8: {  	[dreg:$0x3] =	wrdreg s5  }
0xb9: {  	[dreg:$0x4] =	wrdreg $0xC0  }
0xba: {  	_ =	task [dreg:s22], $0x5FFFF  }
0xbb: {  	[dreg:$0x1] =	wrdreg $0xFFFFFFFF  }
0xbc: {  	[dreg:$0x0] =	wrdreg $0x60  }
0xbd: {  	[dreg:$0x2] =	wrdreg s24  }
0xbe: {  	[dreg:$0x3] =	wrdreg $0x41000  }
0xbf: {  	[dreg:$0x4] =	wrdreg $0xA  }
0xc0: {  	_ =	task.clear_ibuf [dreg:s22], $0x5FFFF;
	_ =	strace $0x90000049  }
0xc1: {  	s29 =	simm.s32 $0xA;
	_ =	strace $0x8000004B  }
0xc2: {  	_ =	swait.ge [sflag:s29], $0x1  }
0xc3: {  	[sflag:s29] =	ssyncadd.s32 $0xFFFFFFFF  }
0xc4: {  	_ =	strace $0x9000004B  }
0xc5: {  	_ =	sfence  }
0xc6: {  	s30 =	sld [smem:$0x0];
	_ =	sdelay $0x2  }
0xc7: {  	s31 =	sshll.u32 s1, $0xD;
	s1 =	sshrl.u32 s1, $0x2  }
0xc8: {  	s4 =	sand.u32 $0x4000, s31;
	s1 =	sadd.s32 s1, s30  }
0xc9: {  	s0 =	sor.u32 s4, s0;
	s1 =	sshll.u32 s1, $0x11  }
0xca: {  	s0 =	sor.u32 s1, s0  }
0xcb: {  	s0 =	sadd.s32 $0x8F2B, s0  }
0xcc: {  	[sflag:s0] =	ssyncadd.remote.s32 $0x1  }
0xcd: {  	_ =	sfence.sel $0xFFFF  }
0xce: {  	[dreg:$0x0] =	wrdreg $0xFFFFFFFF;
	(pc) =	sbr.abs _section_cstart, $3  }
0xcf: {  	[dreg:$0x1] =	wrdreg $0xFFFFFFFF  }
0xd0: {  	_ =	task.clear_ibuf [dreg:s22], $0x2FFFF;
	_ =	strace $0x9FFFFFFF  }
0xd1: {  	(tm) =	ssettm $0x7FFFFFFF  }
tec
execute0_lowered:
.L_overlay_start_1:
0x0: {  	(tag) =	ssettag $0x1  }
0x1: {  	s0 =	rddreg [dreg:$0x0]  }
0x2: {  	s2 =	rddreg [dreg:$0x1];
	s4 =	srdreg.scid  }
0x3: {  	s1 =	stileid.u32;
	s3 =	simm.s32 $0x0;
	s22 =	simm.s32 $0x100  }
0x4: {  	s23 =	simm.s32 $0x3;
	s24 =	simm.s32 $0x80;
	s25 =	simm.s32 $0x78  }
0x5: {  	s28 =	simm.s32 $0x1;
	s29 =	simm.s32 $0x0;
	s8 =	smul.u32 $0x278, s1  }
0x6: {  	s7 =	sand.u32 $0x1, s4;
	[smem:$0x7FF] =	sst s3;
	s26 =	smul.u32 $0x4F000, s1  }
0x7: {  	s4 =	sadd.s32 $0xAC00, s0;
	s5 =	sadd.s32 $0x5F400, s0;
	s12 =	smul.u32 $0x13B0, s1  }
0x8: {  	s6 =	sadd.s32 $0x5FC00, s0;
	s9 =	smul.u32 $0x2780, s7;
	s10 =	ssub.s32 $0x2, s7  }
0x9: {  	_ =	strace $0x8000004A;
	s11 =	smul.u32 $0x13B00, s7;
	s30 =	sshrl.u32 s10, $0x1  }
0xa: {  	s8 =	sadd.s32 s8, s9;
	s9 =	sshrl.u32 s26, $0x2;
	s19 =	ssub.s32 s10, s30  }
0xb: {  	s21 =	sadd.s32 s12, s11;
	s26 =	simm.s32 $0x2;
	s8 =	sshll.u32 s8, $0x4  }
0xc: {  	s7 =	sadd.s32 s9, s2;
	s12 =	sshrl.u32 s21, $0x3;
	s13 =	sadd.s32 $0x78, s21  }
0xd: {  	s20 =	sadd.s32 $0x168, s21;
	s19 =	smax.u32 s19, $0x1;
	s21 =	sadd.s32 $0xF0, s21  }
0xe: {  	s0 =	sadd.s32 s8, s0;
	s8 =	sadd.s32 $0x4000, s7;
	s9 =	sadd.s32 $0x8000, s7  }
0xf: {  	s10 =	sadd.s32 $0xC000, s7;
	s11 =	sadd.s32 $0x10000, s7;
	s13 =	sshrl.u32 s13, $0x3  }
0x10: {  	s12 =	sadd.s32 s4, s12;
	s31 =	sshrl.u32 s20, $0x3;
	s13 =	sadd.s32 s4, s13  }
0x11: {  	s14 =	sadd.s32 $0x60400, s0;
	s15 =	sadd.s32 $0x60C00, s0;
	s16 =	sadd.s32 $0x61400, s0  }
0x12: {  	s17 =	sadd.s32 $0x61C00, s0;
	s18 =	sadd.s32 $0x62400, s0;
	s20 =	sadd.s32 s31, s4  }
.LBB2_1:
0x13: {  	[tilespmem:s22], [sflag:$0x3] =	stream.linear.gather [hbm4b:s5+s3], $0x4000, $0x38;
	[tilespmem:$0x17D00] =	vst v63  }
0x14: {  	_ =	swait.ge [sflag:s23], $0x4000  }
0x15: {  	[sflag:s23] =	ssyncset.done $0x0  }
0x16: {  	[sflag:s23] =	ssyncadd.s32 $0xFFFFC000  }
0x17: {  	[spmem:s7] =	stream.linear.scatter [tilespmem:s22], [sflag:$0x3], $0x4000, $0x38;
	[tilespmem:$0x17D00] =	vst v63  }
0x18: {  	_ =	swait.ge [sflag:s23], $0x4000  }
0x19: {  	[sflag:s23] =	ssyncset.done $0x0  }
0x1a: {  	[sflag:s23] =	ssyncadd.s32 $0xFFFFC000  }
0x1b: {  	[spmem:s8] =	stream.linear.scatter [tilespmem:s22], [sflag:$0x3], $0x4000, $0x38;
	[tilespmem:$0x17D00] =	vst v63  }
0x1c: {  	_ =	swait.ge [sflag:s23], $0x4000  }
0x1d: {  	[sflag:s23] =	ssyncset.done $0x0  }
0x1e: {  	[sflag:s23] =	ssyncadd.s32 $0xFFFFC000  }
0x1f: {  	[spmem:s9] =	stream.linear.scatter [tilespmem:s22], [sflag:$0x3], $0x4000, $0x38;
	[tilespmem:$0x17D00] =	vst v63  }
0x20: {  	_ =	swait.ge [sflag:s23], $0x4000  }
0x21: {  	[sflag:s23] =	ssyncset.done $0x0  }
0x22: {  	[sflag:s23] =	ssyncadd.s32 $0xFFFFC000  }
0x23: {  	[spmem:s10] =	stream.linear.scatter [tilespmem:s22], [sflag:$0x3], $0x4000, $0x38;
	[tilespmem:$0x17D00] =	vst v63  }
0x24: {  	_ =	swait.ge [sflag:s23], $0x4000  }
0x25: {  	[sflag:s23] =	ssyncset.done $0x0  }
0x26: {  	[sflag:s23] =	ssyncadd.s32 $0xFFFFC000  }
0x27: {  	[spmem:s11] =	stream.linear.scatter [tilespmem:s22], [sflag:$0x3], $0x3C00, $0x38;
	[tilespmem:$0x17D00] =	vst v63  }
0x28: {  	_ =	swait.ge [sflag:s23], $0x3C00  }
0x29: {  	[sflag:s23] =	ssyncset.done $0x0  }
0x2a: {  	[sflag:s23] =	ssyncadd.s32 $0xFFFFC400  }
0x2b: {  	[tilespmem:s22], [sflag:$0x3] =	stream.linear.gather [hbm4b:s6+s3], $0x4000, $0x38;
	[tilespmem:$0x17D00] =	vst v63  }
0x2c: {  	_ =	swait.ge [sflag:s23], $0x4000  }
0x2d: {  	[sflag:s23] =	ssyncset.done $0x0  }
0x2e: {  	[sflag:s23] =	ssyncadd.s32 $0xFFFFC000  }
0x2f: {  	[bflag:$0x0] =	sbarrier.arrive $0xFFFF  }
0x30: {  	[tilespmem:s3], [sflag:$0x3] =	stream.linear.gather [hbm4b:s12+s3], $0x78, $0x38;
	[tilespmem:$0x17D00] =	vst v63  }
0x31: {  	_ =	swait.ge [sflag:s23], $0x78  }
0x32: {  	[sflag:s23] =	ssyncset.done $0x0  }
0x33: {  	[sflag:s23] =	ssyncadd.s32 $0xFFFFFF88  }
0x34: {  	[tilespmem:s24], [sflag:$0x2] =	stream.linear.gather [hbm4b:s13+s3], $0x78, $0x38;
	[tilespmem:$0x17D00] =	vst v63  }
0x35: {  	_ = 	snop  }
0x36: {  	[spmem:s2] =	stream.indirect.scatter.add.f32 [tilespmem:s22], [sflag:$0x3], $0x80, s3, s25, $0xb8;
	[tilespmem:$0x17D00] =	vst v63  }
0x37: {  	_ =	swait.ge [sflag:s23], $0x3C00  }
0x38: {  	[sflag:s23] =	ssyncset.done $0x0  }
0x39: {  	[sflag:s23] =	ssyncadd.s32 $0xFFFFC400  }
0x3a: {  	_ =	swait.ge [sflag:s26], $0x78  }
0x3b: {  	s0 =	sshrl.u32 s21, $0x3;
	[sflag:s26] =	ssyncset.done $0x0  }
0x3c: {  	s0 =	sadd.s32 s4, s0;
	[sflag:s26] =	ssyncadd.s32 $0xFFFFFF88  }
0x3d: {  	[tilespmem:s3], [sflag:$0x1] =	stream.linear.gather [hbm4b:s0+s3], $0x78, $0x38;
	[tilespmem:$0x17D00] =	vst v63  }
0x3e: {  	_ = 	snop  }
0x3f: {  	[spmem:s2] =	stream.indirect.scatter.add.f32 [tilespmem:s22], [sflag:$0x3], $0x80, s24, s25, $0xb8;
	[tilespmem:$0x17D00] =	vst v63  }
0x40: {  	_ =	swait.ge [sflag:s23], $0x3C00  }
0x41: {  	[sflag:s23] =	ssyncset.done $0x0  }
0x42: {  	[sflag:s23] =	ssyncadd.s32 $0xFFFFC400  }
0x43: {  	_ =	swait.ge [sflag:s28], $0x78  }
0x44: {  	s30 =	simm.s32 $0x1E;
	[sflag:s28] =	ssyncset.done $0x0  }
0x45: {  	s31 =	sadd.s32 $0xF0, s21;
	s0 =	sadd.s32 $0x0, s20;
	[sflag:s28] =	ssyncadd.s32 $0xFFFFFF88  }
.LBB2_2:
0x46: {  	[tilespmem:s24], [sflag:$0x2] =	stream.linear.gather [hbm4b:s0+s3], $0x78, $0x38;
	[tilespmem:$0x17D00] =	vst v63  }
0x47: {  	p0 =	sne.s32 s30, $0x23A;
	s0 =	smov.u32 s30;
	s30 =	sadd.s32 $0x1E, s30  }
0x48: {  	[spmem:s2] =	stream.indirect.scatter.add.f32 [tilespmem:s22], [sflag:$0x3], $0x80, s3, s25, $0xb8;
	[tilespmem:$0x17D00] =	vst v63  }
0x49: {  	_ =	swait.ge [sflag:s23], $0x3C00  }
0x4a: {  	[sflag:s23] =	ssyncset.done $0x0  }
0x4b: {  	[sflag:s23] =	ssyncadd.s32 $0xFFFFC400  }
0x4c: {  	_ =	swait.ge [sflag:s26], $0x78  }
0x4d: {  	s1 =	sshrl.u32 s31, $0x3;
	[sflag:s26] =	ssyncset.done $0x0  }
0x4e: {  	s1 =	sadd.s32 s4, s1;
	[sflag:s26] =	ssyncadd.s32 $0xFFFFFF88  }
0x4f: {  	[tilespmem:s3], [sflag:$0x1] =	stream.linear.gather [hbm4b:s1+s3], $0x78, $0x38;
	[tilespmem:$0x17D00] =	vst v63  }
0x50: {  	_ = 	snop  }
0x51: {  	[spmem:s2] =	stream.indirect.scatter.add.f32 [tilespmem:s22], [sflag:$0x3], $0x80, s24, s25, $0xb8;
	[tilespmem:$0x17D00] =	vst v63  }
0x52: {  	_ =	swait.ge [sflag:s23], $0x3C00  }
.Ltmp0:
0x53: {  	[sflag:s23] =	ssyncset.done $0x0;
	(pc) =	sbr.rel @p0 .LBB2_2-.Ltmp0, $4  }
0x54: {  	[sflag:s23] =	ssyncadd.s32 $0xFFFFC400  }
0x55: {  	_ =	swait.ge [sflag:s28], $0x78  }
0x56: {  	[sflag:s28] =	ssyncset.done $0x0  }
0x57: {  	s31 =	sadd.s32 $0xF0, s31;
	s0 =	sadd.s32 s0, s20;
	[sflag:s28] =	ssyncadd.s32 $0xFFFFFF88  }
0x58: {  	[tilespmem:s24], [sflag:$0x2] =	stream.linear.gather [hbm4b:s0+s3], $0x78, $0x38;
	[tilespmem:$0x17D00] =	vst v63  }
0x59: {  	_ = 	snop  }
0x5a: {  	[spmem:s2] =	stream.indirect.scatter.add.f32 [tilespmem:s22], [sflag:$0x3], $0x80, s3, s25, $0xb8;
	[tilespmem:$0x17D00] =	vst v63  }
0x5b: {  	_ =	swait.ge [sflag:s23], $0x3C00  }
0x5c: {  	[sflag:s23] =	ssyncset.done $0x0  }
0x5d: {  	[sflag:s23] =	ssyncadd.s32 $0xFFFFC400  }
0x5e: {  	_ =	swait.ge [sflag:s26], $0x78  }
0x5f: {  	[sflag:s26] =	ssyncset.done $0x0  }
0x60: {  	[sflag:s26] =	ssyncadd.s32 $0xFFFFFF88  }
0x61: {  	[spmem:s2] =	stream.indirect.scatter.add.f32 [tilespmem:s22], [sflag:$0x3], $0x80, s24, s25, $0xb8;
	[tilespmem:$0x17D00] =	vst v63  }
0x62: {  	_ =	swait.ge [sflag:s23], $0x3C00  }
0x63: {  	[sflag:s23] =	ssyncset.done $0x0  }
0x64: {  	[sflag:s23] =	ssyncadd.s32 $0xFFFFC400  }
0x65: {  	[bflag:$0x0] =	sbarrier.arrive $0xFFFF  }
0x66: {  	[tilespmem:s22], [sflag:$0x3] =	stream.linear.gather [spmem:s7], $0x4000, $0x38;
	[tilespmem:$0x17D00] =	vst v63  }
0x67: {  	_ =	swait.ge [sflag:s23], $0x4000  }
0x68: {  	[sflag:s23] =	ssyncset.done $0x0  }
0x69: {  	[sflag:s23] =	ssyncadd.s32 $0xFFFFC000  }
0x6a: {  	[hbm4b:s14+s3] =	stream.linear.scatter [tilespmem:s22], [sflag:$0x3], $0x4000, $0x38;
	[tilespmem:$0x17D00] =	vst v63  }
0x6b: {  	_ =	swait.ge [sflag:s23], $0x4000  }
0x6c: {  	[sflag:s23] =	ssyncset.done $0x0  }
0x6d: {  	[sflag:s23] =	ssyncadd.s32 $0xFFFFC000  }
0x6e: {  	[tilespmem:s22], [sflag:$0x3] =	stream.linear.gather [spmem:s8], $0x4000, $0x38;
	[tilespmem:$0x17D00] =	vst v63  }
0x6f: {  	_ =	swait.ge [sflag:s23], $0x4000  }
0x70: {  	[sflag:s23] =	ssyncset.done $0x0  }
0x71: {  	[sflag:s23] =	ssyncadd.s32 $0xFFFFC000  }
0x72: {  	[hbm4b:s15+s3] =	stream.linear.scatter [tilespmem:s22], [sflag:$0x3], $0x4000, $0x38;
	[tilespmem:$0x17D00] =	vst v63  }
0x73: {  	_ =	swait.ge [sflag:s23], $0x4000  }
0x74: {  	[sflag:s23] =	ssyncset.done $0x0  }
0x75: {  	[sflag:s23] =	ssyncadd.s32 $0xFFFFC000  }
0x76: {  	[tilespmem:s22], [sflag:$0x3] =	stream.linear.gather [spmem:s9], $0x4000, $0x38;
	[tilespmem:$0x17D00] =	vst v63  }
0x77: {  	_ =	swait.ge [sflag:s23], $0x4000  }
0x78: {  	[sflag:s23] =	ssyncset.done $0x0  }
0x79: {  	[sflag:s23] =	ssyncadd.s32 $0xFFFFC000  }
0x7a: {  	[hbm4b:s16+s3] =	stream.linear.scatter [tilespmem:s22], [sflag:$0x3], $0x4000, $0x38;
	[tilespmem:$0x17D00] =	vst v63  }
0x7b: {  	_ =	swait.ge [sflag:s23], $0x4000  }
0x7c: {  	[sflag:s23] =	ssyncset.done $0x0  }
0x7d: {  	[sflag:s23] =	ssyncadd.s32 $0xFFFFC000  }
0x7e: {  	[tilespmem:s22], [sflag:$0x3] =	stream.linear.gather [spmem:s10], $0x4000, $0x38;
	[tilespmem:$0x17D00] =	vst v63  }
0x7f: {  	_ =	swait.ge [sflag:s23], $0x4000  }
0x80: {  	[sflag:s23] =	ssyncset.done $0x0  }
0x81: {  	[sflag:s23] =	ssyncadd.s32 $0xFFFFC000  }
0x82: {  	[hbm4b:s17+s3] =	stream.linear.scatter [tilespmem:s22], [sflag:$0x3], $0x4000, $0x38;
	[tilespmem:$0x17D00] =	vst v63  }
0x83: {  	_ =	swait.ge [sflag:s23], $0x4000  }
0x84: {  	[sflag:s23] =	ssyncset.done $0x0  }
0x85: {  	[sflag:s23] =	ssyncadd.s32 $0xFFFFC000  }
0x86: {  	[tilespmem:s22], [sflag:$0x3] =	stream.linear.gather [spmem:s11], $0x3C00, $0x38;
	[tilespmem:$0x17D00] =	vst v63  }
0x87: {  	s29 =	sadd.s32 $0x1, s29;
	_ =	swait.ge [sflag:s23], $0x3C00  }
0x88: {  	p0 =	sne.s32 s29, s19;
	[sflag:s23] =	ssyncset.done $0x0  }
.Ltmp1:
0x89: {  	[sflag:s23] =	ssyncadd.s32 $0xFFFFC400;
	(pc) =	sbr.rel @p0 .LBB2_1-.Ltmp1, $4  }
0x8a: {  	[hbm4b:s18+s3] =	stream.linear.scatter [tilespmem:s22], [sflag:$0x3], $0x3C00, $0x38;
	[tilespmem:$0x17D00] =	vst v63  }
0x8b: {  	_ =	swait.ge [sflag:s23], $0x3C00  }
0x8c: {  	[sflag:s23] =	ssyncset.done $0x0  }
0x8d: {  	[sflag:s23] =	ssyncadd.s32 $0xFFFFC400  }
0x8e: {  	_ =	sfence.sel $0x180000  }
0x8f: {  	[bflag:$0x0] =	sbarrier.arrive $0xFFFF  }
0x90: {  	_ =	strace $0x9000004A  }
0x91: {  	s0 =	stileid.u32;
	[bflag:$0x2] =	sbarrier.arrive $0xFFFF  }
0x92: {  	p0 =	sne.s32 s0, $0x0;
	s0 =	rddreg [dreg:$0x2]  }
0x93: {  	s0 =	sadd.s32 @!p0 $0x100000, s0  }
0x94: {  	[sflag:s0] =	ssyncadd.tile.s32 @!p0 $0x1;
	_ =	shalt  }
.Lfunc_end2:
_tile_overlayer_lowered:
.L_overlay_start_2:
0x95: {  	(tag) =	ssettag $0x2  }
0x96: {  	s0 =	rddreg [dreg:$0x0];
	s2 =	stileid.u32  }
0x97: {  	s1 =	rddreg [dreg:$0x1];
	p0 =	sne.s32 s2, $0x0  }
0x98: {  	s3 =	rddreg [dreg:$0x2];
	[bflag:$0x3] =	sbarrier.arrive $0xFFFF;
	s2 =	simm.s32 @!p0 $0x1C03  }
0x99: {  	[timem:s3], [sflag:s2] =	dma.local @!p0 [hbm:s0], s1  }
0x9a: {  	s0 =	simm.s32 @!p0 $0x3  }
0x9b: {  	_ =	swait.ge @!p0 [sflag:s0], s1  }
0x9c: {  	s1 =	ssub.s32 @!p0 $0x0, s1;
	[sflag:s0] =	ssyncset.done @!p0 $0x0  }
0x9d: {  	[sflag:s0] =	ssyncadd.s32 @!p0 s1  }
0x9e: {  	[bflag:$0x3] =	sbarrier.arrive $0xFFFF  }
0x9f: {  	_ =	shalt  }

</sc_bundles>
